<compile_context>
chip_gen: v7x
topology: tpu7x:2x2x1
jax: 0.10.2.dev20260603
libtpu: 0.0.44.dev20260713+nightly
codegen_flags: <defaults>
</compile_context>

<pallas_src>
import functools

import jax
import jax.numpy as jnp
from jax import lax
from jax.experimental import pallas as pl
from jax.experimental.pallas import tpu as pltpu
from jax.experimental.pallas import tpu_sc as plsc

N = 10000
E = 320000
IN = 128
HID = 256
HH = 128
OUT = 128
G = 64

NC = 2
NS = 16
CH = 80
NP = 10240
RPS = NP // NS

R = 400
NB = N // R

@functools.cache
def _sc_degree_fn():
    mesh = plsc.VectorSubcoreMesh(core_axis_name="c", subcore_axis_name="s")
    return functools.partial(
        pl.kernel,
        mesh=mesh,
        out_type=jax.ShapeDtypeStruct((NC, NP, 16), jnp.float32),
        scratch_types=[
            pltpu.VMEM_SHARED((NP, 16), jnp.float32),
            pltpu.VMEM((RPS, 16), jnp.float32),
            pltpu.VMEM((CH, 16), jnp.float32),
            pltpu.VMEM((E // (NC * NS),), jnp.int32),
            pltpu.VMEM((E // (NC * NS * CH), CH), jnp.int32),
            pltpu.SemaphoreType.DMA,
            pltpu.SemaphoreType.DMA,
        ],
    )(_sc_degree_body)


def _sc_degree_body(dst_hbm, out_hbm, acc, zbuf, obuf, dtmp, didx2, tsem,
                    ssem):
    c = lax.axis_index("c")
    s = lax.axis_index("s")
    epw = E // (NC * NS)
    nch = epw // CH
    base0 = (c * NS + s) * epw

    pltpu.make_async_copy(dst_hbm.at[pl.ds(base0, epw)], dtmp, tsem).start()

    def _zrow(i, _):
        zbuf[i, :] = jnp.zeros((16,), jnp.float32)
        return _
    lax.fori_loop(0, RPS, _zrow, None)

    def _orow(i, _):
        obuf[i, :] = jnp.full((16,), 1.0, jnp.float32)
        return _
    lax.fori_loop(0, CH, _orow, None)

    pltpu.sync_copy(zbuf, acc.at[pl.ds(s * RPS, RPS), :])

    pltpu.make_async_copy(dst_hbm.at[pl.ds(base0, epw)], dtmp, tsem).wait()

    def _dunp(i, _):
        j = i // (CH // 16)
        k = i - j * (CH // 16)
        didx2[j, pl.ds(k * 16, 16)] = dtmp[pl.ds(i * 16, 16)]
        return _
    lax.fori_loop(0, epw // 16, _dunp, None)

    plsc.subcore_barrier()

    W = 16

    def _scat(j):
        return pltpu.make_async_copy(obuf, acc.at[didx2.at[j]], ssem)

    def _fire(j, _):
        _scat(j).start(add=True)

        @pl.when(j >= W)
        def _drain():
            _scat(j - W).wait()
        return _
    lax.fori_loop(0, nch, _fire, None)

    def _tail(j, _):
        _scat(j).wait()
        return _
    lax.fori_loop(nch - W, nch, _tail, None)

    plsc.subcore_barrier()
    pltpu.sync_copy(acc.at[pl.ds(s * RPS, RPS), :],
                    out_hbm.at[c, pl.ds(s * RPS, RPS), :])


EPW = E // NS
NCH = EPW // CH
DR = 4
DI = 8
NST = 256


@functools.cache
def _sc_aggregate_fn():
    mesh = plsc.VectorSubcoreMesh(core_axis_name="c", subcore_axis_name="s")
    return functools.partial(
        pl.kernel,
        mesh=mesh,
        out_type=jax.ShapeDtypeStruct((NC, NP, HH), jnp.float32),
        scratch_types=(
            [pltpu.VMEM_SHARED((NP, HH), jnp.float32)]
            + [pltpu.VMEM((CH, HH), jnp.float32) for _ in range(DR)]
            + [pltpu.VMEM((DI, CH), jnp.int32),
               pltpu.VMEM((DI, CH), jnp.int32)]
            + [pltpu.SemaphoreType.DMA for _ in range(1 + 2 * DR + DI)]
        ),
    )(_sc_aggregate_body)


def _sc_aggregate_body(src_hbm, dst_hbm, y_hbm, out_hbm, acc, *sc):
    rows = sc[:DR]
    sidx, didx = sc[DR], sc[DR + 1]
    isem = sc[DR + 2]
    gsem = sc[DR + 3:DR + 3 + DR]
    ssem = sc[DR + 3 + DR:DR + 3 + 2 * DR]
    xsem = sc[DR + 3 + 2 * DR:]
    c = lax.axis_index("c")
    s = lax.axis_index("s")
    e0 = s * EPW
    coff = c * NP

    init = pltpu.make_async_copy(y_hbm.at[pl.ds(c * NP + s * RPS, RPS), :],
                                 acc.at[pl.ds(s * RPS, RPS), :], isem)
    init.start()

    def _idx_copies(j, q):
        base = e0 + j * CH
        return (pltpu.make_async_copy(src_hbm.at[pl.ds(base, CH)],
                                      sidx.at[q], xsem[q]),
                pltpu.make_async_copy(dst_hbm.at[pl.ds(base, CH)],
                                      didx.at[q], xsem[q]))

    def _fire_idx(j, q):
        for cp in _idx_copies(j, q):
            cp.start()

    def _gather(b, q):
        return pltpu.make_async_copy(y_hbm.at[sidx.at[q]], rows[b], gsem[b])

    def _prep(j, b, q):
        for cp in _idx_copies(j, q):
            cp.wait()
        for k in range(CH // 16):
            sidx[q, pl.ds(k * 16, 16)] = sidx[q, pl.ds(k * 16, 16)] + coff
        _gather(b, q).start()

    for q0 in range(6):
        _fire_idx(q0, q0)
    _prep(0, 0, 0)
    _prep(1, 1, 1)
    _prep(2, 2, 2)
    init.wait()
    plsc.subcore_barrier()

    def _outer(t, _):
        for u in range(DI):
            j = t * DI + u
            b, q = u % DR, u

            @pl.when(j < NCH)
            def _gw():
                _gather(b, q).wait()

            @pl.when(j + 3 < NCH)
            def _pp():
                _prep(j + 3, (u + 3) % DR, (u + 3) % DI)

            @pl.when(j < NCH)
            def _sc():
                pltpu.sync_copy(rows[b], acc.at[didx.at[q]], add=True)

            @pl.when(j + 6 < NCH)
            def _fi():
                _fire_idx(j + 6, (u + 6) % DI)
        return _
    lax.fori_loop(0, NST // DI, _outer, None)

    plsc.subcore_barrier()
    pltpu.sync_copy(acc.at[pl.ds(s * RPS, RPS), :],
                    out_hbm.at[c, pl.ds(s * RPS, RPS), :])


def _dinv_of(dp):
    deg = dp[0, :, 0] + dp[1, :, 0] + 1.0
    return lax.rsqrt(deg)[:, None]


def _tc_prologue_body(x_ref, w_ref, dp_ref, y_ref):
    dinv = _dinv_of(dp_ref[...])
    xw = jnp.dot(x_ref[...], w_ref[...], preferred_element_type=jnp.float32)
    y = xw * dinv
    y_ref[0] = y[:, :HH]
    y_ref[1] = y[:, HH:]


def _tc_prologue(x, W1, dp):
    return pl.pallas_call(
        _tc_prologue_body,
        grid=(NB,),
        in_specs=[
            pl.BlockSpec((R, IN), lambda i: (i, 0)),
            pl.BlockSpec((IN, HID), lambda i: (0, 0)),
            pl.BlockSpec((2, R, 16), lambda i: (0, i, 0)),
        ],
        out_specs=pl.BlockSpec((2, R, HH), lambda i: (0, i, 0)),
        out_shape=jax.ShapeDtypeStruct((2, NP, HH), jnp.float32),
    )(x, W1, dp)


def _tc_mid_body(a_ref, dp_ref, b_ref, w_ref, y_ref):
    dinv = _dinv_of(dp_ref[...])
    agg = jnp.concatenate([a_ref[0], a_ref[1]], axis=1)
    h = jax.nn.relu(agg * dinv + b_ref[...])
    hw = jnp.dot(h, w_ref[...], preferred_element_type=jnp.float32)
    y = hw * dinv
    y_ref[0] = y[:, :HH]
    y_ref[1] = y[:, HH:]


def _tc_mid(agg1, dp, b1, W2):
    return pl.pallas_call(
        _tc_mid_body,
        grid=(NB,),
        in_specs=[
            pl.BlockSpec((2, R, HH), lambda i: (0, i, 0)),
            pl.BlockSpec((2, R, 16), lambda i: (0, i, 0)),
            pl.BlockSpec((1, HID), lambda i: (0, 0)),
            pl.BlockSpec((HID, HID), lambda i: (0, 0)),
        ],
        out_specs=pl.BlockSpec((2, R, HH), lambda i: (0, i, 0)),
        out_shape=jax.ShapeDtypeStruct((2, NP, HH), jnp.float32),
    )(agg1, dp, b1, W2)


def _tc_final_body(a_ref, dp_ref, b_ref, batch_ref, wl_ref, bl_ref, o_ref,
                   pool_acc, cnt_acc):
    i = pl.program_id(0)
    dinv = _dinv_of(dp_ref[...])
    agg = jnp.concatenate([a_ref[0], a_ref[1]], axis=1)
    h = jax.nn.relu(agg * dinv + b_ref[...])

    bv = batch_ref[0, 0, :]
    sel = (lax.broadcasted_iota(jnp.int32, (G, R), 0) == bv[None, :])
    S = sel.astype(jnp.float32)

    @pl.when(i == 0)
    def _init():
        pool_acc[...] = jnp.zeros((G, HID), jnp.float32)
        cnt_acc[...] = jnp.zeros((G, 128), jnp.float32)

    pool_acc[...] += jnp.dot(S, h, preferred_element_type=jnp.float32)
    cnt_acc[...] += jnp.broadcast_to(jnp.sum(S, axis=1, keepdims=True),
                                     (G, 128))

    @pl.when(i == NB - 1)
    def _fin():
        cnt = cnt_acc[...][:, 0:1]
        pooled = pool_acc[...] / jnp.maximum(cnt, 1.0)
        o_ref[...] = (jnp.dot(pooled, wl_ref[...],
                              preferred_element_type=jnp.float32)
                      + bl_ref[...])


def _tc_final(agg2, dp, b2, batch3, Wl, bl):
    return pl.pallas_call(
        _tc_final_body,
        grid=(NB,),
        in_specs=[
            pl.BlockSpec((2, R, HH), lambda i: (0, i, 0)),
            pl.BlockSpec((2, R, 16), lambda i: (0, i, 0)),
            pl.BlockSpec((1, HID), lambda i: (0, 0)),
            pl.BlockSpec((1, 1, R), lambda i: (i, 0, 0)),
            pl.BlockSpec((HID, OUT), lambda i: (0, 0)),
            pl.BlockSpec((1, OUT), lambda i: (0, 0)),
        ],
        out_specs=pl.BlockSpec((G, OUT), lambda i: (0, 0)),
        out_shape=jax.ShapeDtypeStruct((G, OUT), jnp.float32),
        scratch_shapes=[
            pltpu.VMEM((G, HID), jnp.float32),
            pltpu.VMEM((G, 128), jnp.float32),
        ],
    )(agg2, dp, b2, batch3, Wl, bl)


def kernel(x, edge_index, batch, W1, b1, W2, b2, Wl, bl):
    src = edge_index[0]
    dst = edge_index[1]
    dp = _sc_degree_fn()(dst)
    y1 = _tc_prologue(x, W1, dp)
    agg1 = _sc_aggregate_fn()(src, dst, y1.reshape(2 * NP, HH))
    y2 = _tc_mid(agg1, dp, b1.reshape(1, HID), W2)
    agg2 = _sc_aggregate_fn()(src, dst, y2.reshape(2 * NP, HH))
    return _tc_final(agg2, dp, b2.reshape(1, HID),
                     batch.reshape(NB, 1, R), Wl, bl.reshape(1, OUT))

# --- scband reference (transcript-rebuilt; emitter-appended) ---
"""Pipeline reference for scband-gnnencoder-25907242729764 (READ-ONLY COPY).

The authoritative reference and input builder live on the scoring server;
editing this copy changes nothing except your own understanding.
"""

import jax, jax.numpy as jnp
import numpy as np

N = 10000
E = 320000
IN = 128
HID = 256
OUT = 128
G = 64


def setup_inputs(seed: int = 0) -> dict:
    key = jax.random.key(seed)
    ks = jax.random.split(key, 9)
    x = jax.random.normal(ks[0], (N, IN), dtype=jnp.float32)
    edge_index = jax.random.randint(ks[1], (2, E), 0, N, dtype=jnp.int32)
    batch = jnp.sort(jax.random.randint(ks[2], (N,), 0, G, dtype=jnp.int32))
    W1 = jax.random.normal(ks[3], (IN, HID), dtype=jnp.float32) * (1.0 / np.sqrt(IN))
    b1 = jnp.zeros((HID,), dtype=jnp.float32)
    W2 = jax.random.normal(ks[4], (HID, HID), dtype=jnp.float32) * (1.0 / np.sqrt(HID))
    b2 = jnp.zeros((HID,), dtype=jnp.float32)
    Wl = jax.random.normal(ks[5], (HID, OUT), dtype=jnp.float32) * (1.0 / np.sqrt(HID))
    bl = jnp.zeros((OUT,), dtype=jnp.float32)
    return {"x": x, "edge_index": edge_index, "batch": batch,
            "W1": W1, "b1": b1, "W2": W2, "b2": b2, "Wl": Wl, "bl": bl}


def _gcn_conv(x, edge_index, W, b, num_nodes):
    # PyG GCNConv: add self-loops, symmetric normalization D^-1/2 (A+I) D^-1/2 X W + b
    loop = jnp.arange(num_nodes, dtype=edge_index.dtype)
    src = jnp.concatenate([edge_index[0], loop])
    dst = jnp.concatenate([edge_index[1], loop])
    ones = jnp.ones((src.shape[0],), dtype=x.dtype)
    deg = jax.ops.segment_sum(ones, dst, num_segments=num_nodes)
    deg_inv_sqrt = jnp.where(deg > 0, jax.lax.rsqrt(jnp.maximum(deg, 1e-12)), 0.0)
    norm = deg_inv_sqrt[src] * deg_inv_sqrt[dst]
    xw = x @ W
    msg = xw[src] * norm[:, None]
    out = jax.ops.segment_sum(msg, dst, num_segments=num_nodes)
    return out + b


def _global_mean_pool(x, batch, num_graphs):
    summed = jax.ops.segment_sum(x, batch, num_segments=num_graphs)
    counts = jax.ops.segment_sum(jnp.ones((x.shape[0],), dtype=x.dtype), batch,
                                 num_segments=num_graphs)
    return summed / jnp.maximum(counts, 1.0)[:, None]


def reference(x, edge_index, batch, W1, b1, W2, b2, Wl, bl):
    h = jax.nn.relu(_gcn_conv(x, edge_index, W1, b1, N))
    h = jax.nn.relu(_gcn_conv(h, edge_index, W2, b2, N))
    pooled = _global_mean_pool(h, batch, G)
    return pooled @ Wl + bl

if __name__ == "__main__":
    import jax
    _d = setup_inputs()
    print(jax.jit(kernel)(*tuple(_d.values())))

</pallas_src>

<mosaic_0001>
#map = affine_map<(d0, d1) -> (0)>
#map1 = affine_map<(d0, d1) -> (0, 0)>
#map2 = affine_map<(d0, d1) -> (0, 0, 0)>
module attributes {stable_mosaic.version = 14 : i64} {
  func.func @_sc_aggregate_body(%arg0: i32, %arg1: i32, %arg2: memref<320000xi32, #tpu.memory_space<hbm>>, %arg3: memref<320000xi32, #tpu.memory_space<hbm>>, %arg4: memref<20480x128xf32, #tpu.memory_space<hbm>>, %arg5: memref<2x10240x128xf32, #tpu.memory_space<hbm>>, %arg6: memref<10240x128xf32, #tpu.memory_space<vmem_shared>>, %arg7: memref<80x128xf32, #tpu.memory_space<vmem>>, %arg8: memref<80x128xf32, #tpu.memory_space<vmem>>, %arg9: memref<80x128xf32, #tpu.memory_space<vmem>>, %arg10: memref<80x128xf32, #tpu.memory_space<vmem>>, %arg11: memref<8x80xi32, #tpu.memory_space<vmem>>, %arg12: memref<8x80xi32, #tpu.memory_space<vmem>>, %arg13: memref<!tpu.dma_semaphore, #tpu.memory_space<semaphore_mem>>, %arg14: memref<!tpu.dma_semaphore, #tpu.memory_space<semaphore_mem>>, %arg15: memref<!tpu.dma_semaphore, #tpu.memory_space<semaphore_mem>>, %arg16: memref<!tpu.dma_semaphore, #tpu.memory_space<semaphore_mem>>, %arg17: memref<!tpu.dma_semaphore, #tpu.memory_space<semaphore_mem>>, %arg18: memref<!tpu.dma_semaphore, #tpu.memory_space<semaphore_mem>>, %arg19: memref<!tpu.dma_semaphore, #tpu.memory_space<semaphore_mem>>, %arg20: memref<!tpu.dma_semaphore, #tpu.memory_space<semaphore_mem>>, %arg21: memref<!tpu.dma_semaphore, #tpu.memory_space<semaphore_mem>>, %arg22: memref<!tpu.dma_semaphore, #tpu.memory_space<semaphore_mem>>, %arg23: memref<!tpu.dma_semaphore, #tpu.memory_space<semaphore_mem>>, %arg24: memref<!tpu.dma_semaphore, #tpu.memory_space<semaphore_mem>>, %arg25: memref<!tpu.dma_semaphore, #tpu.memory_space<semaphore_mem>>, %arg26: memref<!tpu.dma_semaphore, #tpu.memory_space<semaphore_mem>>, %arg27: memref<!tpu.dma_semaphore, #tpu.memory_space<semaphore_mem>>, %arg28: memref<!tpu.dma_semaphore, #tpu.memory_space<semaphore_mem>>, %arg29: memref<!tpu.dma_semaphore, #tpu.memory_space<semaphore_mem>>) attributes {dimension_semantics = [#tpu.dimension_semantics<core_parallel>, #tpu.dimension_semantics<subcore_parallel>], iteration_bounds = array<i64: 2, 16>, scalar_prefetch = 0 : i64, scratch_operands = 24 : i64, tpu.core_type = #tpu.core_type<sc_vector_subcore>, window_params = [{transform_indices = #map}, {transform_indices = #map}, {transform_indices = #map1}, {transform_indices = #map2}]} {
    %mul3A = arith.constant 20000 : i32
    %mul3A_0 = arith.muli %arg1, %mul3A : i32
    %mul3A_1 = arith.constant 10240 : i32
    %mul3A_2 = arith.muli %arg0, %mul3A_1 : i32
    %mul3A_3 = arith.constant 10240 : i32
    %mul3A_4 = arith.muli %arg0, %mul3A_3 : i32
    %mul3A_5 = arith.constant 640 : i32
    %mul3A_6 = arith.muli %arg1, %mul3A_5 : i32
    %add3A = arith.addi %mul3A_4, %mul3A_6 : i32
    %mul3A_7 = arith.constant 640 : i32
    %mul3A_8 = arith.muli %arg1, %mul3A_7 : i32
    %dma_start3A = arith.constant 0 : i32
    %dma_start3A_9 = tpu.memref_slice %arg6[%mul3A_8, %dma_start3A] : memref<10240x128xf32, #tpu.memory_space<vmem_shared>> -> memref<640x128xf32, #tpu.memory_space<vmem_shared>>
    %dma_start3A_10 = arith.constant 0 : i32
    %dma_start3A_11 = tpu.memref_slice %arg4[%add3A, %dma_start3A_10] : memref<20480x128xf32, #tpu.memory_space<hbm>> -> memref<640x128xf32, #tpu.memory_space<hbm>>
    tpu.enqueue_dma source(%dma_start3A_11 : memref<640x128xf32, #tpu.memory_space<hbm>>) target(%dma_start3A_9 : memref<640x128xf32, #tpu.memory_space<vmem_shared>>) target_semaphore(%arg13 : memref<!tpu.dma_semaphore, #tpu.memory_space<semaphore_mem>>)
    %add3A_12 = arith.constant 0 : i32
    %add3A_13 = arith.addi %mul3A_0, %add3A_12 : i32
    %dma_start3A_14 = arith.constant 0 : i32
    %dma_start3A_15 = arith.constant 0 : i32
    %dma_start3A_16 = tpu.memref_slice %arg11[%dma_start3A_14, %dma_start3A_15] : memref<8x80xi32, #tpu.memory_space<vmem>> -> memref<1x80xi32, #tpu.memory_space<vmem>>
    %dma_start3A_17 = tpu.memref_squeeze %dma_start3A_16 : memref<1x80xi32, #tpu.memory_space<vmem>> -> memref<80xi32, #tpu.memory_space<vmem>>
    %dma_start3A_18 = tpu.memref_slice %arg2[%add3A_13] : memref<320000xi32, #tpu.memory_space<hbm>> -> memref<80xi32, #tpu.memory_space<hbm>>
    %dma_start3A_19 = arith.constant 0 : i32
    %dma_start3A_20 = tpu.memref_slice %arg11[%dma_start3A_14, %dma_start3A_19] : memref<8x80xi32, #tpu.memory_space<vmem>> -> memref<1x80xi32, #tpu.memory_space<vmem>>
    %dma_start3A_21 = tpu.memref_squeeze %dma_start3A_20 : memref<1x80xi32, #tpu.memory_space<vmem>> -> memref<80xi32, #tpu.memory_space<vmem>>
    %dma_start3A_22 = tpu.memref_slice %arg2[%add3A_13] : memref<320000xi32, #tpu.memory_space<hbm>> -> memref<80xi32, #tpu.memory_space<hbm>>
    tpu.enqueue_dma source(%dma_start3A_22 : memref<80xi32, #tpu.memory_space<hbm>>) target(%dma_start3A_21 : memref<80xi32, #tpu.memory_space<vmem>>) target_semaphore(%arg22 : memref<!tpu.dma_semaphore, #tpu.memory_space<semaphore_mem>>)
    %dma_start3A_23 = arith.constant 0 : i32
    %dma_start3A_24 = arith.constant 0 : i32
    %dma_start3A_25 = tpu.memref_slice %arg12[%dma_start3A_23, %dma_start3A_24] : memref<8x80xi32, #tpu.memory_space<vmem>> -> memref<1x80xi32, #tpu.memory_space<vmem>>
    %dma_start3A_26 = tpu.memref_squeeze %dma_start3A_25 : memref<1x80xi32, #tpu.memory_space<vmem>> -> memref<80xi32, #tpu.memory_space<vmem>>
    %dma_start3A_27 = tpu.memref_slice %arg3[%add3A_13] : memref<320000xi32, #tpu.memory_space<hbm>> -> memref<80xi32, #tpu.memory_space<hbm>>
    %dma_start3A_28 = arith.constant 0 : i32
    %dma_start3A_29 = tpu.memref_slice %arg12[%dma_start3A_23, %dma_start3A_28] : memref<8x80xi32, #tpu.memory_space<vmem>> -> memref<1x80xi32, #tpu.memory_space<vmem>>
    %dma_start3A_30 = tpu.memref_squeeze %dma_start3A_29 : memref<1x80xi32, #tpu.memory_space<vmem>> -> memref<80xi32, #tpu.memory_space<vmem>>
    %dma_start3A_31 = tpu.memref_slice %arg3[%add3A_13] : memref<320000xi32, #tpu.memory_space<hbm>> -> memref<80xi32, #tpu.memory_space<hbm>>
    tpu.enqueue_dma source(%dma_start3A_31 : memref<80xi32, #tpu.memory_space<hbm>>) target(%dma_start3A_30 : memref<80xi32, #tpu.memory_space<vmem>>) target_semaphore(%arg22 : memref<!tpu.dma_semaphore, #tpu.memory_space<semaphore_mem>>)
    %add3A_32 = arith.constant 80 : i32
    %add3A_33 = arith.addi %mul3A_0, %add3A_32 : i32
    %dma_start3A_34 = arith.constant 1 : i32
    %dma_start3A_35 = arith.constant 0 : i32
    %dma_start3A_36 = tpu.memref_slice %arg11[%dma_start3A_34, %dma_start3A_35] : memref<8x80xi32, #tpu.memory_space<vmem>> -> memref<1x80xi32, #tpu.memory_space<vmem>>
    %dma_start3A_37 = tpu.memref_squeeze %dma_start3A_36 : memref<1x80xi32, #tpu.memory_space<vmem>> -> memref<80xi32, #tpu.memory_space<vmem>>
    %dma_start3A_38 = tpu.memref_slice %arg2[%add3A_33] : memref<320000xi32, #tpu.memory_space<hbm>> -> memref<80xi32, #tpu.memory_space<hbm>>
    %dma_start3A_39 = arith.constant 0 : i32
    %dma_start3A_40 = tpu.memref_slice %arg11[%dma_start3A_34, %dma_start3A_39] : memref<8x80xi32, #tpu.memory_space<vmem>> -> memref<1x80xi32, #tpu.memory_space<vmem>>
    %dma_start3A_41 = tpu.memref_squeeze %dma_start3A_40 : memref<1x80xi32, #tpu.memory_space<vmem>> -> memref<80xi32, #tpu.memory_space<vmem>>
    %dma_start3A_42 = tpu.memref_slice %arg2[%add3A_33] : memref<320000xi32, #tpu.memory_space<hbm>> -> memref<80xi32, #tpu.memory_space<hbm>>
    tpu.enqueue_dma source(%dma_start3A_42 : memref<80xi32, #tpu.memory_space<hbm>>) target(%dma_start3A_41 : memref<80xi32, #tpu.memory_space<vmem>>) target_semaphore(%arg23 : memref<!tpu.dma_semaphore, #tpu.memory_space<semaphore_mem>>)
    %dma_start3A_43 = arith.constant 1 : i32
    %dma_start3A_44 = arith.constant 0 : i32
    %dma_start3A_45 = tpu.memref_slice %arg12[%dma_start3A_43, %dma_start3A_44] : memref<8x80xi32, #tpu.memory_space<vmem>> -> memref<1x80xi32, #tpu.memory_space<vmem>>
    %dma_start3A_46 = tpu.memref_squeeze %dma_start3A_45 : memref<1x80xi32, #tpu.memory_space<vmem>> -> memref<80xi32, #tpu.memory_space<vmem>>
    %dma_start3A_47 = tpu.memref_slice %arg3[%add3A_33] : memref<320000xi32, #tpu.memory_space<hbm>> -> memref<80xi32, #tpu.memory_space<hbm>>
    %dma_start3A_48 = arith.constant 0 : i32
    %dma_start3A_49 = tpu.memref_slice %arg12[%dma_start3A_43, %dma_start3A_48] : memref<8x80xi32, #tpu.memory_space<vmem>> -> memref<1x80xi32, #tpu.memory_space<vmem>>
    %dma_start3A_50 = tpu.memref_squeeze %dma_start3A_49 : memref<1x80xi32, #tpu.memory_space<vmem>> -> memref<80xi32, #tpu.memory_space<vmem>>
    %dma_start3A_51 = tpu.memref_slice %arg3[%add3A_33] : memref<320000xi32, #tpu.memory_space<hbm>> -> memref<80xi32, #tpu.memory_space<hbm>>
    tpu.enqueue_dma source(%dma_start3A_51 : memref<80xi32, #tpu.memory_space<hbm>>) target(%dma_start3A_50 : memref<80xi32, #tpu.memory_space<vmem>>) target_semaphore(%arg23 : memref<!tpu.dma_semaphore, #tpu.memory_space<semaphore_mem>>)
    %add3A_52 = arith.constant 160 : i32
    %add3A_53 = arith.addi %mul3A_0, %add3A_52 : i32
    %dma_start3A_54 = arith.constant 2 : i32
    %dma_start3A_55 = arith.constant 0 : i32
    %dma_start3A_56 = tpu.memref_slice %arg11[%dma_start3A_54, %dma_start3A_55] : memref<8x80xi32, #tpu.memory_space<vmem>> -> memref<1x80xi32, #tpu.memory_space<vmem>>
    %dma_start3A_57 = tpu.memref_squeeze %dma_start3A_56 : memref<1x80xi32, #tpu.memory_space<vmem>> -> memref<80xi32, #tpu.memory_space<vmem>>
    %dma_start3A_58 = tpu.memref_slice %arg2[%add3A_53] : memref<320000xi32, #tpu.memory_space<hbm>> -> memref<80xi32, #tpu.memory_space<hbm>>
    %dma_start3A_59 = arith.constant 0 : i32
    %dma_start3A_60 = tpu.memref_slice %arg11[%dma_start3A_54, %dma_start3A_59] : memref<8x80xi32, #tpu.memory_space<vmem>> -> memref<1x80xi32, #tpu.memory_space<vmem>>
    %dma_start3A_61 = tpu.memref_squeeze %dma_start3A_60 : memref<1x80xi32, #tpu.memory_space<vmem>> -> memref<80xi32, #tpu.memory_space<vmem>>
    %dma_start3A_62 = tpu.memref_slice %arg2[%add3A_53] : memref<320000xi32, #tpu.memory_space<hbm>> -> memref<80xi32, #tpu.memory_space<hbm>>
    tpu.enqueue_dma source(%dma_start3A_62 : memref<80xi32, #tpu.memory_space<hbm>>) target(%dma_start3A_61 : memref<80xi32, #tpu.memory_space<vmem>>) target_semaphore(%arg24 : memref<!tpu.dma_semaphore, #tpu.memory_space<semaphore_mem>>)
    %dma_start3A_63 = arith.constant 2 : i32
    %dma_start3A_64 = arith.constant 0 : i32
    %dma_start3A_65 = tpu.memref_slice %arg12[%dma_start3A_63, %dma_start3A_64] : memref<8x80xi32, #tpu.memory_space<vmem>> -> memref<1x80xi32, #tpu.memory_space<vmem>>
    %dma_start3A_66 = tpu.memref_squeeze %dma_start3A_65 : memref<1x80xi32, #tpu.memory_space<vmem>> -> memref<80xi32, #tpu.memory_space<vmem>>
    %dma_start3A_67 = tpu.memref_slice %arg3[%add3A_53] : memref<320000xi32, #tpu.memory_space<hbm>> -> memref<80xi32, #tpu.memory_space<hbm>>
    %dma_start3A_68 = arith.constant 0 : i32
    %dma_start3A_69 = tpu.memref_slice %arg12[%dma_start3A_63, %dma_start3A_68] : memref<8x80xi32, #tpu.memory_space<vmem>> -> memref<1x80xi32, #tpu.memory_space<vmem>>
    %dma_start3A_70 = tpu.memref_squeeze %dma_start3A_69 : memref<1x80xi32, #tpu.memory_space<vmem>> -> memref<80xi32, #tpu.memory_space<vmem>>
    %dma_start3A_71 = tpu.memref_slice %arg3[%add3A_53] : memref<320000xi32, #tpu.memory_space<hbm>> -> memref<80xi32, #tpu.memory_space<hbm>>
    tpu.enqueue_dma source(%dma_start3A_71 : memref<80xi32, #tpu.memory_space<hbm>>) target(%dma_start3A_70 : memref<80xi32, #tpu.memory_space<vmem>>) target_semaphore(%arg24 : memref<!tpu.dma_semaphore, #tpu.memory_space<semaphore_mem>>)
    %add3A_72 = arith.constant 240 : i32
    %add3A_73 = arith.addi %mul3A_0, %add3A_72 : i32
    %dma_start3A_74 = arith.constant 3 : i32
    %dma_start3A_75 = arith.constant 0 : i32
    %dma_start3A_76 = tpu.memref_slice %arg11[%dma_start3A_74, %dma_start3A_75] : memref<8x80xi32, #tpu.memory_space<vmem>> -> memref<1x80xi32, #tpu.memory_space<vmem>>
    %dma_start3A_77 = tpu.memref_squeeze %dma_start3A_76 : memref<1x80xi32, #tpu.memory_space<vmem>> -> memref<80xi32, #tpu.memory_space<vmem>>
    %dma_start3A_78 = tpu.memref_slice %arg2[%add3A_73] : memref<320000xi32, #tpu.memory_space<hbm>> -> memref<80xi32, #tpu.memory_space<hbm>>
    %dma_start3A_79 = arith.constant 0 : i32
    %dma_start3A_80 = tpu.memref_slice %arg11[%dma_start3A_74, %dma_start3A_79] : memref<8x80xi32, #tpu.memory_space<vmem>> -> memref<1x80xi32, #tpu.memory_space<vmem>>
    %dma_start3A_81 = tpu.memref_squeeze %dma_start3A_80 : memref<1x80xi32, #tpu.memory_space<vmem>> -> memref<80xi32, #tpu.memory_space<vmem>>
    %dma_start3A_82 = tpu.memref_slice %arg2[%add3A_73] : memref<320000xi32, #tpu.memory_space<hbm>> -> memref<80xi32, #tpu.memory_space<hbm>>
    tpu.enqueue_dma source(%dma_start3A_82 : memref<80xi32, #tpu.memory_space<hbm>>) target(%dma_start3A_81 : memref<80xi32, #tpu.memory_space<vmem>>) target_semaphore(%arg25 : memref<!tpu.dma_semaphore, #tpu.memory_space<semaphore_mem>>)
    %dma_start3A_83 = arith.constant 3 : i32
    %dma_start3A_84 = arith.constant 0 : i32
    %dma_start3A_85 = tpu.memref_slice %arg12[%dma_start3A_83, %dma_start3A_84] : memref<8x80xi32, #tpu.memory_space<vmem>> -> memref<1x80xi32, #tpu.memory_space<vmem>>
    %dma_start3A_86 = tpu.memref_squeeze %dma_start3A_85 : memref<1x80xi32, #tpu.memory_space<vmem>> -> memref<80xi32, #tpu.memory_space<vmem>>
    %dma_start3A_87 = tpu.memref_slice %arg3[%add3A_73] : memref<320000xi32, #tpu.memory_space<hbm>> -> memref<80xi32, #tpu.memory_space<hbm>>
    %dma_start3A_88 = arith.constant 0 : i32
    %dma_start3A_89 = tpu.memref_slice %arg12[%dma_start3A_83, %dma_start3A_88] : memref<8x80xi32, #tpu.memory_space<vmem>> -> memref<1x80xi32, #tpu.memory_space<vmem>>
    %dma_start3A_90 = tpu.memref_squeeze %dma_start3A_89 : memref<1x80xi32, #tpu.memory_space<vmem>> -> memref<80xi32, #tpu.memory_space<vmem>>
    %dma_start3A_91 = tpu.memref_slice %arg3[%add3A_73] : memref<320000xi32, #tpu.memory_space<hbm>> -> memref<80xi32, #tpu.memory_space<hbm>>
    tpu.enqueue_dma source(%dma_start3A_91 : memref<80xi32, #tpu.memory_space<hbm>>) target(%dma_start3A_90 : memref<80xi32, #tpu.memory_space<vmem>>) target_semaphore(%arg25 : memref<!tpu.dma_semaphore, #tpu.memory_space<semaphore_mem>>)
    %add3A_92 = arith.constant 320 : i32
    %add3A_93 = arith.addi %mul3A_0, %add3A_92 : i32
    %dma_start3A_94 = arith.constant 4 : i32
    %dma_start3A_95 = arith.constant 0 : i32
    %dma_start3A_96 = tpu.memref_slice %arg11[%dma_start3A_94, %dma_start3A_95] : memref<8x80xi32, #tpu.memory_space<vmem>> -> memref<1x80xi32, #tpu.memory_space<vmem>>
    %dma_start3A_97 = tpu.memref_squeeze %dma_start3A_96 : memref<1x80xi32, #tpu.memory_space<vmem>> -> memref<80xi32, #tpu.memory_space<vmem>>
    %dma_start3A_98 = tpu.memref_slice %arg2[%add3A_93] : memref<320000xi32, #tpu.memory_space<hbm>> -> memref<80xi32, #tpu.memory_space<hbm>>
    %dma_start3A_99 = arith.constant 0 : i32
    %dma_start3A_100 = tpu.memref_slice %arg11[%dma_start3A_94, %dma_start3A_99] : memref<8x80xi32, #tpu.memory_space<vmem>> -> memref<1x80xi32, #tpu.memory_space<vmem>>
    %dma_start3A_101 = tpu.memref_squeeze %dma_start3A_100 : memref<1x80xi32, #tpu.memory_space<vmem>> -> memref<80xi32, #tpu.memory_space<vmem>>
    %dma_start3A_102 = tpu.memref_slice %arg2[%add3A_93] : memref<320000xi32, #tpu.memory_space<hbm>> -> memref<80xi32, #tpu.memory_space<hbm>>
    tpu.enqueue_dma source(%dma_start3A_102 : memref<80xi32, #tpu.memory_space<hbm>>) target(%dma_start3A_101 : memref<80xi32, #tpu.memory_space<vmem>>) target_semaphore(%arg26 : memref<!tpu.dma_semaphore, #tpu.memory_space<semaphore_mem>>)
    %dma_start3A_103 = arith.constant 4 : i32
    %dma_start3A_104 = arith.constant 0 : i32
    %dma_start3A_105 = tpu.memref_slice %arg12[%dma_start3A_103, %dma_start3A_104] : memref<8x80xi32, #tpu.memory_space<vmem>> -> memref<1x80xi32, #tpu.memory_space<vmem>>
    %dma_start3A_106 = tpu.memref_squeeze %dma_start3A_105 : memref<1x80xi32, #tpu.memory_space<vmem>> -> memref<80xi32, #tpu.memory_space<vmem>>
    %dma_start3A_107 = tpu.memref_slice %arg3[%add3A_93] : memref<320000xi32, #tpu.memory_space<hbm>> -> memref<80xi32, #tpu.memory_space<hbm>>
    %dma_start3A_108 = arith.constant 0 : i32
    %dma_start3A_109 = tpu.memref_slice %arg12[%dma_start3A_103, %dma_start3A_108] : memref<8x80xi32, #tpu.memory_space<vmem>> -> memref<1x80xi32, #tpu.memory_space<vmem>>
    %dma_start3A_110 = tpu.memref_squeeze %dma_start3A_109 : memref<1x80xi32, #tpu.memory_space<vmem>> -> memref<80xi32, #tpu.memory_space<vmem>>
    %dma_start3A_111 = tpu.memref_slice %arg3[%add3A_93] : memref<320000xi32, #tpu.memory_space<hbm>> -> memref<80xi32, #tpu.memory_space<hbm>>
    tpu.enqueue_dma source(%dma_start3A_111 : memref<80xi32, #tpu.memory_space<hbm>>) target(%dma_start3A_110 : memref<80xi32, #tpu.memory_space<vmem>>) target_semaphore(%arg26 : memref<!tpu.dma_semaphore, #tpu.memory_space<semaphore_mem>>)
    %add3A_112 = arith.constant 400 : i32
    %add3A_113 = arith.addi %mul3A_0, %add3A_112 : i32
    %dma_start3A_114 = arith.constant 5 : i32
    %dma_start3A_115 = arith.constant 0 : i32
    %dma_start3A_116 = tpu.memref_slice %arg11[%dma_start3A_114, %dma_start3A_115] : memref<8x80xi32, #tpu.memory_space<vmem>> -> memref<1x80xi32, #tpu.memory_space<vmem>>
    %dma_start3A_117 = tpu.memref_squeeze %dma_start3A_116 : memref<1x80xi32, #tpu.memory_space<vmem>> -> memref<80xi32, #tpu.memory_space<vmem>>
    %dma_start3A_118 = tpu.memref_slice %arg2[%add3A_113] : memref<320000xi32, #tpu.memory_space<hbm>> -> memref<80xi32, #tpu.memory_space<hbm>>
    %dma_start3A_119 = arith.constant 0 : i32
    %dma_start3A_120 = tpu.memref_slice %arg11[%dma_start3A_114, %dma_start3A_119] : memref<8x80xi32, #tpu.memory_space<vmem>> -> memref<1x80xi32, #tpu.memory_space<vmem>>
    %dma_start3A_121 = tpu.memref_squeeze %dma_start3A_120 : memref<1x80xi32, #tpu.memory_space<vmem>> -> memref<80xi32, #tpu.memory_space<vmem>>
    %dma_start3A_122 = tpu.memref_slice %arg2[%add3A_113] : memref<320000xi32, #tpu.memory_space<hbm>> -> memref<80xi32, #tpu.memory_space<hbm>>
    tpu.enqueue_dma source(%dma_start3A_122 : memref<80xi32, #tpu.memory_space<hbm>>) target(%dma_start3A_121 : memref<80xi32, #tpu.memory_space<vmem>>) target_semaphore(%arg27 : memref<!tpu.dma_semaphore, #tpu.memory_space<semaphore_mem>>)
    %dma_start3A_123 = arith.constant 5 : i32
    %dma_start3A_124 = arith.constant 0 : i32
    %dma_start3A_125 = tpu.memref_slice %arg12[%dma_start3A_123, %dma_start3A_124] : memref<8x80xi32, #tpu.memory_space<vmem>> -> memref<1x80xi32, #tpu.memory_space<vmem>>
    %dma_start3A_126 = tpu.memref_squeeze %dma_start3A_125 : memref<1x80xi32, #tpu.memory_space<vmem>> -> memref<80xi32, #tpu.memory_space<vmem>>
    %dma_start3A_127 = tpu.memref_slice %arg3[%add3A_113] : memref<320000xi32, #tpu.memory_space<hbm>> -> memref<80xi32, #tpu.memory_space<hbm>>
    %dma_start3A_128 = arith.constant 0 : i32
    %dma_start3A_129 = tpu.memref_slice %arg12[%dma_start3A_123, %dma_start3A_128] : memref<8x80xi32, #tpu.memory_space<vmem>> -> memref<1x80xi32, #tpu.memory_space<vmem>>
    %dma_start3A_130 = tpu.memref_squeeze %dma_start3A_129 : memref<1x80xi32, #tpu.memory_space<vmem>> -> memref<80xi32, #tpu.memory_space<vmem>>
    %dma_start3A_131 = tpu.memref_slice %arg3[%add3A_113] : memref<320000xi32, #tpu.memory_space<hbm>> -> memref<80xi32, #tpu.memory_space<hbm>>
    tpu.enqueue_dma source(%dma_start3A_131 : memref<80xi32, #tpu.memory_space<hbm>>) target(%dma_start3A_130 : memref<80xi32, #tpu.memory_space<vmem>>) target_semaphore(%arg27 : memref<!tpu.dma_semaphore, #tpu.memory_space<semaphore_mem>>)
    %add3A_132 = arith.constant 0 : i32
    %add3A_133 = arith.addi %mul3A_0, %add3A_132 : i32
    %dma_wait3A = arith.constant 0 : i32
    %dma_wait3A_134 = arith.constant 0 : i32
    %dma_wait3A_135 = tpu.memref_slice %arg11[%dma_wait3A, %dma_wait3A_134] : memref<8x80xi32, #tpu.memory_space<vmem>> -> memref<1x80xi32, #tpu.memory_space<vmem>>
    %dma_wait3A_136 = tpu.memref_squeeze %dma_wait3A_135 : memref<1x80xi32, #tpu.memory_space<vmem>> -> memref<80xi32, #tpu.memory_space<vmem>>
    %dma_wait3A_137 = tpu.memref_slice %arg2[%add3A_133] : memref<320000xi32, #tpu.memory_space<hbm>> -> memref<80xi32, #tpu.memory_space<hbm>>
    %dma_wait3A_138 = arith.constant 0 : i32
    %dma_wait3A_139 = tpu.memref_slice %arg11[%dma_wait3A, %dma_wait3A_138] : memref<8x80xi32, #tpu.memory_space<vmem>> -> memref<1x80xi32, #tpu.memory_space<vmem>>
    %dma_wait3A_140 = tpu.memref_squeeze %dma_wait3A_139 : memref<1x80xi32, #tpu.memory_space<vmem>> -> memref<80xi32, #tpu.memory_space<vmem>>
    %dma_wait3A_141 = tpu.memref_slice %arg2[%add3A_133] : memref<320000xi32, #tpu.memory_space<hbm>> -> memref<80xi32, #tpu.memory_space<hbm>>
    tpu.wait_dma2 semaphore(%arg22 : memref<!tpu.dma_semaphore, #tpu.memory_space<semaphore_mem>>) src(%dma_wait3A_141 : memref<80xi32, #tpu.memory_space<hbm>>) dst(%dma_wait3A_140 : memref<80xi32, #tpu.memory_space<vmem>>)
    %dma_wait3A_142 = arith.constant 0 : i32
    %dma_wait3A_143 = arith.constant 0 : i32
    %dma_wait3A_144 = tpu.memref_slice %arg12[%dma_wait3A_142, %dma_wait3A_143] : memref<8x80xi32, #tpu.memory_space<vmem>> -> memref<1x80xi32, #tpu.memory_space<vmem>>
    %dma_wait3A_145 = tpu.memref_squeeze %dma_wait3A_144 : memref<1x80xi32, #tpu.memory_space<vmem>> -> memref<80xi32, #tpu.memory_space<vmem>>
    %dma_wait3A_146 = tpu.memref_slice %arg3[%add3A_133] : memref<320000xi32, #tpu.memory_space<hbm>> -> memref<80xi32, #tpu.memory_space<hbm>>
    %dma_wait3A_147 = arith.constant 0 : i32
    %dma_wait3A_148 = tpu.memref_slice %arg12[%dma_wait3A_142, %dma_wait3A_147] : memref<8x80xi32, #tpu.memory_space<vmem>> -> memref<1x80xi32, #tpu.memory_space<vmem>>
    %dma_wait3A_149 = tpu.memref_squeeze %dma_wait3A_148 : memref<1x80xi32, #tpu.memory_space<vmem>> -> memref<80xi32, #tpu.memory_space<vmem>>
    %dma_wait3A_150 = tpu.memref_slice %arg3[%add3A_133] : memref<320000xi32, #tpu.memory_space<hbm>> -> memref<80xi32, #tpu.memory_space<hbm>>
    tpu.wait_dma2 semaphore(%arg22 : memref<!tpu.dma_semaphore, #tpu.memory_space<semaphore_mem>>) src(%dma_wait3A_150 : memref<80xi32, #tpu.memory_space<hbm>>) dst(%dma_wait3A_149 : memref<80xi32, #tpu.memory_space<vmem>>)
    %get3A = arith.constant 0 : i32
    %get3A_151 = arith.index_cast %get3A : i32 to index
    %get3A_152 = arith.constant 0 : index
    %get3A_153 = tpu.vector_load %arg11[%get3A_151, %get3A_152] {strides = array<i32>} : memref<8x80xi32, #tpu.memory_space<vmem>>, vector<1x16xi32>,
    %get3A_154 = vector.shape_cast %get3A_153 : vector<1x16xi32> to vector<16xi32>
    %add3A_155 = vector.broadcast %mul3A_2 : i32 to vector<16xi32>
    %add3A_156 = arith.addi %get3A_154, %add3A_155 : vector<16xi32>
    %swap3A = arith.constant 0 : i32
    %swap3A_157 = arith.index_cast %swap3A : i32 to index
    %swap3A_158 = arith.constant 0 : index
    %swap3A_159 = tpu.vector_load %arg11[%swap3A_157, %swap3A_158] {strides = array<i32>} : memref<8x80xi32, #tpu.memory_space<vmem>>, vector<1x16xi32>,
    %swap3A_160 = vector.shape_cast %swap3A_159 : vector<1x16xi32> to vector<16xi32>
    %swap3A_161 = vector.shape_cast %add3A_156 : vector<16xi32> to vector<1x16xi32>
    tpu.vector_store %arg11[%swap3A_157, %swap3A_158], %swap3A_161 {strides = array<i32>} : memref<8x80xi32, #tpu.memory_space<vmem>>, vector<1x16xi32>,
    %get3A_162 = arith.constant 0 : i32
    %get3A_163 = arith.index_cast %get3A_162 : i32 to index
    %get3A_164 = arith.constant 16 : index
    %get3A_165 = tpu.vector_load %arg11[%get3A_163, %get3A_164] {strides = array<i32>} : memref<8x80xi32, #tpu.memory_space<vmem>>, vector<1x16xi32>,
    %get3A_166 = vector.shape_cast %get3A_165 : vector<1x16xi32> to vector<16xi32>
    %add3A_167 = vector.broadcast %mul3A_2 : i32 to vector<16xi32>
    %add3A_168 = arith.addi %get3A_166, %add3A_167 : vector<16xi32>
    %swap3A_169 = arith.constant 0 : i32
    %swap3A_170 = arith.index_cast %swap3A_169 : i32 to index
    %swap3A_171 = arith.constant 16 : index
    %swap3A_172 = tpu.vector_load %arg11[%swap3A_170, %swap3A_171] {strides = array<i32>} : memref<8x80xi32, #tpu.memory_space<vmem>>, vector<1x16xi32>,
    %swap3A_173 = vector.shape_cast %swap3A_172 : vector<1x16xi32> to vector<16xi32>
    %swap3A_174 = vector.shape_cast %add3A_168 : vector<16xi32> to vector<1x16xi32>
    tpu.vector_store %arg11[%swap3A_170, %swap3A_171], %swap3A_174 {strides = array<i32>} : memref<8x80xi32, #tpu.memory_space<vmem>>, vector<1x16xi32>,
    %get3A_175 = arith.constant 0 : i32
    %get3A_176 = arith.index_cast %get3A_175 : i32 to index
    %get3A_177 = arith.constant 32 : index
    %get3A_178 = tpu.vector_load %arg11[%get3A_176, %get3A_177] {strides = array<i32>} : memref<8x80xi32, #tpu.memory_space<vmem>>, vector<1x16xi32>,
    %get3A_179 = vector.shape_cast %get3A_178 : vector<1x16xi32> to vector<16xi32>
    %add3A_180 = vector.broadcast %mul3A_2 : i32 to vector<16xi32>
    %add3A_181 = arith.addi %get3A_179, %add3A_180 : vector<16xi32>
    %swap3A_182 = arith.constant 0 : i32
    %swap3A_183 = arith.index_cast %swap3A_182 : i32 to index
    %swap3A_184 = arith.constant 32 : index
    %swap3A_185 = tpu.vector_load %arg11[%swap3A_183, %swap3A_184] {strides = array<i32>} : memref<8x80xi32, #tpu.memory_space<vmem>>, vector<1x16xi32>,
    %swap3A_186 = vector.shape_cast %swap3A_185 : vector<1x16xi32> to vector<16xi32>
    %swap3A_187 = vector.shape_cast %add3A_181 : vector<16xi32> to vector<1x16xi32>
    tpu.vector_store %arg11[%swap3A_183, %swap3A_184], %swap3A_187 {strides = array<i32>} : memref<8x80xi32, #tpu.memory_space<vmem>>, vector<1x16xi32>,
    %get3A_188 = arith.constant 0 : i32
    %get3A_189 = arith.index_cast %get3A_188 : i32 to index
    %get3A_190 = arith.constant 48 : index
    %get3A_191 = tpu.vector_load %arg11[%get3A_189, %get3A_190] {strides = array<i32>} : memref<8x80xi32, #tpu.memory_space<vmem>>, vector<1x16xi32>,
    %get3A_192 = vector.shape_cast %get3A_191 : vector<1x16xi32> to vector<16xi32>
    %add3A_193 = vector.broadcast %mul3A_2 : i32 to vector<16xi32>
    %add3A_194 = arith.addi %get3A_192, %add3A_193 : vector<16xi32>
    %swap3A_195 = arith.constant 0 : i32
    %swap3A_196 = arith.index_cast %swap3A_195 : i32 to index
    %swap3A_197 = arith.constant 48 : index
    %swap3A_198 = tpu.vector_load %arg11[%swap3A_196, %swap3A_197] {strides = array<i32>} : memref<8x80xi32, #tpu.memory_space<vmem>>, vector<1x16xi32>,
    %swap3A_199 = vector.shape_cast %swap3A_198 : vector<1x16xi32> to vector<16xi32>
    %swap3A_200 = vector.shape_cast %add3A_194 : vector<16xi32> to vector<1x16xi32>
    tpu.vector_store %arg11[%swap3A_196, %swap3A_197], %swap3A_200 {strides = array<i32>} : memref<8x80xi32, #tpu.memory_space<vmem>>, vector<1x16xi32>,
    %get3A_201 = arith.constant 0 : i32
    %get3A_202 = arith.index_cast %get3A_201 : i32 to index
    %get3A_203 = arith.constant 64 : index
    %get3A_204 = tpu.vector_load %arg11[%get3A_202, %get3A_203] {strides = array<i32>} : memref<8x80xi32, #tpu.memory_space<vmem>>, vector<1x16xi32>,
    %get3A_205 = vector.shape_cast %get3A_204 : vector<1x16xi32> to vector<16xi32>
    %add3A_206 = vector.broadcast %mul3A_2 : i32 to vector<16xi32>
    %add3A_207 = arith.addi %get3A_205, %add3A_206 : vector<16xi32>
    %swap3A_208 = arith.constant 0 : i32
    %swap3A_209 = arith.index_cast %swap3A_208 : i32 to index
    %swap3A_210 = arith.constant 64 : index
    %swap3A_211 = tpu.vector_load %arg11[%swap3A_209, %swap3A_210] {strides = array<i32>} : memref<8x80xi32, #tpu.memory_space<vmem>>, vector<1x16xi32>,
    %swap3A_212 = vector.shape_cast %swap3A_211 : vector<1x16xi32> to vector<16xi32>
    %swap3A_213 = vector.shape_cast %add3A_207 : vector<16xi32> to vector<1x16xi32>
    tpu.vector_store %arg11[%swap3A_209, %swap3A_210], %swap3A_213 {strides = array<i32>} : memref<8x80xi32, #tpu.memory_space<vmem>>, vector<1x16xi32>,
    %dma_start3A_214 = arith.constant 0 : i32
    %dma_start3A_215 = arith.constant 0 : i32
    %dma_start3A_216 = tpu.memref_slice %arg11[%dma_start3A_214, %dma_start3A_215] : memref<8x80xi32, #tpu.memory_space<vmem>> -> memref<1x80xi32, #tpu.memory_space<vmem>>
    %dma_start3A_217 = tpu.memref_squeeze %dma_start3A_216 : memref<1x80xi32, #tpu.memory_space<vmem>> -> memref<80xi32, #tpu.memory_space<vmem>>
    %dma_start3A_218 = arith.constant 0 : i32
    %dma_start3A_219 = arith.constant 0 : i32
    %dma_start3A_220 = tpu.memref_slice %arg4[%dma_start3A_218, %dma_start3A_219] : memref<20480x128xf32, #tpu.memory_space<hbm>> -> memref<20480x128xf32, #tpu.memory_space<hbm>>
    tpu.enqueue_indirect_dma source(%dma_start3A_220 : memref<20480x128xf32, #tpu.memory_space<hbm>>) target(%arg7 : memref<80x128xf32, #tpu.memory_space<vmem>>) offsets(%dma_start3A_217 : memref<80xi32, #tpu.memory_space<vmem>>) semaphore(%arg14 : memref<!tpu.dma_semaphore, #tpu.memory_space<semaphore_mem>>)
    %add3A_221 = arith.constant 80 : i32
    %add3A_222 = arith.addi %mul3A_0, %add3A_221 : i32
    %dma_wait3A_223 = arith.constant 1 : i32
    %dma_wait3A_224 = arith.constant 0 : i32
    %dma_wait3A_225 = tpu.memref_slice %arg11[%dma_wait3A_223, %dma_wait3A_224] : memref<8x80xi32, #tpu.memory_space<vmem>> -> memref<1x80xi32, #tpu.memory_space<vmem>>
    %dma_wait3A_226 = tpu.memref_squeeze %dma_wait3A_225 : memref<1x80xi32, #tpu.memory_space<vmem>> -> memref<80xi32, #tpu.memory_space<vmem>>
    %dma_wait3A_227 = tpu.memref_slice %arg2[%add3A_222] : memref<320000xi32, #tpu.memory_space<hbm>> -> memref<80xi32, #tpu.memory_space<hbm>>
    %dma_wait3A_228 = arith.constant 0 : i32
    %dma_wait3A_229 = tpu.memref_slice %arg11[%dma_wait3A_223, %dma_wait3A_228] : memref<8x80xi32, #tpu.memory_space<vmem>> -> memref<1x80xi32, #tpu.memory_space<vmem>>
    %dma_wait3A_230 = tpu.memref_squeeze %dma_wait3A_229 : memref<1x80xi32, #tpu.memory_space<vmem>> -> memref<80xi32, #tpu.memory_space<vmem>>
    %dma_wait3A_231 = tpu.memref_slice %arg2[%add3A_222] : memref<320000xi32, #tpu.memory_space<hbm>> -> memref<80xi32, #tpu.memory_space<hbm>>
    tpu.wait_dma2 semaphore(%arg23 : memref<!tpu.dma_semaphore, #tpu.memory_space<semaphore_mem>>) src(%dma_wait3A_231 : memref<80xi32, #tpu.memory_space<hbm>>) dst(%dma_wait3A_230 : memref<80xi32, #tpu.memory_space<vmem>>)
    %dma_wait3A_232 = arith.constant 1 : i32
    %dma_wait3A_233 = arith.constant 0 : i32
    %dma_wait3A_234 = tpu.memref_slice %arg12[%dma_wait3A_232, %dma_wait3A_233] : memref<8x80xi32, #tpu.memory_space<vmem>> -> memref<1x80xi32, #tpu.memory_space<vmem>>
    %dma_wait3A_235 = tpu.memref_squeeze %dma_wait3A_234 : memref<1x80xi32, #tpu.memory_space<vmem>> -> memref<80xi32, #tpu.memory_space<vmem>>
    %dma_wait3A_236 = tpu.memref_slice %arg3[%add3A_222] : memref<320000xi32, #tpu.memory_space<hbm>> -> memref<80xi32, #tpu.memory_space<hbm>>
    %dma_wait3A_237 = arith.constant 0 : i32
    %dma_wait3A_238 = tpu.memref_slice %arg12[%dma_wait3A_232, %dma_wait3A_237] : memref<8x80xi32, #tpu.memory_space<vmem>> -> memref<1x80xi32, #tpu.memory_space<vmem>>
    %dma_wait3A_239 = tpu.memref_squeeze %dma_wait3A_238 : memref<1x80xi32, #tpu.memory_space<vmem>> -> memref<80xi32, #tpu.memory_space<vmem>>
    %dma_wait3A_240 = tpu.memref_slice %arg3[%add3A_222] : memref<320000xi32, #tpu.memory_space<hbm>> -> memref<80xi32, #tpu.memory_space<hbm>>
    tpu.wait_dma2 semaphore(%arg23 : memref<!tpu.dma_semaphore, #tpu.memory_space<semaphore_mem>>) src(%dma_wait3A_240 : memref<80xi32, #tpu.memory_space<hbm>>) dst(%dma_wait3A_239 : memref<80xi32, #tpu.memory_space<vmem>>)
    %get3A_241 = arith.constant 1 : i32
    %get3A_242 = arith.index_cast %get3A_241 : i32 to index
    %get3A_243 = arith.constant 0 : index
    %get3A_244 = tpu.vector_load %arg11[%get3A_242, %get3A_243] {strides = array<i32>} : memref<8x80xi32, #tpu.memory_space<vmem>>, vector<1x16xi32>,
    %get3A_245 = vector.shape_cast %get3A_244 : vector<1x16xi32> to vector<16xi32>
    %add3A_246 = vector.broadcast %mul3A_2 : i32 to vector<16xi32>
    %add3A_247 = arith.addi %get3A_245, %add3A_246 : vector<16xi32>
    %swap3A_248 = arith.constant 1 : i32
    %swap3A_249 = arith.index_cast %swap3A_248 : i32 to index
    %swap3A_250 = arith.constant 0 : index
    %swap3A_251 = tpu.vector_load %arg11[%swap3A_249, %swap3A_250] {strides = array<i32>} : memref<8x80xi32, #tpu.memory_space<vmem>>, vector<1x16xi32>,
    %swap3A_252 = vector.shape_cast %swap3A_251 : vector<1x16xi32> to vector<16xi32>
    %swap3A_253 = vector.shape_cast %add3A_247 : vector<16xi32> to vector<1x16xi32>
    tpu.vector_store %arg11[%swap3A_249, %swap3A_250], %swap3A_253 {strides = array<i32>} : memref<8x80xi32, #tpu.memory_space<vmem>>, vector<1x16xi32>,
    %get3A_254 = arith.constant 1 : i32
    %get3A_255 = arith.index_cast %get3A_254 : i32 to index
    %get3A_256 = arith.constant 16 : index
    %get3A_257 = tpu.vector_load %arg11[%get3A_255, %get3A_256] {strides = array<i32>} : memref<8x80xi32, #tpu.memory_space<vmem>>, vector<1x16xi32>,
    %get3A_258 = vector.shape_cast %get3A_257 : vector<1x16xi32> to vector<16xi32>
    %add3A_259 = vector.broadcast %mul3A_2 : i32 to vector<16xi32>
    %add3A_260 = arith.addi %get3A_258, %add3A_259 : vector<16xi32>
    %swap3A_261 = arith.constant 1 : i32
    %swap3A_262 = arith.index_cast %swap3A_261 : i32 to index
    %swap3A_263 = arith.constant 16 : index
    %swap3A_264 = tpu.vector_load %arg11[%swap3A_262, %swap3A_263] {strides = array<i32>} : memref<8x80xi32, #tpu.memory_space<vmem>>, vector<1x16xi32>,
    %swap3A_265 = vector.shape_cast %swap3A_264 : vector<1x16xi32> to vector<16xi32>
    %swap3A_266 = vector.shape_cast %add3A_260 : vector<16xi32> to vector<1x16xi32>
    tpu.vector_store %arg11[%swap3A_262, %swap3A_263], %swap3A_266 {strides = array<i32>} : memref<8x80xi32, #tpu.memory_space<vmem>>, vector<1x16xi32>,
    %get3A_267 = arith.constant 1 : i32
    %get3A_268 = arith.index_cast %get3A_267 : i32 to index
    %get3A_269 = arith.constant 32 : index
    %get3A_270 = tpu.vector_load %arg11[%get3A_268, %get3A_269] {strides = array<i32>} : memref<8x80xi32, #tpu.memory_space<vmem>>, vector<1x16xi32>,
    %get3A_271 = vector.shape_cast %get3A_270 : vector<1x16xi32> to vector<16xi32>
    %add3A_272 = vector.broadcast %mul3A_2 : i32 to vector<16xi32>
    %add3A_273 = arith.addi %get3A_271, %add3A_272 : vector<16xi32>
    %swap3A_274 = arith.constant 1 : i32
    %swap3A_275 = arith.index_cast %swap3A_274 : i32 to index
    %swap3A_276 = arith.constant 32 : index
    %swap3A_277 = tpu.vector_load %arg11[%swap3A_275, %swap3A_276] {strides = array<i32>} : memref<8x80xi32, #tpu.memory_space<vmem>>, vector<1x16xi32>,
    %swap3A_278 = vector.shape_cast %swap3A_277 : vector<1x16xi32> to vector<16xi32>
    %swap3A_279 = vector.shape_cast %add3A_273 : vector<16xi32> to vector<1x16xi32>
    tpu.vector_store %arg11[%swap3A_275, %swap3A_276], %swap3A_279 {strides = array<i32>} : memref<8x80xi32, #tpu.memory_space<vmem>>, vector<1x16xi32>,
    %get3A_280 = arith.constant 1 : i32
    %get3A_281 = arith.index_cast %get3A_280 : i32 to index
    %get3A_282 = arith.constant 48 : index
    %get3A_283 = tpu.vector_load %arg11[%get3A_281, %get3A_282] {strides = array<i32>} : memref<8x80xi32, #tpu.memory_space<vmem>>, vector<1x16xi32>,
    %get3A_284 = vector.shape_cast %get3A_283 : vector<1x16xi32> to vector<16xi32>
    %add3A_285 = vector.broadcast %mul3A_2 : i32 to vector<16xi32>
    %add3A_286 = arith.addi %get3A_284, %add3A_285 : vector<16xi32>
    %swap3A_287 = arith.constant 1 : i32
    %swap3A_288 = arith.index_cast %swap3A_287 : i32 to index
    %swap3A_289 = arith.constant 48 : index
    %swap3A_290 = tpu.vector_load %arg11[%swap3A_288, %swap3A_289] {strides = array<i32>} : memref<8x80xi32, #tpu.memory_space<vmem>>, vector<1x16xi32>,
    %swap3A_291 = vector.shape_cast %swap3A_290 : vector<1x16xi32> to vector<16xi32>
    %swap3A_292 = vector.shape_cast %add3A_286 : vector<16xi32> to vector<1x16xi32>
    tpu.vector_store %arg11[%swap3A_288, %swap3A_289], %swap3A_292 {strides = array<i32>} : memref<8x80xi32, #tpu.memory_space<vmem>>, vector<1x16xi32>,
    %get3A_293 = arith.constant 1 : i32
    %get3A_294 = arith.index_cast %get3A_293 : i32 to index
    %get3A_295 = arith.constant 64 : index
    %get3A_296 = tpu.vector_load %arg11[%get3A_294, %get3A_295] {strides = array<i32>} : memref<8x80xi32, #tpu.memory_space<vmem>>, vector<1x16xi32>,
    %get3A_297 = vector.shape_cast %get3A_296 : vector<1x16xi32> to vector<16xi32>
    %add3A_298 = vector.broadcast %mul3A_2 : i32 to vector<16xi32>
    %add3A_299 = arith.addi %get3A_297, %add3A_298 : vector<16xi32>
    %swap3A_300 = arith.constant 1 : i32
    %swap3A_301 = arith.index_cast %swap3A_300 : i32 to index
    %swap3A_302 = arith.constant 64 : index
    %swap3A_303 = tpu.vector_load %arg11[%swap3A_301, %swap3A_302] {strides = array<i32>} : memref<8x80xi32, #tpu.memory_space<vmem>>, vector<1x16xi32>,
    %swap3A_304 = vector.shape_cast %swap3A_303 : vector<1x16xi32> to vector<16xi32>
    %swap3A_305 = vector.shape_cast %add3A_299 : vector<16xi32> to vector<1x16xi32>
    tpu.vector_store %arg11[%swap3A_301, %swap3A_302], %swap3A_305 {strides = array<i32>} : memref<8x80xi32, #tpu.memory_space<vmem>>, vector<1x16xi32>,
    %dma_start3A_306 = arith.constant 1 : i32
    %dma_start3A_307 = arith.constant 0 : i32
    %dma_start3A_308 = tpu.memref_slice %arg11[%dma_start3A_306, %dma_start3A_307] : memref<8x80xi32, #tpu.memory_space<vmem>> -> memref<1x80xi32, #tpu.memory_space<vmem>>
    %dma_start3A_309 = tpu.memref_squeeze %dma_start3A_308 : memref<1x80xi32, #tpu.memory_space<vmem>> -> memref<80xi32, #tpu.memory_space<vmem>>
    %dma_start3A_310 = arith.constant 0 : i32
    %dma_start3A_311 = arith.constant 0 : i32
    %dma_start3A_312 = tpu.memref_slice %arg4[%dma_start3A_310, %dma_start3A_311] : memref<20480x128xf32, #tpu.memory_space<hbm>> -> memref<20480x128xf32, #tpu.memory_space<hbm>>
    tpu.enqueue_indirect_dma source(%dma_start3A_312 : memref<20480x128xf32, #tpu.memory_space<hbm>>) target(%arg8 : memref<80x128xf32, #tpu.memory_space<vmem>>) offsets(%dma_start3A_309 : memref<80xi32, #tpu.memory_space<vmem>>) semaphore(%arg15 : memref<!tpu.dma_semaphore, #tpu.memory_space<semaphore_mem>>)
    %add3A_313 = arith.constant 160 : i32
    %add3A_314 = arith.addi %mul3A_0, %add3A_313 : i32
    %dma_wait3A_315 = arith.constant 2 : i32
    %dma_wait3A_316 = arith.constant 0 : i32
    %dma_wait3A_317 = tpu.memref_slice %arg11[%dma_wait3A_315, %dma_wait3A_316] : memref<8x80xi32, #tpu.memory_space<vmem>> -> memref<1x80xi32, #tpu.memory_space<vmem>>
    %dma_wait3A_318 = tpu.memref_squeeze %dma_wait3A_317 : memref<1x80xi32, #tpu.memory_space<vmem>> -> memref<80xi32, #tpu.memory_space<vmem>>
    %dma_wait3A_319 = tpu.memref_slice %arg2[%add3A_314] : memref<320000xi32, #tpu.memory_space<hbm>> -> memref<80xi32, #tpu.memory_space<hbm>>
    %dma_wait3A_320 = arith.constant 0 : i32
    %dma_wait3A_321 = tpu.memref_slice %arg11[%dma_wait3A_315, %dma_wait3A_320] : memref<8x80xi32, #tpu.memory_space<vmem>> -> memref<1x80xi32, #tpu.memory_space<vmem>>
    %dma_wait3A_322 = tpu.memref_squeeze %dma_wait3A_321 : memref<1x80xi32, #tpu.memory_space<vmem>> -> memref<80xi32, #tpu.memory_space<vmem>>
    %dma_wait3A_323 = tpu.memref_slice %arg2[%add3A_314] : memref<320000xi32, #tpu.memory_space<hbm>> -> memref<80xi32, #tpu.memory_space<hbm>>
    tpu.wait_dma2 semaphore(%arg24 : memref<!tpu.dma_semaphore, #tpu.memory_space<semaphore_mem>>) src(%dma_wait3A_323 : memref<80xi32, #tpu.memory_space<hbm>>) dst(%dma_wait3A_322 : memref<80xi32, #tpu.memory_space<vmem>>)
    %dma_wait3A_324 = arith.constant 2 : i32
    %dma_wait3A_325 = arith.constant 0 : i32
    %dma_wait3A_326 = tpu.memref_slice %arg12[%dma_wait3A_324, %dma_wait3A_325] : memref<8x80xi32, #tpu.memory_space<vmem>> -> memref<1x80xi32, #tpu.memory_space<vmem>>
    %dma_wait3A_327 = tpu.memref_squeeze %dma_wait3A_326 : memref<1x80xi32, #tpu.memory_space<vmem>> -> memref<80xi32, #tpu.memory_space<vmem>>
    %dma_wait3A_328 = tpu.memref_slice %arg3[%add3A_314] : memref<320000xi32, #tpu.memory_space<hbm>> -> memref<80xi32, #tpu.memory_space<hbm>>
    %dma_wait3A_329 = arith.constant 0 : i32
    %dma_wait3A_330 = tpu.memref_slice %arg12[%dma_wait3A_324, %dma_wait3A_329] : memref<8x80xi32, #tpu.memory_space<vmem>> -> memref<1x80xi32, #tpu.memory_space<vmem>>
    %dma_wait3A_331 = tpu.memref_squeeze %dma_wait3A_330 : memref<1x80xi32, #tpu.memory_space<vmem>> -> memref<80xi32, #tpu.memory_space<vmem>>
    %dma_wait3A_332 = tpu.memref_slice %arg3[%add3A_314] : memref<320000xi32, #tpu.memory_space<hbm>> -> memref<80xi32, #tpu.memory_space<hbm>>
    tpu.wait_dma2 semaphore(%arg24 : memref<!tpu.dma_semaphore, #tpu.memory_space<semaphore_mem>>) src(%dma_wait3A_332 : memref<80xi32, #tpu.memory_space<hbm>>) dst(%dma_wait3A_331 : memref<80xi32, #tpu.memory_space<vmem>>)
    %get3A_333 = arith.constant 2 : i32
    %get3A_334 = arith.index_cast %get3A_333 : i32 to index
    %get3A_335 = arith.constant 0 : index
    %get3A_336 = tpu.vector_load %arg11[%get3A_334, %get3A_335] {strides = array<i32>} : memref<8x80xi32, #tpu.memory_space<vmem>>, vector<1x16xi32>,
    %get3A_337 = vector.shape_cast %get3A_336 : vector<1x16xi32> to vector<16xi32>
    %add3A_338 = vector.broadcast %mul3A_2 : i32 to vector<16xi32>
    %add3A_339 = arith.addi %get3A_337, %add3A_338 : vector<16xi32>
    %swap3A_340 = arith.constant 2 : i32
    %swap3A_341 = arith.index_cast %swap3A_340 : i32 to index
    %swap3A_342 = arith.constant 0 : index
    %swap3A_343 = tpu.vector_load %arg11[%swap3A_341, %swap3A_342] {strides = array<i32>} : memref<8x80xi32, #tpu.memory_space<vmem>>, vector<1x16xi32>,
    %swap3A_344 = vector.shape_cast %swap3A_343 : vector<1x16xi32> to vector<16xi32>
    %swap3A_345 = vector.shape_cast %add3A_339 : vector<16xi32> to vector<1x16xi32>
    tpu.vector_store %arg11[%swap3A_341, %swap3A_342], %swap3A_345 {strides = array<i32>} : memref<8x80xi32, #tpu.memory_space<vmem>>, vector<1x16xi32>,
    %get3A_346 = arith.constant 2 : i32
    %get3A_347 = arith.index_cast %get3A_346 : i32 to index
    %get3A_348 = arith.constant 16 : index
    %get3A_349 = tpu.vector_load %arg11[%get3A_347, %get3A_348] {strides = array<i32>} : memref<8x80xi32, #tpu.memory_space<vmem>>, vector<1x16xi32>,
    %get3A_350 = vector.shape_cast %get3A_349 : vector<1x16xi32> to vector<16xi32>
    %add3A_351 = vector.broadcast %mul3A_2 : i32 to vector<16xi32>
    %add3A_352 = arith.addi %get3A_350, %add3A_351 : vector<16xi32>
    %swap3A_353 = arith.constant 2 : i32
    %swap3A_354 = arith.index_cast %swap3A_353 : i32 to index
    %swap3A_355 = arith.constant 16 : index
    %swap3A_356 = tpu.vector_load %arg11[%swap3A_354, %swap3A_355] {strides = array<i32>} : memref<8x80xi32, #tpu.memory_space<vmem>>, vector<1x16xi32>,
    %swap3A_357 = vector.shape_cast %swap3A_356 : vector<1x16xi32> to vector<16xi32>
    %swap3A_358 = vector.shape_cast %add3A_352 : vector<16xi32> to vector<1x16xi32>
    tpu.vector_store %arg11[%swap3A_354, %swap3A_355], %swap3A_358 {strides = array<i32>} : memref<8x80xi32, #tpu.memory_space<vmem>>, vector<1x16xi32>,
    %get3A_359 = arith.constant 2 : i32
    %get3A_360 = arith.index_cast %get3A_359 : i32 to index
    %get3A_361 = arith.constant 32 : index
    %get3A_362 = tpu.vector_load %arg11[%get3A_360, %get3A_361] {strides = array<i32>} : memref<8x80xi32, #tpu.memory_space<vmem>>, vector<1x16xi32>,
    %get3A_363 = vector.shape_cast %get3A_362 : vector<1x16xi32> to vector<16xi32>
    %add3A_364 = vector.broadcast %mul3A_2 : i32 to vector<16xi32>
    %add3A_365 = arith.addi %get3A_363, %add3A_364 : vector<16xi32>
    %swap3A_366 = arith.constant 2 : i32
    %swap3A_367 = arith.index_cast %swap3A_366 : i32 to index
    %swap3A_368 = arith.constant 32 : index
    %swap3A_369 = tpu.vector_load %arg11[%swap3A_367, %swap3A_368] {strides = array<i32>} : memref<8x80xi32, #tpu.memory_space<vmem>>, vector<1x16xi32>,
    %swap3A_370 = vector.shape_cast %swap3A_369 : vector<1x16xi32> to vector<16xi32>
    %swap3A_371 = vector.shape_cast %add3A_365 : vector<16xi32> to vector<1x16xi32>
    tpu.vector_store %arg11[%swap3A_367, %swap3A_368], %swap3A_371 {strides = array<i32>} : memref<8x80xi32, #tpu.memory_space<vmem>>, vector<1x16xi32>,
    %get3A_372 = arith.constant 2 : i32
    %get3A_373 = arith.index_cast %get3A_372 : i32 to index
    %get3A_374 = arith.constant 48 : index
    %get3A_375 = tpu.vector_load %arg11[%get3A_373, %get3A_374] {strides = array<i32>} : memref<8x80xi32, #tpu.memory_space<vmem>>, vector<1x16xi32>,
    %get3A_376 = vector.shape_cast %get3A_375 : vector<1x16xi32> to vector<16xi32>
    %add3A_377 = vector.broadcast %mul3A_2 : i32 to vector<16xi32>
    %add3A_378 = arith.addi %get3A_376, %add3A_377 : vector<16xi32>
    %swap3A_379 = arith.constant 2 : i32
    %swap3A_380 = arith.index_cast %swap3A_379 : i32 to index
    %swap3A_381 = arith.constant 48 : index
    %swap3A_382 = tpu.vector_load %arg11[%swap3A_380, %swap3A_381] {strides = array<i32>} : memref<8x80xi32, #tpu.memory_space<vmem>>, vector<1x16xi32>,
    %swap3A_383 = vector.shape_cast %swap3A_382 : vector<1x16xi32> to vector<16xi32>
    %swap3A_384 = vector.shape_cast %add3A_378 : vector<16xi32> to vector<1x16xi32>
    tpu.vector_store %arg11[%swap3A_380, %swap3A_381], %swap3A_384 {strides = array<i32>} : memref<8x80xi32, #tpu.memory_space<vmem>>, vector<1x16xi32>,
    %get3A_385 = arith.constant 2 : i32
    %get3A_386 = arith.index_cast %get3A_385 : i32 to index
    %get3A_387 = arith.constant 64 : index
    %get3A_388 = tpu.vector_load %arg11[%get3A_386, %get3A_387] {strides = array<i32>} : memref<8x80xi32, #tpu.memory_space<vmem>>, vector<1x16xi32>,
    %get3A_389 = vector.shape_cast %get3A_388 : vector<1x16xi32> to vector<16xi32>
    %add3A_390 = vector.broadcast %mul3A_2 : i32 to vector<16xi32>
    %add3A_391 = arith.addi %get3A_389, %add3A_390 : vector<16xi32>
    %swap3A_392 = arith.constant 2 : i32
    %swap3A_393 = arith.index_cast %swap3A_392 : i32 to index
    %swap3A_394 = arith.constant 64 : index
    %swap3A_395 = tpu.vector_load %arg11[%swap3A_393, %swap3A_394] {strides = array<i32>} : memref<8x80xi32, #tpu.memory_space<vmem>>, vector<1x16xi32>,
    %swap3A_396 = vector.shape_cast %swap3A_395 : vector<1x16xi32> to vector<16xi32>
    %swap3A_397 = vector.shape_cast %add3A_391 : vector<16xi32> to vector<1x16xi32>
    tpu.vector_store %arg11[%swap3A_393, %swap3A_394], %swap3A_397 {strides = array<i32>} : memref<8x80xi32, #tpu.memory_space<vmem>>, vector<1x16xi32>,
    %dma_start3A_398 = arith.constant 2 : i32
    %dma_start3A_399 = arith.constant 0 : i32
    %dma_start3A_400 = tpu.memref_slice %arg11[%dma_start3A_398, %dma_start3A_399] : memref<8x80xi32, #tpu.memory_space<vmem>> -> memref<1x80xi32, #tpu.memory_space<vmem>>
    %dma_start3A_401 = tpu.memref_squeeze %dma_start3A_400 : memref<1x80xi32, #tpu.memory_space<vmem>> -> memref<80xi32, #tpu.memory_space<vmem>>
    %dma_start3A_402 = arith.constant 0 : i32
    %dma_start3A_403 = arith.constant 0 : i32
    %dma_start3A_404 = tpu.memref_slice %arg4[%dma_start3A_402, %dma_start3A_403] : memref<20480x128xf32, #tpu.memory_space<hbm>> -> memref<20480x128xf32, #tpu.memory_space<hbm>>
    tpu.enqueue_indirect_dma source(%dma_start3A_404 : memref<20480x128xf32, #tpu.memory_space<hbm>>) target(%arg9 : memref<80x128xf32, #tpu.memory_space<vmem>>) offsets(%dma_start3A_401 : memref<80xi32, #tpu.memory_space<vmem>>) semaphore(%arg16 : memref<!tpu.dma_semaphore, #tpu.memory_space<semaphore_mem>>)
    %dma_wait3A_405 = arith.constant 0 : i32
    %dma_wait3A_406 = tpu.memref_slice %arg6[%mul3A_8, %dma_wait3A_405] : memref<10240x128xf32, #tpu.memory_space<vmem_shared>> -> memref<640x128xf32, #tpu.memory_space<vmem_shared>>
    %dma_wait3A_407 = arith.constant 0 : i32
    %dma_wait3A_408 = tpu.memref_slice %arg4[%add3A, %dma_wait3A_407] : memref<20480x128xf32, #tpu.memory_space<hbm>> -> memref<640x128xf32, #tpu.memory_space<hbm>>
    tpu.wait_dma2 semaphore(%arg13 : memref<!tpu.dma_semaphore, #tpu.memory_space<semaphore_mem>>) src(%dma_wait3A_408 : memref<640x128xf32, #tpu.memory_space<hbm>>) dst(%dma_wait3A_406 : memref<640x128xf32, #tpu.memory_space<vmem_shared>>)
    %barrier3A = arith.constant 0 : index
    tpu.barrier barrier_id(%barrier3A)
    %scan3A = arith.constant 0 : i32
    %scan3A_409 = arith.constant 32 : i32
    %scan3A_410 = arith.addi %scan3A, %scan3A_409 : i32
    %scan3A_411 = arith.constant 1 : i32
    scf.for %scan3A_418 = %scan3A to %scan3A_410 step %scan3A_411  : i32 {
      %mul3A_419 = arith.constant 8 : i32
      %mul3A_420 = arith.muli %scan3A_418, %mul3A_419 : i32
      %add3A_421 = arith.constant 0 : i32
      %add3A_422 = arith.addi %mul3A_420, %add3A_421 : i32
      %lt3A = arith.constant 250 : i32
      %lt3A_423 = arith.cmpi slt, %add3A_422, %lt3A : i32
      %convert_element_type3A = arith.extui %lt3A_423 : i1 to i32
      %cond3A = arith.constant 0 : i32
      %cond3A_424 = arith.cmpi ne, %convert_element_type3A, %cond3A : i32
      scf.if %cond3A_424 {
        %dma_wait3A_640 = arith.constant 0 : i32
        %dma_wait3A_641 = arith.constant 0 : i32
        %dma_wait3A_642 = tpu.memref_slice %arg11[%dma_wait3A_640, %dma_wait3A_641] : memref<8x80xi32, #tpu.memory_space<vmem>> -> memref<1x80xi32, #tpu.memory_space<vmem>>
        %dma_wait3A_643 = tpu.memref_squeeze %dma_wait3A_642 : memref<1x80xi32, #tpu.memory_space<vmem>> -> memref<80xi32, #tpu.memory_space<vmem>>
        %dma_wait3A_644 = arith.constant 0 : i32
        %dma_wait3A_645 = arith.constant 0 : i32
        %dma_wait3A_646 = tpu.memref_slice %arg4[%dma_wait3A_644, %dma_wait3A_645] : memref<20480x128xf32, #tpu.memory_space<hbm>> -> memref<20480x128xf32, #tpu.memory_space<hbm>>
        tpu.wait_indirect_dma semaphore(%arg14 : memref<!tpu.dma_semaphore, #tpu.memory_space<semaphore_mem>>) src(%dma_wait3A_646 : memref<20480x128xf32, #tpu.memory_space<hbm>>) dst(%arg7 : memref<80x128xf32, #tpu.memory_space<vmem>>)
      } else {
      }
      %add3A_425 = arith.constant 3 : i32
      %add3A_426 = arith.addi %add3A_422, %add3A_425 : i32
      %lt3A_427 = arith.constant 250 : i32
      %lt3A_428 = arith.cmpi slt, %add3A_426, %lt3A_427 : i32
      %convert_element_type3A_429 = arith.extui %lt3A_428 : i1 to i32
      %cond3A_430 = arith.constant 0 : i32
      %cond3A_431 = arith.cmpi ne, %convert_element_type3A_429, %cond3A_430 : i32
      scf.if %cond3A_431 {
        %add3A_640 = arith.constant 3 : i32
        %add3A_641 = arith.addi %add3A_422, %add3A_640 : i32
        %mul3A_642 = arith.constant 80 : i32
        %mul3A_643 = arith.muli %add3A_641, %mul3A_642 : i32
        %add3A_644 = arith.addi %mul3A_0, %mul3A_643 : i32
        %dma_wait3A_645 = arith.constant 3 : i32
        %dma_wait3A_646 = arith.constant 0 : i32
        %dma_wait3A_647 = tpu.memref_slice %arg11[%dma_wait3A_645, %dma_wait3A_646] : memref<8x80xi32, #tpu.memory_space<vmem>> -> memref<1x80xi32, #tpu.memory_space<vmem>>
        %dma_wait3A_648 = tpu.memref_squeeze %dma_wait3A_647 : memref<1x80xi32, #tpu.memory_space<vmem>> -> memref<80xi32, #tpu.memory_space<vmem>>
        %dma_wait3A_649 = tpu.memref_slice %arg2[%add3A_644] : memref<320000xi32, #tpu.memory_space<hbm>> -> memref<80xi32, #tpu.memory_space<hbm>>
        %dma_wait3A_650 = arith.constant 0 : i32
        %dma_wait3A_651 = tpu.memref_slice %arg11[%dma_wait3A_645, %dma_wait3A_650] : memref<8x80xi32, #tpu.memory_space<vmem>> -> memref<1x80xi32, #tpu.memory_space<vmem>>
        %dma_wait3A_652 = tpu.memref_squeeze %dma_wait3A_651 : memref<1x80xi32, #tpu.memory_space<vmem>> -> memref<80xi32, #tpu.memory_space<vmem>>
        %dma_wait3A_653 = tpu.memref_slice %arg2[%add3A_644] : memref<320000xi32, #tpu.memory_space<hbm>> -> memref<80xi32, #tpu.memory_space<hbm>>
        tpu.wait_dma2 semaphore(%arg25 : memref<!tpu.dma_semaphore, #tpu.memory_space<semaphore_mem>>) src(%dma_wait3A_653 : memref<80xi32, #tpu.memory_space<hbm>>) dst(%dma_wait3A_652 : memref<80xi32, #tpu.memory_space<vmem>>)
        %dma_wait3A_654 = arith.constant 3 : i32
        %dma_wait3A_655 = arith.constant 0 : i32
        %dma_wait3A_656 = tpu.memref_slice %arg12[%dma_wait3A_654, %dma_wait3A_655] : memref<8x80xi32, #tpu.memory_space<vmem>> -> memref<1x80xi32, #tpu.memory_space<vmem>>
        %dma_wait3A_657 = tpu.memref_squeeze %dma_wait3A_656 : memref<1x80xi32, #tpu.memory_space<vmem>> -> memref<80xi32, #tpu.memory_space<vmem>>
        %dma_wait3A_658 = tpu.memref_slice %arg3[%add3A_644] : memref<320000xi32, #tpu.memory_space<hbm>> -> memref<80xi32, #tpu.memory_space<hbm>>
        %dma_wait3A_659 = arith.constant 0 : i32
        %dma_wait3A_660 = tpu.memref_slice %arg12[%dma_wait3A_654, %dma_wait3A_659] : memref<8x80xi32, #tpu.memory_space<vmem>> -> memref<1x80xi32, #tpu.memory_space<vmem>>
        %dma_wait3A_661 = tpu.memref_squeeze %dma_wait3A_660 : memref<1x80xi32, #tpu.memory_space<vmem>> -> memref<80xi32, #tpu.memory_space<vmem>>
        %dma_wait3A_662 = tpu.memref_slice %arg3[%add3A_644] : memref<320000xi32, #tpu.memory_space<hbm>> -> memref<80xi32, #tpu.memory_space<hbm>>
        tpu.wait_dma2 semaphore(%arg25 : memref<!tpu.dma_semaphore, #tpu.memory_space<semaphore_mem>>) src(%dma_wait3A_662 : memref<80xi32, #tpu.memory_space<hbm>>) dst(%dma_wait3A_661 : memref<80xi32, #tpu.memory_space<vmem>>)
        %get3A_663 = arith.constant 3 : i32
        %get3A_664 = arith.index_cast %get3A_663 : i32 to index
        %get3A_665 = arith.constant 0 : index
        %get3A_666 = tpu.vector_load %arg11[%get3A_664, %get3A_665] {strides = array<i32>} : memref<8x80xi32, #tpu.memory_space<vmem>>, vector<1x16xi32>,
        %get3A_667 = vector.shape_cast %get3A_666 : vector<1x16xi32> to vector<16xi32>
        %add3A_668 = vector.broadcast %mul3A_2 : i32 to vector<16xi32>
        %add3A_669 = arith.addi %get3A_667, %add3A_668 : vector<16xi32>
        %swap3A_670 = arith.constant 3 : i32
        %swap3A_671 = arith.index_cast %swap3A_670 : i32 to index
        %swap3A_672 = arith.constant 0 : index
        %swap3A_673 = tpu.vector_load %arg11[%swap3A_671, %swap3A_672] {strides = array<i32>} : memref<8x80xi32, #tpu.memory_space<vmem>>, vector<1x16xi32>,
        %swap3A_674 = vector.shape_cast %swap3A_673 : vector<1x16xi32> to vector<16xi32>
        %swap3A_675 = vector.shape_cast %add3A_669 : vector<16xi32> to vector<1x16xi32>
        tpu.vector_store %arg11[%swap3A_671, %swap3A_672], %swap3A_675 {strides = array<i32>} : memref<8x80xi32, #tpu.memory_space<vmem>>, vector<1x16xi32>,
        %get3A_676 = arith.constant 3 : i32
        %get3A_677 = arith.index_cast %get3A_676 : i32 to index
        %get3A_678 = arith.constant 16 : index
        %get3A_679 = tpu.vector_load %arg11[%get3A_677, %get3A_678] {strides = array<i32>} : memref<8x80xi32, #tpu.memory_space<vmem>>, vector<1x16xi32>,
        %get3A_680 = vector.shape_cast %get3A_679 : vector<1x16xi32> to vector<16xi32>
        %add3A_681 = vector.broadcast %mul3A_2 : i32 to vector<16xi32>
        %add3A_682 = arith.addi %get3A_680, %add3A_681 : vector<16xi32>
        %swap3A_683 = arith.constant 3 : i32
        %swap3A_684 = arith.index_cast %swap3A_683 : i32 to index
        %swap3A_685 = arith.constant 16 : index
        %swap3A_686 = tpu.vector_load %arg11[%swap3A_684, %swap3A_685] {strides = array<i32>} : memref<8x80xi32, #tpu.memory_space<vmem>>, vector<1x16xi32>,
        %swap3A_687 = vector.shape_cast %swap3A_686 : vector<1x16xi32> to vector<16xi32>
        %swap3A_688 = vector.shape_cast %add3A_682 : vector<16xi32> to vector<1x16xi32>
        tpu.vector_store %arg11[%swap3A_684, %swap3A_685], %swap3A_688 {strides = array<i32>} : memref<8x80xi32, #tpu.memory_space<vmem>>, vector<1x16xi32>,
        %get3A_689 = arith.constant 3 : i32
        %get3A_690 = arith.index_cast %get3A_689 : i32 to index
        %get3A_691 = arith.constant 32 : index
        %get3A_692 = tpu.vector_load %arg11[%get3A_690, %get3A_691] {strides = array<i32>} : memref<8x80xi32, #tpu.memory_space<vmem>>, vector<1x16xi32>,
        %get3A_693 = vector.shape_cast %get3A_692 : vector<1x16xi32> to vector<16xi32>
        %add3A_694 = vector.broadcast %mul3A_2 : i32 to vector<16xi32>
        %add3A_695 = arith.addi %get3A_693, %add3A_694 : vector<16xi32>
        %swap3A_696 = arith.constant 3 : i32
        %swap3A_697 = arith.index_cast %swap3A_696 : i32 to index
        %swap3A_698 = arith.constant 32 : index
        %swap3A_699 = tpu.vector_load %arg11[%swap3A_697, %swap3A_698] {strides = array<i32>} : memref<8x80xi32, #tpu.memory_space<vmem>>, vector<1x16xi32>,
        %swap3A_700 = vector.shape_cast %swap3A_699 : vector<1x16xi32> to vector<16xi32>
        %swap3A_701 = vector.shape_cast %add3A_695 : vector<16xi32> to vector<1x16xi32>
        tpu.vector_store %arg11[%swap3A_697, %swap3A_698], %swap3A_701 {strides = array<i32>} : memref<8x80xi32, #tpu.memory_space<vmem>>, vector<1x16xi32>,
        %get3A_702 = arith.constant 3 : i32
        %get3A_703 = arith.index_cast %get3A_702 : i32 to index
        %get3A_704 = arith.constant 48 : index
        %get3A_705 = tpu.vector_load %arg11[%get3A_703, %get3A_704] {strides = array<i32>} : memref<8x80xi32, #tpu.memory_space<vmem>>, vector<1x16xi32>,
        %get3A_706 = vector.shape_cast %get3A_705 : vector<1x16xi32> to vector<16xi32>
        %add3A_707 = vector.broadcast %mul3A_2 : i32 to vector<16xi32>
        %add3A_708 = arith.addi %get3A_706, %add3A_707 : vector<16xi32>
        %swap3A_709 = arith.constant 3 : i32
        %swap3A_710 = arith.index_cast %swap3A_709 : i32 to index
        %swap3A_711 = arith.constant 48 : index
        %swap3A_712 = tpu.vector_load %arg11[%swap3A_710, %swap3A_711] {strides = array<i32>} : memref<8x80xi32, #tpu.memory_space<vmem>>, vector<1x16xi32>,
        %swap3A_713 = vector.shape_cast %swap3A_712 : vector<1x16xi32> to vector<16xi32>
        %swap3A_714 = vector.shape_cast %add3A_708 : vector<16xi32> to vector<1x16xi32>
        tpu.vector_store %arg11[%swap3A_710, %swap3A_711], %swap3A_714 {strides = array<i32>} : memref<8x80xi32, #tpu.memory_space<vmem>>, vector<1x16xi32>,
        %get3A_715 = arith.constant 3 : i32
        %get3A_716 = arith.index_cast %get3A_715 : i32 to index
        %get3A_717 = arith.constant 64 : index
        %get3A_718 = tpu.vector_load %arg11[%get3A_716, %get3A_717] {strides = array<i32>} : memref<8x80xi32, #tpu.memory_space<vmem>>, vector<1x16xi32>,
        %get3A_719 = vector.shape_cast %get3A_718 : vector<1x16xi32> to vector<16xi32>
        %add3A_720 = vector.broadcast %mul3A_2 : i32 to vector<16xi32>
        %add3A_721 = arith.addi %get3A_719, %add3A_720 : vector<16xi32>
        %swap3A_722 = arith.constant 3 : i32
        %swap3A_723 = arith.index_cast %swap3A_722 : i32 to index
        %swap3A_724 = arith.constant 64 : index
        %swap3A_725 = tpu.vector_load %arg11[%swap3A_723, %swap3A_724] {strides = array<i32>} : memref<8x80xi32, #tpu.memory_space<vmem>>, vector<1x16xi32>,
        %swap3A_726 = vector.shape_cast %swap3A_725 : vector<1x16xi32> to vector<16xi32>
        %swap3A_727 = vector.shape_cast %add3A_721 : vector<16xi32> to vector<1x16xi32>
        tpu.vector_store %arg11[%swap3A_723, %swap3A_724], %swap3A_727 {strides = array<i32>} : memref<8x80xi32, #tpu.memory_space<vmem>>, vector<1x16xi32>,
        %dma_start3A_728 = arith.constant 3 : i32
        %dma_start3A_729 = arith.constant 0 : i32
        %dma_start3A_730 = tpu.memref_slice %arg11[%dma_start3A_728, %dma_start3A_729] : memref<8x80xi32, #tpu.memory_space<vmem>> -> memref<1x80xi32, #tpu.memory_space<vmem>>
        %dma_start3A_731 = tpu.memref_squeeze %dma_start3A_730 : memref<1x80xi32, #tpu.memory_space<vmem>> -> memref<80xi32, #tpu.memory_space<vmem>>
        %dma_start3A_732 = arith.constant 0 : i32
        %dma_start3A_733 = arith.constant 0 : i32
        %dma_start3A_734 = tpu.memref_slice %arg4[%dma_start3A_732, %dma_start3A_733] : memref<20480x128xf32, #tpu.memory_space<hbm>> -> memref<20480x128xf32, #tpu.memory_space<hbm>>
        tpu.enqueue_indirect_dma source(%dma_start3A_734 : memref<20480x128xf32, #tpu.memory_space<hbm>>) target(%arg10 : memref<80x128xf32, #tpu.memory_space<vmem>>) offsets(%dma_start3A_731 : memref<80xi32, #tpu.memory_space<vmem>>) semaphore(%arg17 : memref<!tpu.dma_semaphore, #tpu.memory_space<semaphore_mem>>)
      } else {
      }
      %lt3A_432 = arith.constant 250 : i32
      %lt3A_433 = arith.cmpi slt, %add3A_422, %lt3A_432 : i32
      %convert_element_type3A_434 = arith.extui %lt3A_433 : i1 to i32
      %cond3A_435 = arith.constant 0 : i32
      %cond3A_436 = arith.cmpi ne, %convert_element_type3A_434, %cond3A_435 : i32
      scf.if %cond3A_436 {
        %run_scoped3A = arith.constant 0 : i32
        "tpu.region"() ({
          %run_scoped3A_640 = tpu.sem_alloc : memref<!tpu.dma_semaphore, #tpu.memory_space<semaphore_mem>>
          %dma_start3A_641 = arith.constant 0 : i32
          %dma_start3A_642 = tpu.memref_slice %arg12[%run_scoped3A, %dma_start3A_641] : memref<8x80xi32, #tpu.memory_space<vmem>> -> memref<1x80xi32, #tpu.memory_space<vmem>>
          %dma_start3A_643 = tpu.memref_squeeze %dma_start3A_642 : memref<1x80xi32, #tpu.memory_space<vmem>> -> memref<80xi32, #tpu.memory_space<vmem>>
          %dma_start3A_644 = arith.constant 0 : i32
          %dma_start3A_645 = arith.constant 0 : i32
          %dma_start3A_646 = tpu.memref_slice %arg6[%dma_start3A_644, %dma_start3A_645] : memref<10240x128xf32, #tpu.memory_space<vmem_shared>> -> memref<10240x128xf32, #tpu.memory_space<vmem_shared>>
          tpu.enqueue_indirect_dma source(%arg7 : memref<80x128xf32, #tpu.memory_space<vmem>>) target(%dma_start3A_646 : memref<10240x128xf32, #tpu.memory_space<vmem_shared>>) offsets(%dma_start3A_643 : memref<80xi32, #tpu.memory_space<vmem>>) semaphore(%run_scoped3A_640 : memref<!tpu.dma_semaphore, #tpu.memory_space<semaphore_mem>>) {add = true}
          %dma_wait3A_647 = arith.constant 0 : i32
          %dma_wait3A_648 = tpu.memref_slice %arg12[%run_scoped3A, %dma_wait3A_647] : memref<8x80xi32, #tpu.memory_space<vmem>> -> memref<1x80xi32, #tpu.memory_space<vmem>>
          %dma_wait3A_649 = tpu.memref_squeeze %dma_wait3A_648 : memref<1x80xi32, #tpu.memory_space<vmem>> -> memref<80xi32, #tpu.memory_space<vmem>>
          %dma_wait3A_650 = arith.constant 0 : i32
          %dma_wait3A_651 = arith.constant 0 : i32
          %dma_wait3A_652 = tpu.memref_slice %arg6[%dma_wait3A_650, %dma_wait3A_651] : memref<10240x128xf32, #tpu.memory_space<vmem_shared>> -> memref<10240x128xf32, #tpu.memory_space<vmem_shared>>
          tpu.wait_indirect_dma semaphore(%run_scoped3A_640 : memref<!tpu.dma_semaphore, #tpu.memory_space<semaphore_mem>>) src(%arg7 : memref<80x128xf32, #tpu.memory_space<vmem>>) dst(%dma_wait3A_652 : memref<10240x128xf32, #tpu.memory_space<vmem_shared>>)
          tpu.yield
        }) : () -> ()
      } else {
      }
      %add3A_437 = arith.constant 6 : i32
      %add3A_438 = arith.addi %add3A_422, %add3A_437 : i32
      %lt3A_439 = arith.constant 250 : i32
      %lt3A_440 = arith.cmpi slt, %add3A_438, %lt3A_439 : i32
      %convert_element_type3A_441 = arith.extui %lt3A_440 : i1 to i32
      %cond3A_442 = arith.constant 0 : i32
      %cond3A_443 = arith.cmpi ne, %convert_element_type3A_441, %cond3A_442 : i32
      scf.if %cond3A_443 {
        %add3A_640 = arith.constant 6 : i32
        %add3A_641 = arith.addi %add3A_422, %add3A_640 : i32
        %mul3A_642 = arith.constant 80 : i32
        %mul3A_643 = arith.muli %add3A_641, %mul3A_642 : i32
        %add3A_644 = arith.addi %mul3A_0, %mul3A_643 : i32
        %dma_start3A_645 = arith.constant 6 : i32
        %dma_start3A_646 = arith.constant 0 : i32
        %dma_start3A_647 = tpu.memref_slice %arg11[%dma_start3A_645, %dma_start3A_646] : memref<8x80xi32, #tpu.memory_space<vmem>> -> memref<1x80xi32, #tpu.memory_space<vmem>>
        %dma_start3A_648 = tpu.memref_squeeze %dma_start3A_647 : memref<1x80xi32, #tpu.memory_space<vmem>> -> memref<80xi32, #tpu.memory_space<vmem>>
        %dma_start3A_649 = tpu.memref_slice %arg2[%add3A_644] : memref<320000xi32, #tpu.memory_space<hbm>> -> memref<80xi32, #tpu.memory_space<hbm>>
        %dma_start3A_650 = arith.constant 0 : i32
        %dma_start3A_651 = tpu.memref_slice %arg11[%dma_start3A_645, %dma_start3A_650] : memref<8x80xi32, #tpu.memory_space<vmem>> -> memref<1x80xi32, #tpu.memory_space<vmem>>
        %dma_start3A_652 = tpu.memref_squeeze %dma_start3A_651 : memref<1x80xi32, #tpu.memory_space<vmem>> -> memref<80xi32, #tpu.memory_space<vmem>>
        %dma_start3A_653 = tpu.memref_slice %arg2[%add3A_644] : memref<320000xi32, #tpu.memory_space<hbm>> -> memref<80xi32, #tpu.memory_space<hbm>>
        tpu.enqueue_dma source(%dma_start3A_653 : memref<80xi32, #tpu.memory_space<hbm>>) target(%dma_start3A_652 : memref<80xi32, #tpu.memory_space<vmem>>) target_semaphore(%arg28 : memref<!tpu.dma_semaphore, #tpu.memory_space<semaphore_mem>>)
        %dma_start3A_654 = arith.constant 6 : i32
        %dma_start3A_655 = arith.constant 0 : i32
        %dma_start3A_656 = tpu.memref_slice %arg12[%dma_start3A_654, %dma_start3A_655] : memref<8x80xi32, #tpu.memory_space<vmem>> -> memref<1x80xi32, #tpu.memory_space<vmem>>
        %dma_start3A_657 = tpu.memref_squeeze %dma_start3A_656 : memref<1x80xi32, #tpu.memory_space<vmem>> -> memref<80xi32, #tpu.memory_space<vmem>>
        %dma_start3A_658 = tpu.memref_slice %arg3[%add3A_644] : memref<320000xi32, #tpu.memory_space<hbm>> -> memref<80xi32, #tpu.memory_space<hbm>>
        %dma_start3A_659 = arith.constant 0 : i32
        %dma_start3A_660 = tpu.memref_slice %arg12[%dma_start3A_654, %dma_start3A_659] : memref<8x80xi32, #tpu.memory_space<vmem>> -> memref<1x80xi32, #tpu.memory_space<vmem>>
        %dma_start3A_661 = tpu.memref_squeeze %dma_start3A_660 : memref<1x80xi32, #tpu.memory_space<vmem>> -> memref<80xi32, #tpu.memory_space<vmem>>
        %dma_start3A_662 = tpu.memref_slice %arg3[%add3A_644] : memref<320000xi32, #tpu.memory_space<hbm>> -> memref<80xi32, #tpu.memory_space<hbm>>
        tpu.enqueue_dma source(%dma_start3A_662 : memref<80xi32, #tpu.memory_space<hbm>>) target(%dma_start3A_661 : memref<80xi32, #tpu.memory_space<vmem>>) target_semaphore(%arg28 : memref<!tpu.dma_semaphore, #tpu.memory_space<semaphore_mem>>)
      } else {
      }
      %mul3A_444 = arith.constant 8 : i32
      %mul3A_445 = arith.muli %scan3A_418, %mul3A_444 : i32
      %add3A_446 = arith.constant 1 : i32
      %add3A_447 = arith.addi %mul3A_445, %add3A_446 : i32
      %lt3A_448 = arith.constant 250 : i32
      %lt3A_449 = arith.cmpi slt, %add3A_447, %lt3A_448 : i32
      %convert_element_type3A_450 = arith.extui %lt3A_449 : i1 to i32
      %cond3A_451 = arith.constant 0 : i32
      %cond3A_452 = arith.cmpi ne, %convert_element_type3A_450, %cond3A_451 : i32
      scf.if %cond3A_452 {
        %dma_wait3A_640 = arith.constant 1 : i32
        %dma_wait3A_641 = arith.constant 0 : i32
        %dma_wait3A_642 = tpu.memref_slice %arg11[%dma_wait3A_640, %dma_wait3A_641] : memref<8x80xi32, #tpu.memory_space<vmem>> -> memref<1x80xi32, #tpu.memory_space<vmem>>
        %dma_wait3A_643 = tpu.memref_squeeze %dma_wait3A_642 : memref<1x80xi32, #tpu.memory_space<vmem>> -> memref<80xi32, #tpu.memory_space<vmem>>
        %dma_wait3A_644 = arith.constant 0 : i32
        %dma_wait3A_645 = arith.constant 0 : i32
        %dma_wait3A_646 = tpu.memref_slice %arg4[%dma_wait3A_644, %dma_wait3A_645] : memref<20480x128xf32, #tpu.memory_space<hbm>> -> memref<20480x128xf32, #tpu.memory_space<hbm>>
        tpu.wait_indirect_dma semaphore(%arg15 : memref<!tpu.dma_semaphore, #tpu.memory_space<semaphore_mem>>) src(%dma_wait3A_646 : memref<20480x128xf32, #tpu.memory_space<hbm>>) dst(%arg8 : memref<80x128xf32, #tpu.memory_space<vmem>>)
      } else {
      }
      %add3A_453 = arith.constant 3 : i32
      %add3A_454 = arith.addi %add3A_447, %add3A_453 : i32
      %lt3A_455 = arith.constant 250 : i32
      %lt3A_456 = arith.cmpi slt, %add3A_454, %lt3A_455 : i32
      %convert_element_type3A_457 = arith.extui %lt3A_456 : i1 to i32
      %cond3A_458 = arith.constant 0 : i32
      %cond3A_459 = arith.cmpi ne, %convert_element_type3A_457, %cond3A_458 : i32
      scf.if %cond3A_459 {
        %add3A_640 = arith.constant 3 : i32
        %add3A_641 = arith.addi %add3A_447, %add3A_640 : i32
        %mul3A_642 = arith.constant 80 : i32
        %mul3A_643 = arith.muli %add3A_641, %mul3A_642 : i32
        %add3A_644 = arith.addi %mul3A_0, %mul3A_643 : i32
        %dma_wait3A_645 = arith.constant 4 : i32
        %dma_wait3A_646 = arith.constant 0 : i32
        %dma_wait3A_647 = tpu.memref_slice %arg11[%dma_wait3A_645, %dma_wait3A_646] : memref<8x80xi32, #tpu.memory_space<vmem>> -> memref<1x80xi32, #tpu.memory_space<vmem>>
        %dma_wait3A_648 = tpu.memref_squeeze %dma_wait3A_647 : memref<1x80xi32, #tpu.memory_space<vmem>> -> memref<80xi32, #tpu.memory_space<vmem>>
        %dma_wait3A_649 = tpu.memref_slice %arg2[%add3A_644] : memref<320000xi32, #tpu.memory_space<hbm>> -> memref<80xi32, #tpu.memory_space<hbm>>
        %dma_wait3A_650 = arith.constant 0 : i32
        %dma_wait3A_651 = tpu.memref_slice %arg11[%dma_wait3A_645, %dma_wait3A_650] : memref<8x80xi32, #tpu.memory_space<vmem>> -> memref<1x80xi32, #tpu.memory_space<vmem>>
        %dma_wait3A_652 = tpu.memref_squeeze %dma_wait3A_651 : memref<1x80xi32, #tpu.memory_space<vmem>> -> memref<80xi32, #tpu.memory_space<vmem>>
        %dma_wait3A_653 = tpu.memref_slice %arg2[%add3A_644] : memref<320000xi32, #tpu.memory_space<hbm>> -> memref<80xi32, #tpu.memory_space<hbm>>
        tpu.wait_dma2 semaphore(%arg26 : memref<!tpu.dma_semaphore, #tpu.memory_space<semaphore_mem>>) src(%dma_wait3A_653 : memref<80xi32, #tpu.memory_space<hbm>>) dst(%dma_wait3A_652 : memref<80xi32, #tpu.memory_space<vmem>>)
        %dma_wait3A_654 = arith.constant 4 : i32
        %dma_wait3A_655 = arith.constant 0 : i32
        %dma_wait3A_656 = tpu.memref_slice %arg12[%dma_wait3A_654, %dma_wait3A_655] : memref<8x80xi32, #tpu.memory_space<vmem>> -> memref<1x80xi32, #tpu.memory_space<vmem>>
        %dma_wait3A_657 = tpu.memref_squeeze %dma_wait3A_656 : memref<1x80xi32, #tpu.memory_space<vmem>> -> memref<80xi32, #tpu.memory_space<vmem>>
        %dma_wait3A_658 = tpu.memref_slice %arg3[%add3A_644] : memref<320000xi32, #tpu.memory_space<hbm>> -> memref<80xi32, #tpu.memory_space<hbm>>
        %dma_wait3A_659 = arith.constant 0 : i32
        %dma_wait3A_660 = tpu.memref_slice %arg12[%dma_wait3A_654, %dma_wait3A_659] : memref<8x80xi32, #tpu.memory_space<vmem>> -> memref<1x80xi32, #tpu.memory_space<vmem>>
        %dma_wait3A_661 = tpu.memref_squeeze %dma_wait3A_660 : memref<1x80xi32, #tpu.memory_space<vmem>> -> memref<80xi32, #tpu.memory_space<vmem>>
        %dma_wait3A_662 = tpu.memref_slice %arg3[%add3A_644] : memref<320000xi32, #tpu.memory_space<hbm>> -> memref<80xi32, #tpu.memory_space<hbm>>
        tpu.wait_dma2 semaphore(%arg26 : memref<!tpu.dma_semaphore, #tpu.memory_space<semaphore_mem>>) src(%dma_wait3A_662 : memref<80xi32, #tpu.memory_space<hbm>>) dst(%dma_wait3A_661 : memref<80xi32, #tpu.memory_space<vmem>>)
        %get3A_663 = arith.constant 4 : i32
        %get3A_664 = arith.index_cast %get3A_663 : i32 to index
        %get3A_665 = arith.constant 0 : index
        %get3A_666 = tpu.vector_load %arg11[%get3A_664, %get3A_665] {strides = array<i32>} : memref<8x80xi32, #tpu.memory_space<vmem>>, vector<1x16xi32>,
        %get3A_667 = vector.shape_cast %get3A_666 : vector<1x16xi32> to vector<16xi32>
        %add3A_668 = vector.broadcast %mul3A_2 : i32 to vector<16xi32>
        %add3A_669 = arith.addi %get3A_667, %add3A_668 : vector<16xi32>
        %swap3A_670 = arith.constant 4 : i32
        %swap3A_671 = arith.index_cast %swap3A_670 : i32 to index
        %swap3A_672 = arith.constant 0 : index
        %swap3A_673 = tpu.vector_load %arg11[%swap3A_671, %swap3A_672] {strides = array<i32>} : memref<8x80xi32, #tpu.memory_space<vmem>>, vector<1x16xi32>,
        %swap3A_674 = vector.shape_cast %swap3A_673 : vector<1x16xi32> to vector<16xi32>
        %swap3A_675 = vector.shape_cast %add3A_669 : vector<16xi32> to vector<1x16xi32>
        tpu.vector_store %arg11[%swap3A_671, %swap3A_672], %swap3A_675 {strides = array<i32>} : memref<8x80xi32, #tpu.memory_space<vmem>>, vector<1x16xi32>,
        %get3A_676 = arith.constant 4 : i32
        %get3A_677 = arith.index_cast %get3A_676 : i32 to index
        %get3A_678 = arith.constant 16 : index
        %get3A_679 = tpu.vector_load %arg11[%get3A_677, %get3A_678] {strides = array<i32>} : memref<8x80xi32, #tpu.memory_space<vmem>>, vector<1x16xi32>,
        %get3A_680 = vector.shape_cast %get3A_679 : vector<1x16xi32> to vector<16xi32>
        %add3A_681 = vector.broadcast %mul3A_2 : i32 to vector<16xi32>
        %add3A_682 = arith.addi %get3A_680, %add3A_681 : vector<16xi32>
        %swap3A_683 = arith.constant 4 : i32
        %swap3A_684 = arith.index_cast %swap3A_683 : i32 to index
        %swap3A_685 = arith.constant 16 : index
        %swap3A_686 = tpu.vector_load %arg11[%swap3A_684, %swap3A_685] {strides = array<i32>} : memref<8x80xi32, #tpu.memory_space<vmem>>, vector<1x16xi32>,
        %swap3A_687 = vector.shape_cast %swap3A_686 : vector<1x16xi32> to vector<16xi32>
        %swap3A_688 = vector.shape_cast %add3A_682 : vector<16xi32> to vector<1x16xi32>
        tpu.vector_store %arg11[%swap3A_684, %swap3A_685], %swap3A_688 {strides = array<i32>} : memref<8x80xi32, #tpu.memory_space<vmem>>, vector<1x16xi32>,
        %get3A_689 = arith.constant 4 : i32
        %get3A_690 = arith.index_cast %get3A_689 : i32 to index
        %get3A_691 = arith.constant 32 : index
        %get3A_692 = tpu.vector_load %arg11[%get3A_690, %get3A_691] {strides = array<i32>} : memref<8x80xi32, #tpu.memory_space<vmem>>, vector<1x16xi32>,
        %get3A_693 = vector.shape_cast %get3A_692 : vector<1x16xi32> to vector<16xi32>
        %add3A_694 = vector.broadcast %mul3A_2 : i32 to vector<16xi32>
        %add3A_695 = arith.addi %get3A_693, %add3A_694 : vector<16xi32>
        %swap3A_696 = arith.constant 4 : i32
        %swap3A_697 = arith.index_cast %swap3A_696 : i32 to index
        %swap3A_698 = arith.constant 32 : index
        %swap3A_699 = tpu.vector_load %arg11[%swap3A_697, %swap3A_698] {strides = array<i32>} : memref<8x80xi32, #tpu.memory_space<vmem>>, vector<1x16xi32>,
        %swap3A_700 = vector.shape_cast %swap3A_699 : vector<1x16xi32> to vector<16xi32>
        %swap3A_701 = vector.shape_cast %add3A_695 : vector<16xi32> to vector<1x16xi32>
        tpu.vector_store %arg11[%swap3A_697, %swap3A_698], %swap3A_701 {strides = array<i32>} : memref<8x80xi32, #tpu.memory_space<vmem>>, vector<1x16xi32>,
        %get3A_702 = arith.constant 4 : i32
        %get3A_703 = arith.index_cast %get3A_702 : i32 to index
        %get3A_704 = arith.constant 48 : index
        %get3A_705 = tpu.vector_load %arg11[%get3A_703, %get3A_704] {strides = array<i32>} : memref<8x80xi32, #tpu.memory_space<vmem>>, vector<1x16xi32>,
        %get3A_706 = vector.shape_cast %get3A_705 : vector<1x16xi32> to vector<16xi32>
        %add3A_707 = vector.broadcast %mul3A_2 : i32 to vector<16xi32>
        %add3A_708 = arith.addi %get3A_706, %add3A_707 : vector<16xi32>
        %swap3A_709 = arith.constant 4 : i32
        %swap3A_710 = arith.index_cast %swap3A_709 : i32 to index
        %swap3A_711 = arith.constant 48 : index
        %swap3A_712 = tpu.vector_load %arg11[%swap3A_710, %swap3A_711] {strides = array<i32>} : memref<8x80xi32, #tpu.memory_space<vmem>>, vector<1x16xi32>,
        %swap3A_713 = vector.shape_cast %swap3A_712 : vector<1x16xi32> to vector<16xi32>
        %swap3A_714 = vector.shape_cast %add3A_708 : vector<16xi32> to vector<1x16xi32>
        tpu.vector_store %arg11[%swap3A_710, %swap3A_711], %swap3A_714 {strides = array<i32>} : memref<8x80xi32, #tpu.memory_space<vmem>>, vector<1x16xi32>,
        %get3A_715 = arith.constant 4 : i32
        %get3A_716 = arith.index_cast %get3A_715 : i32 to index
        %get3A_717 = arith.constant 64 : index
        %get3A_718 = tpu.vector_load %arg11[%get3A_716, %get3A_717] {strides = array<i32>} : memref<8x80xi32, #tpu.memory_space<vmem>>, vector<1x16xi32>,
        %get3A_719 = vector.shape_cast %get3A_718 : vector<1x16xi32> to vector<16xi32>
        %add3A_720 = vector.broadcast %mul3A_2 : i32 to vector<16xi32>
        %add3A_721 = arith.addi %get3A_719, %add3A_720 : vector<16xi32>
        %swap3A_722 = arith.constant 4 : i32
        %swap3A_723 = arith.index_cast %swap3A_722 : i32 to index
        %swap3A_724 = arith.constant 64 : index
        %swap3A_725 = tpu.vector_load %arg11[%swap3A_723, %swap3A_724] {strides = array<i32>} : memref<8x80xi32, #tpu.memory_space<vmem>>, vector<1x16xi32>,
        %swap3A_726 = vector.shape_cast %swap3A_725 : vector<1x16xi32> to vector<16xi32>
        %swap3A_727 = vector.shape_cast %add3A_721 : vector<16xi32> to vector<1x16xi32>
        tpu.vector_store %arg11[%swap3A_723, %swap3A_724], %swap3A_727 {strides = array<i32>} : memref<8x80xi32, #tpu.memory_space<vmem>>, vector<1x16xi32>,
        %dma_start3A_728 = arith.constant 4 : i32
        %dma_start3A_729 = arith.constant 0 : i32
        %dma_start3A_730 = tpu.memref_slice %arg11[%dma_start3A_728, %dma_start3A_729] : memref<8x80xi32, #tpu.memory_space<vmem>> -> memref<1x80xi32, #tpu.memory_space<vmem>>
        %dma_start3A_731 = tpu.memref_squeeze %dma_start3A_730 : memref<1x80xi32, #tpu.memory_space<vmem>> -> memref<80xi32, #tpu.memory_space<vmem>>
        %dma_start3A_732 = arith.constant 0 : i32
        %dma_start3A_733 = arith.constant 0 : i32
        %dma_start3A_734 = tpu.memref_slice %arg4[%dma_start3A_732, %dma_start3A_733] : memref<20480x128xf32, #tpu.memory_space<hbm>> -> memref<20480x128xf32, #tpu.memory_space<hbm>>
        tpu.enqueue_indirect_dma source(%dma_start3A_734 : memref<20480x128xf32, #tpu.memory_space<hbm>>) target(%arg7 : memref<80x128xf32, #tpu.memory_space<vmem>>) offsets(%dma_start3A_731 : memref<80xi32, #tpu.memory_space<vmem>>) semaphore(%arg14 : memref<!tpu.dma_semaphore, #tpu.memory_space<semaphore_mem>>)
      } else {
      }
      %lt3A_460 = arith.constant 250 : i32
      %lt3A_461 = arith.cmpi slt, %add3A_447, %lt3A_460 : i32
      %convert_element_type3A_462 = arith.extui %lt3A_461 : i1 to i32
      %cond3A_463 = arith.constant 0 : i32
      %cond3A_464 = arith.cmpi ne, %convert_element_type3A_462, %cond3A_463 : i32
      scf.if %cond3A_464 {
        %run_scoped3A = arith.constant 1 : i32
        "tpu.region"() ({
          %run_scoped3A_640 = tpu.sem_alloc : memref<!tpu.dma_semaphore, #tpu.memory_space<semaphore_mem>>
          %dma_start3A_641 = arith.constant 0 : i32
          %dma_start3A_642 = tpu.memref_slice %arg12[%run_scoped3A, %dma_start3A_641] : memref<8x80xi32, #tpu.memory_space<vmem>> -> memref<1x80xi32, #tpu.memory_space<vmem>>
          %dma_start3A_643 = tpu.memref_squeeze %dma_start3A_642 : memref<1x80xi32, #tpu.memory_space<vmem>> -> memref<80xi32, #tpu.memory_space<vmem>>
          %dma_start3A_644 = arith.constant 0 : i32
          %dma_start3A_645 = arith.constant 0 : i32
          %dma_start3A_646 = tpu.memref_slice %arg6[%dma_start3A_644, %dma_start3A_645] : memref<10240x128xf32, #tpu.memory_space<vmem_shared>> -> memref<10240x128xf32, #tpu.memory_space<vmem_shared>>
          tpu.enqueue_indirect_dma source(%arg8 : memref<80x128xf32, #tpu.memory_space<vmem>>) target(%dma_start3A_646 : memref<10240x128xf32, #tpu.memory_space<vmem_shared>>) offsets(%dma_start3A_643 : memref<80xi32, #tpu.memory_space<vmem>>) semaphore(%run_scoped3A_640 : memref<!tpu.dma_semaphore, #tpu.memory_space<semaphore_mem>>) {add = true}
          %dma_wait3A_647 = arith.constant 0 : i32
          %dma_wait3A_648 = tpu.memref_slice %arg12[%run_scoped3A, %dma_wait3A_647] : memref<8x80xi32, #tpu.memory_space<vmem>> -> memref<1x80xi32, #tpu.memory_space<vmem>>
          %dma_wait3A_649 = tpu.memref_squeeze %dma_wait3A_648 : memref<1x80xi32, #tpu.memory_space<vmem>> -> memref<80xi32, #tpu.memory_space<vmem>>
          %dma_wait3A_650 = arith.constant 0 : i32
          %dma_wait3A_651 = arith.constant 0 : i32
          %dma_wait3A_652 = tpu.memref_slice %arg6[%dma_wait3A_650, %dma_wait3A_651] : memref<10240x128xf32, #tpu.memory_space<vmem_shared>> -> memref<10240x128xf32, #tpu.memory_space<vmem_shared>>
          tpu.wait_indirect_dma semaphore(%run_scoped3A_640 : memref<!tpu.dma_semaphore, #tpu.memory_space<semaphore_mem>>) src(%arg8 : memref<80x128xf32, #tpu.memory_space<vmem>>) dst(%dma_wait3A_652 : memref<10240x128xf32, #tpu.memory_space<vmem_shared>>)
          tpu.yield
        }) : () -> ()
      } else {
      }
      %add3A_465 = arith.constant 6 : i32
      %add3A_466 = arith.addi %add3A_447, %add3A_465 : i32
      %lt3A_467 = arith.constant 250 : i32
      %lt3A_468 = arith.cmpi slt, %add3A_466, %lt3A_467 : i32
      %convert_element_type3A_469 = arith.extui %lt3A_468 : i1 to i32
      %cond3A_470 = arith.constant 0 : i32
      %cond3A_471 = arith.cmpi ne, %convert_element_type3A_469, %cond3A_470 : i32
      scf.if %cond3A_471 {
        %add3A_640 = arith.constant 6 : i32
        %add3A_641 = arith.addi %add3A_447, %add3A_640 : i32
        %mul3A_642 = arith.constant 80 : i32
        %mul3A_643 = arith.muli %add3A_641, %mul3A_642 : i32
        %add3A_644 = arith.addi %mul3A_0, %mul3A_643 : i32
        %dma_start3A_645 = arith.constant 7 : i32
        %dma_start3A_646 = arith.constant 0 : i32
        %dma_start3A_647 = tpu.memref_slice %arg11[%dma_start3A_645, %dma_start3A_646] : memref<8x80xi32, #tpu.memory_space<vmem>> -> memref<1x80xi32, #tpu.memory_space<vmem>>
        %dma_start3A_648 = tpu.memref_squeeze %dma_start3A_647 : memref<1x80xi32, #tpu.memory_space<vmem>> -> memref<80xi32, #tpu.memory_space<vmem>>
        %dma_start3A_649 = tpu.memref_slice %arg2[%add3A_644] : memref<320000xi32, #tpu.memory_space<hbm>> -> memref<80xi32, #tpu.memory_space<hbm>>
        %dma_start3A_650 = arith.constant 0 : i32
        %dma_start3A_651 = tpu.memref_slice %arg11[%dma_start3A_645, %dma_start3A_650] : memref<8x80xi32, #tpu.memory_space<vmem>> -> memref<1x80xi32, #tpu.memory_space<vmem>>
        %dma_start3A_652 = tpu.memref_squeeze %dma_start3A_651 : memref<1x80xi32, #tpu.memory_space<vmem>> -> memref<80xi32, #tpu.memory_space<vmem>>
        %dma_start3A_653 = tpu.memref_slice %arg2[%add3A_644] : memref<320000xi32, #tpu.memory_space<hbm>> -> memref<80xi32, #tpu.memory_space<hbm>>
        tpu.enqueue_dma source(%dma_start3A_653 : memref<80xi32, #tpu.memory_space<hbm>>) target(%dma_start3A_652 : memref<80xi32, #tpu.memory_space<vmem>>) target_semaphore(%arg29 : memref<!tpu.dma_semaphore, #tpu.memory_space<semaphore_mem>>)
        %dma_start3A_654 = arith.constant 7 : i32
        %dma_start3A_655 = arith.constant 0 : i32
        %dma_start3A_656 = tpu.memref_slice %arg12[%dma_start3A_654, %dma_start3A_655] : memref<8x80xi32, #tpu.memory_space<vmem>> -> memref<1x80xi32, #tpu.memory_space<vmem>>
        %dma_start3A_657 = tpu.memref_squeeze %dma_start3A_656 : memref<1x80xi32, #tpu.memory_space<vmem>> -> memref<80xi32, #tpu.memory_space<vmem>>
        %dma_start3A_658 = tpu.memref_slice %arg3[%add3A_644] : memref<320000xi32, #tpu.memory_space<hbm>> -> memref<80xi32, #tpu.memory_space<hbm>>
        %dma_start3A_659 = arith.constant 0 : i32
        %dma_start3A_660 = tpu.memref_slice %arg12[%dma_start3A_654, %dma_start3A_659] : memref<8x80xi32, #tpu.memory_space<vmem>> -> memref<1x80xi32, #tpu.memory_space<vmem>>
        %dma_start3A_661 = tpu.memref_squeeze %dma_start3A_660 : memref<1x80xi32, #tpu.memory_space<vmem>> -> memref<80xi32, #tpu.memory_space<vmem>>
        %dma_start3A_662 = tpu.memref_slice %arg3[%add3A_644] : memref<320000xi32, #tpu.memory_space<hbm>> -> memref<80xi32, #tpu.memory_space<hbm>>
        tpu.enqueue_dma source(%dma_start3A_662 : memref<80xi32, #tpu.memory_space<hbm>>) target(%dma_start3A_661 : memref<80xi32, #tpu.memory_space<vmem>>) target_semaphore(%arg29 : memref<!tpu.dma_semaphore, #tpu.memory_space<semaphore_mem>>)
      } else {
      }
      %mul3A_472 = arith.constant 8 : i32
      %mul3A_473 = arith.muli %scan3A_418, %mul3A_472 : i32
      %add3A_474 = arith.constant 2 : i32
      %add3A_475 = arith.addi %mul3A_473, %add3A_474 : i32
      %lt3A_476 = arith.constant 250 : i32
      %lt3A_477 = arith.cmpi slt, %add3A_475, %lt3A_476 : i32
      %convert_element_type3A_478 = arith.extui %lt3A_477 : i1 to i32
      %cond3A_479 = arith.constant 0 : i32
      %cond3A_480 = arith.cmpi ne, %convert_element_type3A_478, %cond3A_479 : i32
      scf.if %cond3A_480 {
        %dma_wait3A_640 = arith.constant 2 : i32
        %dma_wait3A_641 = arith.constant 0 : i32
        %dma_wait3A_642 = tpu.memref_slice %arg11[%dma_wait3A_640, %dma_wait3A_641] : memref<8x80xi32, #tpu.memory_space<vmem>> -> memref<1x80xi32, #tpu.memory_space<vmem>>
        %dma_wait3A_643 = tpu.memref_squeeze %dma_wait3A_642 : memref<1x80xi32, #tpu.memory_space<vmem>> -> memref<80xi32, #tpu.memory_space<vmem>>
        %dma_wait3A_644 = arith.constant 0 : i32
        %dma_wait3A_645 = arith.constant 0 : i32
        %dma_wait3A_646 = tpu.memref_slice %arg4[%dma_wait3A_644, %dma_wait3A_645] : memref<20480x128xf32, #tpu.memory_space<hbm>> -> memref<20480x128xf32, #tpu.memory_space<hbm>>
        tpu.wait_indirect_dma semaphore(%arg16 : memref<!tpu.dma_semaphore, #tpu.memory_space<semaphore_mem>>) src(%dma_wait3A_646 : memref<20480x128xf32, #tpu.memory_space<hbm>>) dst(%arg9 : memref<80x128xf32, #tpu.memory_space<vmem>>)
      } else {
      }
      %add3A_481 = arith.constant 3 : i32
      %add3A_482 = arith.addi %add3A_475, %add3A_481 : i32
      %lt3A_483 = arith.constant 250 : i32
      %lt3A_484 = arith.cmpi slt, %add3A_482, %lt3A_483 : i32
      %convert_element_type3A_485 = arith.extui %lt3A_484 : i1 to i32
      %cond3A_486 = arith.constant 0 : i32
      %cond3A_487 = arith.cmpi ne, %convert_element_type3A_485, %cond3A_486 : i32
      scf.if %cond3A_487 {
        %add3A_640 = arith.constant 3 : i32
        %add3A_641 = arith.addi %add3A_475, %add3A_640 : i32
        %mul3A_642 = arith.constant 80 : i32
        %mul3A_643 = arith.muli %add3A_641, %mul3A_642 : i32
        %add3A_644 = arith.addi %mul3A_0, %mul3A_643 : i32
        %dma_wait3A_645 = arith.constant 5 : i32
        %dma_wait3A_646 = arith.constant 0 : i32
        %dma_wait3A_647 = tpu.memref_slice %arg11[%dma_wait3A_645, %dma_wait3A_646] : memref<8x80xi32, #tpu.memory_space<vmem>> -> memref<1x80xi32, #tpu.memory_space<vmem>>
        %dma_wait3A_648 = tpu.memref_squeeze %dma_wait3A_647 : memref<1x80xi32, #tpu.memory_space<vmem>> -> memref<80xi32, #tpu.memory_space<vmem>>
        %dma_wait3A_649 = tpu.memref_slice %arg2[%add3A_644] : memref<320000xi32, #tpu.memory_space<hbm>> -> memref<80xi32, #tpu.memory_space<hbm>>
        %dma_wait3A_650 = arith.constant 0 : i32
        %dma_wait3A_651 = tpu.memref_slice %arg11[%dma_wait3A_645, %dma_wait3A_650] : memref<8x80xi32, #tpu.memory_space<vmem>> -> memref<1x80xi32, #tpu.memory_space<vmem>>
        %dma_wait3A_652 = tpu.memref_squeeze %dma_wait3A_651 : memref<1x80xi32, #tpu.memory_space<vmem>> -> memref<80xi32, #tpu.memory_space<vmem>>
        %dma_wait3A_653 = tpu.memref_slice %arg2[%add3A_644] : memref<320000xi32, #tpu.memory_space<hbm>> -> memref<80xi32, #tpu.memory_space<hbm>>
        tpu.wait_dma2 semaphore(%arg27 : memref<!tpu.dma_semaphore, #tpu.memory_space<semaphore_mem>>) src(%dma_wait3A_653 : memref<80xi32, #tpu.memory_space<hbm>>) dst(%dma_wait3A_652 : memref<80xi32, #tpu.memory_space<vmem>>)
        %dma_wait3A_654 = arith.constant 5 : i32
        %dma_wait3A_655 = arith.constant 0 : i32
        %dma_wait3A_656 = tpu.memref_slice %arg12[%dma_wait3A_654, %dma_wait3A_655] : memref<8x80xi32, #tpu.memory_space<vmem>> -> memref<1x80xi32, #tpu.memory_space<vmem>>
        %dma_wait3A_657 = tpu.memref_squeeze %dma_wait3A_656 : memref<1x80xi32, #tpu.memory_space<vmem>> -> memref<80xi32, #tpu.memory_space<vmem>>
        %dma_wait3A_658 = tpu.memref_slice %arg3[%add3A_644] : memref<320000xi32, #tpu.memory_space<hbm>> -> memref<80xi32, #tpu.memory_space<hbm>>
        %dma_wait3A_659 = arith.constant 0 : i32
        %dma_wait3A_660 = tpu.memref_slice %arg12[%dma_wait3A_654, %dma_wait3A_659] : memref<8x80xi32, #tpu.memory_space<vmem>> -> memref<1x80xi32, #tpu.memory_space<vmem>>
        %dma_wait3A_661 = tpu.memref_squeeze %dma_wait3A_660 : memref<1x80xi32, #tpu.memory_space<vmem>> -> memref<80xi32, #tpu.memory_space<vmem>>
        %dma_wait3A_662 = tpu.memref_slice %arg3[%add3A_644] : memref<320000xi32, #tpu.memory_space<hbm>> -> memref<80xi32, #tpu.memory_space<hbm>>
        tpu.wait_dma2 semaphore(%arg27 : memref<!tpu.dma_semaphore, #tpu.memory_space<semaphore_mem>>) src(%dma_wait3A_662 : memref<80xi32, #tpu.memory_space<hbm>>) dst(%dma_wait3A_661 : memref<80xi32, #tpu.memory_space<vmem>>)
        %get3A_663 = arith.constant 5 : i32
        %get3A_664 = arith.index_cast %get3A_663 : i32 to index
        %get3A_665 = arith.constant 0 : index
        %get3A_666 = tpu.vector_load %arg11[%get3A_664, %get3A_665] {strides = array<i32>} : memref<8x80xi32, #tpu.memory_space<vmem>>, vector<1x16xi32>,
        %get3A_667 = vector.shape_cast %get3A_666 : vector<1x16xi32> to vector<16xi32>
        %add3A_668 = vector.broadcast %mul3A_2 : i32 to vector<16xi32>
        %add3A_669 = arith.addi %get3A_667, %add3A_668 : vector<16xi32>
        %swap3A_670 = arith.constant 5 : i32
        %swap3A_671 = arith.index_cast %swap3A_670 : i32 to index
        %swap3A_672 = arith.constant 0 : index
        %swap3A_673 = tpu.vector_load %arg11[%swap3A_671, %swap3A_672] {strides = array<i32>} : memref<8x80xi32, #tpu.memory_space<vmem>>, vector<1x16xi32>,
        %swap3A_674 = vector.shape_cast %swap3A_673 : vector<1x16xi32> to vector<16xi32>
        %swap3A_675 = vector.shape_cast %add3A_669 : vector<16xi32> to vector<1x16xi32>
        tpu.vector_store %arg11[%swap3A_671, %swap3A_672], %swap3A_675 {strides = array<i32>} : memref<8x80xi32, #tpu.memory_space<vmem>>, vector<1x16xi32>,
        %get3A_676 = arith.constant 5 : i32
        %get3A_677 = arith.index_cast %get3A_676 : i32 to index
        %get3A_678 = arith.constant 16 : index
        %get3A_679 = tpu.vector_load %arg11[%get3A_677, %get3A_678] {strides = array<i32>} : memref<8x80xi32, #tpu.memory_space<vmem>>, vector<1x16xi32>,
        %get3A_680 = vector.shape_cast %get3A_679 : vector<1x16xi32> to vector<16xi32>
        %add3A_681 = vector.broadcast %mul3A_2 : i32 to vector<16xi32>
        %add3A_682 = arith.addi %get3A_680, %add3A_681 : vector<16xi32>
        %swap3A_683 = arith.constant 5 : i32
        %swap3A_684 = arith.index_cast %swap3A_683 : i32 to index
        %swap3A_685 = arith.constant 16 : index
        %swap3A_686 = tpu.vector_load %arg11[%swap3A_684, %swap3A_685] {strides = array<i32>} : memref<8x80xi32, #tpu.memory_space<vmem>>, vector<1x16xi32>,
        %swap3A_687 = vector.shape_cast %swap3A_686 : vector<1x16xi32> to vector<16xi32>
        %swap3A_688 = vector.shape_cast %add3A_682 : vector<16xi32> to vector<1x16xi32>
        tpu.vector_store %arg11[%swap3A_684, %swap3A_685], %swap3A_688 {strides = array<i32>} : memref<8x80xi32, #tpu.memory_space<vmem>>, vector<1x16xi32>,
        %get3A_689 = arith.constant 5 : i32
        %get3A_690 = arith.index_cast %get3A_689 : i32 to index
        %get3A_691 = arith.constant 32 : index
        %get3A_692 = tpu.vector_load %arg11[%get3A_690, %get3A_691] {strides = array<i32>} : memref<8x80xi32, #tpu.memory_space<vmem>>, vector<1x16xi32>,
        %get3A_693 = vector.shape_cast %get3A_692 : vector<1x16xi32> to vector<16xi32>
        %add3A_694 = vector.broadcast %mul3A_2 : i32 to vector<16xi32>
        %add3A_695 = arith.addi %get3A_693, %add3A_694 : vector<16xi32>
        %swap3A_696 = arith.constant 5 : i32
        %swap3A_697 = arith.index_cast %swap3A_696 : i32 to index
        %swap3A_698 = arith.constant 32 : index
        %swap3A_699 = tpu.vector_load %arg11[%swap3A_697, %swap3A_698] {strides = array<i32>} : memref<8x80xi32, #tpu.memory_space<vmem>>, vector<1x16xi32>,
        %swap3A_700 = vector.shape_cast %swap3A_699 : vector<1x16xi32> to vector<16xi32>
        %swap3A_701 = vector.shape_cast %add3A_695 : vector<16xi32> to vector<1x16xi32>
        tpu.vector_store %arg11[%swap3A_697, %swap3A_698], %swap3A_701 {strides = array<i32>} : memref<8x80xi32, #tpu.memory_space<vmem>>, vector<1x16xi32>,
        %get3A_702 = arith.constant 5 : i32
        %get3A_703 = arith.index_cast %get3A_702 : i32 to index
        %get3A_704 = arith.constant 48 : index
        %get3A_705 = tpu.vector_load %arg11[%get3A_703, %get3A_704] {strides = array<i32>} : memref<8x80xi32, #tpu.memory_space<vmem>>, vector<1x16xi32>,
        %get3A_706 = vector.shape_cast %get3A_705 : vector<1x16xi32> to vector<16xi32>
        %add3A_707 = vector.broadcast %mul3A_2 : i32 to vector<16xi32>
        %add3A_708 = arith.addi %get3A_706, %add3A_707 : vector<16xi32>
        %swap3A_709 = arith.constant 5 : i32
        %swap3A_710 = arith.index_cast %swap3A_709 : i32 to index
        %swap3A_711 = arith.constant 48 : index
        %swap3A_712 = tpu.vector_load %arg11[%swap3A_710, %swap3A_711] {strides = array<i32>} : memref<8x80xi32, #tpu.memory_space<vmem>>, vector<1x16xi32>,
        %swap3A_713 = vector.shape_cast %swap3A_712 : vector<1x16xi32> to vector<16xi32>
        %swap3A_714 = vector.shape_cast %add3A_708 : vector<16xi32> to vector<1x16xi32>
        tpu.vector_store %arg11[%swap3A_710, %swap3A_711], %swap3A_714 {strides = array<i32>} : memref<8x80xi32, #tpu.memory_space<vmem>>, vector<1x16xi32>,
        %get3A_715 = arith.constant 5 : i32
        %get3A_716 = arith.index_cast %get3A_715 : i32 to index
        %get3A_717 = arith.constant 64 : index
        %get3A_718 = tpu.vector_load %arg11[%get3A_716, %get3A_717] {strides = array<i32>} : memref<8x80xi32, #tpu.memory_space<vmem>>, vector<1x16xi32>,
        %get3A_719 = vector.shape_cast %get3A_718 : vector<1x16xi32> to vector<16xi32>
        %add3A_720 = vector.broadcast %mul3A_2 : i32 to vector<16xi32>
        %add3A_721 = arith.addi %get3A_719, %add3A_720 : vector<16xi32>
        %swap3A_722 = arith.constant 5 : i32
        %swap3A_723 = arith.index_cast %swap3A_722 : i32 to index
        %swap3A_724 = arith.constant 64 : index
        %swap3A_725 = tpu.vector_load %arg11[%swap3A_723, %swap3A_724] {strides = array<i32>} : memref<8x80xi32, #tpu.memory_space<vmem>>, vector<1x16xi32>,
        %swap3A_726 = vector.shape_cast %swap3A_725 : vector<1x16xi32> to vector<16xi32>
        %swap3A_727 = vector.shape_cast %add3A_721 : vector<16xi32> to vector<1x16xi32>
        tpu.vector_store %arg11[%swap3A_723, %swap3A_724], %swap3A_727 {strides = array<i32>} : memref<8x80xi32, #tpu.memory_space<vmem>>, vector<1x16xi32>,
        %dma_start3A_728 = arith.constant 5 : i32
        %dma_start3A_729 = arith.constant 0 : i32
        %dma_start3A_730 = tpu.memref_slice %arg11[%dma_start3A_728, %dma_start3A_729] : memref<8x80xi32, #tpu.memory_space<vmem>> -> memref<1x80xi32, #tpu.memory_space<vmem>>
        %dma_start3A_731 = tpu.memref_squeeze %dma_start3A_730 : memref<1x80xi32, #tpu.memory_space<vmem>> -> memref<80xi32, #tpu.memory_space<vmem>>
        %dma_start3A_732 = arith.constant 0 : i32
        %dma_start3A_733 = arith.constant 0 : i32
        %dma_start3A_734 = tpu.memref_slice %arg4[%dma_start3A_732, %dma_start3A_733] : memref<20480x128xf32, #tpu.memory_space<hbm>> -> memref<20480x128xf32, #tpu.memory_space<hbm>>
        tpu.enqueue_indirect_dma source(%dma_start3A_734 : memref<20480x128xf32, #tpu.memory_space<hbm>>) target(%arg8 : memref<80x128xf32, #tpu.memory_space<vmem>>) offsets(%dma_start3A_731 : memref<80xi32, #tpu.memory_space<vmem>>) semaphore(%arg15 : memref<!tpu.dma_semaphore, #tpu.memory_space<semaphore_mem>>)
      } else {
      }
      %lt3A_488 = arith.constant 250 : i32
      %lt3A_489 = arith.cmpi slt, %add3A_475, %lt3A_488 : i32
      %convert_element_type3A_490 = arith.extui %lt3A_489 : i1 to i32
      %cond3A_491 = arith.constant 0 : i32
      %cond3A_492 = arith.cmpi ne, %convert_element_type3A_490, %cond3A_491 : i32
      scf.if %cond3A_492 {
        %run_scoped3A = arith.constant 2 : i32
        "tpu.region"() ({
          %run_scoped3A_640 = tpu.sem_alloc : memref<!tpu.dma_semaphore, #tpu.memory_space<semaphore_mem>>
          %dma_start3A_641 = arith.constant 0 : i32
          %dma_start3A_642 = tpu.memref_slice %arg12[%run_scoped3A, %dma_start3A_641] : memref<8x80xi32, #tpu.memory_space<vmem>> -> memref<1x80xi32, #tpu.memory_space<vmem>>
          %dma_start3A_643 = tpu.memref_squeeze %dma_start3A_642 : memref<1x80xi32, #tpu.memory_space<vmem>> -> memref<80xi32, #tpu.memory_space<vmem>>
          %dma_start3A_644 = arith.constant 0 : i32
          %dma_start3A_645 = arith.constant 0 : i32
          %dma_start3A_646 = tpu.memref_slice %arg6[%dma_start3A_644, %dma_start3A_645] : memref<10240x128xf32, #tpu.memory_space<vmem_shared>> -> memref<10240x128xf32, #tpu.memory_space<vmem_shared>>
          tpu.enqueue_indirect_dma source(%arg9 : memref<80x128xf32, #tpu.memory_space<vmem>>) target(%dma_start3A_646 : memref<10240x128xf32, #tpu.memory_space<vmem_shared>>) offsets(%dma_start3A_643 : memref<80xi32, #tpu.memory_space<vmem>>) semaphore(%run_scoped3A_640 : memref<!tpu.dma_semaphore, #tpu.memory_space<semaphore_mem>>) {add = true}
          %dma_wait3A_647 = arith.constant 0 : i32
          %dma_wait3A_648 = tpu.memref_slice %arg12[%run_scoped3A, %dma_wait3A_647] : memref<8x80xi32, #tpu.memory_space<vmem>> -> memref<1x80xi32, #tpu.memory_space<vmem>>
          %dma_wait3A_649 = tpu.memref_squeeze %dma_wait3A_648 : memref<1x80xi32, #tpu.memory_space<vmem>> -> memref<80xi32, #tpu.memory_space<vmem>>
          %dma_wait3A_650 = arith.constant 0 : i32
          %dma_wait3A_651 = arith.constant 0 : i32
          %dma_wait3A_652 = tpu.memref_slice %arg6[%dma_wait3A_650, %dma_wait3A_651] : memref<10240x128xf32, #tpu.memory_space<vmem_shared>> -> memref<10240x128xf32, #tpu.memory_space<vmem_shared>>
          tpu.wait_indirect_dma semaphore(%run_scoped3A_640 : memref<!tpu.dma_semaphore, #tpu.memory_space<semaphore_mem>>) src(%arg9 : memref<80x128xf32, #tpu.memory_space<vmem>>) dst(%dma_wait3A_652 : memref<10240x128xf32, #tpu.memory_space<vmem_shared>>)
          tpu.yield
        }) : () -> ()
      } else {
      }
      %add3A_493 = arith.constant 6 : i32
      %add3A_494 = arith.addi %add3A_475, %add3A_493 : i32
      %lt3A_495 = arith.constant 250 : i32
      %lt3A_496 = arith.cmpi slt, %add3A_494, %lt3A_495 : i32
      %convert_element_type3A_497 = arith.extui %lt3A_496 : i1 to i32
      %cond3A_498 = arith.constant 0 : i32
      %cond3A_499 = arith.cmpi ne, %convert_element_type3A_497, %cond3A_498 : i32
      scf.if %cond3A_499 {
        %add3A_640 = arith.constant 6 : i32
        %add3A_641 = arith.addi %add3A_475, %add3A_640 : i32
        %mul3A_642 = arith.constant 80 : i32
        %mul3A_643 = arith.muli %add3A_641, %mul3A_642 : i32
        %add3A_644 = arith.addi %mul3A_0, %mul3A_643 : i32
        %dma_start3A_645 = arith.constant 0 : i32
        %dma_start3A_646 = arith.constant 0 : i32
        %dma_start3A_647 = tpu.memref_slice %arg11[%dma_start3A_645, %dma_start3A_646] : memref<8x80xi32, #tpu.memory_space<vmem>> -> memref<1x80xi32, #tpu.memory_space<vmem>>
        %dma_start3A_648 = tpu.memref_squeeze %dma_start3A_647 : memref<1x80xi32, #tpu.memory_space<vmem>> -> memref<80xi32, #tpu.memory_space<vmem>>
        %dma_start3A_649 = tpu.memref_slice %arg2[%add3A_644] : memref<320000xi32, #tpu.memory_space<hbm>> -> memref<80xi32, #tpu.memory_space<hbm>>
        %dma_start3A_650 = arith.constant 0 : i32
        %dma_start3A_651 = tpu.memref_slice %arg11[%dma_start3A_645, %dma_start3A_650] : memref<8x80xi32, #tpu.memory_space<vmem>> -> memref<1x80xi32, #tpu.memory_space<vmem>>
        %dma_start3A_652 = tpu.memref_squeeze %dma_start3A_651 : memref<1x80xi32, #tpu.memory_space<vmem>> -> memref<80xi32, #tpu.memory_space<vmem>>
        %dma_start3A_653 = tpu.memref_slice %arg2[%add3A_644] : memref<320000xi32, #tpu.memory_space<hbm>> -> memref<80xi32, #tpu.memory_space<hbm>>
        tpu.enqueue_dma source(%dma_start3A_653 : memref<80xi32, #tpu.memory_space<hbm>>) target(%dma_start3A_652 : memref<80xi32, #tpu.memory_space<vmem>>) target_semaphore(%arg22 : memref<!tpu.dma_semaphore, #tpu.memory_space<semaphore_mem>>)
        %dma_start3A_654 = arith.constant 0 : i32
        %dma_start3A_655 = arith.constant 0 : i32
        %dma_start3A_656 = tpu.memref_slice %arg12[%dma_start3A_654, %dma_start3A_655] : memref<8x80xi32, #tpu.memory_space<vmem>> -> memref<1x80xi32, #tpu.memory_space<vmem>>
        %dma_start3A_657 = tpu.memref_squeeze %dma_start3A_656 : memref<1x80xi32, #tpu.memory_space<vmem>> -> memref<80xi32, #tpu.memory_space<vmem>>
        %dma_start3A_658 = tpu.memref_slice %arg3[%add3A_644] : memref<320000xi32, #tpu.memory_space<hbm>> -> memref<80xi32, #tpu.memory_space<hbm>>
        %dma_start3A_659 = arith.constant 0 : i32
        %dma_start3A_660 = tpu.memref_slice %arg12[%dma_start3A_654, %dma_start3A_659] : memref<8x80xi32, #tpu.memory_space<vmem>> -> memref<1x80xi32, #tpu.memory_space<vmem>>
        %dma_start3A_661 = tpu.memref_squeeze %dma_start3A_660 : memref<1x80xi32, #tpu.memory_space<vmem>> -> memref<80xi32, #tpu.memory_space<vmem>>
        %dma_start3A_662 = tpu.memref_slice %arg3[%add3A_644] : memref<320000xi32, #tpu.memory_space<hbm>> -> memref<80xi32, #tpu.memory_space<hbm>>
        tpu.enqueue_dma source(%dma_start3A_662 : memref<80xi32, #tpu.memory_space<hbm>>) target(%dma_start3A_661 : memref<80xi32, #tpu.memory_space<vmem>>) target_semaphore(%arg22 : memref<!tpu.dma_semaphore, #tpu.memory_space<semaphore_mem>>)
      } else {
      }
      %mul3A_500 = arith.constant 8 : i32
      %mul3A_501 = arith.muli %scan3A_418, %mul3A_500 : i32
      %add3A_502 = arith.constant 3 : i32
      %add3A_503 = arith.addi %mul3A_501, %add3A_502 : i32
      %lt3A_504 = arith.constant 250 : i32
      %lt3A_505 = arith.cmpi slt, %add3A_503, %lt3A_504 : i32
      %convert_element_type3A_506 = arith.extui %lt3A_505 : i1 to i32
      %cond3A_507 = arith.constant 0 : i32
      %cond3A_508 = arith.cmpi ne, %convert_element_type3A_506, %cond3A_507 : i32
      scf.if %cond3A_508 {
        %dma_wait3A_640 = arith.constant 3 : i32
        %dma_wait3A_641 = arith.constant 0 : i32
        %dma_wait3A_642 = tpu.memref_slice %arg11[%dma_wait3A_640, %dma_wait3A_641] : memref<8x80xi32, #tpu.memory_space<vmem>> -> memref<1x80xi32, #tpu.memory_space<vmem>>
        %dma_wait3A_643 = tpu.memref_squeeze %dma_wait3A_642 : memref<1x80xi32, #tpu.memory_space<vmem>> -> memref<80xi32, #tpu.memory_space<vmem>>
        %dma_wait3A_644 = arith.constant 0 : i32
        %dma_wait3A_645 = arith.constant 0 : i32
        %dma_wait3A_646 = tpu.memref_slice %arg4[%dma_wait3A_644, %dma_wait3A_645] : memref<20480x128xf32, #tpu.memory_space<hbm>> -> memref<20480x128xf32, #tpu.memory_space<hbm>>
        tpu.wait_indirect_dma semaphore(%arg17 : memref<!tpu.dma_semaphore, #tpu.memory_space<semaphore_mem>>) src(%dma_wait3A_646 : memref<20480x128xf32, #tpu.memory_space<hbm>>) dst(%arg10 : memref<80x128xf32, #tpu.memory_space<vmem>>)
      } else {
      }
      %add3A_509 = arith.constant 3 : i32
      %add3A_510 = arith.addi %add3A_503, %add3A_509 : i32
      %lt3A_511 = arith.constant 250 : i32
      %lt3A_512 = arith.cmpi slt, %add3A_510, %lt3A_511 : i32
      %convert_element_type3A_513 = arith.extui %lt3A_512 : i1 to i32
      %cond3A_514 = arith.constant 0 : i32
      %cond3A_515 = arith.cmpi ne, %convert_element_type3A_513, %cond3A_514 : i32
      scf.if %cond3A_515 {
        %add3A_640 = arith.constant 3 : i32
        %add3A_641 = arith.addi %add3A_503, %add3A_640 : i32
        %mul3A_642 = arith.constant 80 : i32
        %mul3A_643 = arith.muli %add3A_641, %mul3A_642 : i32
        %add3A_644 = arith.addi %mul3A_0, %mul3A_643 : i32
        %dma_wait3A_645 = arith.constant 6 : i32
        %dma_wait3A_646 = arith.constant 0 : i32
        %dma_wait3A_647 = tpu.memref_slice %arg11[%dma_wait3A_645, %dma_wait3A_646] : memref<8x80xi32, #tpu.memory_space<vmem>> -> memref<1x80xi32, #tpu.memory_space<vmem>>
        %dma_wait3A_648 = tpu.memref_squeeze %dma_wait3A_647 : memref<1x80xi32, #tpu.memory_space<vmem>> -> memref<80xi32, #tpu.memory_space<vmem>>
        %dma_wait3A_649 = tpu.memref_slice %arg2[%add3A_644] : memref<320000xi32, #tpu.memory_space<hbm>> -> memref<80xi32, #tpu.memory_space<hbm>>
        %dma_wait3A_650 = arith.constant 0 : i32
        %dma_wait3A_651 = tpu.memref_slice %arg11[%dma_wait3A_645, %dma_wait3A_650] : memref<8x80xi32, #tpu.memory_space<vmem>> -> memref<1x80xi32, #tpu.memory_space<vmem>>
        %dma_wait3A_652 = tpu.memref_squeeze %dma_wait3A_651 : memref<1x80xi32, #tpu.memory_space<vmem>> -> memref<80xi32, #tpu.memory_space<vmem>>
        %dma_wait3A_653 = tpu.memref_slice %arg2[%add3A_644] : memref<320000xi32, #tpu.memory_space<hbm>> -> memref<80xi32, #tpu.memory_space<hbm>>
        tpu.wait_dma2 semaphore(%arg28 : memref<!tpu.dma_semaphore, #tpu.memory_space<semaphore_mem>>) src(%dma_wait3A_653 : memref<80xi32, #tpu.memory_space<hbm>>) dst(%dma_wait3A_652 : memref<80xi32, #tpu.memory_space<vmem>>)
        %dma_wait3A_654 = arith.constant 6 : i32
        %dma_wait3A_655 = arith.constant 0 : i32
        %dma_wait3A_656 = tpu.memref_slice %arg12[%dma_wait3A_654, %dma_wait3A_655] : memref<8x80xi32, #tpu.memory_space<vmem>> -> memref<1x80xi32, #tpu.memory_space<vmem>>
        %dma_wait3A_657 = tpu.memref_squeeze %dma_wait3A_656 : memref<1x80xi32, #tpu.memory_space<vmem>> -> memref<80xi32, #tpu.memory_space<vmem>>
        %dma_wait3A_658 = tpu.memref_slice %arg3[%add3A_644] : memref<320000xi32, #tpu.memory_space<hbm>> -> memref<80xi32, #tpu.memory_space<hbm>>
        %dma_wait3A_659 = arith.constant 0 : i32
        %dma_wait3A_660 = tpu.memref_slice %arg12[%dma_wait3A_654, %dma_wait3A_659] : memref<8x80xi32, #tpu.memory_space<vmem>> -> memref<1x80xi32, #tpu.memory_space<vmem>>
        %dma_wait3A_661 = tpu.memref_squeeze %dma_wait3A_660 : memref<1x80xi32, #tpu.memory_space<vmem>> -> memref<80xi32, #tpu.memory_space<vmem>>
        %dma_wait3A_662 = tpu.memref_slice %arg3[%add3A_644] : memref<320000xi32, #tpu.memory_space<hbm>> -> memref<80xi32, #tpu.memory_space<hbm>>
        tpu.wait_dma2 semaphore(%arg28 : memref<!tpu.dma_semaphore, #tpu.memory_space<semaphore_mem>>) src(%dma_wait3A_662 : memref<80xi32, #tpu.memory_space<hbm>>) dst(%dma_wait3A_661 : memref<80xi32, #tpu.memory_space<vmem>>)
        %get3A_663 = arith.constant 6 : i32
        %get3A_664 = arith.index_cast %get3A_663 : i32 to index
        %get3A_665 = arith.constant 0 : index
        %get3A_666 = tpu.vector_load %arg11[%get3A_664, %get3A_665] {strides = array<i32>} : memref<8x80xi32, #tpu.memory_space<vmem>>, vector<1x16xi32>,
        %get3A_667 = vector.shape_cast %get3A_666 : vector<1x16xi32> to vector<16xi32>
        %add3A_668 = vector.broadcast %mul3A_2 : i32 to vector<16xi32>
        %add3A_669 = arith.addi %get3A_667, %add3A_668 : vector<16xi32>
        %swap3A_670 = arith.constant 6 : i32
        %swap3A_671 = arith.index_cast %swap3A_670 : i32 to index
        %swap3A_672 = arith.constant 0 : index
        %swap3A_673 = tpu.vector_load %arg11[%swap3A_671, %swap3A_672] {strides = array<i32>} : memref<8x80xi32, #tpu.memory_space<vmem>>, vector<1x16xi32>,
        %swap3A_674 = vector.shape_cast %swap3A_673 : vector<1x16xi32> to vector<16xi32>
        %swap3A_675 = vector.shape_cast %add3A_669 : vector<16xi32> to vector<1x16xi32>
        tpu.vector_store %arg11[%swap3A_671, %swap3A_672], %swap3A_675 {strides = array<i32>} : memref<8x80xi32, #tpu.memory_space<vmem>>, vector<1x16xi32>,
        %get3A_676 = arith.constant 6 : i32
        %get3A_677 = arith.index_cast %get3A_676 : i32 to index
        %get3A_678 = arith.constant 16 : index
        %get3A_679 = tpu.vector_load %arg11[%get3A_677, %get3A_678] {strides = array<i32>} : memref<8x80xi32, #tpu.memory_space<vmem>>, vector<1x16xi32>,
        %get3A_680 = vector.shape_cast %get3A_679 : vector<1x16xi32> to vector<16xi32>
        %add3A_681 = vector.broadcast %mul3A_2 : i32 to vector<16xi32>
        %add3A_682 = arith.addi %get3A_680, %add3A_681 : vector<16xi32>
        %swap3A_683 = arith.constant 6 : i32
        %swap3A_684 = arith.index_cast %swap3A_683 : i32 to index
        %swap3A_685 = arith.constant 16 : index
        %swap3A_686 = tpu.vector_load %arg11[%swap3A_684, %swap3A_685] {strides = array<i32>} : memref<8x80xi32, #tpu.memory_space<vmem>>, vector<1x16xi32>,
        %swap3A_687 = vector.shape_cast %swap3A_686 : vector<1x16xi32> to vector<16xi32>
        %swap3A_688 = vector.shape_cast %add3A_682 : vector<16xi32> to vector<1x16xi32>
        tpu.vector_store %arg11[%swap3A_684, %swap3A_685], %swap3A_688 {strides = array<i32>} : memref<8x80xi32, #tpu.memory_space<vmem>>, vector<1x16xi32>,
        %get3A_689 = arith.constant 6 : i32
        %get3A_690 = arith.index_cast %get3A_689 : i32 to index
        %get3A_691 = arith.constant 32 : index
        %get3A_692 = tpu.vector_load %arg11[%get3A_690, %get3A_691] {strides = array<i32>} : memref<8x80xi32, #tpu.memory_space<vmem>>, vector<1x16xi32>,
        %get3A_693 = vector.shape_cast %get3A_692 : vector<1x16xi32> to vector<16xi32>
        %add3A_694 = vector.broadcast %mul3A_2 : i32 to vector<16xi32>
        %add3A_695 = arith.addi %get3A_693, %add3A_694 : vector<16xi32>
        %swap3A_696 = arith.constant 6 : i32
        %swap3A_697 = arith.index_cast %swap3A_696 : i32 to index
        %swap3A_698 = arith.constant 32 : index
        %swap3A_699 = tpu.vector_load %arg11[%swap3A_697, %swap3A_698] {strides = array<i32>} : memref<8x80xi32, #tpu.memory_space<vmem>>, vector<1x16xi32>,
        %swap3A_700 = vector.shape_cast %swap3A_699 : vector<1x16xi32> to vector<16xi32>
        %swap3A_701 = vector.shape_cast %add3A_695 : vector<16xi32> to vector<1x16xi32>
        tpu.vector_store %arg11[%swap3A_697, %swap3A_698], %swap3A_701 {strides = array<i32>} : memref<8x80xi32, #tpu.memory_space<vmem>>, vector<1x16xi32>,
        %get3A_702 = arith.constant 6 : i32
        %get3A_703 = arith.index_cast %get3A_702 : i32 to index
        %get3A_704 = arith.constant 48 : index
        %get3A_705 = tpu.vector_load %arg11[%get3A_703, %get3A_704] {strides = array<i32>} : memref<8x80xi32, #tpu.memory_space<vmem>>, vector<1x16xi32>,
        %get3A_706 = vector.shape_cast %get3A_705 : vector<1x16xi32> to vector<16xi32>
        %add3A_707 = vector.broadcast %mul3A_2 : i32 to vector<16xi32>
        %add3A_708 = arith.addi %get3A_706, %add3A_707 : vector<16xi32>
        %swap3A_709 = arith.constant 6 : i32
        %swap3A_710 = arith.index_cast %swap3A_709 : i32 to index
        %swap3A_711 = arith.constant 48 : index
        %swap3A_712 = tpu.vector_load %arg11[%swap3A_710, %swap3A_711] {strides = array<i32>} : memref<8x80xi32, #tpu.memory_space<vmem>>, vector<1x16xi32>,
        %swap3A_713 = vector.shape_cast %swap3A_712 : vector<1x16xi32> to vector<16xi32>
        %swap3A_714 = vector.shape_cast %add3A_708 : vector<16xi32> to vector<1x16xi32>
        tpu.vector_store %arg11[%swap3A_710, %swap3A_711], %swap3A_714 {strides = array<i32>} : memref<8x80xi32, #tpu.memory_space<vmem>>, vector<1x16xi32>,
        %get3A_715 = arith.constant 6 : i32
        %get3A_716 = arith.index_cast %get3A_715 : i32 to index
        %get3A_717 = arith.constant 64 : index
        %get3A_718 = tpu.vector_load %arg11[%get3A_716, %get3A_717] {strides = array<i32>} : memref<8x80xi32, #tpu.memory_space<vmem>>, vector<1x16xi32>,
        %get3A_719 = vector.shape_cast %get3A_718 : vector<1x16xi32> to vector<16xi32>
        %add3A_720 = vector.broadcast %mul3A_2 : i32 to vector<16xi32>
        %add3A_721 = arith.addi %get3A_719, %add3A_720 : vector<16xi32>
        %swap3A_722 = arith.constant 6 : i32
        %swap3A_723 = arith.index_cast %swap3A_722 : i32 to index
        %swap3A_724 = arith.constant 64 : index
        %swap3A_725 = tpu.vector_load %arg11[%swap3A_723, %swap3A_724] {strides = array<i32>} : memref<8x80xi32, #tpu.memory_space<vmem>>, vector<1x16xi32>,
        %swap3A_726 = vector.shape_cast %swap3A_725 : vector<1x16xi32> to vector<16xi32>
        %swap3A_727 = vector.shape_cast %add3A_721 : vector<16xi32> to vector<1x16xi32>
        tpu.vector_store %arg11[%swap3A_723, %swap3A_724], %swap3A_727 {strides = array<i32>} : memref<8x80xi32, #tpu.memory_space<vmem>>, vector<1x16xi32>,
        %dma_start3A_728 = arith.constant 6 : i32
        %dma_start3A_729 = arith.constant 0 : i32
        %dma_start3A_730 = tpu.memref_slice %arg11[%dma_start3A_728, %dma_start3A_729] : memref<8x80xi32, #tpu.memory_space<vmem>> -> memref<1x80xi32, #tpu.memory_space<vmem>>
        %dma_start3A_731 = tpu.memref_squeeze %dma_start3A_730 : memref<1x80xi32, #tpu.memory_space<vmem>> -> memref<80xi32, #tpu.memory_space<vmem>>
        %dma_start3A_732 = arith.constant 0 : i32
        %dma_start3A_733 = arith.constant 0 : i32
        %dma_start3A_734 = tpu.memref_slice %arg4[%dma_start3A_732, %dma_start3A_733] : memref<20480x128xf32, #tpu.memory_space<hbm>> -> memref<20480x128xf32, #tpu.memory_space<hbm>>
        tpu.enqueue_indirect_dma source(%dma_start3A_734 : memref<20480x128xf32, #tpu.memory_space<hbm>>) target(%arg9 : memref<80x128xf32, #tpu.memory_space<vmem>>) offsets(%dma_start3A_731 : memref<80xi32, #tpu.memory_space<vmem>>) semaphore(%arg16 : memref<!tpu.dma_semaphore, #tpu.memory_space<semaphore_mem>>)
      } else {
      }
      %lt3A_516 = arith.constant 250 : i32
      %lt3A_517 = arith.cmpi slt, %add3A_503, %lt3A_516 : i32
      %convert_element_type3A_518 = arith.extui %lt3A_517 : i1 to i32
      %cond3A_519 = arith.constant 0 : i32
      %cond3A_520 = arith.cmpi ne, %convert_element_type3A_518, %cond3A_519 : i32
      scf.if %cond3A_520 {
        %run_scoped3A = arith.constant 3 : i32
        "tpu.region"() ({
          %run_scoped3A_640 = tpu.sem_alloc : memref<!tpu.dma_semaphore, #tpu.memory_space<semaphore_mem>>
          %dma_start3A_641 = arith.constant 0 : i32
          %dma_start3A_642 = tpu.memref_slice %arg12[%run_scoped3A, %dma_start3A_641] : memref<8x80xi32, #tpu.memory_space<vmem>> -> memref<1x80xi32, #tpu.memory_space<vmem>>
          %dma_start3A_643 = tpu.memref_squeeze %dma_start3A_642 : memref<1x80xi32, #tpu.memory_space<vmem>> -> memref<80xi32, #tpu.memory_space<vmem>>
          %dma_start3A_644 = arith.constant 0 : i32
          %dma_start3A_645 = arith.constant 0 : i32
          %dma_start3A_646 = tpu.memref_slice %arg6[%dma_start3A_644, %dma_start3A_645] : memref<10240x128xf32, #tpu.memory_space<vmem_shared>> -> memref<10240x128xf32, #tpu.memory_space<vmem_shared>>
          tpu.enqueue_indirect_dma source(%arg10 : memref<80x128xf32, #tpu.memory_space<vmem>>) target(%dma_start3A_646 : memref<10240x128xf32, #tpu.memory_space<vmem_shared>>) offsets(%dma_start3A_643 : memref<80xi32, #tpu.memory_space<vmem>>) semaphore(%run_scoped3A_640 : memref<!tpu.dma_semaphore, #tpu.memory_space<semaphore_mem>>) {add = true}
          %dma_wait3A_647 = arith.constant 0 : i32
          %dma_wait3A_648 = tpu.memref_slice %arg12[%run_scoped3A, %dma_wait3A_647] : memref<8x80xi32, #tpu.memory_space<vmem>> -> memref<1x80xi32, #tpu.memory_space<vmem>>
          %dma_wait3A_649 = tpu.memref_squeeze %dma_wait3A_648 : memref<1x80xi32, #tpu.memory_space<vmem>> -> memref<80xi32, #tpu.memory_space<vmem>>
          %dma_wait3A_650 = arith.constant 0 : i32
          %dma_wait3A_651 = arith.constant 0 : i32
          %dma_wait3A_652 = tpu.memref_slice %arg6[%dma_wait3A_650, %dma_wait3A_651] : memref<10240x128xf32, #tpu.memory_space<vmem_shared>> -> memref<10240x128xf32, #tpu.memory_space<vmem_shared>>
          tpu.wait_indirect_dma semaphore(%run_scoped3A_640 : memref<!tpu.dma_semaphore, #tpu.memory_space<semaphore_mem>>) src(%arg10 : memref<80x128xf32, #tpu.memory_space<vmem>>) dst(%dma_wait3A_652 : memref<10240x128xf32, #tpu.memory_space<vmem_shared>>)
          tpu.yield
        }) : () -> ()
      } else {
      }
      %add3A_521 = arith.constant 6 : i32
      %add3A_522 = arith.addi %add3A_503, %add3A_521 : i32
      %lt3A_523 = arith.constant 250 : i32
      %lt3A_524 = arith.cmpi slt, %add3A_522, %lt3A_523 : i32
      %convert_element_type3A_525 = arith.extui %lt3A_524 : i1 to i32
      %cond3A_526 = arith.constant 0 : i32
      %cond3A_527 = arith.cmpi ne, %convert_element_type3A_525, %cond3A_526 : i32
      scf.if %cond3A_527 {
        %add3A_640 = arith.constant 6 : i32
        %add3A_641 = arith.addi %add3A_503, %add3A_640 : i32
        %mul3A_642 = arith.constant 80 : i32
        %mul3A_643 = arith.muli %add3A_641, %mul3A_642 : i32
        %add3A_644 = arith.addi %mul3A_0, %mul3A_643 : i32
        %dma_start3A_645 = arith.constant 1 : i32
        %dma_start3A_646 = arith.constant 0 : i32
        %dma_start3A_647 = tpu.memref_slice %arg11[%dma_start3A_645, %dma_start3A_646] : memref<8x80xi32, #tpu.memory_space<vmem>> -> memref<1x80xi32, #tpu.memory_space<vmem>>
        %dma_start3A_648 = tpu.memref_squeeze %dma_start3A_647 : memref<1x80xi32, #tpu.memory_space<vmem>> -> memref<80xi32, #tpu.memory_space<vmem>>
        %dma_start3A_649 = tpu.memref_slice %arg2[%add3A_644] : memref<320000xi32, #tpu.memory_space<hbm>> -> memref<80xi32, #tpu.memory_space<hbm>>
        %dma_start3A_650 = arith.constant 0 : i32
        %dma_start3A_651 = tpu.memref_slice %arg11[%dma_start3A_645, %dma_start3A_650] : memref<8x80xi32, #tpu.memory_space<vmem>> -> memref<1x80xi32, #tpu.memory_space<vmem>>
        %dma_start3A_652 = tpu.memref_squeeze %dma_start3A_651 : memref<1x80xi32, #tpu.memory_space<vmem>> -> memref<80xi32, #tpu.memory_space<vmem>>
        %dma_start3A_653 = tpu.memref_slice %arg2[%add3A_644] : memref<320000xi32, #tpu.memory_space<hbm>> -> memref<80xi32, #tpu.memory_space<hbm>>
        tpu.enqueue_dma source(%dma_start3A_653 : memref<80xi32, #tpu.memory_space<hbm>>) target(%dma_start3A_652 : memref<80xi32, #tpu.memory_space<vmem>>) target_semaphore(%arg23 : memref<!tpu.dma_semaphore, #tpu.memory_space<semaphore_mem>>)
        %dma_start3A_654 = arith.constant 1 : i32
        %dma_start3A_655 = arith.constant 0 : i32
        %dma_start3A_656 = tpu.memref_slice %arg12[%dma_start3A_654, %dma_start3A_655] : memref<8x80xi32, #tpu.memory_space<vmem>> -> memref<1x80xi32, #tpu.memory_space<vmem>>
        %dma_start3A_657 = tpu.memref_squeeze %dma_start3A_656 : memref<1x80xi32, #tpu.memory_space<vmem>> -> memref<80xi32, #tpu.memory_space<vmem>>
        %dma_start3A_658 = tpu.memref_slice %arg3[%add3A_644] : memref<320000xi32, #tpu.memory_space<hbm>> -> memref<80xi32, #tpu.memory_space<hbm>>
        %dma_start3A_659 = arith.constant 0 : i32
        %dma_start3A_660 = tpu.memref_slice %arg12[%dma_start3A_654, %dma_start3A_659] : memref<8x80xi32, #tpu.memory_space<vmem>> -> memref<1x80xi32, #tpu.memory_space<vmem>>
        %dma_start3A_661 = tpu.memref_squeeze %dma_start3A_660 : memref<1x80xi32, #tpu.memory_space<vmem>> -> memref<80xi32, #tpu.memory_space<vmem>>
        %dma_start3A_662 = tpu.memref_slice %arg3[%add3A_644] : memref<320000xi32, #tpu.memory_space<hbm>> -> memref<80xi32, #tpu.memory_space<hbm>>
        tpu.enqueue_dma source(%dma_start3A_662 : memref<80xi32, #tpu.memory_space<hbm>>) target(%dma_start3A_661 : memref<80xi32, #tpu.memory_space<vmem>>) target_semaphore(%arg23 : memref<!tpu.dma_semaphore, #tpu.memory_space<semaphore_mem>>)
      } else {
      }
      %mul3A_528 = arith.constant 8 : i32
      %mul3A_529 = arith.muli %scan3A_418, %mul3A_528 : i32
      %add3A_530 = arith.constant 4 : i32
      %add3A_531 = arith.addi %mul3A_529, %add3A_530 : i32
      %lt3A_532 = arith.constant 250 : i32
      %lt3A_533 = arith.cmpi slt, %add3A_531, %lt3A_532 : i32
      %convert_element_type3A_534 = arith.extui %lt3A_533 : i1 to i32
      %cond3A_535 = arith.constant 0 : i32
      %cond3A_536 = arith.cmpi ne, %convert_element_type3A_534, %cond3A_535 : i32
      scf.if %cond3A_536 {
        %dma_wait3A_640 = arith.constant 4 : i32
        %dma_wait3A_641 = arith.constant 0 : i32
        %dma_wait3A_642 = tpu.memref_slice %arg11[%dma_wait3A_640, %dma_wait3A_641] : memref<8x80xi32, #tpu.memory_space<vmem>> -> memref<1x80xi32, #tpu.memory_space<vmem>>
        %dma_wait3A_643 = tpu.memref_squeeze %dma_wait3A_642 : memref<1x80xi32, #tpu.memory_space<vmem>> -> memref<80xi32, #tpu.memory_space<vmem>>
        %dma_wait3A_644 = arith.constant 0 : i32
        %dma_wait3A_645 = arith.constant 0 : i32
        %dma_wait3A_646 = tpu.memref_slice %arg4[%dma_wait3A_644, %dma_wait3A_645] : memref<20480x128xf32, #tpu.memory_space<hbm>> -> memref<20480x128xf32, #tpu.memory_space<hbm>>
        tpu.wait_indirect_dma semaphore(%arg14 : memref<!tpu.dma_semaphore, #tpu.memory_space<semaphore_mem>>) src(%dma_wait3A_646 : memref<20480x128xf32, #tpu.memory_space<hbm>>) dst(%arg7 : memref<80x128xf32, #tpu.memory_space<vmem>>)
      } else {
      }
      %add3A_537 = arith.constant 3 : i32
      %add3A_538 = arith.addi %add3A_531, %add3A_537 : i32
      %lt3A_539 = arith.constant 250 : i32
      %lt3A_540 = arith.cmpi slt, %add3A_538, %lt3A_539 : i32
      %convert_element_type3A_541 = arith.extui %lt3A_540 : i1 to i32
      %cond3A_542 = arith.constant 0 : i32
      %cond3A_543 = arith.cmpi ne, %convert_element_type3A_541, %cond3A_542 : i32
      scf.if %cond3A_543 {
        %add3A_640 = arith.constant 3 : i32
        %add3A_641 = arith.addi %add3A_531, %add3A_640 : i32
        %mul3A_642 = arith.constant 80 : i32
        %mul3A_643 = arith.muli %add3A_641, %mul3A_642 : i32
        %add3A_644 = arith.addi %mul3A_0, %mul3A_643 : i32
        %dma_wait3A_645 = arith.constant 7 : i32
        %dma_wait3A_646 = arith.constant 0 : i32
        %dma_wait3A_647 = tpu.memref_slice %arg11[%dma_wait3A_645, %dma_wait3A_646] : memref<8x80xi32, #tpu.memory_space<vmem>> -> memref<1x80xi32, #tpu.memory_space<vmem>>
        %dma_wait3A_648 = tpu.memref_squeeze %dma_wait3A_647 : memref<1x80xi32, #tpu.memory_space<vmem>> -> memref<80xi32, #tpu.memory_space<vmem>>
        %dma_wait3A_649 = tpu.memref_slice %arg2[%add3A_644] : memref<320000xi32, #tpu.memory_space<hbm>> -> memref<80xi32, #tpu.memory_space<hbm>>
        %dma_wait3A_650 = arith.constant 0 : i32
        %dma_wait3A_651 = tpu.memref_slice %arg11[%dma_wait3A_645, %dma_wait3A_650] : memref<8x80xi32, #tpu.memory_space<vmem>> -> memref<1x80xi32, #tpu.memory_space<vmem>>
        %dma_wait3A_652 = tpu.memref_squeeze %dma_wait3A_651 : memref<1x80xi32, #tpu.memory_space<vmem>> -> memref<80xi32, #tpu.memory_space<vmem>>
        %dma_wait3A_653 = tpu.memref_slice %arg2[%add3A_644] : memref<320000xi32, #tpu.memory_space<hbm>> -> memref<80xi32, #tpu.memory_space<hbm>>
        tpu.wait_dma2 semaphore(%arg29 : memref<!tpu.dma_semaphore, #tpu.memory_space<semaphore_mem>>) src(%dma_wait3A_653 : memref<80xi32, #tpu.memory_space<hbm>>) dst(%dma_wait3A_652 : memref<80xi32, #tpu.memory_space<vmem>>)
        %dma_wait3A_654 = arith.constant 7 : i32
        %dma_wait3A_655 = arith.constant 0 : i32
        %dma_wait3A_656 = tpu.memref_slice %arg12[%dma_wait3A_654, %dma_wait3A_655] : memref<8x80xi32, #tpu.memory_space<vmem>> -> memref<1x80xi32, #tpu.memory_space<vmem>>
        %dma_wait3A_657 = tpu.memref_squeeze %dma_wait3A_656 : memref<1x80xi32, #tpu.memory_space<vmem>> -> memref<80xi32, #tpu.memory_space<vmem>>
        %dma_wait3A_658 = tpu.memref_slice %arg3[%add3A_644] : memref<320000xi32, #tpu.memory_space<hbm>> -> memref<80xi32, #tpu.memory_space<hbm>>
        %dma_wait3A_659 = arith.constant 0 : i32
        %dma_wait3A_660 = tpu.memref_slice %arg12[%dma_wait3A_654, %dma_wait3A_659] : memref<8x80xi32, #tpu.memory_space<vmem>> -> memref<1x80xi32, #tpu.memory_space<vmem>>
        %dma_wait3A_661 = tpu.memref_squeeze %dma_wait3A_660 : memref<1x80xi32, #tpu.memory_space<vmem>> -> memref<80xi32, #tpu.memory_space<vmem>>
        %dma_wait3A_662 = tpu.memref_slice %arg3[%add3A_644] : memref<320000xi32, #tpu.memory_space<hbm>> -> memref<80xi32, #tpu.memory_space<hbm>>
        tpu.wait_dma2 semaphore(%arg29 : memref<!tpu.dma_semaphore, #tpu.memory_space<semaphore_mem>>) src(%dma_wait3A_662 : memref<80xi32, #tpu.memory_space<hbm>>) dst(%dma_wait3A_661 : memref<80xi32, #tpu.memory_space<vmem>>)
        %get3A_663 = arith.constant 7 : i32
        %get3A_664 = arith.index_cast %get3A_663 : i32 to index
        %get3A_665 = arith.constant 0 : index
        %get3A_666 = tpu.vector_load %arg11[%get3A_664, %get3A_665] {strides = array<i32>} : memref<8x80xi32, #tpu.memory_space<vmem>>, vector<1x16xi32>,
        %get3A_667 = vector.shape_cast %get3A_666 : vector<1x16xi32> to vector<16xi32>
        %add3A_668 = vector.broadcast %mul3A_2 : i32 to vector<16xi32>
        %add3A_669 = arith.addi %get3A_667, %add3A_668 : vector<16xi32>
        %swap3A_670 = arith.constant 7 : i32
        %swap3A_671 = arith.index_cast %swap3A_670 : i32 to index
        %swap3A_672 = arith.constant 0 : index
        %swap3A_673 = tpu.vector_load %arg11[%swap3A_671, %swap3A_672] {strides = array<i32>} : memref<8x80xi32, #tpu.memory_space<vmem>>, vector<1x16xi32>,
        %swap3A_674 = vector.shape_cast %swap3A_673 : vector<1x16xi32> to vector<16xi32>
        %swap3A_675 = vector.shape_cast %add3A_669 : vector<16xi32> to vector<1x16xi32>
        tpu.vector_store %arg11[%swap3A_671, %swap3A_672], %swap3A_675 {strides = array<i32>} : memref<8x80xi32, #tpu.memory_space<vmem>>, vector<1x16xi32>,
        %get3A_676 = arith.constant 7 : i32
        %get3A_677 = arith.index_cast %get3A_676 : i32 to index
        %get3A_678 = arith.constant 16 : index
        %get3A_679 = tpu.vector_load %arg11[%get3A_677, %get3A_678] {strides = array<i32>} : memref<8x80xi32, #tpu.memory_space<vmem>>, vector<1x16xi32>,
        %get3A_680 = vector.shape_cast %get3A_679 : vector<1x16xi32> to vector<16xi32>
        %add3A_681 = vector.broadcast %mul3A_2 : i32 to vector<16xi32>
        %add3A_682 = arith.addi %get3A_680, %add3A_681 : vector<16xi32>
        %swap3A_683 = arith.constant 7 : i32
        %swap3A_684 = arith.index_cast %swap3A_683 : i32 to index
        %swap3A_685 = arith.constant 16 : index
        %swap3A_686 = tpu.vector_load %arg11[%swap3A_684, %swap3A_685] {strides = array<i32>} : memref<8x80xi32, #tpu.memory_space<vmem>>, vector<1x16xi32>,
        %swap3A_687 = vector.shape_cast %swap3A_686 : vector<1x16xi32> to vector<16xi32>
        %swap3A_688 = vector.shape_cast %add3A_682 : vector<16xi32> to vector<1x16xi32>
        tpu.vector_store %arg11[%swap3A_684, %swap3A_685], %swap3A_688 {strides = array<i32>} : memref<8x80xi32, #tpu.memory_space<vmem>>, vector<1x16xi32>,
        %get3A_689 = arith.constant 7 : i32
        %get3A_690 = arith.index_cast %get3A_689 : i32 to index
        %get3A_691 = arith.constant 32 : index
        %get3A_692 = tpu.vector_load %arg11[%get3A_690, %get3A_691] {strides = array<i32>} : memref<8x80xi32, #tpu.memory_space<vmem>>, vector<1x16xi32>,
        %get3A_693 = vector.shape_cast %get3A_692 : vector<1x16xi32> to vector<16xi32>
        %add3A_694 = vector.broadcast %mul3A_2 : i32 to vector<16xi32>
        %add3A_695 = arith.addi %get3A_693, %add3A_694 : vector<16xi32>
        %swap3A_696 = arith.constant 7 : i32
        %swap3A_697 = arith.index_cast %swap3A_696 : i32 to index
        %swap3A_698 = arith.constant 32 : index
        %swap3A_699 = tpu.vector_load %arg11[%swap3A_697, %swap3A_698] {strides = array<i32>} : memref<8x80xi32, #tpu.memory_space<vmem>>, vector<1x16xi32>,
        %swap3A_700 = vector.shape_cast %swap3A_699 : vector<1x16xi32> to vector<16xi32>
        %swap3A_701 = vector.shape_cast %add3A_695 : vector<16xi32> to vector<1x16xi32>
        tpu.vector_store %arg11[%swap3A_697, %swap3A_698], %swap3A_701 {strides = array<i32>} : memref<8x80xi32, #tpu.memory_space<vmem>>, vector<1x16xi32>,
        %get3A_702 = arith.constant 7 : i32
        %get3A_703 = arith.index_cast %get3A_702 : i32 to index
        %get3A_704 = arith.constant 48 : index
        %get3A_705 = tpu.vector_load %arg11[%get3A_703, %get3A_704] {strides = array<i32>} : memref<8x80xi32, #tpu.memory_space<vmem>>, vector<1x16xi32>,
        %get3A_706 = vector.shape_cast %get3A_705 : vector<1x16xi32> to vector<16xi32>
        %add3A_707 = vector.broadcast %mul3A_2 : i32 to vector<16xi32>
        %add3A_708 = arith.addi %get3A_706, %add3A_707 : vector<16xi32>
        %swap3A_709 = arith.constant 7 : i32
        %swap3A_710 = arith.index_cast %swap3A_709 : i32 to index
        %swap3A_711 = arith.constant 48 : index
        %swap3A_712 = tpu.vector_load %arg11[%swap3A_710, %swap3A_711] {strides = array<i32>} : memref<8x80xi32, #tpu.memory_space<vmem>>, vector<1x16xi32>,
        %swap3A_713 = vector.shape_cast %swap3A_712 : vector<1x16xi32> to vector<16xi32>
        %swap3A_714 = vector.shape_cast %add3A_708 : vector<16xi32> to vector<1x16xi32>
        tpu.vector_store %arg11[%swap3A_710, %swap3A_711], %swap3A_714 {strides = array<i32>} : memref<8x80xi32, #tpu.memory_space<vmem>>, vector<1x16xi32>,
        %get3A_715 = arith.constant 7 : i32
        %get3A_716 = arith.index_cast %get3A_715 : i32 to index
        %get3A_717 = arith.constant 64 : index
        %get3A_718 = tpu.vector_load %arg11[%get3A_716, %get3A_717] {strides = array<i32>} : memref<8x80xi32, #tpu.memory_space<vmem>>, vector<1x16xi32>,
        %get3A_719 = vector.shape_cast %get3A_718 : vector<1x16xi32> to vector<16xi32>
        %add3A_720 = vector.broadcast %mul3A_2 : i32 to vector<16xi32>
        %add3A_721 = arith.addi %get3A_719, %add3A_720 : vector<16xi32>
        %swap3A_722 = arith.constant 7 : i32
        %swap3A_723 = arith.index_cast %swap3A_722 : i32 to index
        %swap3A_724 = arith.constant 64 : index
        %swap3A_725 = tpu.vector_load %arg11[%swap3A_723, %swap3A_724] {strides = array<i32>} : memref<8x80xi32, #tpu.memory_space<vmem>>, vector<1x16xi32>,
        %swap3A_726 = vector.shape_cast %swap3A_725 : vector<1x16xi32> to vector<16xi32>
        %swap3A_727 = vector.shape_cast %add3A_721 : vector<16xi32> to vector<1x16xi32>
        tpu.vector_store %arg11[%swap3A_723, %swap3A_724], %swap3A_727 {strides = array<i32>} : memref<8x80xi32, #tpu.memory_space<vmem>>, vector<1x16xi32>,
        %dma_start3A_728 = arith.constant 7 : i32
        %dma_start3A_729 = arith.constant 0 : i32
        %dma_start3A_730 = tpu.memref_slice %arg11[%dma_start3A_728, %dma_start3A_729] : memref<8x80xi32, #tpu.memory_space<vmem>> -> memref<1x80xi32, #tpu.memory_space<vmem>>
        %dma_start3A_731 = tpu.memref_squeeze %dma_start3A_730 : memref<1x80xi32, #tpu.memory_space<vmem>> -> memref<80xi32, #tpu.memory_space<vmem>>
        %dma_start3A_732 = arith.constant 0 : i32
        %dma_start3A_733 = arith.constant 0 : i32
        %dma_start3A_734 = tpu.memref_slice %arg4[%dma_start3A_732, %dma_start3A_733] : memref<20480x128xf32, #tpu.memory_space<hbm>> -> memref<20480x128xf32, #tpu.memory_space<hbm>>
        tpu.enqueue_indirect_dma source(%dma_start3A_734 : memref<20480x128xf32, #tpu.memory_space<hbm>>) target(%arg10 : memref<80x128xf32, #tpu.memory_space<vmem>>) offsets(%dma_start3A_731 : memref<80xi32, #tpu.memory_space<vmem>>) semaphore(%arg17 : memref<!tpu.dma_semaphore, #tpu.memory_space<semaphore_mem>>)
      } else {
      }
      %lt3A_544 = arith.constant 250 : i32
      %lt3A_545 = arith.cmpi slt, %add3A_531, %lt3A_544 : i32
      %convert_element_type3A_546 = arith.extui %lt3A_545 : i1 to i32
      %cond3A_547 = arith.constant 0 : i32
      %cond3A_548 = arith.cmpi ne, %convert_element_type3A_546, %cond3A_547 : i32
      scf.if %cond3A_548 {
        %run_scoped3A = arith.constant 4 : i32
        "tpu.region"() ({
          %run_scoped3A_640 = tpu.sem_alloc : memref<!tpu.dma_semaphore, #tpu.memory_space<semaphore_mem>>
          %dma_start3A_641 = arith.constant 0 : i32
          %dma_start3A_642 = tpu.memref_slice %arg12[%run_scoped3A, %dma_start3A_641] : memref<8x80xi32, #tpu.memory_space<vmem>> -> memref<1x80xi32, #tpu.memory_space<vmem>>
          %dma_start3A_643 = tpu.memref_squeeze %dma_start3A_642 : memref<1x80xi32, #tpu.memory_space<vmem>> -> memref<80xi32, #tpu.memory_space<vmem>>
          %dma_start3A_644 = arith.constant 0 : i32
          %dma_start3A_645 = arith.constant 0 : i32
          %dma_start3A_646 = tpu.memref_slice %arg6[%dma_start3A_644, %dma_start3A_645] : memref<10240x128xf32, #tpu.memory_space<vmem_shared>> -> memref<10240x128xf32, #tpu.memory_space<vmem_shared>>
          tpu.enqueue_indirect_dma source(%arg7 : memref<80x128xf32, #tpu.memory_space<vmem>>) target(%dma_start3A_646 : memref<10240x128xf32, #tpu.memory_space<vmem_shared>>) offsets(%dma_start3A_643 : memref<80xi32, #tpu.memory_space<vmem>>) semaphore(%run_scoped3A_640 : memref<!tpu.dma_semaphore, #tpu.memory_space<semaphore_mem>>) {add = true}
          %dma_wait3A_647 = arith.constant 0 : i32
          %dma_wait3A_648 = tpu.memref_slice %arg12[%run_scoped3A, %dma_wait3A_647] : memref<8x80xi32, #tpu.memory_space<vmem>> -> memref<1x80xi32, #tpu.memory_space<vmem>>
          %dma_wait3A_649 = tpu.memref_squeeze %dma_wait3A_648 : memref<1x80xi32, #tpu.memory_space<vmem>> -> memref<80xi32, #tpu.memory_space<vmem>>
          %dma_wait3A_650 = arith.constant 0 : i32
          %dma_wait3A_651 = arith.constant 0 : i32
          %dma_wait3A_652 = tpu.memref_slice %arg6[%dma_wait3A_650, %dma_wait3A_651] : memref<10240x128xf32, #tpu.memory_space<vmem_shared>> -> memref<10240x128xf32, #tpu.memory_space<vmem_shared>>
          tpu.wait_indirect_dma semaphore(%run_scoped3A_640 : memref<!tpu.dma_semaphore, #tpu.memory_space<semaphore_mem>>) src(%arg7 : memref<80x128xf32, #tpu.memory_space<vmem>>) dst(%dma_wait3A_652 : memref<10240x128xf32, #tpu.memory_space<vmem_shared>>)
          tpu.yield
        }) : () -> ()
      } else {
      }
      %add3A_549 = arith.constant 6 : i32
      %add3A_550 = arith.addi %add3A_531, %add3A_549 : i32
      %lt3A_551 = arith.constant 250 : i32
      %lt3A_552 = arith.cmpi slt, %add3A_550, %lt3A_551 : i32
      %convert_element_type3A_553 = arith.extui %lt3A_552 : i1 to i32
      %cond3A_554 = arith.constant 0 : i32
      %cond3A_555 = arith.cmpi ne, %convert_element_type3A_553, %cond3A_554 : i32
      scf.if %cond3A_555 {
        %add3A_640 = arith.constant 6 : i32
        %add3A_641 = arith.addi %add3A_531, %add3A_640 : i32
        %mul3A_642 = arith.constant 80 : i32
        %mul3A_643 = arith.muli %add3A_641, %mul3A_642 : i32
        %add3A_644 = arith.addi %mul3A_0, %mul3A_643 : i32
        %dma_start3A_645 = arith.constant 2 : i32
        %dma_start3A_646 = arith.constant 0 : i32
        %dma_start3A_647 = tpu.memref_slice %arg11[%dma_start3A_645, %dma_start3A_646] : memref<8x80xi32, #tpu.memory_space<vmem>> -> memref<1x80xi32, #tpu.memory_space<vmem>>
        %dma_start3A_648 = tpu.memref_squeeze %dma_start3A_647 : memref<1x80xi32, #tpu.memory_space<vmem>> -> memref<80xi32, #tpu.memory_space<vmem>>
        %dma_start3A_649 = tpu.memref_slice %arg2[%add3A_644] : memref<320000xi32, #tpu.memory_space<hbm>> -> memref<80xi32, #tpu.memory_space<hbm>>
        %dma_start3A_650 = arith.constant 0 : i32
        %dma_start3A_651 = tpu.memref_slice %arg11[%dma_start3A_645, %dma_start3A_650] : memref<8x80xi32, #tpu.memory_space<vmem>> -> memref<1x80xi32, #tpu.memory_space<vmem>>
        %dma_start3A_652 = tpu.memref_squeeze %dma_start3A_651 : memref<1x80xi32, #tpu.memory_space<vmem>> -> memref<80xi32, #tpu.memory_space<vmem>>
        %dma_start3A_653 = tpu.memref_slice %arg2[%add3A_644] : memref<320000xi32, #tpu.memory_space<hbm>> -> memref<80xi32, #tpu.memory_space<hbm>>
        tpu.enqueue_dma source(%dma_start3A_653 : memref<80xi32, #tpu.memory_space<hbm>>) target(%dma_start3A_652 : memref<80xi32, #tpu.memory_space<vmem>>) target_semaphore(%arg24 : memref<!tpu.dma_semaphore, #tpu.memory_space<semaphore_mem>>)
        %dma_start3A_654 = arith.constant 2 : i32
        %dma_start3A_655 = arith.constant 0 : i32
        %dma_start3A_656 = tpu.memref_slice %arg12[%dma_start3A_654, %dma_start3A_655] : memref<8x80xi32, #tpu.memory_space<vmem>> -> memref<1x80xi32, #tpu.memory_space<vmem>>
        %dma_start3A_657 = tpu.memref_squeeze %dma_start3A_656 : memref<1x80xi32, #tpu.memory_space<vmem>> -> memref<80xi32, #tpu.memory_space<vmem>>
        %dma_start3A_658 = tpu.memref_slice %arg3[%add3A_644] : memref<320000xi32, #tpu.memory_space<hbm>> -> memref<80xi32, #tpu.memory_space<hbm>>
        %dma_start3A_659 = arith.constant 0 : i32
        %dma_start3A_660 = tpu.memref_slice %arg12[%dma_start3A_654, %dma_start3A_659] : memref<8x80xi32, #tpu.memory_space<vmem>> -> memref<1x80xi32, #tpu.memory_space<vmem>>
        %dma_start3A_661 = tpu.memref_squeeze %dma_start3A_660 : memref<1x80xi32, #tpu.memory_space<vmem>> -> memref<80xi32, #tpu.memory_space<vmem>>
        %dma_start3A_662 = tpu.memref_slice %arg3[%add3A_644] : memref<320000xi32, #tpu.memory_space<hbm>> -> memref<80xi32, #tpu.memory_space<hbm>>
        tpu.enqueue_dma source(%dma_start3A_662 : memref<80xi32, #tpu.memory_space<hbm>>) target(%dma_start3A_661 : memref<80xi32, #tpu.memory_space<vmem>>) target_semaphore(%arg24 : memref<!tpu.dma_semaphore, #tpu.memory_space<semaphore_mem>>)
      } else {
      }
      %mul3A_556 = arith.constant 8 : i32
      %mul3A_557 = arith.muli %scan3A_418, %mul3A_556 : i32
      %add3A_558 = arith.constant 5 : i32
      %add3A_559 = arith.addi %mul3A_557, %add3A_558 : i32
      %lt3A_560 = arith.constant 250 : i32
      %lt3A_561 = arith.cmpi slt, %add3A_559, %lt3A_560 : i32
      %convert_element_type3A_562 = arith.extui %lt3A_561 : i1 to i32
      %cond3A_563 = arith.constant 0 : i32
      %cond3A_564 = arith.cmpi ne, %convert_element_type3A_562, %cond3A_563 : i32
      scf.if %cond3A_564 {
        %dma_wait3A_640 = arith.constant 5 : i32
        %dma_wait3A_641 = arith.constant 0 : i32
        %dma_wait3A_642 = tpu.memref_slice %arg11[%dma_wait3A_640, %dma_wait3A_641] : memref<8x80xi32, #tpu.memory_space<vmem>> -> memref<1x80xi32, #tpu.memory_space<vmem>>
        %dma_wait3A_643 = tpu.memref_squeeze %dma_wait3A_642 : memref<1x80xi32, #tpu.memory_space<vmem>> -> memref<80xi32, #tpu.memory_space<vmem>>
        %dma_wait3A_644 = arith.constant 0 : i32
        %dma_wait3A_645 = arith.constant 0 : i32
        %dma_wait3A_646 = tpu.memref_slice %arg4[%dma_wait3A_644, %dma_wait3A_645] : memref<20480x128xf32, #tpu.memory_space<hbm>> -> memref<20480x128xf32, #tpu.memory_space<hbm>>
        tpu.wait_indirect_dma semaphore(%arg15 : memref<!tpu.dma_semaphore, #tpu.memory_space<semaphore_mem>>) src(%dma_wait3A_646 : memref<20480x128xf32, #tpu.memory_space<hbm>>) dst(%arg8 : memref<80x128xf32, #tpu.memory_space<vmem>>)
      } else {
      }
      %add3A_565 = arith.constant 3 : i32
      %add3A_566 = arith.addi %add3A_559, %add3A_565 : i32
      %lt3A_567 = arith.constant 250 : i32
      %lt3A_568 = arith.cmpi slt, %add3A_566, %lt3A_567 : i32
      %convert_element_type3A_569 = arith.extui %lt3A_568 : i1 to i32
      %cond3A_570 = arith.constant 0 : i32
      %cond3A_571 = arith.cmpi ne, %convert_element_type3A_569, %cond3A_570 : i32
      scf.if %cond3A_571 {
        %add3A_640 = arith.constant 3 : i32
        %add3A_641 = arith.addi %add3A_559, %add3A_640 : i32
        %mul3A_642 = arith.constant 80 : i32
        %mul3A_643 = arith.muli %add3A_641, %mul3A_642 : i32
        %add3A_644 = arith.addi %mul3A_0, %mul3A_643 : i32
        %dma_wait3A_645 = arith.constant 0 : i32
        %dma_wait3A_646 = arith.constant 0 : i32
        %dma_wait3A_647 = tpu.memref_slice %arg11[%dma_wait3A_645, %dma_wait3A_646] : memref<8x80xi32, #tpu.memory_space<vmem>> -> memref<1x80xi32, #tpu.memory_space<vmem>>
        %dma_wait3A_648 = tpu.memref_squeeze %dma_wait3A_647 : memref<1x80xi32, #tpu.memory_space<vmem>> -> memref<80xi32, #tpu.memory_space<vmem>>
        %dma_wait3A_649 = tpu.memref_slice %arg2[%add3A_644] : memref<320000xi32, #tpu.memory_space<hbm>> -> memref<80xi32, #tpu.memory_space<hbm>>
        %dma_wait3A_650 = arith.constant 0 : i32
        %dma_wait3A_651 = tpu.memref_slice %arg11[%dma_wait3A_645, %dma_wait3A_650] : memref<8x80xi32, #tpu.memory_space<vmem>> -> memref<1x80xi32, #tpu.memory_space<vmem>>
        %dma_wait3A_652 = tpu.memref_squeeze %dma_wait3A_651 : memref<1x80xi32, #tpu.memory_space<vmem>> -> memref<80xi32, #tpu.memory_space<vmem>>
        %dma_wait3A_653 = tpu.memref_slice %arg2[%add3A_644] : memref<320000xi32, #tpu.memory_space<hbm>> -> memref<80xi32, #tpu.memory_space<hbm>>
        tpu.wait_dma2 semaphore(%arg22 : memref<!tpu.dma_semaphore, #tpu.memory_space<semaphore_mem>>) src(%dma_wait3A_653 : memref<80xi32, #tpu.memory_space<hbm>>) dst(%dma_wait3A_652 : memref<80xi32, #tpu.memory_space<vmem>>)
        %dma_wait3A_654 = arith.constant 0 : i32
        %dma_wait3A_655 = arith.constant 0 : i32
        %dma_wait3A_656 = tpu.memref_slice %arg12[%dma_wait3A_654, %dma_wait3A_655] : memref<8x80xi32, #tpu.memory_space<vmem>> -> memref<1x80xi32, #tpu.memory_space<vmem>>
        %dma_wait3A_657 = tpu.memref_squeeze %dma_wait3A_656 : memref<1x80xi32, #tpu.memory_space<vmem>> -> memref<80xi32, #tpu.memory_space<vmem>>
        %dma_wait3A_658 = tpu.memref_slice %arg3[%add3A_644] : memref<320000xi32, #tpu.memory_space<hbm>> -> memref<80xi32, #tpu.memory_space<hbm>>
        %dma_wait3A_659 = arith.constant 0 : i32
        %dma_wait3A_660 = tpu.memref_slice %arg12[%dma_wait3A_654, %dma_wait3A_659] : memref<8x80xi32, #tpu.memory_space<vmem>> -> memref<1x80xi32, #tpu.memory_space<vmem>>
        %dma_wait3A_661 = tpu.memref_squeeze %dma_wait3A_660 : memref<1x80xi32, #tpu.memory_space<vmem>> -> memref<80xi32, #tpu.memory_space<vmem>>
        %dma_wait3A_662 = tpu.memref_slice %arg3[%add3A_644] : memref<320000xi32, #tpu.memory_space<hbm>> -> memref<80xi32, #tpu.memory_space<hbm>>
        tpu.wait_dma2 semaphore(%arg22 : memref<!tpu.dma_semaphore, #tpu.memory_space<semaphore_mem>>) src(%dma_wait3A_662 : memref<80xi32, #tpu.memory_space<hbm>>) dst(%dma_wait3A_661 : memref<80xi32, #tpu.memory_space<vmem>>)
        %get3A_663 = arith.constant 0 : i32
        %get3A_664 = arith.index_cast %get3A_663 : i32 to index
        %get3A_665 = arith.constant 0 : index
        %get3A_666 = tpu.vector_load %arg11[%get3A_664, %get3A_665] {strides = array<i32>} : memref<8x80xi32, #tpu.memory_space<vmem>>, vector<1x16xi32>,
        %get3A_667 = vector.shape_cast %get3A_666 : vector<1x16xi32> to vector<16xi32>
        %add3A_668 = vector.broadcast %mul3A_2 : i32 to vector<16xi32>
        %add3A_669 = arith.addi %get3A_667, %add3A_668 : vector<16xi32>
        %swap3A_670 = arith.constant 0 : i32
        %swap3A_671 = arith.index_cast %swap3A_670 : i32 to index
        %swap3A_672 = arith.constant 0 : index
        %swap3A_673 = tpu.vector_load %arg11[%swap3A_671, %swap3A_672] {strides = array<i32>} : memref<8x80xi32, #tpu.memory_space<vmem>>, vector<1x16xi32>,
        %swap3A_674 = vector.shape_cast %swap3A_673 : vector<1x16xi32> to vector<16xi32>
        %swap3A_675 = vector.shape_cast %add3A_669 : vector<16xi32> to vector<1x16xi32>
        tpu.vector_store %arg11[%swap3A_671, %swap3A_672], %swap3A_675 {strides = array<i32>} : memref<8x80xi32, #tpu.memory_space<vmem>>, vector<1x16xi32>,
        %get3A_676 = arith.constant 0 : i32
        %get3A_677 = arith.index_cast %get3A_676 : i32 to index
        %get3A_678 = arith.constant 16 : index
        %get3A_679 = tpu.vector_load %arg11[%get3A_677, %get3A_678] {strides = array<i32>} : memref<8x80xi32, #tpu.memory_space<vmem>>, vector<1x16xi32>,
        %get3A_680 = vector.shape_cast %get3A_679 : vector<1x16xi32> to vector<16xi32>
        %add3A_681 = vector.broadcast %mul3A_2 : i32 to vector<16xi32>
        %add3A_682 = arith.addi %get3A_680, %add3A_681 : vector<16xi32>
        %swap3A_683 = arith.constant 0 : i32
        %swap3A_684 = arith.index_cast %swap3A_683 : i32 to index
        %swap3A_685 = arith.constant 16 : index
        %swap3A_686 = tpu.vector_load %arg11[%swap3A_684, %swap3A_685] {strides = array<i32>} : memref<8x80xi32, #tpu.memory_space<vmem>>, vector<1x16xi32>,
        %swap3A_687 = vector.shape_cast %swap3A_686 : vector<1x16xi32> to vector<16xi32>
        %swap3A_688 = vector.shape_cast %add3A_682 : vector<16xi32> to vector<1x16xi32>
        tpu.vector_store %arg11[%swap3A_684, %swap3A_685], %swap3A_688 {strides = array<i32>} : memref<8x80xi32, #tpu.memory_space<vmem>>, vector<1x16xi32>,
        %get3A_689 = arith.constant 0 : i32
        %get3A_690 = arith.index_cast %get3A_689 : i32 to index
        %get3A_691 = arith.constant 32 : index
        %get3A_692 = tpu.vector_load %arg11[%get3A_690, %get3A_691] {strides = array<i32>} : memref<8x80xi32, #tpu.memory_space<vmem>>, vector<1x16xi32>,
        %get3A_693 = vector.shape_cast %get3A_692 : vector<1x16xi32> to vector<16xi32>
        %add3A_694 = vector.broadcast %mul3A_2 : i32 to vector<16xi32>
        %add3A_695 = arith.addi %get3A_693, %add3A_694 : vector<16xi32>
        %swap3A_696 = arith.constant 0 : i32
        %swap3A_697 = arith.index_cast %swap3A_696 : i32 to index
        %swap3A_698 = arith.constant 32 : index
        %swap3A_699 = tpu.vector_load %arg11[%swap3A_697, %swap3A_698] {strides = array<i32>} : memref<8x80xi32, #tpu.memory_space<vmem>>, vector<1x16xi32>,
        %swap3A_700 = vector.shape_cast %swap3A_699 : vector<1x16xi32> to vector<16xi32>
        %swap3A_701 = vector.shape_cast %add3A_695 : vector<16xi32> to vector<1x16xi32>
        tpu.vector_store %arg11[%swap3A_697, %swap3A_698], %swap3A_701 {strides = array<i32>} : memref<8x80xi32, #tpu.memory_space<vmem>>, vector<1x16xi32>,
        %get3A_702 = arith.constant 0 : i32
        %get3A_703 = arith.index_cast %get3A_702 : i32 to index
        %get3A_704 = arith.constant 48 : index
        %get3A_705 = tpu.vector_load %arg11[%get3A_703, %get3A_704] {strides = array<i32>} : memref<8x80xi32, #tpu.memory_space<vmem>>, vector<1x16xi32>,
        %get3A_706 = vector.shape_cast %get3A_705 : vector<1x16xi32> to vector<16xi32>
        %add3A_707 = vector.broadcast %mul3A_2 : i32 to vector<16xi32>
        %add3A_708 = arith.addi %get3A_706, %add3A_707 : vector<16xi32>
        %swap3A_709 = arith.constant 0 : i32
        %swap3A_710 = arith.index_cast %swap3A_709 : i32 to index
        %swap3A_711 = arith.constant 48 : index
        %swap3A_712 = tpu.vector_load %arg11[%swap3A_710, %swap3A_711] {strides = array<i32>} : memref<8x80xi32, #tpu.memory_space<vmem>>, vector<1x16xi32>,
        %swap3A_713 = vector.shape_cast %swap3A_712 : vector<1x16xi32> to vector<16xi32>
        %swap3A_714 = vector.shape_cast %add3A_708 : vector<16xi32> to vector<1x16xi32>
        tpu.vector_store %arg11[%swap3A_710, %swap3A_711], %swap3A_714 {strides = array<i32>} : memref<8x80xi32, #tpu.memory_space<vmem>>, vector<1x16xi32>,
        %get3A_715 = arith.constant 0 : i32
        %get3A_716 = arith.index_cast %get3A_715 : i32 to index
        %get3A_717 = arith.constant 64 : index
        %get3A_718 = tpu.vector_load %arg11[%get3A_716, %get3A_717] {strides = array<i32>} : memref<8x80xi32, #tpu.memory_space<vmem>>, vector<1x16xi32>,
        %get3A_719 = vector.shape_cast %get3A_718 : vector<1x16xi32> to vector<16xi32>
        %add3A_720 = vector.broadcast %mul3A_2 : i32 to vector<16xi32>
        %add3A_721 = arith.addi %get3A_719, %add3A_720 : vector<16xi32>
        %swap3A_722 = arith.constant 0 : i32
        %swap3A_723 = arith.index_cast %swap3A_722 : i32 to index
        %swap3A_724 = arith.constant 64 : index
        %swap3A_725 = tpu.vector_load %arg11[%swap3A_723, %swap3A_724] {strides = array<i32>} : memref<8x80xi32, #tpu.memory_space<vmem>>, vector<1x16xi32>,
        %swap3A_726 = vector.shape_cast %swap3A_725 : vector<1x16xi32> to vector<16xi32>
        %swap3A_727 = vector.shape_cast %add3A_721 : vector<16xi32> to vector<1x16xi32>
        tpu.vector_store %arg11[%swap3A_723, %swap3A_724], %swap3A_727 {strides = array<i32>} : memref<8x80xi32, #tpu.memory_space<vmem>>, vector<1x16xi32>,
        %dma_start3A_728 = arith.constant 0 : i32
        %dma_start3A_729 = arith.constant 0 : i32
        %dma_start3A_730 = tpu.memref_slice %arg11[%dma_start3A_728, %dma_start3A_729] : memref<8x80xi32, #tpu.memory_space<vmem>> -> memref<1x80xi32, #tpu.memory_space<vmem>>
        %dma_start3A_731 = tpu.memref_squeeze %dma_start3A_730 : memref<1x80xi32, #tpu.memory_space<vmem>> -> memref<80xi32, #tpu.memory_space<vmem>>
        %dma_start3A_732 = arith.constant 0 : i32
        %dma_start3A_733 = arith.constant 0 : i32
        %dma_start3A_734 = tpu.memref_slice %arg4[%dma_start3A_732, %dma_start3A_733] : memref<20480x128xf32, #tpu.memory_space<hbm>> -> memref<20480x128xf32, #tpu.memory_space<hbm>>
        tpu.enqueue_indirect_dma source(%dma_start3A_734 : memref<20480x128xf32, #tpu.memory_space<hbm>>) target(%arg7 : memref<80x128xf32, #tpu.memory_space<vmem>>) offsets(%dma_start3A_731 : memref<80xi32, #tpu.memory_space<vmem>>) semaphore(%arg14 : memref<!tpu.dma_semaphore, #tpu.memory_space<semaphore_mem>>)
      } else {
      }
      %lt3A_572 = arith.constant 250 : i32
      %lt3A_573 = arith.cmpi slt, %add3A_559, %lt3A_572 : i32
      %convert_element_type3A_574 = arith.extui %lt3A_573 : i1 to i32
      %cond3A_575 = arith.constant 0 : i32
      %cond3A_576 = arith.cmpi ne, %convert_element_type3A_574, %cond3A_575 : i32
      scf.if %cond3A_576 {
        %run_scoped3A = arith.constant 5 : i32
        "tpu.region"() ({
          %run_scoped3A_640 = tpu.sem_alloc : memref<!tpu.dma_semaphore, #tpu.memory_space<semaphore_mem>>
          %dma_start3A_641 = arith.constant 0 : i32
          %dma_start3A_642 = tpu.memref_slice %arg12[%run_scoped3A, %dma_start3A_641] : memref<8x80xi32, #tpu.memory_space<vmem>> -> memref<1x80xi32, #tpu.memory_space<vmem>>
          %dma_start3A_643 = tpu.memref_squeeze %dma_start3A_642 : memref<1x80xi32, #tpu.memory_space<vmem>> -> memref<80xi32, #tpu.memory_space<vmem>>
          %dma_start3A_644 = arith.constant 0 : i32
          %dma_start3A_645 = arith.constant 0 : i32
          %dma_start3A_646 = tpu.memref_slice %arg6[%dma_start3A_644, %dma_start3A_645] : memref<10240x128xf32, #tpu.memory_space<vmem_shared>> -> memref<10240x128xf32, #tpu.memory_space<vmem_shared>>
          tpu.enqueue_indirect_dma source(%arg8 : memref<80x128xf32, #tpu.memory_space<vmem>>) target(%dma_start3A_646 : memref<10240x128xf32, #tpu.memory_space<vmem_shared>>) offsets(%dma_start3A_643 : memref<80xi32, #tpu.memory_space<vmem>>) semaphore(%run_scoped3A_640 : memref<!tpu.dma_semaphore, #tpu.memory_space<semaphore_mem>>) {add = true}
          %dma_wait3A_647 = arith.constant 0 : i32
          %dma_wait3A_648 = tpu.memref_slice %arg12[%run_scoped3A, %dma_wait3A_647] : memref<8x80xi32, #tpu.memory_space<vmem>> -> memref<1x80xi32, #tpu.memory_space<vmem>>
          %dma_wait3A_649 = tpu.memref_squeeze %dma_wait3A_648 : memref<1x80xi32, #tpu.memory_space<vmem>> -> memref<80xi32, #tpu.memory_space<vmem>>
          %dma_wait3A_650 = arith.constant 0 : i32
          %dma_wait3A_651 = arith.constant 0 : i32
          %dma_wait3A_652 = tpu.memref_slice %arg6[%dma_wait3A_650, %dma_wait3A_651] : memref<10240x128xf32, #tpu.memory_space<vmem_shared>> -> memref<10240x128xf32, #tpu.memory_space<vmem_shared>>
          tpu.wait_indirect_dma semaphore(%run_scoped3A_640 : memref<!tpu.dma_semaphore, #tpu.memory_space<semaphore_mem>>) src(%arg8 : memref<80x128xf32, #tpu.memory_space<vmem>>) dst(%dma_wait3A_652 : memref<10240x128xf32, #tpu.memory_space<vmem_shared>>)
          tpu.yield
        }) : () -> ()
      } else {
      }
      %add3A_577 = arith.constant 6 : i32
      %add3A_578 = arith.addi %add3A_559, %add3A_577 : i32
      %lt3A_579 = arith.constant 250 : i32
      %lt3A_580 = arith.cmpi slt, %add3A_578, %lt3A_579 : i32
      %convert_element_type3A_581 = arith.extui %lt3A_580 : i1 to i32
      %cond3A_582 = arith.constant 0 : i32
      %cond3A_583 = arith.cmpi ne, %convert_element_type3A_581, %cond3A_582 : i32
      scf.if %cond3A_583 {
        %add3A_640 = arith.constant 6 : i32
        %add3A_641 = arith.addi %add3A_559, %add3A_640 : i32
        %mul3A_642 = arith.constant 80 : i32
        %mul3A_643 = arith.muli %add3A_641, %mul3A_642 : i32
        %add3A_644 = arith.addi %mul3A_0, %mul3A_643 : i32
        %dma_start3A_645 = arith.constant 3 : i32
        %dma_start3A_646 = arith.constant 0 : i32
        %dma_start3A_647 = tpu.memref_slice %arg11[%dma_start3A_645, %dma_start3A_646] : memref<8x80xi32, #tpu.memory_space<vmem>> -> memref<1x80xi32, #tpu.memory_space<vmem>>
        %dma_start3A_648 = tpu.memref_squeeze %dma_start3A_647 : memref<1x80xi32, #tpu.memory_space<vmem>> -> memref<80xi32, #tpu.memory_space<vmem>>
        %dma_start3A_649 = tpu.memref_slice %arg2[%add3A_644] : memref<320000xi32, #tpu.memory_space<hbm>> -> memref<80xi32, #tpu.memory_space<hbm>>
        %dma_start3A_650 = arith.constant 0 : i32
        %dma_start3A_651 = tpu.memref_slice %arg11[%dma_start3A_645, %dma_start3A_650] : memref<8x80xi32, #tpu.memory_space<vmem>> -> memref<1x80xi32, #tpu.memory_space<vmem>>
        %dma_start3A_652 = tpu.memref_squeeze %dma_start3A_651 : memref<1x80xi32, #tpu.memory_space<vmem>> -> memref<80xi32, #tpu.memory_space<vmem>>
        %dma_start3A_653 = tpu.memref_slice %arg2[%add3A_644] : memref<320000xi32, #tpu.memory_space<hbm>> -> memref<80xi32, #tpu.memory_space<hbm>>
        tpu.enqueue_dma source(%dma_start3A_653 : memref<80xi32, #tpu.memory_space<hbm>>) target(%dma_start3A_652 : memref<80xi32, #tpu.memory_space<vmem>>) target_semaphore(%arg25 : memref<!tpu.dma_semaphore, #tpu.memory_space<semaphore_mem>>)
        %dma_start3A_654 = arith.constant 3 : i32
        %dma_start3A_655 = arith.constant 0 : i32
        %dma_start3A_656 = tpu.memref_slice %arg12[%dma_start3A_654, %dma_start3A_655] : memref<8x80xi32, #tpu.memory_space<vmem>> -> memref<1x80xi32, #tpu.memory_space<vmem>>
        %dma_start3A_657 = tpu.memref_squeeze %dma_start3A_656 : memref<1x80xi32, #tpu.memory_space<vmem>> -> memref<80xi32, #tpu.memory_space<vmem>>
        %dma_start3A_658 = tpu.memref_slice %arg3[%add3A_644] : memref<320000xi32, #tpu.memory_space<hbm>> -> memref<80xi32, #tpu.memory_space<hbm>>
        %dma_start3A_659 = arith.constant 0 : i32
        %dma_start3A_660 = tpu.memref_slice %arg12[%dma_start3A_654, %dma_start3A_659] : memref<8x80xi32, #tpu.memory_space<vmem>> -> memref<1x80xi32, #tpu.memory_space<vmem>>
        %dma_start3A_661 = tpu.memref_squeeze %dma_start3A_660 : memref<1x80xi32, #tpu.memory_space<vmem>> -> memref<80xi32, #tpu.memory_space<vmem>>
        %dma_start3A_662 = tpu.memref_slice %arg3[%add3A_644] : memref<320000xi32, #tpu.memory_space<hbm>> -> memref<80xi32, #tpu.memory_space<hbm>>
        tpu.enqueue_dma source(%dma_start3A_662 : memref<80xi32, #tpu.memory_space<hbm>>) target(%dma_start3A_661 : memref<80xi32, #tpu.memory_space<vmem>>) target_semaphore(%arg25 : memref<!tpu.dma_semaphore, #tpu.memory_space<semaphore_mem>>)
      } else {
      }
      %mul3A_584 = arith.constant 8 : i32
      %mul3A_585 = arith.muli %scan3A_418, %mul3A_584 : i32
      %add3A_586 = arith.constant 6 : i32
      %add3A_587 = arith.addi %mul3A_585, %add3A_586 : i32
      %lt3A_588 = arith.constant 250 : i32
      %lt3A_589 = arith.cmpi slt, %add3A_587, %lt3A_588 : i32
      %convert_element_type3A_590 = arith.extui %lt3A_589 : i1 to i32
      %cond3A_591 = arith.constant 0 : i32
      %cond3A_592 = arith.cmpi ne, %convert_element_type3A_590, %cond3A_591 : i32
      scf.if %cond3A_592 {
        %dma_wait3A_640 = arith.constant 6 : i32
        %dma_wait3A_641 = arith.constant 0 : i32
        %dma_wait3A_642 = tpu.memref_slice %arg11[%dma_wait3A_640, %dma_wait3A_641] : memref<8x80xi32, #tpu.memory_space<vmem>> -> memref<1x80xi32, #tpu.memory_space<vmem>>
        %dma_wait3A_643 = tpu.memref_squeeze %dma_wait3A_642 : memref<1x80xi32, #tpu.memory_space<vmem>> -> memref<80xi32, #tpu.memory_space<vmem>>
        %dma_wait3A_644 = arith.constant 0 : i32
        %dma_wait3A_645 = arith.constant 0 : i32
        %dma_wait3A_646 = tpu.memref_slice %arg4[%dma_wait3A_644, %dma_wait3A_645] : memref<20480x128xf32, #tpu.memory_space<hbm>> -> memref<20480x128xf32, #tpu.memory_space<hbm>>
        tpu.wait_indirect_dma semaphore(%arg16 : memref<!tpu.dma_semaphore, #tpu.memory_space<semaphore_mem>>) src(%dma_wait3A_646 : memref<20480x128xf32, #tpu.memory_space<hbm>>) dst(%arg9 : memref<80x128xf32, #tpu.memory_space<vmem>>)
      } else {
      }
      %add3A_593 = arith.constant 3 : i32
      %add3A_594 = arith.addi %add3A_587, %add3A_593 : i32
      %lt3A_595 = arith.constant 250 : i32
      %lt3A_596 = arith.cmpi slt, %add3A_594, %lt3A_595 : i32
      %convert_element_type3A_597 = arith.extui %lt3A_596 : i1 to i32
      %cond3A_598 = arith.constant 0 : i32
      %cond3A_599 = arith.cmpi ne, %convert_element_type3A_597, %cond3A_598 : i32
      scf.if %cond3A_599 {
        %add3A_640 = arith.constant 3 : i32
        %add3A_641 = arith.addi %add3A_587, %add3A_640 : i32
        %mul3A_642 = arith.constant 80 : i32
        %mul3A_643 = arith.muli %add3A_641, %mul3A_642 : i32
        %add3A_644 = arith.addi %mul3A_0, %mul3A_643 : i32
        %dma_wait3A_645 = arith.constant 1 : i32
        %dma_wait3A_646 = arith.constant 0 : i32
        %dma_wait3A_647 = tpu.memref_slice %arg11[%dma_wait3A_645, %dma_wait3A_646] : memref<8x80xi32, #tpu.memory_space<vmem>> -> memref<1x80xi32, #tpu.memory_space<vmem>>
        %dma_wait3A_648 = tpu.memref_squeeze %dma_wait3A_647 : memref<1x80xi32, #tpu.memory_space<vmem>> -> memref<80xi32, #tpu.memory_space<vmem>>
        %dma_wait3A_649 = tpu.memref_slice %arg2[%add3A_644] : memref<320000xi32, #tpu.memory_space<hbm>> -> memref<80xi32, #tpu.memory_space<hbm>>
        %dma_wait3A_650 = arith.constant 0 : i32
        %dma_wait3A_651 = tpu.memref_slice %arg11[%dma_wait3A_645, %dma_wait3A_650] : memref<8x80xi32, #tpu.memory_space<vmem>> -> memref<1x80xi32, #tpu.memory_space<vmem>>
        %dma_wait3A_652 = tpu.memref_squeeze %dma_wait3A_651 : memref<1x80xi32, #tpu.memory_space<vmem>> -> memref<80xi32, #tpu.memory_space<vmem>>
        %dma_wait3A_653 = tpu.memref_slice %arg2[%add3A_644] : memref<320000xi32, #tpu.memory_space<hbm>> -> memref<80xi32, #tpu.memory_space<hbm>>
        tpu.wait_dma2 semaphore(%arg23 : memref<!tpu.dma_semaphore, #tpu.memory_space<semaphore_mem>>) src(%dma_wait3A_653 : memref<80xi32, #tpu.memory_space<hbm>>) dst(%dma_wait3A_652 : memref<80xi32, #tpu.memory_space<vmem>>)
        %dma_wait3A_654 = arith.constant 1 : i32
        %dma_wait3A_655 = arith.constant 0 : i32
        %dma_wait3A_656 = tpu.memref_slice %arg12[%dma_wait3A_654, %dma_wait3A_655] : memref<8x80xi32, #tpu.memory_space<vmem>> -> memref<1x80xi32, #tpu.memory_space<vmem>>
        %dma_wait3A_657 = tpu.memref_squeeze %dma_wait3A_656 : memref<1x80xi32, #tpu.memory_space<vmem>> -> memref<80xi32, #tpu.memory_space<vmem>>
        %dma_wait3A_658 = tpu.memref_slice %arg3[%add3A_644] : memref<320000xi32, #tpu.memory_space<hbm>> -> memref<80xi32, #tpu.memory_space<hbm>>
        %dma_wait3A_659 = arith.constant 0 : i32
        %dma_wait3A_660 = tpu.memref_slice %arg12[%dma_wait3A_654, %dma_wait3A_659] : memref<8x80xi32, #tpu.memory_space<vmem>> -> memref<1x80xi32, #tpu.memory_space<vmem>>
        %dma_wait3A_661 = tpu.memref_squeeze %dma_wait3A_660 : memref<1x80xi32, #tpu.memory_space<vmem>> -> memref<80xi32, #tpu.memory_space<vmem>>
        %dma_wait3A_662 = tpu.memref_slice %arg3[%add3A_644] : memref<320000xi32, #tpu.memory_space<hbm>> -> memref<80xi32, #tpu.memory_space<hbm>>
        tpu.wait_dma2 semaphore(%arg23 : memref<!tpu.dma_semaphore, #tpu.memory_space<semaphore_mem>>) src(%dma_wait3A_662 : memref<80xi32, #tpu.memory_space<hbm>>) dst(%dma_wait3A_661 : memref<80xi32, #tpu.memory_space<vmem>>)
        %get3A_663 = arith.constant 1 : i32
        %get3A_664 = arith.index_cast %get3A_663 : i32 to index
        %get3A_665 = arith.constant 0 : index
        %get3A_666 = tpu.vector_load %arg11[%get3A_664, %get3A_665] {strides = array<i32>} : memref<8x80xi32, #tpu.memory_space<vmem>>, vector<1x16xi32>,
        %get3A_667 = vector.shape_cast %get3A_666 : vector<1x16xi32> to vector<16xi32>
        %add3A_668 = vector.broadcast %mul3A_2 : i32 to vector<16xi32>
        %add3A_669 = arith.addi %get3A_667, %add3A_668 : vector<16xi32>
        %swap3A_670 = arith.constant 1 : i32
        %swap3A_671 = arith.index_cast %swap3A_670 : i32 to index
        %swap3A_672 = arith.constant 0 : index
        %swap3A_673 = tpu.vector_load %arg11[%swap3A_671, %swap3A_672] {strides = array<i32>} : memref<8x80xi32, #tpu.memory_space<vmem>>, vector<1x16xi32>,
        %swap3A_674 = vector.shape_cast %swap3A_673 : vector<1x16xi32> to vector<16xi32>
        %swap3A_675 = vector.shape_cast %add3A_669 : vector<16xi32> to vector<1x16xi32>
        tpu.vector_store %arg11[%swap3A_671, %swap3A_672], %swap3A_675 {strides = array<i32>} : memref<8x80xi32, #tpu.memory_space<vmem>>, vector<1x16xi32>,
        %get3A_676 = arith.constant 1 : i32
        %get3A_677 = arith.index_cast %get3A_676 : i32 to index
        %get3A_678 = arith.constant 16 : index
        %get3A_679 = tpu.vector_load %arg11[%get3A_677, %get3A_678] {strides = array<i32>} : memref<8x80xi32, #tpu.memory_space<vmem>>, vector<1x16xi32>,
        %get3A_680 = vector.shape_cast %get3A_679 : vector<1x16xi32> to vector<16xi32>
        %add3A_681 = vector.broadcast %mul3A_2 : i32 to vector<16xi32>
        %add3A_682 = arith.addi %get3A_680, %add3A_681 : vector<16xi32>
        %swap3A_683 = arith.constant 1 : i32
        %swap3A_684 = arith.index_cast %swap3A_683 : i32 to index
        %swap3A_685 = arith.constant 16 : index
        %swap3A_686 = tpu.vector_load %arg11[%swap3A_684, %swap3A_685] {strides = array<i32>} : memref<8x80xi32, #tpu.memory_space<vmem>>, vector<1x16xi32>,
        %swap3A_687 = vector.shape_cast %swap3A_686 : vector<1x16xi32> to vector<16xi32>
        %swap3A_688 = vector.shape_cast %add3A_682 : vector<16xi32> to vector<1x16xi32>
        tpu.vector_store %arg11[%swap3A_684, %swap3A_685], %swap3A_688 {strides = array<i32>} : memref<8x80xi32, #tpu.memory_space<vmem>>, vector<1x16xi32>,
        %get3A_689 = arith.constant 1 : i32
        %get3A_690 = arith.index_cast %get3A_689 : i32 to index
        %get3A_691 = arith.constant 32 : index
        %get3A_692 = tpu.vector_load %arg11[%get3A_690, %get3A_691] {strides = array<i32>} : memref<8x80xi32, #tpu.memory_space<vmem>>, vector<1x16xi32>,
        %get3A_693 = vector.shape_cast %get3A_692 : vector<1x16xi32> to vector<16xi32>
        %add3A_694 = vector.broadcast %mul3A_2 : i32 to vector<16xi32>
        %add3A_695 = arith.addi %get3A_693, %add3A_694 : vector<16xi32>
        %swap3A_696 = arith.constant 1 : i32
        %swap3A_697 = arith.index_cast %swap3A_696 : i32 to index
        %swap3A_698 = arith.constant 32 : index
        %swap3A_699 = tpu.vector_load %arg11[%swap3A_697, %swap3A_698] {strides = array<i32>} : memref<8x80xi32, #tpu.memory_space<vmem>>, vector<1x16xi32>,
        %swap3A_700 = vector.shape_cast %swap3A_699 : vector<1x16xi32> to vector<16xi32>
        %swap3A_701 = vector.shape_cast %add3A_695 : vector<16xi32> to vector<1x16xi32>
        tpu.vector_store %arg11[%swap3A_697, %swap3A_698], %swap3A_701 {strides = array<i32>} : memref<8x80xi32, #tpu.memory_space<vmem>>, vector<1x16xi32>,
        %get3A_702 = arith.constant 1 : i32
        %get3A_703 = arith.index_cast %get3A_702 : i32 to index
        %get3A_704 = arith.constant 48 : index
        %get3A_705 = tpu.vector_load %arg11[%get3A_703, %get3A_704] {strides = array<i32>} : memref<8x80xi32, #tpu.memory_space<vmem>>, vector<1x16xi32>,
        %get3A_706 = vector.shape_cast %get3A_705 : vector<1x16xi32> to vector<16xi32>
        %add3A_707 = vector.broadcast %mul3A_2 : i32 to vector<16xi32>
        %add3A_708 = arith.addi %get3A_706, %add3A_707 : vector<16xi32>
        %swap3A_709 = arith.constant 1 : i32
        %swap3A_710 = arith.index_cast %swap3A_709 : i32 to index
        %swap3A_711 = arith.constant 48 : index
        %swap3A_712 = tpu.vector_load %arg11[%swap3A_710, %swap3A_711] {strides = array<i32>} : memref<8x80xi32, #tpu.memory_space<vmem>>, vector<1x16xi32>,
        %swap3A_713 = vector.shape_cast %swap3A_712 : vector<1x16xi32> to vector<16xi32>
        %swap3A_714 = vector.shape_cast %add3A_708 : vector<16xi32> to vector<1x16xi32>
        tpu.vector_store %arg11[%swap3A_710, %swap3A_711], %swap3A_714 {strides = array<i32>} : memref<8x80xi32, #tpu.memory_space<vmem>>, vector<1x16xi32>,
        %get3A_715 = arith.constant 1 : i32
        %get3A_716 = arith.index_cast %get3A_715 : i32 to index
        %get3A_717 = arith.constant 64 : index
        %get3A_718 = tpu.vector_load %arg11[%get3A_716, %get3A_717] {strides = array<i32>} : memref<8x80xi32, #tpu.memory_space<vmem>>, vector<1x16xi32>,
        %get3A_719 = vector.shape_cast %get3A_718 : vector<1x16xi32> to vector<16xi32>
        %add3A_720 = vector.broadcast %mul3A_2 : i32 to vector<16xi32>
        %add3A_721 = arith.addi %get3A_719, %add3A_720 : vector<16xi32>
        %swap3A_722 = arith.constant 1 : i32
        %swap3A_723 = arith.index_cast %swap3A_722 : i32 to index
        %swap3A_724 = arith.constant 64 : index
        %swap3A_725 = tpu.vector_load %arg11[%swap3A_723, %swap3A_724] {strides = array<i32>} : memref<8x80xi32, #tpu.memory_space<vmem>>, vector<1x16xi32>,
        %swap3A_726 = vector.shape_cast %swap3A_725 : vector<1x16xi32> to vector<16xi32>
        %swap3A_727 = vector.shape_cast %add3A_721 : vector<16xi32> to vector<1x16xi32>
        tpu.vector_store %arg11[%swap3A_723, %swap3A_724], %swap3A_727 {strides = array<i32>} : memref<8x80xi32, #tpu.memory_space<vmem>>, vector<1x16xi32>,
        %dma_start3A_728 = arith.constant 1 : i32
        %dma_start3A_729 = arith.constant 0 : i32
        %dma_start3A_730 = tpu.memref_slice %arg11[%dma_start3A_728, %dma_start3A_729] : memref<8x80xi32, #tpu.memory_space<vmem>> -> memref<1x80xi32, #tpu.memory_space<vmem>>
        %dma_start3A_731 = tpu.memref_squeeze %dma_start3A_730 : memref<1x80xi32, #tpu.memory_space<vmem>> -> memref<80xi32, #tpu.memory_space<vmem>>
        %dma_start3A_732 = arith.constant 0 : i32
        %dma_start3A_733 = arith.constant 0 : i32
        %dma_start3A_734 = tpu.memref_slice %arg4[%dma_start3A_732, %dma_start3A_733] : memref<20480x128xf32, #tpu.memory_space<hbm>> -> memref<20480x128xf32, #tpu.memory_space<hbm>>
        tpu.enqueue_indirect_dma source(%dma_start3A_734 : memref<20480x128xf32, #tpu.memory_space<hbm>>) target(%arg8 : memref<80x128xf32, #tpu.memory_space<vmem>>) offsets(%dma_start3A_731 : memref<80xi32, #tpu.memory_space<vmem>>) semaphore(%arg15 : memref<!tpu.dma_semaphore, #tpu.memory_space<semaphore_mem>>)
      } else {
      }
      %lt3A_600 = arith.constant 250 : i32
      %lt3A_601 = arith.cmpi slt, %add3A_587, %lt3A_600 : i32
      %convert_element_type3A_602 = arith.extui %lt3A_601 : i1 to i32
      %cond3A_603 = arith.constant 0 : i32
      %cond3A_604 = arith.cmpi ne, %convert_element_type3A_602, %cond3A_603 : i32
      scf.if %cond3A_604 {
        %run_scoped3A = arith.constant 6 : i32
        "tpu.region"() ({
          %run_scoped3A_640 = tpu.sem_alloc : memref<!tpu.dma_semaphore, #tpu.memory_space<semaphore_mem>>
          %dma_start3A_641 = arith.constant 0 : i32
          %dma_start3A_642 = tpu.memref_slice %arg12[%run_scoped3A, %dma_start3A_641] : memref<8x80xi32, #tpu.memory_space<vmem>> -> memref<1x80xi32, #tpu.memory_space<vmem>>
          %dma_start3A_643 = tpu.memref_squeeze %dma_start3A_642 : memref<1x80xi32, #tpu.memory_space<vmem>> -> memref<80xi32, #tpu.memory_space<vmem>>
          %dma_start3A_644 = arith.constant 0 : i32
          %dma_start3A_645 = arith.constant 0 : i32
          %dma_start3A_646 = tpu.memref_slice %arg6[%dma_start3A_644, %dma_start3A_645] : memref<10240x128xf32, #tpu.memory_space<vmem_shared>> -> memref<10240x128xf32, #tpu.memory_space<vmem_shared>>
          tpu.enqueue_indirect_dma source(%arg9 : memref<80x128xf32, #tpu.memory_space<vmem>>) target(%dma_start3A_646 : memref<10240x128xf32, #tpu.memory_space<vmem_shared>>) offsets(%dma_start3A_643 : memref<80xi32, #tpu.memory_space<vmem>>) semaphore(%run_scoped3A_640 : memref<!tpu.dma_semaphore, #tpu.memory_space<semaphore_mem>>) {add = true}
          %dma_wait3A_647 = arith.constant 0 : i32
          %dma_wait3A_648 = tpu.memref_slice %arg12[%run_scoped3A, %dma_wait3A_647] : memref<8x80xi32, #tpu.memory_space<vmem>> -> memref<1x80xi32, #tpu.memory_space<vmem>>
          %dma_wait3A_649 = tpu.memref_squeeze %dma_wait3A_648 : memref<1x80xi32, #tpu.memory_space<vmem>> -> memref<80xi32, #tpu.memory_space<vmem>>
          %dma_wait3A_650 = arith.constant 0 : i32
          %dma_wait3A_651 = arith.constant 0 : i32
          %dma_wait3A_652 = tpu.memref_slice %arg6[%dma_wait3A_650, %dma_wait3A_651] : memref<10240x128xf32, #tpu.memory_space<vmem_shared>> -> memref<10240x128xf32, #tpu.memory_space<vmem_shared>>
          tpu.wait_indirect_dma semaphore(%run_scoped3A_640 : memref<!tpu.dma_semaphore, #tpu.memory_space<semaphore_mem>>) src(%arg9 : memref<80x128xf32, #tpu.memory_space<vmem>>) dst(%dma_wait3A_652 : memref<10240x128xf32, #tpu.memory_space<vmem_shared>>)
          tpu.yield
        }) : () -> ()
      } else {
      }
      %add3A_605 = arith.constant 6 : i32
      %add3A_606 = arith.addi %add3A_587, %add3A_605 : i32
      %lt3A_607 = arith.constant 250 : i32
      %lt3A_608 = arith.cmpi slt, %add3A_606, %lt3A_607 : i32
      %convert_element_type3A_609 = arith.extui %lt3A_608 : i1 to i32
      %cond3A_610 = arith.constant 0 : i32
      %cond3A_611 = arith.cmpi ne, %convert_element_type3A_609, %cond3A_610 : i32
      scf.if %cond3A_611 {
        %add3A_640 = arith.constant 6 : i32
        %add3A_641 = arith.addi %add3A_587, %add3A_640 : i32
        %mul3A_642 = arith.constant 80 : i32
        %mul3A_643 = arith.muli %add3A_641, %mul3A_642 : i32
        %add3A_644 = arith.addi %mul3A_0, %mul3A_643 : i32
        %dma_start3A_645 = arith.constant 4 : i32
        %dma_start3A_646 = arith.constant 0 : i32
        %dma_start3A_647 = tpu.memref_slice %arg11[%dma_start3A_645, %dma_start3A_646] : memref<8x80xi32, #tpu.memory_space<vmem>> -> memref<1x80xi32, #tpu.memory_space<vmem>>
        %dma_start3A_648 = tpu.memref_squeeze %dma_start3A_647 : memref<1x80xi32, #tpu.memory_space<vmem>> -> memref<80xi32, #tpu.memory_space<vmem>>
        %dma_start3A_649 = tpu.memref_slice %arg2[%add3A_644] : memref<320000xi32, #tpu.memory_space<hbm>> -> memref<80xi32, #tpu.memory_space<hbm>>
        %dma_start3A_650 = arith.constant 0 : i32
        %dma_start3A_651 = tpu.memref_slice %arg11[%dma_start3A_645, %dma_start3A_650] : memref<8x80xi32, #tpu.memory_space<vmem>> -> memref<1x80xi32, #tpu.memory_space<vmem>>
        %dma_start3A_652 = tpu.memref_squeeze %dma_start3A_651 : memref<1x80xi32, #tpu.memory_space<vmem>> -> memref<80xi32, #tpu.memory_space<vmem>>
        %dma_start3A_653 = tpu.memref_slice %arg2[%add3A_644] : memref<320000xi32, #tpu.memory_space<hbm>> -> memref<80xi32, #tpu.memory_space<hbm>>
        tpu.enqueue_dma source(%dma_start3A_653 : memref<80xi32, #tpu.memory_space<hbm>>) target(%dma_start3A_652 : memref<80xi32, #tpu.memory_space<vmem>>) target_semaphore(%arg26 : memref<!tpu.dma_semaphore, #tpu.memory_space<semaphore_mem>>)
        %dma_start3A_654 = arith.constant 4 : i32
        %dma_start3A_655 = arith.constant 0 : i32
        %dma_start3A_656 = tpu.memref_slice %arg12[%dma_start3A_654, %dma_start3A_655] : memref<8x80xi32, #tpu.memory_space<vmem>> -> memref<1x80xi32, #tpu.memory_space<vmem>>
        %dma_start3A_657 = tpu.memref_squeeze %dma_start3A_656 : memref<1x80xi32, #tpu.memory_space<vmem>> -> memref<80xi32, #tpu.memory_space<vmem>>
        %dma_start3A_658 = tpu.memref_slice %arg3[%add3A_644] : memref<320000xi32, #tpu.memory_space<hbm>> -> memref<80xi32, #tpu.memory_space<hbm>>
        %dma_start3A_659 = arith.constant 0 : i32
        %dma_start3A_660 = tpu.memref_slice %arg12[%dma_start3A_654, %dma_start3A_659] : memref<8x80xi32, #tpu.memory_space<vmem>> -> memref<1x80xi32, #tpu.memory_space<vmem>>
        %dma_start3A_661 = tpu.memref_squeeze %dma_start3A_660 : memref<1x80xi32, #tpu.memory_space<vmem>> -> memref<80xi32, #tpu.memory_space<vmem>>
        %dma_start3A_662 = tpu.memref_slice %arg3[%add3A_644] : memref<320000xi32, #tpu.memory_space<hbm>> -> memref<80xi32, #tpu.memory_space<hbm>>
        tpu.enqueue_dma source(%dma_start3A_662 : memref<80xi32, #tpu.memory_space<hbm>>) target(%dma_start3A_661 : memref<80xi32, #tpu.memory_space<vmem>>) target_semaphore(%arg26 : memref<!tpu.dma_semaphore, #tpu.memory_space<semaphore_mem>>)
      } else {
      }
      %mul3A_612 = arith.constant 8 : i32
      %mul3A_613 = arith.muli %scan3A_418, %mul3A_612 : i32
      %add3A_614 = arith.constant 7 : i32
      %add3A_615 = arith.addi %mul3A_613, %add3A_614 : i32
      %lt3A_616 = arith.constant 250 : i32
      %lt3A_617 = arith.cmpi slt, %add3A_615, %lt3A_616 : i32
      %convert_element_type3A_618 = arith.extui %lt3A_617 : i1 to i32
      %cond3A_619 = arith.constant 0 : i32
      %cond3A_620 = arith.cmpi ne, %convert_element_type3A_618, %cond3A_619 : i32
      scf.if %cond3A_620 {
        %dma_wait3A_640 = arith.constant 7 : i32
        %dma_wait3A_641 = arith.constant 0 : i32
        %dma_wait3A_642 = tpu.memref_slice %arg11[%dma_wait3A_640, %dma_wait3A_641] : memref<8x80xi32, #tpu.memory_space<vmem>> -> memref<1x80xi32, #tpu.memory_space<vmem>>
        %dma_wait3A_643 = tpu.memref_squeeze %dma_wait3A_642 : memref<1x80xi32, #tpu.memory_space<vmem>> -> memref<80xi32, #tpu.memory_space<vmem>>
        %dma_wait3A_644 = arith.constant 0 : i32
        %dma_wait3A_645 = arith.constant 0 : i32
        %dma_wait3A_646 = tpu.memref_slice %arg4[%dma_wait3A_644, %dma_wait3A_645] : memref<20480x128xf32, #tpu.memory_space<hbm>> -> memref<20480x128xf32, #tpu.memory_space<hbm>>
        tpu.wait_indirect_dma semaphore(%arg17 : memref<!tpu.dma_semaphore, #tpu.memory_space<semaphore_mem>>) src(%dma_wait3A_646 : memref<20480x128xf32, #tpu.memory_space<hbm>>) dst(%arg10 : memref<80x128xf32, #tpu.memory_space<vmem>>)
      } else {
      }
      %add3A_621 = arith.constant 3 : i32
      %add3A_622 = arith.addi %add3A_615, %add3A_621 : i32
      %lt3A_623 = arith.constant 250 : i32
      %lt3A_624 = arith.cmpi slt, %add3A_622, %lt3A_623 : i32
      %convert_element_type3A_625 = arith.extui %lt3A_624 : i1 to i32
      %cond3A_626 = arith.constant 0 : i32
      %cond3A_627 = arith.cmpi ne, %convert_element_type3A_625, %cond3A_626 : i32
      scf.if %cond3A_627 {
        %add3A_640 = arith.constant 3 : i32
        %add3A_641 = arith.addi %add3A_615, %add3A_640 : i32
        %mul3A_642 = arith.constant 80 : i32
        %mul3A_643 = arith.muli %add3A_641, %mul3A_642 : i32
        %add3A_644 = arith.addi %mul3A_0, %mul3A_643 : i32
        %dma_wait3A_645 = arith.constant 2 : i32
        %dma_wait3A_646 = arith.constant 0 : i32
        %dma_wait3A_647 = tpu.memref_slice %arg11[%dma_wait3A_645, %dma_wait3A_646] : memref<8x80xi32, #tpu.memory_space<vmem>> -> memref<1x80xi32, #tpu.memory_space<vmem>>
        %dma_wait3A_648 = tpu.memref_squeeze %dma_wait3A_647 : memref<1x80xi32, #tpu.memory_space<vmem>> -> memref<80xi32, #tpu.memory_space<vmem>>
        %dma_wait3A_649 = tpu.memref_slice %arg2[%add3A_644] : memref<320000xi32, #tpu.memory_space<hbm>> -> memref<80xi32, #tpu.memory_space<hbm>>
        %dma_wait3A_650 = arith.constant 0 : i32
        %dma_wait3A_651 = tpu.memref_slice %arg11[%dma_wait3A_645, %dma_wait3A_650] : memref<8x80xi32, #tpu.memory_space<vmem>> -> memref<1x80xi32, #tpu.memory_space<vmem>>
        %dma_wait3A_652 = tpu.memref_squeeze %dma_wait3A_651 : memref<1x80xi32, #tpu.memory_space<vmem>> -> memref<80xi32, #tpu.memory_space<vmem>>
        %dma_wait3A_653 = tpu.memref_slice %arg2[%add3A_644] : memref<320000xi32, #tpu.memory_space<hbm>> -> memref<80xi32, #tpu.memory_space<hbm>>
        tpu.wait_dma2 semaphore(%arg24 : memref<!tpu.dma_semaphore, #tpu.memory_space<semaphore_mem>>) src(%dma_wait3A_653 : memref<80xi32, #tpu.memory_space<hbm>>) dst(%dma_wait3A_652 : memref<80xi32, #tpu.memory_space<vmem>>)
        %dma_wait3A_654 = arith.constant 2 : i32
        %dma_wait3A_655 = arith.constant 0 : i32
        %dma_wait3A_656 = tpu.memref_slice %arg12[%dma_wait3A_654, %dma_wait3A_655] : memref<8x80xi32, #tpu.memory_space<vmem>> -> memref<1x80xi32, #tpu.memory_space<vmem>>
        %dma_wait3A_657 = tpu.memref_squeeze %dma_wait3A_656 : memref<1x80xi32, #tpu.memory_space<vmem>> -> memref<80xi32, #tpu.memory_space<vmem>>
        %dma_wait3A_658 = tpu.memref_slice %arg3[%add3A_644] : memref<320000xi32, #tpu.memory_space<hbm>> -> memref<80xi32, #tpu.memory_space<hbm>>
        %dma_wait3A_659 = arith.constant 0 : i32
        %dma_wait3A_660 = tpu.memref_slice %arg12[%dma_wait3A_654, %dma_wait3A_659] : memref<8x80xi32, #tpu.memory_space<vmem>> -> memref<1x80xi32, #tpu.memory_space<vmem>>
        %dma_wait3A_661 = tpu.memref_squeeze %dma_wait3A_660 : memref<1x80xi32, #tpu.memory_space<vmem>> -> memref<80xi32, #tpu.memory_space<vmem>>
        %dma_wait3A_662 = tpu.memref_slice %arg3[%add3A_644] : memref<320000xi32, #tpu.memory_space<hbm>> -> memref<80xi32, #tpu.memory_space<hbm>>
        tpu.wait_dma2 semaphore(%arg24 : memref<!tpu.dma_semaphore, #tpu.memory_space<semaphore_mem>>) src(%dma_wait3A_662 : memref<80xi32, #tpu.memory_space<hbm>>) dst(%dma_wait3A_661 : memref<80xi32, #tpu.memory_space<vmem>>)
        %get3A_663 = arith.constant 2 : i32
        %get3A_664 = arith.index_cast %get3A_663 : i32 to index
        %get3A_665 = arith.constant 0 : index
        %get3A_666 = tpu.vector_load %arg11[%get3A_664, %get3A_665] {strides = array<i32>} : memref<8x80xi32, #tpu.memory_space<vmem>>, vector<1x16xi32>,
        %get3A_667 = vector.shape_cast %get3A_666 : vector<1x16xi32> to vector<16xi32>
        %add3A_668 = vector.broadcast %mul3A_2 : i32 to vector<16xi32>
        %add3A_669 = arith.addi %get3A_667, %add3A_668 : vector<16xi32>
        %swap3A_670 = arith.constant 2 : i32
        %swap3A_671 = arith.index_cast %swap3A_670 : i32 to index
        %swap3A_672 = arith.constant 0 : index
        %swap3A_673 = tpu.vector_load %arg11[%swap3A_671, %swap3A_672] {strides = array<i32>} : memref<8x80xi32, #tpu.memory_space<vmem>>, vector<1x16xi32>,
        %swap3A_674 = vector.shape_cast %swap3A_673 : vector<1x16xi32> to vector<16xi32>
        %swap3A_675 = vector.shape_cast %add3A_669 : vector<16xi32> to vector<1x16xi32>
        tpu.vector_store %arg11[%swap3A_671, %swap3A_672], %swap3A_675 {strides = array<i32>} : memref<8x80xi32, #tpu.memory_space<vmem>>, vector<1x16xi32>,
        %get3A_676 = arith.constant 2 : i32
        %get3A_677 = arith.index_cast %get3A_676 : i32 to index
        %get3A_678 = arith.constant 16 : index
        %get3A_679 = tpu.vector_load %arg11[%get3A_677, %get3A_678] {strides = array<i32>} : memref<8x80xi32, #tpu.memory_space<vmem>>, vector<1x16xi32>,
        %get3A_680 = vector.shape_cast %get3A_679 : vector<1x16xi32> to vector<16xi32>
        %add3A_681 = vector.broadcast %mul3A_2 : i32 to vector<16xi32>
        %add3A_682 = arith.addi %get3A_680, %add3A_681 : vector<16xi32>
        %swap3A_683 = arith.constant 2 : i32
        %swap3A_684 = arith.index_cast %swap3A_683 : i32 to index
        %swap3A_685 = arith.constant 16 : index
        %swap3A_686 = tpu.vector_load %arg11[%swap3A_684, %swap3A_685] {strides = array<i32>} : memref<8x80xi32, #tpu.memory_space<vmem>>, vector<1x16xi32>,
        %swap3A_687 = vector.shape_cast %swap3A_686 : vector<1x16xi32> to vector<16xi32>
        %swap3A_688 = vector.shape_cast %add3A_682 : vector<16xi32> to vector<1x16xi32>
        tpu.vector_store %arg11[%swap3A_684, %swap3A_685], %swap3A_688 {strides = array<i32>} : memref<8x80xi32, #tpu.memory_space<vmem>>, vector<1x16xi32>,
        %get3A_689 = arith.constant 2 : i32
        %get3A_690 = arith.index_cast %get3A_689 : i32 to index
        %get3A_691 = arith.constant 32 : index
        %get3A_692 = tpu.vector_load %arg11[%get3A_690, %get3A_691] {strides = array<i32>} : memref<8x80xi32, #tpu.memory_space<vmem>>, vector<1x16xi32>,
        %get3A_693 = vector.shape_cast %get3A_692 : vector<1x16xi32> to vector<16xi32>
        %add3A_694 = vector.broadcast %mul3A_2 : i32 to vector<16xi32>
        %add3A_695 = arith.addi %get3A_693, %add3A_694 : vector<16xi32>
        %swap3A_696 = arith.constant 2 : i32
        %swap3A_697 = arith.index_cast %swap3A_696 : i32 to index
        %swap3A_698 = arith.constant 32 : index
        %swap3A_699 = tpu.vector_load %arg11[%swap3A_697, %swap3A_698] {strides = array<i32>} : memref<8x80xi32, #tpu.memory_space<vmem>>, vector<1x16xi32>,
        %swap3A_700 = vector.shape_cast %swap3A_699 : vector<1x16xi32> to vector<16xi32>
        %swap3A_701 = vector.shape_cast %add3A_695 : vector<16xi32> to vector<1x16xi32>
        tpu.vector_store %arg11[%swap3A_697, %swap3A_698], %swap3A_701 {strides = array<i32>} : memref<8x80xi32, #tpu.memory_space<vmem>>, vector<1x16xi32>,
        %get3A_702 = arith.constant 2 : i32
        %get3A_703 = arith.index_cast %get3A_702 : i32 to index
        %get3A_704 = arith.constant 48 : index
        %get3A_705 = tpu.vector_load %arg11[%get3A_703, %get3A_704] {strides = array<i32>} : memref<8x80xi32, #tpu.memory_space<vmem>>, vector<1x16xi32>,
        %get3A_706 = vector.shape_cast %get3A_705 : vector<1x16xi32> to vector<16xi32>
        %add3A_707 = vector.broadcast %mul3A_2 : i32 to vector<16xi32>
        %add3A_708 = arith.addi %get3A_706, %add3A_707 : vector<16xi32>
        %swap3A_709 = arith.constant 2 : i32
        %swap3A_710 = arith.index_cast %swap3A_709 : i32 to index
        %swap3A_711 = arith.constant 48 : index
        %swap3A_712 = tpu.vector_load %arg11[%swap3A_710, %swap3A_711] {strides = array<i32>} : memref<8x80xi32, #tpu.memory_space<vmem>>, vector<1x16xi32>,
        %swap3A_713 = vector.shape_cast %swap3A_712 : vector<1x16xi32> to vector<16xi32>
        %swap3A_714 = vector.shape_cast %add3A_708 : vector<16xi32> to vector<1x16xi32>
        tpu.vector_store %arg11[%swap3A_710, %swap3A_711], %swap3A_714 {strides = array<i32>} : memref<8x80xi32, #tpu.memory_space<vmem>>, vector<1x16xi32>,
        %get3A_715 = arith.constant 2 : i32
        %get3A_716 = arith.index_cast %get3A_715 : i32 to index
        %get3A_717 = arith.constant 64 : index
        %get3A_718 = tpu.vector_load %arg11[%get3A_716, %get3A_717] {strides = array<i32>} : memref<8x80xi32, #tpu.memory_space<vmem>>, vector<1x16xi32>,
        %get3A_719 = vector.shape_cast %get3A_718 : vector<1x16xi32> to vector<16xi32>
        %add3A_720 = vector.broadcast %mul3A_2 : i32 to vector<16xi32>
        %add3A_721 = arith.addi %get3A_719, %add3A_720 : vector<16xi32>
        %swap3A_722 = arith.constant 2 : i32
        %swap3A_723 = arith.index_cast %swap3A_722 : i32 to index
        %swap3A_724 = arith.constant 64 : index
        %swap3A_725 = tpu.vector_load %arg11[%swap3A_723, %swap3A_724] {strides = array<i32>} : memref<8x80xi32, #tpu.memory_space<vmem>>, vector<1x16xi32>,
        %swap3A_726 = vector.shape_cast %swap3A_725 : vector<1x16xi32> to vector<16xi32>
        %swap3A_727 = vector.shape_cast %add3A_721 : vector<16xi32> to vector<1x16xi32>
        tpu.vector_store %arg11[%swap3A_723, %swap3A_724], %swap3A_727 {strides = array<i32>} : memref<8x80xi32, #tpu.memory_space<vmem>>, vector<1x16xi32>,
        %dma_start3A_728 = arith.constant 2 : i32
        %dma_start3A_729 = arith.constant 0 : i32
        %dma_start3A_730 = tpu.memref_slice %arg11[%dma_start3A_728, %dma_start3A_729] : memref<8x80xi32, #tpu.memory_space<vmem>> -> memref<1x80xi32, #tpu.memory_space<vmem>>
        %dma_start3A_731 = tpu.memref_squeeze %dma_start3A_730 : memref<1x80xi32, #tpu.memory_space<vmem>> -> memref<80xi32, #tpu.memory_space<vmem>>
        %dma_start3A_732 = arith.constant 0 : i32
        %dma_start3A_733 = arith.constant 0 : i32
        %dma_start3A_734 = tpu.memref_slice %arg4[%dma_start3A_732, %dma_start3A_733] : memref<20480x128xf32, #tpu.memory_space<hbm>> -> memref<20480x128xf32, #tpu.memory_space<hbm>>
        tpu.enqueue_indirect_dma source(%dma_start3A_734 : memref<20480x128xf32, #tpu.memory_space<hbm>>) target(%arg9 : memref<80x128xf32, #tpu.memory_space<vmem>>) offsets(%dma_start3A_731 : memref<80xi32, #tpu.memory_space<vmem>>) semaphore(%arg16 : memref<!tpu.dma_semaphore, #tpu.memory_space<semaphore_mem>>)
      } else {
      }
      %lt3A_628 = arith.constant 250 : i32
      %lt3A_629 = arith.cmpi slt, %add3A_615, %lt3A_628 : i32
      %convert_element_type3A_630 = arith.extui %lt3A_629 : i1 to i32
      %cond3A_631 = arith.constant 0 : i32
      %cond3A_632 = arith.cmpi ne, %convert_element_type3A_630, %cond3A_631 : i32
      scf.if %cond3A_632 {
        %run_scoped3A = arith.constant 7 : i32
        "tpu.region"() ({
          %run_scoped3A_640 = tpu.sem_alloc : memref<!tpu.dma_semaphore, #tpu.memory_space<semaphore_mem>>
          %dma_start3A_641 = arith.constant 0 : i32
          %dma_start3A_642 = tpu.memref_slice %arg12[%run_scoped3A, %dma_start3A_641] : memref<8x80xi32, #tpu.memory_space<vmem>> -> memref<1x80xi32, #tpu.memory_space<vmem>>
          %dma_start3A_643 = tpu.memref_squeeze %dma_start3A_642 : memref<1x80xi32, #tpu.memory_space<vmem>> -> memref<80xi32, #tpu.memory_space<vmem>>
          %dma_start3A_644 = arith.constant 0 : i32
          %dma_start3A_645 = arith.constant 0 : i32
          %dma_start3A_646 = tpu.memref_slice %arg6[%dma_start3A_644, %dma_start3A_645] : memref<10240x128xf32, #tpu.memory_space<vmem_shared>> -> memref<10240x128xf32, #tpu.memory_space<vmem_shared>>
          tpu.enqueue_indirect_dma source(%arg10 : memref<80x128xf32, #tpu.memory_space<vmem>>) target(%dma_start3A_646 : memref<10240x128xf32, #tpu.memory_space<vmem_shared>>) offsets(%dma_start3A_643 : memref<80xi32, #tpu.memory_space<vmem>>) semaphore(%run_scoped3A_640 : memref<!tpu.dma_semaphore, #tpu.memory_space<semaphore_mem>>) {add = true}
          %dma_wait3A_647 = arith.constant 0 : i32
          %dma_wait3A_648 = tpu.memref_slice %arg12[%run_scoped3A, %dma_wait3A_647] : memref<8x80xi32, #tpu.memory_space<vmem>> -> memref<1x80xi32, #tpu.memory_space<vmem>>
          %dma_wait3A_649 = tpu.memref_squeeze %dma_wait3A_648 : memref<1x80xi32, #tpu.memory_space<vmem>> -> memref<80xi32, #tpu.memory_space<vmem>>
          %dma_wait3A_650 = arith.constant 0 : i32
          %dma_wait3A_651 = arith.constant 0 : i32
          %dma_wait3A_652 = tpu.memref_slice %arg6[%dma_wait3A_650, %dma_wait3A_651] : memref<10240x128xf32, #tpu.memory_space<vmem_shared>> -> memref<10240x128xf32, #tpu.memory_space<vmem_shared>>
          tpu.wait_indirect_dma semaphore(%run_scoped3A_640 : memref<!tpu.dma_semaphore, #tpu.memory_space<semaphore_mem>>) src(%arg10 : memref<80x128xf32, #tpu.memory_space<vmem>>) dst(%dma_wait3A_652 : memref<10240x128xf32, #tpu.memory_space<vmem_shared>>)
          tpu.yield
        }) : () -> ()
      } else {
      }
      %add3A_633 = arith.constant 6 : i32
      %add3A_634 = arith.addi %add3A_615, %add3A_633 : i32
      %lt3A_635 = arith.constant 250 : i32
      %lt3A_636 = arith.cmpi slt, %add3A_634, %lt3A_635 : i32
      %convert_element_type3A_637 = arith.extui %lt3A_636 : i1 to i32
      %cond3A_638 = arith.constant 0 : i32
      %cond3A_639 = arith.cmpi ne, %convert_element_type3A_637, %cond3A_638 : i32
      scf.if %cond3A_639 {
        %add3A_640 = arith.constant 6 : i32
        %add3A_641 = arith.addi %add3A_615, %add3A_640 : i32
        %mul3A_642 = arith.constant 80 : i32
        %mul3A_643 = arith.muli %add3A_641, %mul3A_642 : i32
        %add3A_644 = arith.addi %mul3A_0, %mul3A_643 : i32
        %dma_start3A_645 = arith.constant 5 : i32
        %dma_start3A_646 = arith.constant 0 : i32
        %dma_start3A_647 = tpu.memref_slice %arg11[%dma_start3A_645, %dma_start3A_646] : memref<8x80xi32, #tpu.memory_space<vmem>> -> memref<1x80xi32, #tpu.memory_space<vmem>>
        %dma_start3A_648 = tpu.memref_squeeze %dma_start3A_647 : memref<1x80xi32, #tpu.memory_space<vmem>> -> memref<80xi32, #tpu.memory_space<vmem>>
        %dma_start3A_649 = tpu.memref_slice %arg2[%add3A_644] : memref<320000xi32, #tpu.memory_space<hbm>> -> memref<80xi32, #tpu.memory_space<hbm>>
        %dma_start3A_650 = arith.constant 0 : i32
        %dma_start3A_651 = tpu.memref_slice %arg11[%dma_start3A_645, %dma_start3A_650] : memref<8x80xi32, #tpu.memory_space<vmem>> -> memref<1x80xi32, #tpu.memory_space<vmem>>
        %dma_start3A_652 = tpu.memref_squeeze %dma_start3A_651 : memref<1x80xi32, #tpu.memory_space<vmem>> -> memref<80xi32, #tpu.memory_space<vmem>>
        %dma_start3A_653 = tpu.memref_slice %arg2[%add3A_644] : memref<320000xi32, #tpu.memory_space<hbm>> -> memref<80xi32, #tpu.memory_space<hbm>>
        tpu.enqueue_dma source(%dma_start3A_653 : memref<80xi32, #tpu.memory_space<hbm>>) target(%dma_start3A_652 : memref<80xi32, #tpu.memory_space<vmem>>) target_semaphore(%arg27 : memref<!tpu.dma_semaphore, #tpu.memory_space<semaphore_mem>>)
        %dma_start3A_654 = arith.constant 5 : i32
        %dma_start3A_655 = arith.constant 0 : i32
        %dma_start3A_656 = tpu.memref_slice %arg12[%dma_start3A_654, %dma_start3A_655] : memref<8x80xi32, #tpu.memory_space<vmem>> -> memref<1x80xi32, #tpu.memory_space<vmem>>
        %dma_start3A_657 = tpu.memref_squeeze %dma_start3A_656 : memref<1x80xi32, #tpu.memory_space<vmem>> -> memref<80xi32, #tpu.memory_space<vmem>>
        %dma_start3A_658 = tpu.memref_slice %arg3[%add3A_644] : memref<320000xi32, #tpu.memory_space<hbm>> -> memref<80xi32, #tpu.memory_space<hbm>>
        %dma_start3A_659 = arith.constant 0 : i32
        %dma_start3A_660 = tpu.memref_slice %arg12[%dma_start3A_654, %dma_start3A_659] : memref<8x80xi32, #tpu.memory_space<vmem>> -> memref<1x80xi32, #tpu.memory_space<vmem>>
        %dma_start3A_661 = tpu.memref_squeeze %dma_start3A_660 : memref<1x80xi32, #tpu.memory_space<vmem>> -> memref<80xi32, #tpu.memory_space<vmem>>
        %dma_start3A_662 = tpu.memref_slice %arg3[%add3A_644] : memref<320000xi32, #tpu.memory_space<hbm>> -> memref<80xi32, #tpu.memory_space<hbm>>
        tpu.enqueue_dma source(%dma_start3A_662 : memref<80xi32, #tpu.memory_space<hbm>>) target(%dma_start3A_661 : memref<80xi32, #tpu.memory_space<vmem>>) target_semaphore(%arg27 : memref<!tpu.dma_semaphore, #tpu.memory_space<semaphore_mem>>)
      } else {
      }
    }
    %scan3A_412 = arith.constant 32 : i32
    %barrier3A_413 = arith.constant 0 : index
    tpu.barrier barrier_id(%barrier3A_413)
    %mul3A_414 = arith.constant 640 : i32
    %mul3A_415 = arith.muli %arg1, %mul3A_414 : i32
    %mul3A_416 = arith.constant 640 : i32
    %mul3A_417 = arith.muli %arg1, %mul3A_416 : i32
    "tpu.region"() ({
      %run_scoped3A = tpu.sem_alloc : memref<!tpu.dma_semaphore, #tpu.memory_space<semaphore_mem>>
      %dma_start3A_418 = arith.constant 0 : i32
      %dma_start3A_419 = tpu.memref_slice %arg5[%arg0, %mul3A_417, %dma_start3A_418] : memref<2x10240x128xf32, #tpu.memory_space<hbm>> -> memref<1x640x128xf32, #tpu.memory_space<hbm>>
      %dma_start3A_420 = tpu.memref_squeeze %dma_start3A_419 : memref<1x640x128xf32, #tpu.memory_space<hbm>> -> memref<640x128xf32, #tpu.memory_space<hbm>>
      %dma_start3A_421 = arith.constant 0 : i32
      %dma_start3A_422 = tpu.memref_slice %arg6[%mul3A_415, %dma_start3A_421] : memref<10240x128xf32, #tpu.memory_space<vmem_shared>> -> memref<640x128xf32, #tpu.memory_space<vmem_shared>>
      tpu.enqueue_dma source(%dma_start3A_422 : memref<640x128xf32, #tpu.memory_space<vmem_shared>>) target(%dma_start3A_420 : memref<640x128xf32, #tpu.memory_space<hbm>>) target_semaphore(%run_scoped3A : memref<!tpu.dma_semaphore, #tpu.memory_space<semaphore_mem>>)
      %dma_wait3A_423 = arith.constant 0 : i32
      %dma_wait3A_424 = tpu.memref_slice %arg5[%arg0, %mul3A_417, %dma_wait3A_423] : memref<2x10240x128xf32, #tpu.memory_space<hbm>> -> memref<1x640x128xf32, #tpu.memory_space<hbm>>
      %dma_wait3A_425 = tpu.memref_squeeze %dma_wait3A_424 : memref<1x640x128xf32, #tpu.memory_space<hbm>> -> memref<640x128xf32, #tpu.memory_space<hbm>>
      %dma_wait3A_426 = arith.constant 0 : i32
      %dma_wait3A_427 = tpu.memref_slice %arg6[%mul3A_415, %dma_wait3A_426] : memref<10240x128xf32, #tpu.memory_space<vmem_shared>> -> memref<640x128xf32, #tpu.memory_space<vmem_shared>>
      tpu.wait_dma2 semaphore(%run_scoped3A : memref<!tpu.dma_semaphore, #tpu.memory_space<semaphore_mem>>) src(%dma_wait3A_427 : memref<640x128xf32, #tpu.memory_space<vmem_shared>>) dst(%dma_wait3A_425 : memref<640x128xf32, #tpu.memory_space<hbm>>)
      tpu.yield
    }) : () -> ()
    return
  }
}

#map = affine_map<(d0, d1) -> (0)>
#map1 = affine_map<(d0, d1) -> (0, 0, 0)>
module attributes {stable_mosaic.version = 14 : i64} {
  func.func @_sc_degree_body(%arg0: i32, %arg1: i32, %arg2: memref<320000xi32, #tpu.memory_space<hbm>>, %arg3: memref<2x10240x16xf32, #tpu.memory_space<hbm>>, %arg4: memref<10240x16xf32, #tpu.memory_space<vmem_shared>>, %arg5: memref<640x16xf32, #tpu.memory_space<vmem>>, %arg6: memref<80x16xf32, #tpu.memory_space<vmem>>, %arg7: memref<10000xi32, #tpu.memory_space<vmem>>, %arg8: memref<125x80xi32, #tpu.memory_space<vmem>>, %arg9: memref<!tpu.dma_semaphore, #tpu.memory_space<semaphore_mem>>, %arg10: memref<!tpu.dma_semaphore, #tpu.memory_space<semaphore_mem>>) attributes {dimension_semantics = [#tpu.dimension_semantics<core_parallel>, #tpu.dimension_semantics<subcore_parallel>], iteration_bounds = array<i64: 2, 16>, scalar_prefetch = 0 : i64, scratch_operands = 7 : i64, tpu.core_type = #tpu.core_type<sc_vector_subcore>, window_params = [{transform_indices = #map}, {transform_indices = #map1}]} {
    %mul3A = arith.constant 16 : i32
    %mul3A_0 = arith.muli %arg0, %mul3A : i32
    %add3A = arith.addi %mul3A_0, %arg1 : i32
    %mul3A_1 = arith.constant 10000 : i32
    %mul3A_2 = arith.muli %add3A, %mul3A_1 : i32
    %dma_start3A = tpu.memref_slice %arg2[%mul3A_2] : memref<320000xi32, #tpu.memory_space<hbm>> -> memref<10000xi32, #tpu.memory_space<hbm>>
    %dma_start3A_3 = tpu.memref_slice %arg2[%mul3A_2] : memref<320000xi32, #tpu.memory_space<hbm>> -> memref<10000xi32, #tpu.memory_space<hbm>>
    tpu.enqueue_dma source(%dma_start3A_3 : memref<10000xi32, #tpu.memory_space<hbm>>) target(%arg7 : memref<10000xi32, #tpu.memory_space<vmem>>) target_semaphore(%arg9 : memref<!tpu.dma_semaphore, #tpu.memory_space<semaphore_mem>>)
    %scan3A = arith.constant 0 : i32
    %scan3A_4 = arith.constant 640 : i32
    %scan3A_5 = arith.addi %scan3A, %scan3A_4 : i32
    %scan3A_6 = arith.constant 1 : i32
    scf.for %scan3A_36 = %scan3A to %scan3A_5 step %scan3A_6  : i32 {
      %broadcast_in_dim3A = arith.constant 0.000000e+00 : f32
      %broadcast_in_dim3A_37 = vector.broadcast %broadcast_in_dim3A : f32 to vector<16xf32>
      %swap3A = arith.index_cast %scan3A_36 : i32 to index
      %swap3A_38 = arith.constant 0 : index
      %swap3A_39 = tpu.vector_load %arg5[%swap3A, %swap3A_38] {strides = array<i32>} : memref<640x16xf32, #tpu.memory_space<vmem>>, vector<1x16xf32>,
      %swap3A_40 = vector.shape_cast %swap3A_39 : vector<1x16xf32> to vector<16xf32>
      %swap3A_41 = vector.shape_cast %broadcast_in_dim3A_37 : vector<16xf32> to vector<1x16xf32>
      tpu.vector_store %arg5[%swap3A, %swap3A_38], %swap3A_41 {strides = array<i32>} : memref<640x16xf32, #tpu.memory_space<vmem>>, vector<1x16xf32>,
    }
    %scan3A_7 = arith.constant 640 : i32
    %scan3A_8 = arith.constant 0 : i32
    %scan3A_9 = arith.constant 80 : i32
    %scan3A_10 = arith.addi %scan3A_8, %scan3A_9 : i32
    %scan3A_11 = arith.constant 1 : i32
    scf.for %scan3A_36 = %scan3A_8 to %scan3A_10 step %scan3A_11  : i32 {
      %broadcast_in_dim3A = arith.constant 1.000000e+00 : f32
      %broadcast_in_dim3A_37 = vector.broadcast %broadcast_in_dim3A : f32 to vector<16xf32>
      %swap3A = arith.index_cast %scan3A_36 : i32 to index
      %swap3A_38 = arith.constant 0 : index
      %swap3A_39 = tpu.vector_load %arg6[%swap3A, %swap3A_38] {strides = array<i32>} : memref<80x16xf32, #tpu.memory_space<vmem>>, vector<1x16xf32>,
      %swap3A_40 = vector.shape_cast %swap3A_39 : vector<1x16xf32> to vector<16xf32>
      %swap3A_41 = vector.shape_cast %broadcast_in_dim3A_37 : vector<16xf32> to vector<1x16xf32>
      tpu.vector_store %arg6[%swap3A, %swap3A_38], %swap3A_41 {strides = array<i32>} : memref<80x16xf32, #tpu.memory_space<vmem>>, vector<1x16xf32>,
    }
    %scan3A_12 = arith.constant 80 : i32
    %mul3A_13 = arith.constant 640 : i32
    %mul3A_14 = arith.muli %arg1, %mul3A_13 : i32
    "tpu.region"() ({
      %run_scoped3A = tpu.sem_alloc : memref<!tpu.dma_semaphore, #tpu.memory_space<semaphore_mem>>
      %dma_start3A_36 = arith.constant 0 : i32
      %dma_start3A_37 = tpu.memref_slice %arg4[%mul3A_14, %dma_start3A_36] : memref<10240x16xf32, #tpu.memory_space<vmem_shared>> -> memref<640x16xf32, #tpu.memory_space<vmem_shared>>
      %dma_start3A_38 = arith.constant 0 : i32
      %dma_start3A_39 = tpu.memref_slice %arg4[%mul3A_14, %dma_start3A_38] : memref<10240x16xf32, #tpu.memory_space<vmem_shared>> -> memref<640x16xf32, #tpu.memory_space<vmem_shared>>
      tpu.enqueue_dma source(%arg5 : memref<640x16xf32, #tpu.memory_space<vmem>>) target(%dma_start3A_39 : memref<640x16xf32, #tpu.memory_space<vmem_shared>>) target_semaphore(%run_scoped3A : memref<!tpu.dma_semaphore, #tpu.memory_space<semaphore_mem>>)
      %dma_wait3A_40 = arith.constant 0 : i32
      %dma_wait3A_41 = tpu.memref_slice %arg4[%mul3A_14, %dma_wait3A_40] : memref<10240x16xf32, #tpu.memory_space<vmem_shared>> -> memref<640x16xf32, #tpu.memory_space<vmem_shared>>
      %dma_wait3A_42 = arith.constant 0 : i32
      %dma_wait3A_43 = tpu.memref_slice %arg4[%mul3A_14, %dma_wait3A_42] : memref<10240x16xf32, #tpu.memory_space<vmem_shared>> -> memref<640x16xf32, #tpu.memory_space<vmem_shared>>
      tpu.wait_dma2 semaphore(%run_scoped3A : memref<!tpu.dma_semaphore, #tpu.memory_space<semaphore_mem>>) src(%arg5 : memref<640x16xf32, #tpu.memory_space<vmem>>) dst(%dma_wait3A_43 : memref<640x16xf32, #tpu.memory_space<vmem_shared>>)
      tpu.yield
    }) : () -> ()
    %dma_wait3A = tpu.memref_slice %arg2[%mul3A_2] : memref<320000xi32, #tpu.memory_space<hbm>> -> memref<10000xi32, #tpu.memory_space<hbm>>
    %dma_wait3A_15 = tpu.memref_slice %arg2[%mul3A_2] : memref<320000xi32, #tpu.memory_space<hbm>> -> memref<10000xi32, #tpu.memory_space<hbm>>
    tpu.wait_dma2 semaphore(%arg9 : memref<!tpu.dma_semaphore, #tpu.memory_space<semaphore_mem>>) src(%dma_wait3A_15 : memref<10000xi32, #tpu.memory_space<hbm>>) dst(%arg7 : memref<10000xi32, #tpu.memory_space<vmem>>)
    %scan3A_16 = arith.constant 0 : i32
    %scan3A_17 = arith.constant 625 : i32
    %scan3A_18 = arith.addi %scan3A_16, %scan3A_17 : i32
    %scan3A_19 = arith.constant 1 : i32
    scf.for %scan3A_36 = %scan3A_16 to %scan3A_18 step %scan3A_19  : i32 {
      %jit3A = arith.constant 5 : i32
      %div3A = arith.divsi %scan3A_36, %jit3A : i32
      %sign3A = arith.constant 0 : i32
      %sign3A_37 = arith.cmpi sgt, %scan3A_36, %sign3A : i32
      %sign3A_38 = arith.extui %sign3A_37 : i1 to i32
      %sign3A_39 = arith.constant 0 : i32
      %sign3A_40 = arith.cmpi slt, %scan3A_36, %sign3A_39 : i32
      %sign3A_41 = arith.extui %sign3A_40 : i1 to i32
      %sign3A_42 = arith.subi %sign3A_38, %sign3A_41 : i32
      %sign3A_43 = arith.constant 0 : i32
      %sign3A_44 = arith.cmpi sgt, %jit3A, %sign3A_43 : i32
      %sign3A_45 = arith.extui %sign3A_44 : i1 to i32
      %sign3A_46 = arith.constant 0 : i32
      %sign3A_47 = arith.cmpi slt, %jit3A, %sign3A_46 : i32
      %sign3A_48 = arith.extui %sign3A_47 : i1 to i32
      %sign3A_49 = arith.subi %sign3A_45, %sign3A_48 : i32
      %ne3A = arith.cmpi ne, %sign3A_42, %sign3A_49 : i32
      %rem3A = arith.remsi %scan3A_36, %jit3A : i32
      %ne3A_50 = arith.constant 0 : i32
      %ne3A_51 = arith.cmpi ne, %rem3A, %ne3A_50 : i32
      %and3A = arith.andi %ne3A, %ne3A_51 : i1
      %sub3A = arith.constant 1 : i32
      %sub3A_52 = arith.subi %div3A, %sub3A : i32
      %select_n3A = arith.select %and3A, %sub3A_52, %div3A : i32
      %mul3A_53 = arith.constant 5 : i32
      %mul3A_54 = arith.muli %select_n3A, %mul3A_53 : i32
      %sub3A_55 = arith.subi %scan3A_36, %mul3A_54 : i32
      %mul3A_56 = arith.constant 16 : i32
      %mul3A_57 = arith.muli %scan3A_36, %mul3A_56 : i32
      %get3A = arith.index_cast %mul3A_57 : i32 to index
      %get3A_58 = tpu.vector_load %arg7[%get3A] {strides = array<i32>} : memref<10000xi32, #tpu.memory_space<vmem>>, vector<16xi32>,
      %get3A_59 = vector.shape_cast %get3A_58 : vector<16xi32> to vector<16xi32>
      %mul3A_60 = arith.constant 16 : i32
      %mul3A_61 = arith.muli %sub3A_55, %mul3A_60 : i32
      %swap3A = arith.index_cast %select_n3A : i32 to index
      %swap3A_62 = arith.index_cast %mul3A_61 : i32 to index
      %swap3A_63 = tpu.vector_load %arg8[%swap3A, %swap3A_62] {strides = array<i32>} : memref<125x80xi32, #tpu.memory_space<vmem>>, vector<1x16xi32>,
      %swap3A_64 = vector.shape_cast %swap3A_63 : vector<1x16xi32> to vector<16xi32>
      %swap3A_65 = vector.shape_cast %get3A_59 : vector<16xi32> to vector<1x16xi32>
      tpu.vector_store %arg8[%swap3A, %swap3A_62], %swap3A_65 {strides = array<i32>} : memref<125x80xi32, #tpu.memory_space<vmem>>, vector<1x16xi32>,
    }
    %scan3A_20 = arith.constant 625 : i32
    %barrier3A = arith.constant 0 : index
    tpu.barrier barrier_id(%barrier3A)
    %scan3A_21 = arith.constant 0 : i32
    %scan3A_22 = arith.constant 125 : i32
    %scan3A_23 = arith.addi %scan3A_21, %scan3A_22 : i32
    %scan3A_24 = arith.constant 1 : i32
    scf.for %scan3A_36 = %scan3A_21 to %scan3A_23 step %scan3A_24  : i32 {
      %dma_start3A_37 = arith.constant 0 : i32
      %dma_start3A_38 = tpu.memref_slice %arg8[%scan3A_36, %dma_start3A_37] : memref<125x80xi32, #tpu.memory_space<vmem>> -> memref<1x80xi32, #tpu.memory_space<vmem>>
      %dma_start3A_39 = tpu.memref_squeeze %dma_start3A_38 : memref<1x80xi32, #tpu.memory_space<vmem>> -> memref<80xi32, #tpu.memory_space<vmem>>
      %dma_start3A_40 = arith.constant 0 : i32
      %dma_start3A_41 = arith.constant 0 : i32
      %dma_start3A_42 = tpu.memref_slice %arg4[%dma_start3A_40, %dma_start3A_41] : memref<10240x16xf32, #tpu.memory_space<vmem_shared>> -> memref<10240x16xf32, #tpu.memory_space<vmem_shared>>
      tpu.enqueue_indirect_dma source(%arg6 : memref<80x16xf32, #tpu.memory_space<vmem>>) target(%dma_start3A_42 : memref<10240x16xf32, #tpu.memory_space<vmem_shared>>) offsets(%dma_start3A_39 : memref<80xi32, #tpu.memory_space<vmem>>) semaphore(%arg10 : memref<!tpu.dma_semaphore, #tpu.memory_space<semaphore_mem>>) {add = true}
      %ge3A = arith.constant 16 : i32
      %ge3A_43 = arith.cmpi sge, %scan3A_36, %ge3A : i32
      %convert_element_type3A = arith.extui %ge3A_43 : i1 to i32
      %cond3A = arith.constant 0 : i32
      %cond3A_44 = arith.cmpi ne, %convert_element_type3A, %cond3A : i32
      scf.if %cond3A_44 {
        %sub3A = arith.constant 16 : i32
        %sub3A_45 = arith.subi %scan3A_36, %sub3A : i32
        %dma_wait3A_46 = arith.constant 0 : i32
        %dma_wait3A_47 = tpu.memref_slice %arg8[%sub3A_45, %dma_wait3A_46] : memref<125x80xi32, #tpu.memory_space<vmem>> -> memref<1x80xi32, #tpu.memory_space<vmem>>
        %dma_wait3A_48 = tpu.memref_squeeze %dma_wait3A_47 : memref<1x80xi32, #tpu.memory_space<vmem>> -> memref<80xi32, #tpu.memory_space<vmem>>
        %dma_wait3A_49 = arith.constant 0 : i32
        %dma_wait3A_50 = arith.constant 0 : i32
        %dma_wait3A_51 = tpu.memref_slice %arg4[%dma_wait3A_49, %dma_wait3A_50] : memref<10240x16xf32, #tpu.memory_space<vmem_shared>> -> memref<10240x16xf32, #tpu.memory_space<vmem_shared>>
        tpu.wait_indirect_dma semaphore(%arg10 : memref<!tpu.dma_semaphore, #tpu.memory_space<semaphore_mem>>) src(%arg6 : memref<80x16xf32, #tpu.memory_space<vmem>>) dst(%dma_wait3A_51 : memref<10240x16xf32, #tpu.memory_space<vmem_shared>>)
      } else {
      }
    }
    %scan3A_25 = arith.constant 125 : i32
    %scan3A_26 = arith.constant 109 : i32
    %scan3A_27 = arith.constant 16 : i32
    %scan3A_28 = arith.addi %scan3A_26, %scan3A_27 : i32
    %scan3A_29 = arith.constant 1 : i32
    scf.for %scan3A_36 = %scan3A_26 to %scan3A_28 step %scan3A_29  : i32 {
      %dma_wait3A_37 = arith.constant 0 : i32
      %dma_wait3A_38 = tpu.memref_slice %arg8[%scan3A_36, %dma_wait3A_37] : memref<125x80xi32, #tpu.memory_space<vmem>> -> memref<1x80xi32, #tpu.memory_space<vmem>>
      %dma_wait3A_39 = tpu.memref_squeeze %dma_wait3A_38 : memref<1x80xi32, #tpu.memory_space<vmem>> -> memref<80xi32, #tpu.memory_space<vmem>>
      %dma_wait3A_40 = arith.constant 0 : i32
      %dma_wait3A_41 = arith.constant 0 : i32
      %dma_wait3A_42 = tpu.memref_slice %arg4[%dma_wait3A_40, %dma_wait3A_41] : memref<10240x16xf32, #tpu.memory_space<vmem_shared>> -> memref<10240x16xf32, #tpu.memory_space<vmem_shared>>
      tpu.wait_indirect_dma semaphore(%arg10 : memref<!tpu.dma_semaphore, #tpu.memory_space<semaphore_mem>>) src(%arg6 : memref<80x16xf32, #tpu.memory_space<vmem>>) dst(%dma_wait3A_42 : memref<10240x16xf32, #tpu.memory_space<vmem_shared>>)
    }
    %scan3A_30 = arith.constant 16 : i32
    %barrier3A_31 = arith.constant 0 : index
    tpu.barrier barrier_id(%barrier3A_31)
    %mul3A_32 = arith.constant 640 : i32
    %mul3A_33 = arith.muli %arg1, %mul3A_32 : i32
    %mul3A_34 = arith.constant 640 : i32
    %mul3A_35 = arith.muli %arg1, %mul3A_34 : i32
    "tpu.region"() ({
      %run_scoped3A = tpu.sem_alloc : memref<!tpu.dma_semaphore, #tpu.memory_space<semaphore_mem>>
      %dma_start3A_36 = arith.constant 0 : i32
      %dma_start3A_37 = tpu.memref_slice %arg3[%arg0, %mul3A_35, %dma_start3A_36] : memref<2x10240x16xf32, #tpu.memory_space<hbm>> -> memref<1x640x16xf32, #tpu.memory_space<hbm>>
      %dma_start3A_38 = tpu.memref_squeeze %dma_start3A_37 : memref<1x640x16xf32, #tpu.memory_space<hbm>> -> memref<640x16xf32, #tpu.memory_space<hbm>>
      %dma_start3A_39 = arith.constant 0 : i32
      %dma_start3A_40 = tpu.memref_slice %arg4[%mul3A_33, %dma_start3A_39] : memref<10240x16xf32, #tpu.memory_space<vmem_shared>> -> memref<640x16xf32, #tpu.memory_space<vmem_shared>>
      tpu.enqueue_dma source(%dma_start3A_40 : memref<640x16xf32, #tpu.memory_space<vmem_shared>>) target(%dma_start3A_38 : memref<640x16xf32, #tpu.memory_space<hbm>>) target_semaphore(%run_scoped3A : memref<!tpu.dma_semaphore, #tpu.memory_space<semaphore_mem>>)
      %dma_wait3A_41 = arith.constant 0 : i32
      %dma_wait3A_42 = tpu.memref_slice %arg3[%arg0, %mul3A_35, %dma_wait3A_41] : memref<2x10240x16xf32, #tpu.memory_space<hbm>> -> memref<1x640x16xf32, #tpu.memory_space<hbm>>
      %dma_wait3A_43 = tpu.memref_squeeze %dma_wait3A_42 : memref<1x640x16xf32, #tpu.memory_space<hbm>> -> memref<640x16xf32, #tpu.memory_space<hbm>>
      %dma_wait3A_44 = arith.constant 0 : i32
      %dma_wait3A_45 = tpu.memref_slice %arg4[%mul3A_33, %dma_wait3A_44] : memref<10240x16xf32, #tpu.memory_space<vmem_shared>> -> memref<640x16xf32, #tpu.memory_space<vmem_shared>>
      tpu.wait_dma2 semaphore(%run_scoped3A : memref<!tpu.dma_semaphore, #tpu.memory_space<semaphore_mem>>) src(%dma_wait3A_45 : memref<640x16xf32, #tpu.memory_space<vmem_shared>>) dst(%dma_wait3A_43 : memref<640x16xf32, #tpu.memory_space<hbm>>)
      tpu.yield
    }) : () -> ()
    return
  }
}

#map = affine_map<(d0, d1) -> (0)>
#map1 = affine_map<(d0, d1) -> (0, 0)>
#map2 = affine_map<(d0, d1) -> (0, 0, 0)>
module attributes {stable_mosaic.version = 14 : i64} {
  func.func @_sc_aggregate_body(%arg0: i32, %arg1: i32, %arg2: memref<320000xi32, #tpu.memory_space<hbm>>, %arg3: memref<320000xi32, #tpu.memory_space<hbm>>, %arg4: memref<20480x128xf32, #tpu.memory_space<hbm>>, %arg5: memref<2x10240x128xf32, #tpu.memory_space<hbm>>, %arg6: memref<10240x128xf32, #tpu.memory_space<vmem_shared>>, %arg7: memref<80x128xf32, #tpu.memory_space<vmem>>, %arg8: memref<80x128xf32, #tpu.memory_space<vmem>>, %arg9: memref<80x128xf32, #tpu.memory_space<vmem>>, %arg10: memref<80x128xf32, #tpu.memory_space<vmem>>, %arg11: memref<8x80xi32, #tpu.memory_space<vmem>>, %arg12: memref<8x80xi32, #tpu.memory_space<vmem>>, %arg13: memref<!tpu.dma_semaphore, #tpu.memory_space<semaphore_mem>>, %arg14: memref<!tpu.dma_semaphore, #tpu.memory_space<semaphore_mem>>, %arg15: memref<!tpu.dma_semaphore, #tpu.memory_space<semaphore_mem>>, %arg16: memref<!tpu.dma_semaphore, #tpu.memory_space<semaphore_mem>>, %arg17: memref<!tpu.dma_semaphore, #tpu.memory_space<semaphore_mem>>, %arg18: memref<!tpu.dma_semaphore, #tpu.memory_space<semaphore_mem>>, %arg19: memref<!tpu.dma_semaphore, #tpu.memory_space<semaphore_mem>>, %arg20: memref<!tpu.dma_semaphore, #tpu.memory_space<semaphore_mem>>, %arg21: memref<!tpu.dma_semaphore, #tpu.memory_space<semaphore_mem>>, %arg22: memref<!tpu.dma_semaphore, #tpu.memory_space<semaphore_mem>>, %arg23: memref<!tpu.dma_semaphore, #tpu.memory_space<semaphore_mem>>, %arg24: memref<!tpu.dma_semaphore, #tpu.memory_space<semaphore_mem>>, %arg25: memref<!tpu.dma_semaphore, #tpu.memory_space<semaphore_mem>>, %arg26: memref<!tpu.dma_semaphore, #tpu.memory_space<semaphore_mem>>, %arg27: memref<!tpu.dma_semaphore, #tpu.memory_space<semaphore_mem>>, %arg28: memref<!tpu.dma_semaphore, #tpu.memory_space<semaphore_mem>>, %arg29: memref<!tpu.dma_semaphore, #tpu.memory_space<semaphore_mem>>) attributes {dimension_semantics = [#tpu.dimension_semantics<core_parallel>, #tpu.dimension_semantics<subcore_parallel>], iteration_bounds = array<i64: 2, 16>, scalar_prefetch = 0 : i64, scratch_operands = 24 : i64, tpu.core_type = #tpu.core_type<sc_vector_subcore>, window_params = [{transform_indices = #map}, {transform_indices = #map}, {transform_indices = #map1}, {transform_indices = #map2}]} {
    %mul3A = arith.constant 20000 : i32
    %mul3A_0 = arith.muli %arg1, %mul3A : i32
    %mul3A_1 = arith.constant 10240 : i32
    %mul3A_2 = arith.muli %arg0, %mul3A_1 : i32
    %mul3A_3 = arith.constant 10240 : i32
    %mul3A_4 = arith.muli %arg0, %mul3A_3 : i32
    %mul3A_5 = arith.constant 640 : i32
    %mul3A_6 = arith.muli %arg1, %mul3A_5 : i32
    %add3A = arith.addi %mul3A_4, %mul3A_6 : i32
    %mul3A_7 = arith.constant 640 : i32
    %mul3A_8 = arith.muli %arg1, %mul3A_7 : i32
    %dma_start3A = arith.constant 0 : i32
    %dma_start3A_9 = tpu.memref_slice %arg6[%mul3A_8, %dma_start3A] : memref<10240x128xf32, #tpu.memory_space<vmem_shared>> -> memref<640x128xf32, #tpu.memory_space<vmem_shared>>
    %dma_start3A_10 = arith.constant 0 : i32
    %dma_start3A_11 = tpu.memref_slice %arg4[%add3A, %dma_start3A_10] : memref<20480x128xf32, #tpu.memory_space<hbm>> -> memref<640x128xf32, #tpu.memory_space<hbm>>
    tpu.enqueue_dma source(%dma_start3A_11 : memref<640x128xf32, #tpu.memory_space<hbm>>) target(%dma_start3A_9 : memref<640x128xf32, #tpu.memory_space<vmem_shared>>) target_semaphore(%arg13 : memref<!tpu.dma_semaphore, #tpu.memory_space<semaphore_mem>>)
    %add3A_12 = arith.constant 0 : i32
    %add3A_13 = arith.addi %mul3A_0, %add3A_12 : i32
    %dma_start3A_14 = arith.constant 0 : i32
    %dma_start3A_15 = arith.constant 0 : i32
    %dma_start3A_16 = tpu.memref_slice %arg11[%dma_start3A_14, %dma_start3A_15] : memref<8x80xi32, #tpu.memory_space<vmem>> -> memref<1x80xi32, #tpu.memory_space<vmem>>
    %dma_start3A_17 = tpu.memref_squeeze %dma_start3A_16 : memref<1x80xi32, #tpu.memory_space<vmem>> -> memref<80xi32, #tpu.memory_space<vmem>>
    %dma_start3A_18 = tpu.memref_slice %arg2[%add3A_13] : memref<320000xi32, #tpu.memory_space<hbm>> -> memref<80xi32, #tpu.memory_space<hbm>>
    %dma_start3A_19 = arith.constant 0 : i32
    %dma_start3A_20 = tpu.memref_slice %arg11[%dma_start3A_14, %dma_start3A_19] : memref<8x80xi32, #tpu.memory_space<vmem>> -> memref<1x80xi32, #tpu.memory_space<vmem>>
    %dma_start3A_21 = tpu.memref_squeeze %dma_start3A_20 : memref<1x80xi32, #tpu.memory_space<vmem>> -> memref<80xi32, #tpu.memory_space<vmem>>
    %dma_start3A_22 = tpu.memref_slice %arg2[%add3A_13] : memref<320000xi32, #tpu.memory_space<hbm>> -> memref<80xi32, #tpu.memory_space<hbm>>
    tpu.enqueue_dma source(%dma_start3A_22 : memref<80xi32, #tpu.memory_space<hbm>>) target(%dma_start3A_21 : memref<80xi32, #tpu.memory_space<vmem>>) target_semaphore(%arg22 : memref<!tpu.dma_semaphore, #tpu.memory_space<semaphore_mem>>)
    %dma_start3A_23 = arith.constant 0 : i32
    %dma_start3A_24 = arith.constant 0 : i32
    %dma_start3A_25 = tpu.memref_slice %arg12[%dma_start3A_23, %dma_start3A_24] : memref<8x80xi32, #tpu.memory_space<vmem>> -> memref<1x80xi32, #tpu.memory_space<vmem>>
    %dma_start3A_26 = tpu.memref_squeeze %dma_start3A_25 : memref<1x80xi32, #tpu.memory_space<vmem>> -> memref<80xi32, #tpu.memory_space<vmem>>
    %dma_start3A_27 = tpu.memref_slice %arg3[%add3A_13] : memref<320000xi32, #tpu.memory_space<hbm>> -> memref<80xi32, #tpu.memory_space<hbm>>
    %dma_start3A_28 = arith.constant 0 : i32
    %dma_start3A_29 = tpu.memref_slice %arg12[%dma_start3A_23, %dma_start3A_28] : memref<8x80xi32, #tpu.memory_space<vmem>> -> memref<1x80xi32, #tpu.memory_space<vmem>>
    %dma_start3A_30 = tpu.memref_squeeze %dma_start3A_29 : memref<1x80xi32, #tpu.memory_space<vmem>> -> memref<80xi32, #tpu.memory_space<vmem>>
    %dma_start3A_31 = tpu.memref_slice %arg3[%add3A_13] : memref<320000xi32, #tpu.memory_space<hbm>> -> memref<80xi32, #tpu.memory_space<hbm>>
    tpu.enqueue_dma source(%dma_start3A_31 : memref<80xi32, #tpu.memory_space<hbm>>) target(%dma_start3A_30 : memref<80xi32, #tpu.memory_space<vmem>>) target_semaphore(%arg22 : memref<!tpu.dma_semaphore, #tpu.memory_space<semaphore_mem>>)
    %add3A_32 = arith.constant 80 : i32
    %add3A_33 = arith.addi %mul3A_0, %add3A_32 : i32
    %dma_start3A_34 = arith.constant 1 : i32
    %dma_start3A_35 = arith.constant 0 : i32
    %dma_start3A_36 = tpu.memref_slice %arg11[%dma_start3A_34, %dma_start3A_35] : memref<8x80xi32, #tpu.memory_space<vmem>> -> memref<1x80xi32, #tpu.memory_space<vmem>>
    %dma_start3A_37 = tpu.memref_squeeze %dma_start3A_36 : memref<1x80xi32, #tpu.memory_space<vmem>> -> memref<80xi32, #tpu.memory_space<vmem>>
    %dma_start3A_38 = tpu.memref_slice %arg2[%add3A_33] : memref<320000xi32, #tpu.memory_space<hbm>> -> memref<80xi32, #tpu.memory_space<hbm>>
    %dma_start3A_39 = arith.constant 0 : i32
    %dma_start3A_40 = tpu.memref_slice %arg11[%dma_start3A_34, %dma_start3A_39] : memref<8x80xi32, #tpu.memory_space<vmem>> -> memref<1x80xi32, #tpu.memory_space<vmem>>
    %dma_start3A_41 = tpu.memref_squeeze %dma_start3A_40 : memref<1x80xi32, #tpu.memory_space<vmem>> -> memref<80xi32, #tpu.memory_space<vmem>>
    %dma_start3A_42 = tpu.memref_slice %arg2[%add3A_33] : memref<320000xi32, #tpu.memory_space<hbm>> -> memref<80xi32, #tpu.memory_space<hbm>>
    tpu.enqueue_dma source(%dma_start3A_42 : memref<80xi32, #tpu.memory_space<hbm>>) target(%dma_start3A_41 : memref<80xi32, #tpu.memory_space<vmem>>) target_semaphore(%arg23 : memref<!tpu.dma_semaphore, #tpu.memory_space<semaphore_mem>>)
    %dma_start3A_43 = arith.constant 1 : i32
    %dma_start3A_44 = arith.constant 0 : i32
    %dma_start3A_45 = tpu.memref_slice %arg12[%dma_start3A_43, %dma_start3A_44] : memref<8x80xi32, #tpu.memory_space<vmem>> -> memref<1x80xi32, #tpu.memory_space<vmem>>
    %dma_start3A_46 = tpu.memref_squeeze %dma_start3A_45 : memref<1x80xi32, #tpu.memory_space<vmem>> -> memref<80xi32, #tpu.memory_space<vmem>>
    %dma_start3A_47 = tpu.memref_slice %arg3[%add3A_33] : memref<320000xi32, #tpu.memory_space<hbm>> -> memref<80xi32, #tpu.memory_space<hbm>>
    %dma_start3A_48 = arith.constant 0 : i32
    %dma_start3A_49 = tpu.memref_slice %arg12[%dma_start3A_43, %dma_start3A_48] : memref<8x80xi32, #tpu.memory_space<vmem>> -> memref<1x80xi32, #tpu.memory_space<vmem>>
    %dma_start3A_50 = tpu.memref_squeeze %dma_start3A_49 : memref<1x80xi32, #tpu.memory_space<vmem>> -> memref<80xi32, #tpu.memory_space<vmem>>
    %dma_start3A_51 = tpu.memref_slice %arg3[%add3A_33] : memref<320000xi32, #tpu.memory_space<hbm>> -> memref<80xi32, #tpu.memory_space<hbm>>
    tpu.enqueue_dma source(%dma_start3A_51 : memref<80xi32, #tpu.memory_space<hbm>>) target(%dma_start3A_50 : memref<80xi32, #tpu.memory_space<vmem>>) target_semaphore(%arg23 : memref<!tpu.dma_semaphore, #tpu.memory_space<semaphore_mem>>)
    %add3A_52 = arith.constant 160 : i32
    %add3A_53 = arith.addi %mul3A_0, %add3A_52 : i32
    %dma_start3A_54 = arith.constant 2 : i32
    %dma_start3A_55 = arith.constant 0 : i32
    %dma_start3A_56 = tpu.memref_slice %arg11[%dma_start3A_54, %dma_start3A_55] : memref<8x80xi32, #tpu.memory_space<vmem>> -> memref<1x80xi32, #tpu.memory_space<vmem>>
    %dma_start3A_57 = tpu.memref_squeeze %dma_start3A_56 : memref<1x80xi32, #tpu.memory_space<vmem>> -> memref<80xi32, #tpu.memory_space<vmem>>
    %dma_start3A_58 = tpu.memref_slice %arg2[%add3A_53] : memref<320000xi32, #tpu.memory_space<hbm>> -> memref<80xi32, #tpu.memory_space<hbm>>
    %dma_start3A_59 = arith.constant 0 : i32
    %dma_start3A_60 = tpu.memref_slice %arg11[%dma_start3A_54, %dma_start3A_59] : memref<8x80xi32, #tpu.memory_space<vmem>> -> memref<1x80xi32, #tpu.memory_space<vmem>>
    %dma_start3A_61 = tpu.memref_squeeze %dma_start3A_60 : memref<1x80xi32, #tpu.memory_space<vmem>> -> memref<80xi32, #tpu.memory_space<vmem>>
    %dma_start3A_62 = tpu.memref_slice %arg2[%add3A_53] : memref<320000xi32, #tpu.memory_space<hbm>> -> memref<80xi32, #tpu.memory_space<hbm>>
    tpu.enqueue_dma source(%dma_start3A_62 : memref<80xi32, #tpu.memory_space<hbm>>) target(%dma_start3A_61 : memref<80xi32, #tpu.memory_space<vmem>>) target_semaphore(%arg24 : memref<!tpu.dma_semaphore, #tpu.memory_space<semaphore_mem>>)
    %dma_start3A_63 = arith.constant 2 : i32
    %dma_start3A_64 = arith.constant 0 : i32
    %dma_start3A_65 = tpu.memref_slice %arg12[%dma_start3A_63, %dma_start3A_64] : memref<8x80xi32, #tpu.memory_space<vmem>> -> memref<1x80xi32, #tpu.memory_space<vmem>>
    %dma_start3A_66 = tpu.memref_squeeze %dma_start3A_65 : memref<1x80xi32, #tpu.memory_space<vmem>> -> memref<80xi32, #tpu.memory_space<vmem>>
    %dma_start3A_67 = tpu.memref_slice %arg3[%add3A_53] : memref<320000xi32, #tpu.memory_space<hbm>> -> memref<80xi32, #tpu.memory_space<hbm>>
    %dma_start3A_68 = arith.constant 0 : i32
    %dma_start3A_69 = tpu.memref_slice %arg12[%dma_start3A_63, %dma_start3A_68] : memref<8x80xi32, #tpu.memory_space<vmem>> -> memref<1x80xi32, #tpu.memory_space<vmem>>
    %dma_start3A_70 = tpu.memref_squeeze %dma_start3A_69 : memref<1x80xi32, #tpu.memory_space<vmem>> -> memref<80xi32, #tpu.memory_space<vmem>>
    %dma_start3A_71 = tpu.memref_slice %arg3[%add3A_53] : memref<320000xi32, #tpu.memory_space<hbm>> -> memref<80xi32, #tpu.memory_space<hbm>>
    tpu.enqueue_dma source(%dma_start3A_71 : memref<80xi32, #tpu.memory_space<hbm>>) target(%dma_start3A_70 : memref<80xi32, #tpu.memory_space<vmem>>) target_semaphore(%arg24 : memref<!tpu.dma_semaphore, #tpu.memory_space<semaphore_mem>>)
    %add3A_72 = arith.constant 240 : i32
    %add3A_73 = arith.addi %mul3A_0, %add3A_72 : i32
    %dma_start3A_74 = arith.constant 3 : i32
    %dma_start3A_75 = arith.constant 0 : i32
    %dma_start3A_76 = tpu.memref_slice %arg11[%dma_start3A_74, %dma_start3A_75] : memref<8x80xi32, #tpu.memory_space<vmem>> -> memref<1x80xi32, #tpu.memory_space<vmem>>
    %dma_start3A_77 = tpu.memref_squeeze %dma_start3A_76 : memref<1x80xi32, #tpu.memory_space<vmem>> -> memref<80xi32, #tpu.memory_space<vmem>>
    %dma_start3A_78 = tpu.memref_slice %arg2[%add3A_73] : memref<320000xi32, #tpu.memory_space<hbm>> -> memref<80xi32, #tpu.memory_space<hbm>>
    %dma_start3A_79 = arith.constant 0 : i32
    %dma_start3A_80 = tpu.memref_slice %arg11[%dma_start3A_74, %dma_start3A_79] : memref<8x80xi32, #tpu.memory_space<vmem>> -> memref<1x80xi32, #tpu.memory_space<vmem>>
    %dma_start3A_81 = tpu.memref_squeeze %dma_start3A_80 : memref<1x80xi32, #tpu.memory_space<vmem>> -> memref<80xi32, #tpu.memory_space<vmem>>
    %dma_start3A_82 = tpu.memref_slice %arg2[%add3A_73] : memref<320000xi32, #tpu.memory_space<hbm>> -> memref<80xi32, #tpu.memory_space<hbm>>
    tpu.enqueue_dma source(%dma_start3A_82 : memref<80xi32, #tpu.memory_space<hbm>>) target(%dma_start3A_81 : memref<80xi32, #tpu.memory_space<vmem>>) target_semaphore(%arg25 : memref<!tpu.dma_semaphore, #tpu.memory_space<semaphore_mem>>)
    %dma_start3A_83 = arith.constant 3 : i32
    %dma_start3A_84 = arith.constant 0 : i32
    %dma_start3A_85 = tpu.memref_slice %arg12[%dma_start3A_83, %dma_start3A_84] : memref<8x80xi32, #tpu.memory_space<vmem>> -> memref<1x80xi32, #tpu.memory_space<vmem>>
    %dma_start3A_86 = tpu.memref_squeeze %dma_start3A_85 : memref<1x80xi32, #tpu.memory_space<vmem>> -> memref<80xi32, #tpu.memory_space<vmem>>
    %dma_start3A_87 = tpu.memref_slice %arg3[%add3A_73] : memref<320000xi32, #tpu.memory_space<hbm>> -> memref<80xi32, #tpu.memory_space<hbm>>
    %dma_start3A_88 = arith.constant 0 : i32
    %dma_start3A_89 = tpu.memref_slice %arg12[%dma_start3A_83, %dma_start3A_88] : memref<8x80xi32, #tpu.memory_space<vmem>> -> memref<1x80xi32, #tpu.memory_space<vmem>>
    %dma_start3A_90 = tpu.memref_squeeze %dma_start3A_89 : memref<1x80xi32, #tpu.memory_space<vmem>> -> memref<80xi32, #tpu.memory_space<vmem>>
    %dma_start3A_91 = tpu.memref_slice %arg3[%add3A_73] : memref<320000xi32, #tpu.memory_space<hbm>> -> memref<80xi32, #tpu.memory_space<hbm>>
    tpu.enqueue_dma source(%dma_start3A_91 : memref<80xi32, #tpu.memory_space<hbm>>) target(%dma_start3A_90 : memref<80xi32, #tpu.memory_space<vmem>>) target_semaphore(%arg25 : memref<!tpu.dma_semaphore, #tpu.memory_space<semaphore_mem>>)
    %add3A_92 = arith.constant 320 : i32
    %add3A_93 = arith.addi %mul3A_0, %add3A_92 : i32
    %dma_start3A_94 = arith.constant 4 : i32
    %dma_start3A_95 = arith.constant 0 : i32
    %dma_start3A_96 = tpu.memref_slice %arg11[%dma_start3A_94, %dma_start3A_95] : memref<8x80xi32, #tpu.memory_space<vmem>> -> memref<1x80xi32, #tpu.memory_space<vmem>>
    %dma_start3A_97 = tpu.memref_squeeze %dma_start3A_96 : memref<1x80xi32, #tpu.memory_space<vmem>> -> memref<80xi32, #tpu.memory_space<vmem>>
    %dma_start3A_98 = tpu.memref_slice %arg2[%add3A_93] : memref<320000xi32, #tpu.memory_space<hbm>> -> memref<80xi32, #tpu.memory_space<hbm>>
    %dma_start3A_99 = arith.constant 0 : i32
    %dma_start3A_100 = tpu.memref_slice %arg11[%dma_start3A_94, %dma_start3A_99] : memref<8x80xi32, #tpu.memory_space<vmem>> -> memref<1x80xi32, #tpu.memory_space<vmem>>
    %dma_start3A_101 = tpu.memref_squeeze %dma_start3A_100 : memref<1x80xi32, #tpu.memory_space<vmem>> -> memref<80xi32, #tpu.memory_space<vmem>>
    %dma_start3A_102 = tpu.memref_slice %arg2[%add3A_93] : memref<320000xi32, #tpu.memory_space<hbm>> -> memref<80xi32, #tpu.memory_space<hbm>>
    tpu.enqueue_dma source(%dma_start3A_102 : memref<80xi32, #tpu.memory_space<hbm>>) target(%dma_start3A_101 : memref<80xi32, #tpu.memory_space<vmem>>) target_semaphore(%arg26 : memref<!tpu.dma_semaphore, #tpu.memory_space<semaphore_mem>>)
    %dma_start3A_103 = arith.constant 4 : i32
    %dma_start3A_104 = arith.constant 0 : i32
    %dma_start3A_105 = tpu.memref_slice %arg12[%dma_start3A_103, %dma_start3A_104] : memref<8x80xi32, #tpu.memory_space<vmem>> -> memref<1x80xi32, #tpu.memory_space<vmem>>
    %dma_start3A_106 = tpu.memref_squeeze %dma_start3A_105 : memref<1x80xi32, #tpu.memory_space<vmem>> -> memref<80xi32, #tpu.memory_space<vmem>>
    %dma_start3A_107 = tpu.memref_slice %arg3[%add3A_93] : memref<320000xi32, #tpu.memory_space<hbm>> -> memref<80xi32, #tpu.memory_space<hbm>>
    %dma_start3A_108 = arith.constant 0 : i32
    %dma_start3A_109 = tpu.memref_slice %arg12[%dma_start3A_103, %dma_start3A_108] : memref<8x80xi32, #tpu.memory_space<vmem>> -> memref<1x80xi32, #tpu.memory_space<vmem>>
    %dma_start3A_110 = tpu.memref_squeeze %dma_start3A_109 : memref<1x80xi32, #tpu.memory_space<vmem>> -> memref<80xi32, #tpu.memory_space<vmem>>
    %dma_start3A_111 = tpu.memref_slice %arg3[%add3A_93] : memref<320000xi32, #tpu.memory_space<hbm>> -> memref<80xi32, #tpu.memory_space<hbm>>
    tpu.enqueue_dma source(%dma_start3A_111 : memref<80xi32, #tpu.memory_space<hbm>>) target(%dma_start3A_110 : memref<80xi32, #tpu.memory_space<vmem>>) target_semaphore(%arg26 : memref<!tpu.dma_semaphore, #tpu.memory_space<semaphore_mem>>)
    %add3A_112 = arith.constant 400 : i32
    %add3A_113 = arith.addi %mul3A_0, %add3A_112 : i32
    %dma_start3A_114 = arith.constant 5 : i32
    %dma_start3A_115 = arith.constant 0 : i32
    %dma_start3A_116 = tpu.memref_slice %arg11[%dma_start3A_114, %dma_start3A_115] : memref<8x80xi32, #tpu.memory_space<vmem>> -> memref<1x80xi32, #tpu.memory_space<vmem>>
    %dma_start3A_117 = tpu.memref_squeeze %dma_start3A_116 : memref<1x80xi32, #tpu.memory_space<vmem>> -> memref<80xi32, #tpu.memory_space<vmem>>
    %dma_start3A_118 = tpu.memref_slice %arg2[%add3A_113] : memref<320000xi32, #tpu.memory_space<hbm>> -> memref<80xi32, #tpu.memory_space<hbm>>
    %dma_start3A_119 = arith.constant 0 : i32
    %dma_start3A_120 = tpu.memref_slice %arg11[%dma_start3A_114, %dma_start3A_119] : memref<8x80xi32, #tpu.memory_space<vmem>> -> memref<1x80xi32, #tpu.memory_space<vmem>>
    %dma_start3A_121 = tpu.memref_squeeze %dma_start3A_120 : memref<1x80xi32, #tpu.memory_space<vmem>> -> memref<80xi32, #tpu.memory_space<vmem>>
    %dma_start3A_122 = tpu.memref_slice %arg2[%add3A_113] : memref<320000xi32, #tpu.memory_space<hbm>> -> memref<80xi32, #tpu.memory_space<hbm>>
    tpu.enqueue_dma source(%dma_start3A_122 : memref<80xi32, #tpu.memory_space<hbm>>) target(%dma_start3A_121 : memref<80xi32, #tpu.memory_space<vmem>>) target_semaphore(%arg27 : memref<!tpu.dma_semaphore, #tpu.memory_space<semaphore_mem>>)
    %dma_start3A_123 = arith.constant 5 : i32
    %dma_start3A_124 = arith.constant 0 : i32
    %dma_start3A_125 = tpu.memref_slice %arg12[%dma_start3A_123, %dma_start3A_124] : memref<8x80xi32, #tpu.memory_space<vmem>> -> memref<1x80xi32, #tpu.memory_space<vmem>>
    %dma_start3A_126 = tpu.memref_squeeze %dma_start3A_125 : memref<1x80xi32, #tpu.memory_space<vmem>> -> memref<80xi32, #tpu.memory_space<vmem>>
    %dma_start3A_127 = tpu.memref_slice %arg3[%add3A_113] : memref<320000xi32, #tpu.memory_space<hbm>> -> memref<80xi32, #tpu.memory_space<hbm>>
    %dma_start3A_128 = arith.constant 0 : i32
    %dma_start3A_129 = tpu.memref_slice %arg12[%dma_start3A_123, %dma_start3A_128] : memref<8x80xi32, #tpu.memory_space<vmem>> -> memref<1x80xi32, #tpu.memory_space<vmem>>
    %dma_start3A_130 = tpu.memref_squeeze %dma_start3A_129 : memref<1x80xi32, #tpu.memory_space<vmem>> -> memref<80xi32, #tpu.memory_space<vmem>>
    %dma_start3A_131 = tpu.memref_slice %arg3[%add3A_113] : memref<320000xi32, #tpu.memory_space<hbm>> -> memref<80xi32, #tpu.memory_space<hbm>>
    tpu.enqueue_dma source(%dma_start3A_131 : memref<80xi32, #tpu.memory_space<hbm>>) target(%dma_start3A_130 : memref<80xi32, #tpu.memory_space<vmem>>) target_semaphore(%arg27 : memref<!tpu.dma_semaphore, #tpu.memory_space<semaphore_mem>>)
    %add3A_132 = arith.constant 0 : i32
    %add3A_133 = arith.addi %mul3A_0, %add3A_132 : i32
    %dma_wait3A = arith.constant 0 : i32
    %dma_wait3A_134 = arith.constant 0 : i32
    %dma_wait3A_135 = tpu.memref_slice %arg11[%dma_wait3A, %dma_wait3A_134] : memref<8x80xi32, #tpu.memory_space<vmem>> -> memref<1x80xi32, #tpu.memory_space<vmem>>
    %dma_wait3A_136 = tpu.memref_squeeze %dma_wait3A_135 : memref<1x80xi32, #tpu.memory_space<vmem>> -> memref<80xi32, #tpu.memory_space<vmem>>
    %dma_wait3A_137 = tpu.memref_slice %arg2[%add3A_133] : memref<320000xi32, #tpu.memory_space<hbm>> -> memref<80xi32, #tpu.memory_space<hbm>>
    %dma_wait3A_138 = arith.constant 0 : i32
    %dma_wait3A_139 = tpu.memref_slice %arg11[%dma_wait3A, %dma_wait3A_138] : memref<8x80xi32, #tpu.memory_space<vmem>> -> memref<1x80xi32, #tpu.memory_space<vmem>>
    %dma_wait3A_140 = tpu.memref_squeeze %dma_wait3A_139 : memref<1x80xi32, #tpu.memory_space<vmem>> -> memref<80xi32, #tpu.memory_space<vmem>>
    %dma_wait3A_141 = tpu.memref_slice %arg2[%add3A_133] : memref<320000xi32, #tpu.memory_space<hbm>> -> memref<80xi32, #tpu.memory_space<hbm>>
    tpu.wait_dma2 semaphore(%arg22 : memref<!tpu.dma_semaphore, #tpu.memory_space<semaphore_mem>>) src(%dma_wait3A_141 : memref<80xi32, #tpu.memory_space<hbm>>) dst(%dma_wait3A_140 : memref<80xi32, #tpu.memory_space<vmem>>)
    %dma_wait3A_142 = arith.constant 0 : i32
    %dma_wait3A_143 = arith.constant 0 : i32
    %dma_wait3A_144 = tpu.memref_slice %arg12[%dma_wait3A_142, %dma_wait3A_143] : memref<8x80xi32, #tpu.memory_space<vmem>> -> memref<1x80xi32, #tpu.memory_space<vmem>>
    %dma_wait3A_145 = tpu.memref_squeeze %dma_wait3A_144 : memref<1x80xi32, #tpu.memory_space<vmem>> -> memref<80xi32, #tpu.memory_space<vmem>>
    %dma_wait3A_146 = tpu.memref_slice %arg3[%add3A_133] : memref<320000xi32, #tpu.memory_space<hbm>> -> memref<80xi32, #tpu.memory_space<hbm>>
    %dma_wait3A_147 = arith.constant 0 : i32
    %dma_wait3A_148 = tpu.memref_slice %arg12[%dma_wait3A_142, %dma_wait3A_147] : memref<8x80xi32, #tpu.memory_space<vmem>> -> memref<1x80xi32, #tpu.memory_space<vmem>>
    %dma_wait3A_149 = tpu.memref_squeeze %dma_wait3A_148 : memref<1x80xi32, #tpu.memory_space<vmem>> -> memref<80xi32, #tpu.memory_space<vmem>>
    %dma_wait3A_150 = tpu.memref_slice %arg3[%add3A_133] : memref<320000xi32, #tpu.memory_space<hbm>> -> memref<80xi32, #tpu.memory_space<hbm>>
    tpu.wait_dma2 semaphore(%arg22 : memref<!tpu.dma_semaphore, #tpu.memory_space<semaphore_mem>>) src(%dma_wait3A_150 : memref<80xi32, #tpu.memory_space<hbm>>) dst(%dma_wait3A_149 : memref<80xi32, #tpu.memory_space<vmem>>)
    %get3A = arith.constant 0 : i32
    %get3A_151 = arith.index_cast %get3A : i32 to index
    %get3A_152 = arith.constant 0 : index
    %get3A_153 = tpu.vector_load %arg11[%get3A_151, %get3A_152] {strides = array<i32>} : memref<8x80xi32, #tpu.memory_space<vmem>>, vector<1x16xi32>,
    %get3A_154 = vector.shape_cast %get3A_153 : vector<1x16xi32> to vector<16xi32>
    %add3A_155 = vector.broadcast %mul3A_2 : i32 to vector<16xi32>
    %add3A_156 = arith.addi %get3A_154, %add3A_155 : vector<16xi32>
    %swap3A = arith.constant 0 : i32
    %swap3A_157 = arith.index_cast %swap3A : i32 to index
    %swap3A_158 = arith.constant 0 : index
    %swap3A_159 = tpu.vector_load %arg11[%swap3A_157, %swap3A_158] {strides = array<i32>} : memref<8x80xi32, #tpu.memory_space<vmem>>, vector<1x16xi32>,
    %swap3A_160 = vector.shape_cast %swap3A_159 : vector<1x16xi32> to vector<16xi32>
    %swap3A_161 = vector.shape_cast %add3A_156 : vector<16xi32> to vector<1x16xi32>
    tpu.vector_store %arg11[%swap3A_157, %swap3A_158], %swap3A_161 {strides = array<i32>} : memref<8x80xi32, #tpu.memory_space<vmem>>, vector<1x16xi32>,
    %get3A_162 = arith.constant 0 : i32
    %get3A_163 = arith.index_cast %get3A_162 : i32 to index
    %get3A_164 = arith.constant 16 : index
    %get3A_165 = tpu.vector_load %arg11[%get3A_163, %get3A_164] {strides = array<i32>} : memref<8x80xi32, #tpu.memory_space<vmem>>, vector<1x16xi32>,
    %get3A_166 = vector.shape_cast %get3A_165 : vector<1x16xi32> to vector<16xi32>
    %add3A_167 = vector.broadcast %mul3A_2 : i32 to vector<16xi32>
    %add3A_168 = arith.addi %get3A_166, %add3A_167 : vector<16xi32>
    %swap3A_169 = arith.constant 0 : i32
    %swap3A_170 = arith.index_cast %swap3A_169 : i32 to index
    %swap3A_171 = arith.constant 16 : index
    %swap3A_172 = tpu.vector_load %arg11[%swap3A_170, %swap3A_171] {strides = array<i32>} : memref<8x80xi32, #tpu.memory_space<vmem>>, vector<1x16xi32>,
    %swap3A_173 = vector.shape_cast %swap3A_172 : vector<1x16xi32> to vector<16xi32>
    %swap3A_174 = vector.shape_cast %add3A_168 : vector<16xi32> to vector<1x16xi32>
    tpu.vector_store %arg11[%swap3A_170, %swap3A_171], %swap3A_174 {strides = array<i32>} : memref<8x80xi32, #tpu.memory_space<vmem>>, vector<1x16xi32>,
    %get3A_175 = arith.constant 0 : i32
    %get3A_176 = arith.index_cast %get3A_175 : i32 to index
    %get3A_177 = arith.constant 32 : index
    %get3A_178 = tpu.vector_load %arg11[%get3A_176, %get3A_177] {strides = array<i32>} : memref<8x80xi32, #tpu.memory_space<vmem>>, vector<1x16xi32>,
    %get3A_179 = vector.shape_cast %get3A_178 : vector<1x16xi32> to vector<16xi32>
    %add3A_180 = vector.broadcast %mul3A_2 : i32 to vector<16xi32>
    %add3A_181 = arith.addi %get3A_179, %add3A_180 : vector<16xi32>
    %swap3A_182 = arith.constant 0 : i32
    %swap3A_183 = arith.index_cast %swap3A_182 : i32 to index
    %swap3A_184 = arith.constant 32 : index
    %swap3A_185 = tpu.vector_load %arg11[%swap3A_183, %swap3A_184] {strides = array<i32>} : memref<8x80xi32, #tpu.memory_space<vmem>>, vector<1x16xi32>,
    %swap3A_186 = vector.shape_cast %swap3A_185 : vector<1x16xi32> to vector<16xi32>
    %swap3A_187 = vector.shape_cast %add3A_181 : vector<16xi32> to vector<1x16xi32>
    tpu.vector_store %arg11[%swap3A_183, %swap3A_184], %swap3A_187 {strides = array<i32>} : memref<8x80xi32, #tpu.memory_space<vmem>>, vector<1x16xi32>,
    %get3A_188 = arith.constant 0 : i32
    %get3A_189 = arith.index_cast %get3A_188 : i32 to index
    %get3A_190 = arith.constant 48 : index
    %get3A_191 = tpu.vector_load %arg11[%get3A_189, %get3A_190] {strides = array<i32>} : memref<8x80xi32, #tpu.memory_space<vmem>>, vector<1x16xi32>,
    %get3A_192 = vector.shape_cast %get3A_191 : vector<1x16xi32> to vector<16xi32>
    %add3A_193 = vector.broadcast %mul3A_2 : i32 to vector<16xi32>
    %add3A_194 = arith.addi %get3A_192, %add3A_193 : vector<16xi32>
    %swap3A_195 = arith.constant 0 : i32
    %swap3A_196 = arith.index_cast %swap3A_195 : i32 to index
    %swap3A_197 = arith.constant 48 : index
    %swap3A_198 = tpu.vector_load %arg11[%swap3A_196, %swap3A_197] {strides = array<i32>} : memref<8x80xi32, #tpu.memory_space<vmem>>, vector<1x16xi32>,
    %swap3A_199 = vector.shape_cast %swap3A_198 : vector<1x16xi32> to vector<16xi32>
    %swap3A_200 = vector.shape_cast %add3A_194 : vector<16xi32> to vector<1x16xi32>
    tpu.vector_store %arg11[%swap3A_196, %swap3A_197], %swap3A_200 {strides = array<i32>} : memref<8x80xi32, #tpu.memory_space<vmem>>, vector<1x16xi32>,
    %get3A_201 = arith.constant 0 : i32
    %get3A_202 = arith.index_cast %get3A_201 : i32 to index
    %get3A_203 = arith.constant 64 : index
    %get3A_204 = tpu.vector_load %arg11[%get3A_202, %get3A_203] {strides = array<i32>} : memref<8x80xi32, #tpu.memory_space<vmem>>, vector<1x16xi32>,
    %get3A_205 = vector.shape_cast %get3A_204 : vector<1x16xi32> to vector<16xi32>
    %add3A_206 = vector.broadcast %mul3A_2 : i32 to vector<16xi32>
    %add3A_207 = arith.addi %get3A_205, %add3A_206 : vector<16xi32>
    %swap3A_208 = arith.constant 0 : i32
    %swap3A_209 = arith.index_cast %swap3A_208 : i32 to index
    %swap3A_210 = arith.constant 64 : index
    %swap3A_211 = tpu.vector_load %arg11[%swap3A_209, %swap3A_210] {strides = array<i32>} : memref<8x80xi32, #tpu.memory_space<vmem>>, vector<1x16xi32>,
    %swap3A_212 = vector.shape_cast %swap3A_211 : vector<1x16xi32> to vector<16xi32>
    %swap3A_213 = vector.shape_cast %add3A_207 : vector<16xi32> to vector<1x16xi32>
    tpu.vector_store %arg11[%swap3A_209, %swap3A_210], %swap3A_213 {strides = array<i32>} : memref<8x80xi32, #tpu.memory_space<vmem>>, vector<1x16xi32>,
    %dma_start3A_214 = arith.constant 0 : i32
    %dma_start3A_215 = arith.constant 0 : i32
    %dma_start3A_216 = tpu.memref_slice %arg11[%dma_start3A_214, %dma_start3A_215] : memref<8x80xi32, #tpu.memory_space<vmem>> -> memref<1x80xi32, #tpu.memory_space<vmem>>
    %dma_start3A_217 = tpu.memref_squeeze %dma_start3A_216 : memref<1x80xi32, #tpu.memory_space<vmem>> -> memref<80xi32, #tpu.memory_space<vmem>>
    %dma_start3A_218 = arith.constant 0 : i32
    %dma_start3A_219 = arith.constant 0 : i32
    %dma_start3A_220 = tpu.memref_slice %arg4[%dma_start3A_218, %dma_start3A_219] : memref<20480x128xf32, #tpu.memory_space<hbm>> -> memref<20480x128xf32, #tpu.memory_space<hbm>>
    tpu.enqueue_indirect_dma source(%dma_start3A_220 : memref<20480x128xf32, #tpu.memory_space<hbm>>) target(%arg7 : memref<80x128xf32, #tpu.memory_space<vmem>>) offsets(%dma_start3A_217 : memref<80xi32, #tpu.memory_space<vmem>>) semaphore(%arg14 : memref<!tpu.dma_semaphore, #tpu.memory_space<semaphore_mem>>)
    %add3A_221 = arith.constant 80 : i32
    %add3A_222 = arith.addi %mul3A_0, %add3A_221 : i32
    %dma_wait3A_223 = arith.constant 1 : i32
    %dma_wait3A_224 = arith.constant 0 : i32
    %dma_wait3A_225 = tpu.memref_slice %arg11[%dma_wait3A_223, %dma_wait3A_224] : memref<8x80xi32, #tpu.memory_space<vmem>> -> memref<1x80xi32, #tpu.memory_space<vmem>>
    %dma_wait3A_226 = tpu.memref_squeeze %dma_wait3A_225 : memref<1x80xi32, #tpu.memory_space<vmem>> -> memref<80xi32, #tpu.memory_space<vmem>>
    %dma_wait3A_227 = tpu.memref_slice %arg2[%add3A_222] : memref<320000xi32, #tpu.memory_space<hbm>> -> memref<80xi32, #tpu.memory_space<hbm>>
    %dma_wait3A_228 = arith.constant 0 : i32
    %dma_wait3A_229 = tpu.memref_slice %arg11[%dma_wait3A_223, %dma_wait3A_228] : memref<8x80xi32, #tpu.memory_space<vmem>> -> memref<1x80xi32, #tpu.memory_space<vmem>>
    %dma_wait3A_230 = tpu.memref_squeeze %dma_wait3A_229 : memref<1x80xi32, #tpu.memory_space<vmem>> -> memref<80xi32, #tpu.memory_space<vmem>>
    %dma_wait3A_231 = tpu.memref_slice %arg2[%add3A_222] : memref<320000xi32, #tpu.memory_space<hbm>> -> memref<80xi32, #tpu.memory_space<hbm>>
    tpu.wait_dma2 semaphore(%arg23 : memref<!tpu.dma_semaphore, #tpu.memory_space<semaphore_mem>>) src(%dma_wait3A_231 : memref<80xi32, #tpu.memory_space<hbm>>) dst(%dma_wait3A_230 : memref<80xi32, #tpu.memory_space<vmem>>)
    %dma_wait3A_232 = arith.constant 1 : i32
    %dma_wait3A_233 = arith.constant 0 : i32
    %dma_wait3A_234 = tpu.memref_slice %arg12[%dma_wait3A_232, %dma_wait3A_233] : memref<8x80xi32, #tpu.memory_space<vmem>> -> memref<1x80xi32, #tpu.memory_space<vmem>>
    %dma_wait3A_235 = tpu.memref_squeeze %dma_wait3A_234 : memref<1x80xi32, #tpu.memory_space<vmem>> -> memref<80xi32, #tpu.memory_space<vmem>>
    %dma_wait3A_236 = tpu.memref_slice %arg3[%add3A_222] : memref<320000xi32, #tpu.memory_space<hbm>> -> memref<80xi32, #tpu.memory_space<hbm>>
    %dma_wait3A_237 = arith.constant 0 : i32
    %dma_wait3A_238 = tpu.memref_slice %arg12[%dma_wait3A_232, %dma_wait3A_237] : memref<8x80xi32, #tpu.memory_space<vmem>> -> memref<1x80xi32, #tpu.memory_space<vmem>>
    %dma_wait3A_239 = tpu.memref_squeeze %dma_wait3A_238 : memref<1x80xi32, #tpu.memory_space<vmem>> -> memref<80xi32, #tpu.memory_space<vmem>>
    %dma_wait3A_240 = tpu.memref_slice %arg3[%add3A_222] : memref<320000xi32, #tpu.memory_space<hbm>> -> memref<80xi32, #tpu.memory_space<hbm>>
    tpu.wait_dma2 semaphore(%arg23 : memref<!tpu.dma_semaphore, #tpu.memory_space<semaphore_mem>>) src(%dma_wait3A_240 : memref<80xi32, #tpu.memory_space<hbm>>) dst(%dma_wait3A_239 : memref<80xi32, #tpu.memory_space<vmem>>)
    %get3A_241 = arith.constant 1 : i32
    %get3A_242 = arith.index_cast %get3A_241 : i32 to index
    %get3A_243 = arith.constant 0 : index
    %get3A_244 = tpu.vector_load %arg11[%get3A_242, %get3A_243] {strides = array<i32>} : memref<8x80xi32, #tpu.memory_space<vmem>>, vector<1x16xi32>,
    %get3A_245 = vector.shape_cast %get3A_244 : vector<1x16xi32> to vector<16xi32>
    %add3A_246 = vector.broadcast %mul3A_2 : i32 to vector<16xi32>
    %add3A_247 = arith.addi %get3A_245, %add3A_246 : vector<16xi32>
    %swap3A_248 = arith.constant 1 : i32
    %swap3A_249 = arith.index_cast %swap3A_248 : i32 to index
    %swap3A_250 = arith.constant 0 : index
    %swap3A_251 = tpu.vector_load %arg11[%swap3A_249, %swap3A_250] {strides = array<i32>} : memref<8x80xi32, #tpu.memory_space<vmem>>, vector<1x16xi32>,
    %swap3A_252 = vector.shape_cast %swap3A_251 : vector<1x16xi32> to vector<16xi32>
    %swap3A_253 = vector.shape_cast %add3A_247 : vector<16xi32> to vector<1x16xi32>
    tpu.vector_store %arg11[%swap3A_249, %swap3A_250], %swap3A_253 {strides = array<i32>} : memref<8x80xi32, #tpu.memory_space<vmem>>, vector<1x16xi32>,
    %get3A_254 = arith.constant 1 : i32
    %get3A_255 = arith.index_cast %get3A_254 : i32 to index
    %get3A_256 = arith.constant 16 : index
    %get3A_257 = tpu.vector_load %arg11[%get3A_255, %get3A_256] {strides = array<i32>} : memref<8x80xi32, #tpu.memory_space<vmem>>, vector<1x16xi32>,
    %get3A_258 = vector.shape_cast %get3A_257 : vector<1x16xi32> to vector<16xi32>
    %add3A_259 = vector.broadcast %mul3A_2 : i32 to vector<16xi32>
    %add3A_260 = arith.addi %get3A_258, %add3A_259 : vector<16xi32>
    %swap3A_261 = arith.constant 1 : i32
    %swap3A_262 = arith.index_cast %swap3A_261 : i32 to index
    %swap3A_263 = arith.constant 16 : index
    %swap3A_264 = tpu.vector_load %arg11[%swap3A_262, %swap3A_263] {strides = array<i32>} : memref<8x80xi32, #tpu.memory_space<vmem>>, vector<1x16xi32>,
    %swap3A_265 = vector.shape_cast %swap3A_264 : vector<1x16xi32> to vector<16xi32>
    %swap3A_266 = vector.shape_cast %add3A_260 : vector<16xi32> to vector<1x16xi32>
    tpu.vector_store %arg11[%swap3A_262, %swap3A_263], %swap3A_266 {strides = array<i32>} : memref<8x80xi32, #tpu.memory_space<vmem>>, vector<1x16xi32>,
    %get3A_267 = arith.constant 1 : i32
    %get3A_268 = arith.index_cast %get3A_267 : i32 to index
    %get3A_269 = arith.constant 32 : index
    %get3A_270 = tpu.vector_load %arg11[%get3A_268, %get3A_269] {strides = array<i32>} : memref<8x80xi32, #tpu.memory_space<vmem>>, vector<1x16xi32>,
    %get3A_271 = vector.shape_cast %get3A_270 : vector<1x16xi32> to vector<16xi32>
    %add3A_272 = vector.broadcast %mul3A_2 : i32 to vector<16xi32>
    %add3A_273 = arith.addi %get3A_271, %add3A_272 : vector<16xi32>
    %swap3A_274 = arith.constant 1 : i32
    %swap3A_275 = arith.index_cast %swap3A_274 : i32 to index
    %swap3A_276 = arith.constant 32 : index
    %swap3A_277 = tpu.vector_load %arg11[%swap3A_275, %swap3A_276] {strides = array<i32>} : memref<8x80xi32, #tpu.memory_space<vmem>>, vector<1x16xi32>,
    %swap3A_278 = vector.shape_cast %swap3A_277 : vector<1x16xi32> to vector<16xi32>
    %swap3A_279 = vector.shape_cast %add3A_273 : vector<16xi32> to vector<1x16xi32>
    tpu.vector_store %arg11[%swap3A_275, %swap3A_276], %swap3A_279 {strides = array<i32>} : memref<8x80xi32, #tpu.memory_space<vmem>>, vector<1x16xi32>,
    %get3A_280 = arith.constant 1 : i32
    %get3A_281 = arith.index_cast %get3A_280 : i32 to index
    %get3A_282 = arith.constant 48 : index
    %get3A_283 = tpu.vector_load %arg11[%get3A_281, %get3A_282] {strides = array<i32>} : memref<8x80xi32, #tpu.memory_space<vmem>>, vector<1x16xi32>,
    %get3A_284 = vector.shape_cast %get3A_283 : vector<1x16xi32> to vector<16xi32>
    %add3A_285 = vector.broadcast %mul3A_2 : i32 to vector<16xi32>
    %add3A_286 = arith.addi %get3A_284, %add3A_285 : vector<16xi32>
    %swap3A_287 = arith.constant 1 : i32
    %swap3A_288 = arith.index_cast %swap3A_287 : i32 to index
    %swap3A_289 = arith.constant 48 : index
    %swap3A_290 = tpu.vector_load %arg11[%swap3A_288, %swap3A_289] {strides = array<i32>} : memref<8x80xi32, #tpu.memory_space<vmem>>, vector<1x16xi32>,
    %swap3A_291 = vector.shape_cast %swap3A_290 : vector<1x16xi32> to vector<16xi32>
    %swap3A_292 = vector.shape_cast %add3A_286 : vector<16xi32> to vector<1x16xi32>
    tpu.vector_store %arg11[%swap3A_288, %swap3A_289], %swap3A_292 {strides = array<i32>} : memref<8x80xi32, #tpu.memory_space<vmem>>, vector<1x16xi32>,
    %get3A_293 = arith.constant 1 : i32
    %get3A_294 = arith.index_cast %get3A_293 : i32 to index
    %get3A_295 = arith.constant 64 : index
    %get3A_296 = tpu.vector_load %arg11[%get3A_294, %get3A_295] {strides = array<i32>} : memref<8x80xi32, #tpu.memory_space<vmem>>, vector<1x16xi32>,
    %get3A_297 = vector.shape_cast %get3A_296 : vector<1x16xi32> to vector<16xi32>
    %add3A_298 = vector.broadcast %mul3A_2 : i32 to vector<16xi32>
    %add3A_299 = arith.addi %get3A_297, %add3A_298 : vector<16xi32>
    %swap3A_300 = arith.constant 1 : i32
    %swap3A_301 = arith.index_cast %swap3A_300 : i32 to index
    %swap3A_302 = arith.constant 64 : index
    %swap3A_303 = tpu.vector_load %arg11[%swap3A_301, %swap3A_302] {strides = array<i32>} : memref<8x80xi32, #tpu.memory_space<vmem>>, vector<1x16xi32>,
    %swap3A_304 = vector.shape_cast %swap3A_303 : vector<1x16xi32> to vector<16xi32>
    %swap3A_305 = vector.shape_cast %add3A_299 : vector<16xi32> to vector<1x16xi32>
    tpu.vector_store %arg11[%swap3A_301, %swap3A_302], %swap3A_305 {strides = array<i32>} : memref<8x80xi32, #tpu.memory_space<vmem>>, vector<1x16xi32>,
    %dma_start3A_306 = arith.constant 1 : i32
    %dma_start3A_307 = arith.constant 0 : i32
    %dma_start3A_308 = tpu.memref_slice %arg11[%dma_start3A_306, %dma_start3A_307] : memref<8x80xi32, #tpu.memory_space<vmem>> -> memref<1x80xi32, #tpu.memory_space<vmem>>
    %dma_start3A_309 = tpu.memref_squeeze %dma_start3A_308 : memref<1x80xi32, #tpu.memory_space<vmem>> -> memref<80xi32, #tpu.memory_space<vmem>>
    %dma_start3A_310 = arith.constant 0 : i32
    %dma_start3A_311 = arith.constant 0 : i32
    %dma_start3A_312 = tpu.memref_slice %arg4[%dma_start3A_310, %dma_start3A_311] : memref<20480x128xf32, #tpu.memory_space<hbm>> -> memref<20480x128xf32, #tpu.memory_space<hbm>>
    tpu.enqueue_indirect_dma source(%dma_start3A_312 : memref<20480x128xf32, #tpu.memory_space<hbm>>) target(%arg8 : memref<80x128xf32, #tpu.memory_space<vmem>>) offsets(%dma_start3A_309 : memref<80xi32, #tpu.memory_space<vmem>>) semaphore(%arg15 : memref<!tpu.dma_semaphore, #tpu.memory_space<semaphore_mem>>)
    %add3A_313 = arith.constant 160 : i32
    %add3A_314 = arith.addi %mul3A_0, %add3A_313 : i32
    %dma_wait3A_315 = arith.constant 2 : i32
    %dma_wait3A_316 = arith.constant 0 : i32
    %dma_wait3A_317 = tpu.memref_slice %arg11[%dma_wait3A_315, %dma_wait3A_316] : memref<8x80xi32, #tpu.memory_space<vmem>> -> memref<1x80xi32, #tpu.memory_space<vmem>>
    %dma_wait3A_318 = tpu.memref_squeeze %dma_wait3A_317 : memref<1x80xi32, #tpu.memory_space<vmem>> -> memref<80xi32, #tpu.memory_space<vmem>>
    %dma_wait3A_319 = tpu.memref_slice %arg2[%add3A_314] : memref<320000xi32, #tpu.memory_space<hbm>> -> memref<80xi32, #tpu.memory_space<hbm>>
    %dma_wait3A_320 = arith.constant 0 : i32
    %dma_wait3A_321 = tpu.memref_slice %arg11[%dma_wait3A_315, %dma_wait3A_320] : memref<8x80xi32, #tpu.memory_space<vmem>> -> memref<1x80xi32, #tpu.memory_space<vmem>>
    %dma_wait3A_322 = tpu.memref_squeeze %dma_wait3A_321 : memref<1x80xi32, #tpu.memory_space<vmem>> -> memref<80xi32, #tpu.memory_space<vmem>>
    %dma_wait3A_323 = tpu.memref_slice %arg2[%add3A_314] : memref<320000xi32, #tpu.memory_space<hbm>> -> memref<80xi32, #tpu.memory_space<hbm>>
    tpu.wait_dma2 semaphore(%arg24 : memref<!tpu.dma_semaphore, #tpu.memory_space<semaphore_mem>>) src(%dma_wait3A_323 : memref<80xi32, #tpu.memory_space<hbm>>) dst(%dma_wait3A_322 : memref<80xi32, #tpu.memory_space<vmem>>)
    %dma_wait3A_324 = arith.constant 2 : i32
    %dma_wait3A_325 = arith.constant 0 : i32
    %dma_wait3A_326 = tpu.memref_slice %arg12[%dma_wait3A_324, %dma_wait3A_325] : memref<8x80xi32, #tpu.memory_space<vmem>> -> memref<1x80xi32, #tpu.memory_space<vmem>>
    %dma_wait3A_327 = tpu.memref_squeeze %dma_wait3A_326 : memref<1x80xi32, #tpu.memory_space<vmem>> -> memref<80xi32, #tpu.memory_space<vmem>>
    %dma_wait3A_328 = tpu.memref_slice %arg3[%add3A_314] : memref<320000xi32, #tpu.memory_space<hbm>> -> memref<80xi32, #tpu.memory_space<hbm>>
    %dma_wait3A_329 = arith.constant 0 : i32
    %dma_wait3A_330 = tpu.memref_slice %arg12[%dma_wait3A_324, %dma_wait3A_329] : memref<8x80xi32, #tpu.memory_space<vmem>> -> memref<1x80xi32, #tpu.memory_space<vmem>>
    %dma_wait3A_331 = tpu.memref_squeeze %dma_wait3A_330 : memref<1x80xi32, #tpu.memory_space<vmem>> -> memref<80xi32, #tpu.memory_space<vmem>>
    %dma_wait3A_332 = tpu.memref_slice %arg3[%add3A_314] : memref<320000xi32, #tpu.memory_space<hbm>> -> memref<80xi32, #tpu.memory_space<hbm>>
    tpu.wait_dma2 semaphore(%arg24 : memref<!tpu.dma_semaphore, #tpu.memory_space<semaphore_mem>>) src(%dma_wait3A_332 : memref<80xi32, #tpu.memory_space<hbm>>) dst(%dma_wait3A_331 : memref<80xi32, #tpu.memory_space<vmem>>)
    %get3A_333 = arith.constant 2 : i32
    %get3A_334 = arith.index_cast %get3A_333 : i32 to index
    %get3A_335 = arith.constant 0 : index
    %get3A_336 = tpu.vector_load %arg11[%get3A_334, %get3A_335] {strides = array<i32>} : memref<8x80xi32, #tpu.memory_space<vmem>>, vector<1x16xi32>,
    %get3A_337 = vector.shape_cast %get3A_336 : vector<1x16xi32> to vector<16xi32>
    %add3A_338 = vector.broadcast %mul3A_2 : i32 to vector<16xi32>
    %add3A_339 = arith.addi %get3A_337, %add3A_338 : vector<16xi32>
    %swap3A_340 = arith.constant 2 : i32
    %swap3A_341 = arith.index_cast %swap3A_340 : i32 to index
    %swap3A_342 = arith.constant 0 : index
    %swap3A_343 = tpu.vector_load %arg11[%swap3A_341, %swap3A_342] {strides = array<i32>} : memref<8x80xi32, #tpu.memory_space<vmem>>, vector<1x16xi32>,
    %swap3A_344 = vector.shape_cast %swap3A_343 : vector<1x16xi32> to vector<16xi32>
    %swap3A_345 = vector.shape_cast %add3A_339 : vector<16xi32> to vector<1x16xi32>
    tpu.vector_store %arg11[%swap3A_341, %swap3A_342], %swap3A_345 {strides = array<i32>} : memref<8x80xi32, #tpu.memory_space<vmem>>, vector<1x16xi32>,
    %get3A_346 = arith.constant 2 : i32
    %get3A_347 = arith.index_cast %get3A_346 : i32 to index
    %get3A_348 = arith.constant 16 : index
    %get3A_349 = tpu.vector_load %arg11[%get3A_347, %get3A_348] {strides = array<i32>} : memref<8x80xi32, #tpu.memory_space<vmem>>, vector<1x16xi32>,
    %get3A_350 = vector.shape_cast %get3A_349 : vector<1x16xi32> to vector<16xi32>
    %add3A_351 = vector.broadcast %mul3A_2 : i32 to vector<16xi32>
    %add3A_352 = arith.addi %get3A_350, %add3A_351 : vector<16xi32>
    %swap3A_353 = arith.constant 2 : i32
    %swap3A_354 = arith.index_cast %swap3A_353 : i32 to index
    %swap3A_355 = arith.constant 16 : index
    %swap3A_356 = tpu.vector_load %arg11[%swap3A_354, %swap3A_355] {strides = array<i32>} : memref<8x80xi32, #tpu.memory_space<vmem>>, vector<1x16xi32>,
    %swap3A_357 = vector.shape_cast %swap3A_356 : vector<1x16xi32> to vector<16xi32>
    %swap3A_358 = vector.shape_cast %add3A_352 : vector<16xi32> to vector<1x16xi32>
    tpu.vector_store %arg11[%swap3A_354, %swap3A_355], %swap3A_358 {strides = array<i32>} : memref<8x80xi32, #tpu.memory_space<vmem>>, vector<1x16xi32>,
    %get3A_359 = arith.constant 2 : i32
    %get3A_360 = arith.index_cast %get3A_359 : i32 to index
    %get3A_361 = arith.constant 32 : index
    %get3A_362 = tpu.vector_load %arg11[%get3A_360, %get3A_361] {strides = array<i32>} : memref<8x80xi32, #tpu.memory_space<vmem>>, vector<1x16xi32>,
    %get3A_363 = vector.shape_cast %get3A_362 : vector<1x16xi32> to vector<16xi32>
    %add3A_364 = vector.broadcast %mul3A_2 : i32 to vector<16xi32>
    %add3A_365 = arith.addi %get3A_363, %add3A_364 : vector<16xi32>
    %swap3A_366 = arith.constant 2 : i32
    %swap3A_367 = arith.index_cast %swap3A_366 : i32 to index
    %swap3A_368 = arith.constant 32 : index
    %swap3A_369 = tpu.vector_load %arg11[%swap3A_367, %swap3A_368] {strides = array<i32>} : memref<8x80xi32, #tpu.memory_space<vmem>>, vector<1x16xi32>,
    %swap3A_370 = vector.shape_cast %swap3A_369 : vector<1x16xi32> to vector<16xi32>
    %swap3A_371 = vector.shape_cast %add3A_365 : vector<16xi32> to vector<1x16xi32>
    tpu.vector_store %arg11[%swap3A_367, %swap3A_368], %swap3A_371 {strides = array<i32>} : memref<8x80xi32, #tpu.memory_space<vmem>>, vector<1x16xi32>,
    %get3A_372 = arith.constant 2 : i32
    %get3A_373 = arith.index_cast %get3A_372 : i32 to index
    %get3A_374 = arith.constant 48 : index
    %get3A_375 = tpu.vector_load %arg11[%get3A_373, %get3A_374] {strides = array<i32>} : memref<8x80xi32, #tpu.memory_space<vmem>>, vector<1x16xi32>,
    %get3A_376 = vector.shape_cast %get3A_375 : vector<1x16xi32> to vector<16xi32>
    %add3A_377 = vector.broadcast %mul3A_2 : i32 to vector<16xi32>
    %add3A_378 = arith.addi %get3A_376, %add3A_377 : vector<16xi32>
    %swap3A_379 = arith.constant 2 : i32
    %swap3A_380 = arith.index_cast %swap3A_379 : i32 to index
    %swap3A_381 = arith.constant 48 : index
    %swap3A_382 = tpu.vector_load %arg11[%swap3A_380, %swap3A_381] {strides = array<i32>} : memref<8x80xi32, #tpu.memory_space<vmem>>, vector<1x16xi32>,
    %swap3A_383 = vector.shape_cast %swap3A_382 : vector<1x16xi32> to vector<16xi32>
    %swap3A_384 = vector.shape_cast %add3A_378 : vector<16xi32> to vector<1x16xi32>
    tpu.vector_store %arg11[%swap3A_380, %swap3A_381], %swap3A_384 {strides = array<i32>} : memref<8x80xi32, #tpu.memory_space<vmem>>, vector<1x16xi32>,
    %get3A_385 = arith.constant 2 : i32
    %get3A_386 = arith.index_cast %get3A_385 : i32 to index
    %get3A_387 = arith.constant 64 : index
    %get3A_388 = tpu.vector_load %arg11[%get3A_386, %get3A_387] {strides = array<i32>} : memref<8x80xi32, #tpu.memory_space<vmem>>, vector<1x16xi32>,
    %get3A_389 = vector.shape_cast %get3A_388 : vector<1x16xi32> to vector<16xi32>
    %add3A_390 = vector.broadcast %mul3A_2 : i32 to vector<16xi32>
    %add3A_391 = arith.addi %get3A_389, %add3A_390 : vector<16xi32>
    %swap3A_392 = arith.constant 2 : i32
    %swap3A_393 = arith.index_cast %swap3A_392 : i32 to index
    %swap3A_394 = arith.constant 64 : index
    %swap3A_395 = tpu.vector_load %arg11[%swap3A_393, %swap3A_394] {strides = array<i32>} : memref<8x80xi32, #tpu.memory_space<vmem>>, vector<1x16xi32>,
    %swap3A_396 = vector.shape_cast %swap3A_395 : vector<1x16xi32> to vector<16xi32>
    %swap3A_397 = vector.shape_cast %add3A_391 : vector<16xi32> to vector<1x16xi32>
    tpu.vector_store %arg11[%swap3A_393, %swap3A_394], %swap3A_397 {strides = array<i32>} : memref<8x80xi32, #tpu.memory_space<vmem>>, vector<1x16xi32>,
    %dma_start3A_398 = arith.constant 2 : i32
    %dma_start3A_399 = arith.constant 0 : i32
    %dma_start3A_400 = tpu.memref_slice %arg11[%dma_start3A_398, %dma_start3A_399] : memref<8x80xi32, #tpu.memory_space<vmem>> -> memref<1x80xi32, #tpu.memory_space<vmem>>
    %dma_start3A_401 = tpu.memref_squeeze %dma_start3A_400 : memref<1x80xi32, #tpu.memory_space<vmem>> -> memref<80xi32, #tpu.memory_space<vmem>>
    %dma_start3A_402 = arith.constant 0 : i32
    %dma_start3A_403 = arith.constant 0 : i32
    %dma_start3A_404 = tpu.memref_slice %arg4[%dma_start3A_402, %dma_start3A_403] : memref<20480x128xf32, #tpu.memory_space<hbm>> -> memref<20480x128xf32, #tpu.memory_space<hbm>>
    tpu.enqueue_indirect_dma source(%dma_start3A_404 : memref<20480x128xf32, #tpu.memory_space<hbm>>) target(%arg9 : memref<80x128xf32, #tpu.memory_space<vmem>>) offsets(%dma_start3A_401 : memref<80xi32, #tpu.memory_space<vmem>>) semaphore(%arg16 : memref<!tpu.dma_semaphore, #tpu.memory_space<semaphore_mem>>)
    %dma_wait3A_405 = arith.constant 0 : i32
    %dma_wait3A_406 = tpu.memref_slice %arg6[%mul3A_8, %dma_wait3A_405] : memref<10240x128xf32, #tpu.memory_space<vmem_shared>> -> memref<640x128xf32, #tpu.memory_space<vmem_shared>>
    %dma_wait3A_407 = arith.constant 0 : i32
    %dma_wait3A_408 = tpu.memref_slice %arg4[%add3A, %dma_wait3A_407] : memref<20480x128xf32, #tpu.memory_space<hbm>> -> memref<640x128xf32, #tpu.memory_space<hbm>>
    tpu.wait_dma2 semaphore(%arg13 : memref<!tpu.dma_semaphore, #tpu.memory_space<semaphore_mem>>) src(%dma_wait3A_408 : memref<640x128xf32, #tpu.memory_space<hbm>>) dst(%dma_wait3A_406 : memref<640x128xf32, #tpu.memory_space<vmem_shared>>)
    %barrier3A = arith.constant 0 : index
    tpu.barrier barrier_id(%barrier3A)
    %scan3A = arith.constant 0 : i32
    %scan3A_409 = arith.constant 32 : i32
    %scan3A_410 = arith.addi %scan3A, %scan3A_409 : i32
    %scan3A_411 = arith.constant 1 : i32
    scf.for %scan3A_418 = %scan3A to %scan3A_410 step %scan3A_411  : i32 {
      %mul3A_419 = arith.constant 8 : i32
      %mul3A_420 = arith.muli %scan3A_418, %mul3A_419 : i32
      %add3A_421 = arith.constant 0 : i32
      %add3A_422 = arith.addi %mul3A_420, %add3A_421 : i32
      %lt3A = arith.constant 250 : i32
      %lt3A_423 = arith.cmpi slt, %add3A_422, %lt3A : i32
      %convert_element_type3A = arith.extui %lt3A_423 : i1 to i32
      %cond3A = arith.constant 0 : i32
      %cond3A_424 = arith.cmpi ne, %convert_element_type3A, %cond3A : i32
      scf.if %cond3A_424 {
        %dma_wait3A_640 = arith.constant 0 : i32
        %dma_wait3A_641 = arith.constant 0 : i32
        %dma_wait3A_642 = tpu.memref_slice %arg11[%dma_wait3A_640, %dma_wait3A_641] : memref<8x80xi32, #tpu.memory_space<vmem>> -> memref<1x80xi32, #tpu.memory_space<vmem>>
        %dma_wait3A_643 = tpu.memref_squeeze %dma_wait3A_642 : memref<1x80xi32, #tpu.memory_space<vmem>> -> memref<80xi32, #tpu.memory_space<vmem>>
        %dma_wait3A_644 = arith.constant 0 : i32
        %dma_wait3A_645 = arith.constant 0 : i32
        %dma_wait3A_646 = tpu.memref_slice %arg4[%dma_wait3A_644, %dma_wait3A_645] : memref<20480x128xf32, #tpu.memory_space<hbm>> -> memref<20480x128xf32, #tpu.memory_space<hbm>>
        tpu.wait_indirect_dma semaphore(%arg14 : memref<!tpu.dma_semaphore, #tpu.memory_space<semaphore_mem>>) src(%dma_wait3A_646 : memref<20480x128xf32, #tpu.memory_space<hbm>>) dst(%arg7 : memref<80x128xf32, #tpu.memory_space<vmem>>)
      } else {
      }
      %add3A_425 = arith.constant 3 : i32
      %add3A_426 = arith.addi %add3A_422, %add3A_425 : i32
      %lt3A_427 = arith.constant 250 : i32
      %lt3A_428 = arith.cmpi slt, %add3A_426, %lt3A_427 : i32
      %convert_element_type3A_429 = arith.extui %lt3A_428 : i1 to i32
      %cond3A_430 = arith.constant 0 : i32
      %cond3A_431 = arith.cmpi ne, %convert_element_type3A_429, %cond3A_430 : i32
      scf.if %cond3A_431 {
        %add3A_640 = arith.constant 3 : i32
        %add3A_641 = arith.addi %add3A_422, %add3A_640 : i32
        %mul3A_642 = arith.constant 80 : i32
        %mul3A_643 = arith.muli %add3A_641, %mul3A_642 : i32
        %add3A_644 = arith.addi %mul3A_0, %mul3A_643 : i32
        %dma_wait3A_645 = arith.constant 3 : i32
        %dma_wait3A_646 = arith.constant 0 : i32
        %dma_wait3A_647 = tpu.memref_slice %arg11[%dma_wait3A_645, %dma_wait3A_646] : memref<8x80xi32, #tpu.memory_space<vmem>> -> memref<1x80xi32, #tpu.memory_space<vmem>>
        %dma_wait3A_648 = tpu.memref_squeeze %dma_wait3A_647 : memref<1x80xi32, #tpu.memory_space<vmem>> -> memref<80xi32, #tpu.memory_space<vmem>>
        %dma_wait3A_649 = tpu.memref_slice %arg2[%add3A_644] : memref<320000xi32, #tpu.memory_space<hbm>> -> memref<80xi32, #tpu.memory_space<hbm>>
        %dma_wait3A_650 = arith.constant 0 : i32
        %dma_wait3A_651 = tpu.memref_slice %arg11[%dma_wait3A_645, %dma_wait3A_650] : memref<8x80xi32, #tpu.memory_space<vmem>> -> memref<1x80xi32, #tpu.memory_space<vmem>>
        %dma_wait3A_652 = tpu.memref_squeeze %dma_wait3A_651 : memref<1x80xi32, #tpu.memory_space<vmem>> -> memref<80xi32, #tpu.memory_space<vmem>>
        %dma_wait3A_653 = tpu.memref_slice %arg2[%add3A_644] : memref<320000xi32, #tpu.memory_space<hbm>> -> memref<80xi32, #tpu.memory_space<hbm>>
        tpu.wait_dma2 semaphore(%arg25 : memref<!tpu.dma_semaphore, #tpu.memory_space<semaphore_mem>>) src(%dma_wait3A_653 : memref<80xi32, #tpu.memory_space<hbm>>) dst(%dma_wait3A_652 : memref<80xi32, #tpu.memory_space<vmem>>)
        %dma_wait3A_654 = arith.constant 3 : i32
        %dma_wait3A_655 = arith.constant 0 : i32
        %dma_wait3A_656 = tpu.memref_slice %arg12[%dma_wait3A_654, %dma_wait3A_655] : memref<8x80xi32, #tpu.memory_space<vmem>> -> memref<1x80xi32, #tpu.memory_space<vmem>>
        %dma_wait3A_657 = tpu.memref_squeeze %dma_wait3A_656 : memref<1x80xi32, #tpu.memory_space<vmem>> -> memref<80xi32, #tpu.memory_space<vmem>>
        %dma_wait3A_658 = tpu.memref_slice %arg3[%add3A_644] : memref<320000xi32, #tpu.memory_space<hbm>> -> memref<80xi32, #tpu.memory_space<hbm>>
        %dma_wait3A_659 = arith.constant 0 : i32
        %dma_wait3A_660 = tpu.memref_slice %arg12[%dma_wait3A_654, %dma_wait3A_659] : memref<8x80xi32, #tpu.memory_space<vmem>> -> memref<1x80xi32, #tpu.memory_space<vmem>>
        %dma_wait3A_661 = tpu.memref_squeeze %dma_wait3A_660 : memref<1x80xi32, #tpu.memory_space<vmem>> -> memref<80xi32, #tpu.memory_space<vmem>>
        %dma_wait3A_662 = tpu.memref_slice %arg3[%add3A_644] : memref<320000xi32, #tpu.memory_space<hbm>> -> memref<80xi32, #tpu.memory_space<hbm>>
        tpu.wait_dma2 semaphore(%arg25 : memref<!tpu.dma_semaphore, #tpu.memory_space<semaphore_mem>>) src(%dma_wait3A_662 : memref<80xi32, #tpu.memory_space<hbm>>) dst(%dma_wait3A_661 : memref<80xi32, #tpu.memory_space<vmem>>)
        %get3A_663 = arith.constant 3 : i32
        %get3A_664 = arith.index_cast %get3A_663 : i32 to index
        %get3A_665 = arith.constant 0 : index
        %get3A_666 = tpu.vector_load %arg11[%get3A_664, %get3A_665] {strides = array<i32>} : memref<8x80xi32, #tpu.memory_space<vmem>>, vector<1x16xi32>,
        %get3A_667 = vector.shape_cast %get3A_666 : vector<1x16xi32> to vector<16xi32>
        %add3A_668 = vector.broadcast %mul3A_2 : i32 to vector<16xi32>
        %add3A_669 = arith.addi %get3A_667, %add3A_668 : vector<16xi32>
        %swap3A_670 = arith.constant 3 : i32
        %swap3A_671 = arith.index_cast %swap3A_670 : i32 to index
        %swap3A_672 = arith.constant 0 : index
        %swap3A_673 = tpu.vector_load %arg11[%swap3A_671, %swap3A_672] {strides = array<i32>} : memref<8x80xi32, #tpu.memory_space<vmem>>, vector<1x16xi32>,
        %swap3A_674 = vector.shape_cast %swap3A_673 : vector<1x16xi32> to vector<16xi32>
        %swap3A_675 = vector.shape_cast %add3A_669 : vector<16xi32> to vector<1x16xi32>
        tpu.vector_store %arg11[%swap3A_671, %swap3A_672], %swap3A_675 {strides = array<i32>} : memref<8x80xi32, #tpu.memory_space<vmem>>, vector<1x16xi32>,
        %get3A_676 = arith.constant 3 : i32
        %get3A_677 = arith.index_cast %get3A_676 : i32 to index
        %get3A_678 = arith.constant 16 : index
        %get3A_679 = tpu.vector_load %arg11[%get3A_677, %get3A_678] {strides = array<i32>} : memref<8x80xi32, #tpu.memory_space<vmem>>, vector<1x16xi32>,
        %get3A_680 = vector.shape_cast %get3A_679 : vector<1x16xi32> to vector<16xi32>
        %add3A_681 = vector.broadcast %mul3A_2 : i32 to vector<16xi32>
        %add3A_682 = arith.addi %get3A_680, %add3A_681 : vector<16xi32>
        %swap3A_683 = arith.constant 3 : i32
        %swap3A_684 = arith.index_cast %swap3A_683 : i32 to index
        %swap3A_685 = arith.constant 16 : index
        %swap3A_686 = tpu.vector_load %arg11[%swap3A_684, %swap3A_685] {strides = array<i32>} : memref<8x80xi32, #tpu.memory_space<vmem>>, vector<1x16xi32>,
        %swap3A_687 = vector.shape_cast %swap3A_686 : vector<1x16xi32> to vector<16xi32>
        %swap3A_688 = vector.shape_cast %add3A_682 : vector<16xi32> to vector<1x16xi32>
        tpu.vector_store %arg11[%swap3A_684, %swap3A_685], %swap3A_688 {strides = array<i32>} : memref<8x80xi32, #tpu.memory_space<vmem>>, vector<1x16xi32>,
        %get3A_689 = arith.constant 3 : i32
        %get3A_690 = arith.index_cast %get3A_689 : i32 to index
        %get3A_691 = arith.constant 32 : index
        %get3A_692 = tpu.vector_load %arg11[%get3A_690, %get3A_691] {strides = array<i32>} : memref<8x80xi32, #tpu.memory_space<vmem>>, vector<1x16xi32>,
        %get3A_693 = vector.shape_cast %get3A_692 : vector<1x16xi32> to vector<16xi32>
        %add3A_694 = vector.broadcast %mul3A_2 : i32 to vector<16xi32>
        %add3A_695 = arith.addi %get3A_693, %add3A_694 : vector<16xi32>
        %swap3A_696 = arith.constant 3 : i32
        %swap3A_697 = arith.index_cast %swap3A_696 : i32 to index
        %swap3A_698 = arith.constant 32 : index
        %swap3A_699 = tpu.vector_load %arg11[%swap3A_697, %swap3A_698] {strides = array<i32>} : memref<8x80xi32, #tpu.memory_space<vmem>>, vector<1x16xi32>,
        %swap3A_700 = vector.shape_cast %swap3A_699 : vector<1x16xi32> to vector<16xi32>
        %swap3A_701 = vector.shape_cast %add3A_695 : vector<16xi32> to vector<1x16xi32>
        tpu.vector_store %arg11[%swap3A_697, %swap3A_698], %swap3A_701 {strides = array<i32>} : memref<8x80xi32, #tpu.memory_space<vmem>>, vector<1x16xi32>,
        %get3A_702 = arith.constant 3 : i32
        %get3A_703 = arith.index_cast %get3A_702 : i32 to index
        %get3A_704 = arith.constant 48 : index
        %get3A_705 = tpu.vector_load %arg11[%get3A_703, %get3A_704] {strides = array<i32>} : memref<8x80xi32, #tpu.memory_space<vmem>>, vector<1x16xi32>,
        %get3A_706 = vector.shape_cast %get3A_705 : vector<1x16xi32> to vector<16xi32>
        %add3A_707 = vector.broadcast %mul3A_2 : i32 to vector<16xi32>
        %add3A_708 = arith.addi %get3A_706, %add3A_707 : vector<16xi32>
        %swap3A_709 = arith.constant 3 : i32
        %swap3A_710 = arith.index_cast %swap3A_709 : i32 to index
        %swap3A_711 = arith.constant 48 : index
        %swap3A_712 = tpu.vector_load %arg11[%swap3A_710, %swap3A_711] {strides = array<i32>} : memref<8x80xi32, #tpu.memory_space<vmem>>, vector<1x16xi32>,
        %swap3A_713 = vector.shape_cast %swap3A_712 : vector<1x16xi32> to vector<16xi32>
        %swap3A_714 = vector.shape_cast %add3A_708 : vector<16xi32> to vector<1x16xi32>
        tpu.vector_store %arg11[%swap3A_710, %swap3A_711], %swap3A_714 {strides = array<i32>} : memref<8x80xi32, #tpu.memory_space<vmem>>, vector<1x16xi32>,
        %get3A_715 = arith.constant 3 : i32
        %get3A_716 = arith.index_cast %get3A_715 : i32 to index
        %get3A_717 = arith.constant 64 : index
        %get3A_718 = tpu.vector_load %arg11[%get3A_716, %get3A_717] {strides = array<i32>} : memref<8x80xi32, #tpu.memory_space<vmem>>, vector<1x16xi32>,
        %get3A_719 = vector.shape_cast %get3A_718 : vector<1x16xi32> to vector<16xi32>
        %add3A_720 = vector.broadcast %mul3A_2 : i32 to vector<16xi32>
        %add3A_721 = arith.addi %get3A_719, %add3A_720 : vector<16xi32>
        %swap3A_722 = arith.constant 3 : i32
        %swap3A_723 = arith.index_cast %swap3A_722 : i32 to index
        %swap3A_724 = arith.constant 64 : index
        %swap3A_725 = tpu.vector_load %arg11[%swap3A_723, %swap3A_724] {strides = array<i32>} : memref<8x80xi32, #tpu.memory_space<vmem>>, vector<1x16xi32>,
        %swap3A_726 = vector.shape_cast %swap3A_725 : vector<1x16xi32> to vector<16xi32>
        %swap3A_727 = vector.shape_cast %add3A_721 : vector<16xi32> to vector<1x16xi32>
        tpu.vector_store %arg11[%swap3A_723, %swap3A_724], %swap3A_727 {strides = array<i32>} : memref<8x80xi32, #tpu.memory_space<vmem>>, vector<1x16xi32>,
        %dma_start3A_728 = arith.constant 3 : i32
        %dma_start3A_729 = arith.constant 0 : i32
        %dma_start3A_730 = tpu.memref_slice %arg11[%dma_start3A_728, %dma_start3A_729] : memref<8x80xi32, #tpu.memory_space<vmem>> -> memref<1x80xi32, #tpu.memory_space<vmem>>
        %dma_start3A_731 = tpu.memref_squeeze %dma_start3A_730 : memref<1x80xi32, #tpu.memory_space<vmem>> -> memref<80xi32, #tpu.memory_space<vmem>>
        %dma_start3A_732 = arith.constant 0 : i32
        %dma_start3A_733 = arith.constant 0 : i32
        %dma_start3A_734 = tpu.memref_slice %arg4[%dma_start3A_732, %dma_start3A_733] : memref<20480x128xf32, #tpu.memory_space<hbm>> -> memref<20480x128xf32, #tpu.memory_space<hbm>>
        tpu.enqueue_indirect_dma source(%dma_start3A_734 : memref<20480x128xf32, #tpu.memory_space<hbm>>) target(%arg10 : memref<80x128xf32, #tpu.memory_space<vmem>>) offsets(%dma_start3A_731 : memref<80xi32, #tpu.memory_space<vmem>>) semaphore(%arg17 : memref<!tpu.dma_semaphore, #tpu.memory_space<semaphore_mem>>)
      } else {
      }
      %lt3A_432 = arith.constant 250 : i32
      %lt3A_433 = arith.cmpi slt, %add3A_422, %lt3A_432 : i32
      %convert_element_type3A_434 = arith.extui %lt3A_433 : i1 to i32
      %cond3A_435 = arith.constant 0 : i32
      %cond3A_436 = arith.cmpi ne, %convert_element_type3A_434, %cond3A_435 : i32
      scf.if %cond3A_436 {
        %run_scoped3A = arith.constant 0 : i32
        "tpu.region"() ({
          %run_scoped3A_640 = tpu.sem_alloc : memref<!tpu.dma_semaphore, #tpu.memory_space<semaphore_mem>>
          %dma_start3A_641 = arith.constant 0 : i32
          %dma_start3A_642 = tpu.memref_slice %arg12[%run_scoped3A, %dma_start3A_641] : memref<8x80xi32, #tpu.memory_space<vmem>> -> memref<1x80xi32, #tpu.memory_space<vmem>>
          %dma_start3A_643 = tpu.memref_squeeze %dma_start3A_642 : memref<1x80xi32, #tpu.memory_space<vmem>> -> memref<80xi32, #tpu.memory_space<vmem>>
          %dma_start3A_644 = arith.constant 0 : i32
          %dma_start3A_645 = arith.constant 0 : i32
          %dma_start3A_646 = tpu.memref_slice %arg6[%dma_start3A_644, %dma_start3A_645] : memref<10240x128xf32, #tpu.memory_space<vmem_shared>> -> memref<10240x128xf32, #tpu.memory_space<vmem_shared>>
          tpu.enqueue_indirect_dma source(%arg7 : memref<80x128xf32, #tpu.memory_space<vmem>>) target(%dma_start3A_646 : memref<10240x128xf32, #tpu.memory_space<vmem_shared>>) offsets(%dma_start3A_643 : memref<80xi32, #tpu.memory_space<vmem>>) semaphore(%run_scoped3A_640 : memref<!tpu.dma_semaphore, #tpu.memory_space<semaphore_mem>>) {add = true}
          %dma_wait3A_647 = arith.constant 0 : i32
          %dma_wait3A_648 = tpu.memref_slice %arg12[%run_scoped3A, %dma_wait3A_647] : memref<8x80xi32, #tpu.memory_space<vmem>> -> memref<1x80xi32, #tpu.memory_space<vmem>>
          %dma_wait3A_649 = tpu.memref_squeeze %dma_wait3A_648 : memref<1x80xi32, #tpu.memory_space<vmem>> -> memref<80xi32, #tpu.memory_space<vmem>>
          %dma_wait3A_650 = arith.constant 0 : i32
          %dma_wait3A_651 = arith.constant 0 : i32
          %dma_wait3A_652 = tpu.memref_slice %arg6[%dma_wait3A_650, %dma_wait3A_651] : memref<10240x128xf32, #tpu.memory_space<vmem_shared>> -> memref<10240x128xf32, #tpu.memory_space<vmem_shared>>
          tpu.wait_indirect_dma semaphore(%run_scoped3A_640 : memref<!tpu.dma_semaphore, #tpu.memory_space<semaphore_mem>>) src(%arg7 : memref<80x128xf32, #tpu.memory_space<vmem>>) dst(%dma_wait3A_652 : memref<10240x128xf32, #tpu.memory_space<vmem_shared>>)
          tpu.yield
        }) : () -> ()
      } else {
      }
      %add3A_437 = arith.constant 6 : i32
      %add3A_438 = arith.addi %add3A_422, %add3A_437 : i32
      %lt3A_439 = arith.constant 250 : i32
      %lt3A_440 = arith.cmpi slt, %add3A_438, %lt3A_439 : i32
      %convert_element_type3A_441 = arith.extui %lt3A_440 : i1 to i32
      %cond3A_442 = arith.constant 0 : i32
      %cond3A_443 = arith.cmpi ne, %convert_element_type3A_441, %cond3A_442 : i32
      scf.if %cond3A_443 {
        %add3A_640 = arith.constant 6 : i32
        %add3A_641 = arith.addi %add3A_422, %add3A_640 : i32
        %mul3A_642 = arith.constant 80 : i32
        %mul3A_643 = arith.muli %add3A_641, %mul3A_642 : i32
        %add3A_644 = arith.addi %mul3A_0, %mul3A_643 : i32
        %dma_start3A_645 = arith.constant 6 : i32
        %dma_start3A_646 = arith.constant 0 : i32
        %dma_start3A_647 = tpu.memref_slice %arg11[%dma_start3A_645, %dma_start3A_646] : memref<8x80xi32, #tpu.memory_space<vmem>> -> memref<1x80xi32, #tpu.memory_space<vmem>>
        %dma_start3A_648 = tpu.memref_squeeze %dma_start3A_647 : memref<1x80xi32, #tpu.memory_space<vmem>> -> memref<80xi32, #tpu.memory_space<vmem>>
        %dma_start3A_649 = tpu.memref_slice %arg2[%add3A_644] : memref<320000xi32, #tpu.memory_space<hbm>> -> memref<80xi32, #tpu.memory_space<hbm>>
        %dma_start3A_650 = arith.constant 0 : i32
        %dma_start3A_651 = tpu.memref_slice %arg11[%dma_start3A_645, %dma_start3A_650] : memref<8x80xi32, #tpu.memory_space<vmem>> -> memref<1x80xi32, #tpu.memory_space<vmem>>
        %dma_start3A_652 = tpu.memref_squeeze %dma_start3A_651 : memref<1x80xi32, #tpu.memory_space<vmem>> -> memref<80xi32, #tpu.memory_space<vmem>>
        %dma_start3A_653 = tpu.memref_slice %arg2[%add3A_644] : memref<320000xi32, #tpu.memory_space<hbm>> -> memref<80xi32, #tpu.memory_space<hbm>>
        tpu.enqueue_dma source(%dma_start3A_653 : memref<80xi32, #tpu.memory_space<hbm>>) target(%dma_start3A_652 : memref<80xi32, #tpu.memory_space<vmem>>) target_semaphore(%arg28 : memref<!tpu.dma_semaphore, #tpu.memory_space<semaphore_mem>>)
        %dma_start3A_654 = arith.constant 6 : i32
        %dma_start3A_655 = arith.constant 0 : i32
        %dma_start3A_656 = tpu.memref_slice %arg12[%dma_start3A_654, %dma_start3A_655] : memref<8x80xi32, #tpu.memory_space<vmem>> -> memref<1x80xi32, #tpu.memory_space<vmem>>
        %dma_start3A_657 = tpu.memref_squeeze %dma_start3A_656 : memref<1x80xi32, #tpu.memory_space<vmem>> -> memref<80xi32, #tpu.memory_space<vmem>>
        %dma_start3A_658 = tpu.memref_slice %arg3[%add3A_644] : memref<320000xi32, #tpu.memory_space<hbm>> -> memref<80xi32, #tpu.memory_space<hbm>>
        %dma_start3A_659 = arith.constant 0 : i32
        %dma_start3A_660 = tpu.memref_slice %arg12[%dma_start3A_654, %dma_start3A_659] : memref<8x80xi32, #tpu.memory_space<vmem>> -> memref<1x80xi32, #tpu.memory_space<vmem>>
        %dma_start3A_661 = tpu.memref_squeeze %dma_start3A_660 : memref<1x80xi32, #tpu.memory_space<vmem>> -> memref<80xi32, #tpu.memory_space<vmem>>
        %dma_start3A_662 = tpu.memref_slice %arg3[%add3A_644] : memref<320000xi32, #tpu.memory_space<hbm>> -> memref<80xi32, #tpu.memory_space<hbm>>
        tpu.enqueue_dma source(%dma_start3A_662 : memref<80xi32, #tpu.memory_space<hbm>>) target(%dma_start3A_661 : memref<80xi32, #tpu.memory_space<vmem>>) target_semaphore(%arg28 : memref<!tpu.dma_semaphore, #tpu.memory_space<semaphore_mem>>)
      } else {
      }
      %mul3A_444 = arith.constant 8 : i32
      %mul3A_445 = arith.muli %scan3A_418, %mul3A_444 : i32
      %add3A_446 = arith.constant 1 : i32
      %add3A_447 = arith.addi %mul3A_445, %add3A_446 : i32
      %lt3A_448 = arith.constant 250 : i32
      %lt3A_449 = arith.cmpi slt, %add3A_447, %lt3A_448 : i32
      %convert_element_type3A_450 = arith.extui %lt3A_449 : i1 to i32
      %cond3A_451 = arith.constant 0 : i32
      %cond3A_452 = arith.cmpi ne, %convert_element_type3A_450, %cond3A_451 : i32
      scf.if %cond3A_452 {
        %dma_wait3A_640 = arith.constant 1 : i32
        %dma_wait3A_641 = arith.constant 0 : i32
        %dma_wait3A_642 = tpu.memref_slice %arg11[%dma_wait3A_640, %dma_wait3A_641] : memref<8x80xi32, #tpu.memory_space<vmem>> -> memref<1x80xi32, #tpu.memory_space<vmem>>
        %dma_wait3A_643 = tpu.memref_squeeze %dma_wait3A_642 : memref<1x80xi32, #tpu.memory_space<vmem>> -> memref<80xi32, #tpu.memory_space<vmem>>
        %dma_wait3A_644 = arith.constant 0 : i32
        %dma_wait3A_645 = arith.constant 0 : i32
        %dma_wait3A_646 = tpu.memref_slice %arg4[%dma_wait3A_644, %dma_wait3A_645] : memref<20480x128xf32, #tpu.memory_space<hbm>> -> memref<20480x128xf32, #tpu.memory_space<hbm>>
        tpu.wait_indirect_dma semaphore(%arg15 : memref<!tpu.dma_semaphore, #tpu.memory_space<semaphore_mem>>) src(%dma_wait3A_646 : memref<20480x128xf32, #tpu.memory_space<hbm>>) dst(%arg8 : memref<80x128xf32, #tpu.memory_space<vmem>>)
      } else {
      }
      %add3A_453 = arith.constant 3 : i32
      %add3A_454 = arith.addi %add3A_447, %add3A_453 : i32
      %lt3A_455 = arith.constant 250 : i32
      %lt3A_456 = arith.cmpi slt, %add3A_454, %lt3A_455 : i32
      %convert_element_type3A_457 = arith.extui %lt3A_456 : i1 to i32
      %cond3A_458 = arith.constant 0 : i32
      %cond3A_459 = arith.cmpi ne, %convert_element_type3A_457, %cond3A_458 : i32
      scf.if %cond3A_459 {
        %add3A_640 = arith.constant 3 : i32
        %add3A_641 = arith.addi %add3A_447, %add3A_640 : i32
        %mul3A_642 = arith.constant 80 : i32
        %mul3A_643 = arith.muli %add3A_641, %mul3A_642 : i32
        %add3A_644 = arith.addi %mul3A_0, %mul3A_643 : i32
        %dma_wait3A_645 = arith.constant 4 : i32
        %dma_wait3A_646 = arith.constant 0 : i32
        %dma_wait3A_647 = tpu.memref_slice %arg11[%dma_wait3A_645, %dma_wait3A_646] : memref<8x80xi32, #tpu.memory_space<vmem>> -> memref<1x80xi32, #tpu.memory_space<vmem>>
        %dma_wait3A_648 = tpu.memref_squeeze %dma_wait3A_647 : memref<1x80xi32, #tpu.memory_space<vmem>> -> memref<80xi32, #tpu.memory_space<vmem>>
        %dma_wait3A_649 = tpu.memref_slice %arg2[%add3A_644] : memref<320000xi32, #tpu.memory_space<hbm>> -> memref<80xi32, #tpu.memory_space<hbm>>
        %dma_wait3A_650 = arith.constant 0 : i32
        %dma_wait3A_651 = tpu.memref_slice %arg11[%dma_wait3A_645, %dma_wait3A_650] : memref<8x80xi32, #tpu.memory_space<vmem>> -> memref<1x80xi32, #tpu.memory_space<vmem>>
        %dma_wait3A_652 = tpu.memref_squeeze %dma_wait3A_651 : memref<1x80xi32, #tpu.memory_space<vmem>> -> memref<80xi32, #tpu.memory_space<vmem>>
        %dma_wait3A_653 = tpu.memref_slice %arg2[%add3A_644] : memref<320000xi32, #tpu.memory_space<hbm>> -> memref<80xi32, #tpu.memory_space<hbm>>
        tpu.wait_dma2 semaphore(%arg26 : memref<!tpu.dma_semaphore, #tpu.memory_space<semaphore_mem>>) src(%dma_wait3A_653 : memref<80xi32, #tpu.memory_space<hbm>>) dst(%dma_wait3A_652 : memref<80xi32, #tpu.memory_space<vmem>>)
        %dma_wait3A_654 = arith.constant 4 : i32
        %dma_wait3A_655 = arith.constant 0 : i32
        %dma_wait3A_656 = tpu.memref_slice %arg12[%dma_wait3A_654, %dma_wait3A_655] : memref<8x80xi32, #tpu.memory_space<vmem>> -> memref<1x80xi32, #tpu.memory_space<vmem>>
        %dma_wait3A_657 = tpu.memref_squeeze %dma_wait3A_656 : memref<1x80xi32, #tpu.memory_space<vmem>> -> memref<80xi32, #tpu.memory_space<vmem>>
        %dma_wait3A_658 = tpu.memref_slice %arg3[%add3A_644] : memref<320000xi32, #tpu.memory_space<hbm>> -> memref<80xi32, #tpu.memory_space<hbm>>
        %dma_wait3A_659 = arith.constant 0 : i32
        %dma_wait3A_660 = tpu.memref_slice %arg12[%dma_wait3A_654, %dma_wait3A_659] : memref<8x80xi32, #tpu.memory_space<vmem>> -> memref<1x80xi32, #tpu.memory_space<vmem>>
        %dma_wait3A_661 = tpu.memref_squeeze %dma_wait3A_660 : memref<1x80xi32, #tpu.memory_space<vmem>> -> memref<80xi32, #tpu.memory_space<vmem>>
        %dma_wait3A_662 = tpu.memref_slice %arg3[%add3A_644] : memref<320000xi32, #tpu.memory_space<hbm>> -> memref<80xi32, #tpu.memory_space<hbm>>
        tpu.wait_dma2 semaphore(%arg26 : memref<!tpu.dma_semaphore, #tpu.memory_space<semaphore_mem>>) src(%dma_wait3A_662 : memref<80xi32, #tpu.memory_space<hbm>>) dst(%dma_wait3A_661 : memref<80xi32, #tpu.memory_space<vmem>>)
        %get3A_663 = arith.constant 4 : i32
        %get3A_664 = arith.index_cast %get3A_663 : i32 to index
        %get3A_665 = arith.constant 0 : index
        %get3A_666 = tpu.vector_load %arg11[%get3A_664, %get3A_665] {strides = array<i32>} : memref<8x80xi32, #tpu.memory_space<vmem>>, vector<1x16xi32>,
        %get3A_667 = vector.shape_cast %get3A_666 : vector<1x16xi32> to vector<16xi32>
        %add3A_668 = vector.broadcast %mul3A_2 : i32 to vector<16xi32>
        %add3A_669 = arith.addi %get3A_667, %add3A_668 : vector<16xi32>
        %swap3A_670 = arith.constant 4 : i32
        %swap3A_671 = arith.index_cast %swap3A_670 : i32 to index
        %swap3A_672 = arith.constant 0 : index
        %swap3A_673 = tpu.vector_load %arg11[%swap3A_671, %swap3A_672] {strides = array<i32>} : memref<8x80xi32, #tpu.memory_space<vmem>>, vector<1x16xi32>,
        %swap3A_674 = vector.shape_cast %swap3A_673 : vector<1x16xi32> to vector<16xi32>
        %swap3A_675 = vector.shape_cast %add3A_669 : vector<16xi32> to vector<1x16xi32>
        tpu.vector_store %arg11[%swap3A_671, %swap3A_672], %swap3A_675 {strides = array<i32>} : memref<8x80xi32, #tpu.memory_space<vmem>>, vector<1x16xi32>,
        %get3A_676 = arith.constant 4 : i32
        %get3A_677 = arith.index_cast %get3A_676 : i32 to index
        %get3A_678 = arith.constant 16 : index
        %get3A_679 = tpu.vector_load %arg11[%get3A_677, %get3A_678] {strides = array<i32>} : memref<8x80xi32, #tpu.memory_space<vmem>>, vector<1x16xi32>,
        %get3A_680 = vector.shape_cast %get3A_679 : vector<1x16xi32> to vector<16xi32>
        %add3A_681 = vector.broadcast %mul3A_2 : i32 to vector<16xi32>
        %add3A_682 = arith.addi %get3A_680, %add3A_681 : vector<16xi32>
        %swap3A_683 = arith.constant 4 : i32
        %swap3A_684 = arith.index_cast %swap3A_683 : i32 to index
        %swap3A_685 = arith.constant 16 : index
        %swap3A_686 = tpu.vector_load %arg11[%swap3A_684, %swap3A_685] {strides = array<i32>} : memref<8x80xi32, #tpu.memory_space<vmem>>, vector<1x16xi32>,
        %swap3A_687 = vector.shape_cast %swap3A_686 : vector<1x16xi32> to vector<16xi32>
        %swap3A_688 = vector.shape_cast %add3A_682 : vector<16xi32> to vector<1x16xi32>
        tpu.vector_store %arg11[%swap3A_684, %swap3A_685], %swap3A_688 {strides = array<i32>} : memref<8x80xi32, #tpu.memory_space<vmem>>, vector<1x16xi32>,
        %get3A_689 = arith.constant 4 : i32
        %get3A_690 = arith.index_cast %get3A_689 : i32 to index
        %get3A_691 = arith.constant 32 : index
        %get3A_692 = tpu.vector_load %arg11[%get3A_690, %get3A_691] {strides = array<i32>} : memref<8x80xi32, #tpu.memory_space<vmem>>, vector<1x16xi32>,
        %get3A_693 = vector.shape_cast %get3A_692 : vector<1x16xi32> to vector<16xi32>
        %add3A_694 = vector.broadcast %mul3A_2 : i32 to vector<16xi32>
        %add3A_695 = arith.addi %get3A_693, %add3A_694 : vector<16xi32>
        %swap3A_696 = arith.constant 4 : i32
        %swap3A_697 = arith.index_cast %swap3A_696 : i32 to index
        %swap3A_698 = arith.constant 32 : index
        %swap3A_699 = tpu.vector_load %arg11[%swap3A_697, %swap3A_698] {strides = array<i32>} : memref<8x80xi32, #tpu.memory_space<vmem>>, vector<1x16xi32>,
        %swap3A_700 = vector.shape_cast %swap3A_699 : vector<1x16xi32> to vector<16xi32>
        %swap3A_701 = vector.shape_cast %add3A_695 : vector<16xi32> to vector<1x16xi32>
        tpu.vector_store %arg11[%swap3A_697, %swap3A_698], %swap3A_701 {strides = array<i32>} : memref<8x80xi32, #tpu.memory_space<vmem>>, vector<1x16xi32>,
        %get3A_702 = arith.constant 4 : i32
        %get3A_703 = arith.index_cast %get3A_702 : i32 to index
        %get3A_704 = arith.constant 48 : index
        %get3A_705 = tpu.vector_load %arg11[%get3A_703, %get3A_704] {strides = array<i32>} : memref<8x80xi32, #tpu.memory_space<vmem>>, vector<1x16xi32>,
        %get3A_706 = vector.shape_cast %get3A_705 : vector<1x16xi32> to vector<16xi32>
        %add3A_707 = vector.broadcast %mul3A_2 : i32 to vector<16xi32>
        %add3A_708 = arith.addi %get3A_706, %add3A_707 : vector<16xi32>
        %swap3A_709 = arith.constant 4 : i32
        %swap3A_710 = arith.index_cast %swap3A_709 : i32 to index
        %swap3A_711 = arith.constant 48 : index
        %swap3A_712 = tpu.vector_load %arg11[%swap3A_710, %swap3A_711] {strides = array<i32>} : memref<8x80xi32, #tpu.memory_space<vmem>>, vector<1x16xi32>,
        %swap3A_713 = vector.shape_cast %swap3A_712 : vector<1x16xi32> to vector<16xi32>
        %swap3A_714 = vector.shape_cast %add3A_708 : vector<16xi32> to vector<1x16xi32>
        tpu.vector_store %arg11[%swap3A_710, %swap3A_711], %swap3A_714 {strides = array<i32>} : memref<8x80xi32, #tpu.memory_space<vmem>>, vector<1x16xi32>,
        %get3A_715 = arith.constant 4 : i32
        %get3A_716 = arith.index_cast %get3A_715 : i32 to index
        %get3A_717 = arith.constant 64 : index
        %get3A_718 = tpu.vector_load %arg11[%get3A_716, %get3A_717] {strides = array<i32>} : memref<8x80xi32, #tpu.memory_space<vmem>>, vector<1x16xi32>,
        %get3A_719 = vector.shape_cast %get3A_718 : vector<1x16xi32> to vector<16xi32>
        %add3A_720 = vector.broadcast %mul3A_2 : i32 to vector<16xi32>
        %add3A_721 = arith.addi %get3A_719, %add3A_720 : vector<16xi32>
        %swap3A_722 = arith.constant 4 : i32
        %swap3A_723 = arith.index_cast %swap3A_722 : i32 to index
        %swap3A_724 = arith.constant 64 : index
        %swap3A_725 = tpu.vector_load %arg11[%swap3A_723, %swap3A_724] {strides = array<i32>} : memref<8x80xi32, #tpu.memory_space<vmem>>, vector<1x16xi32>,
        %swap3A_726 = vector.shape_cast %swap3A_725 : vector<1x16xi32> to vector<16xi32>
        %swap3A_727 = vector.shape_cast %add3A_721 : vector<16xi32> to vector<1x16xi32>
        tpu.vector_store %arg11[%swap3A_723, %swap3A_724], %swap3A_727 {strides = array<i32>} : memref<8x80xi32, #tpu.memory_space<vmem>>, vector<1x16xi32>,
        %dma_start3A_728 = arith.constant 4 : i32
        %dma_start3A_729 = arith.constant 0 : i32
        %dma_start3A_730 = tpu.memref_slice %arg11[%dma_start3A_728, %dma_start3A_729] : memref<8x80xi32, #tpu.memory_space<vmem>> -> memref<1x80xi32, #tpu.memory_space<vmem>>
        %dma_start3A_731 = tpu.memref_squeeze %dma_start3A_730 : memref<1x80xi32, #tpu.memory_space<vmem>> -> memref<80xi32, #tpu.memory_space<vmem>>
        %dma_start3A_732 = arith.constant 0 : i32
        %dma_start3A_733 = arith.constant 0 : i32
        %dma_start3A_734 = tpu.memref_slice %arg4[%dma_start3A_732, %dma_start3A_733] : memref<20480x128xf32, #tpu.memory_space<hbm>> -> memref<20480x128xf32, #tpu.memory_space<hbm>>
        tpu.enqueue_indirect_dma source(%dma_start3A_734 : memref<20480x128xf32, #tpu.memory_space<hbm>>) target(%arg7 : memref<80x128xf32, #tpu.memory_space<vmem>>) offsets(%dma_start3A_731 : memref<80xi32, #tpu.memory_space<vmem>>) semaphore(%arg14 : memref<!tpu.dma_semaphore, #tpu.memory_space<semaphore_mem>>)
      } else {
      }
      %lt3A_460 = arith.constant 250 : i32
      %lt3A_461 = arith.cmpi slt, %add3A_447, %lt3A_460 : i32
      %convert_element_type3A_462 = arith.extui %lt3A_461 : i1 to i32
      %cond3A_463 = arith.constant 0 : i32
      %cond3A_464 = arith.cmpi ne, %convert_element_type3A_462, %cond3A_463 : i32
      scf.if %cond3A_464 {
        %run_scoped3A = arith.constant 1 : i32
        "tpu.region"() ({
          %run_scoped3A_640 = tpu.sem_alloc : memref<!tpu.dma_semaphore, #tpu.memory_space<semaphore_mem>>
          %dma_start3A_641 = arith.constant 0 : i32
          %dma_start3A_642 = tpu.memref_slice %arg12[%run_scoped3A, %dma_start3A_641] : memref<8x80xi32, #tpu.memory_space<vmem>> -> memref<1x80xi32, #tpu.memory_space<vmem>>
          %dma_start3A_643 = tpu.memref_squeeze %dma_start3A_642 : memref<1x80xi32, #tpu.memory_space<vmem>> -> memref<80xi32, #tpu.memory_space<vmem>>
          %dma_start3A_644 = arith.constant 0 : i32
          %dma_start3A_645 = arith.constant 0 : i32
          %dma_start3A_646 = tpu.memref_slice %arg6[%dma_start3A_644, %dma_start3A_645] : memref<10240x128xf32, #tpu.memory_space<vmem_shared>> -> memref<10240x128xf32, #tpu.memory_space<vmem_shared>>
          tpu.enqueue_indirect_dma source(%arg8 : memref<80x128xf32, #tpu.memory_space<vmem>>) target(%dma_start3A_646 : memref<10240x128xf32, #tpu.memory_space<vmem_shared>>) offsets(%dma_start3A_643 : memref<80xi32, #tpu.memory_space<vmem>>) semaphore(%run_scoped3A_640 : memref<!tpu.dma_semaphore, #tpu.memory_space<semaphore_mem>>) {add = true}
          %dma_wait3A_647 = arith.constant 0 : i32
          %dma_wait3A_648 = tpu.memref_slice %arg12[%run_scoped3A, %dma_wait3A_647] : memref<8x80xi32, #tpu.memory_space<vmem>> -> memref<1x80xi32, #tpu.memory_space<vmem>>
          %dma_wait3A_649 = tpu.memref_squeeze %dma_wait3A_648 : memref<1x80xi32, #tpu.memory_space<vmem>> -> memref<80xi32, #tpu.memory_space<vmem>>
          %dma_wait3A_650 = arith.constant 0 : i32
          %dma_wait3A_651 = arith.constant 0 : i32
          %dma_wait3A_652 = tpu.memref_slice %arg6[%dma_wait3A_650, %dma_wait3A_651] : memref<10240x128xf32, #tpu.memory_space<vmem_shared>> -> memref<10240x128xf32, #tpu.memory_space<vmem_shared>>
          tpu.wait_indirect_dma semaphore(%run_scoped3A_640 : memref<!tpu.dma_semaphore, #tpu.memory_space<semaphore_mem>>) src(%arg8 : memref<80x128xf32, #tpu.memory_space<vmem>>) dst(%dma_wait3A_652 : memref<10240x128xf32, #tpu.memory_space<vmem_shared>>)
          tpu.yield
        }) : () -> ()
      } else {
      }
      %add3A_465 = arith.constant 6 : i32
      %add3A_466 = arith.addi %add3A_447, %add3A_465 : i32
      %lt3A_467 = arith.constant 250 : i32
      %lt3A_468 = arith.cmpi slt, %add3A_466, %lt3A_467 : i32
      %convert_element_type3A_469 = arith.extui %lt3A_468 : i1 to i32
      %cond3A_470 = arith.constant 0 : i32
      %cond3A_471 = arith.cmpi ne, %convert_element_type3A_469, %cond3A_470 : i32
      scf.if %cond3A_471 {
        %add3A_640 = arith.constant 6 : i32
        %add3A_641 = arith.addi %add3A_447, %add3A_640 : i32
        %mul3A_642 = arith.constant 80 : i32
        %mul3A_643 = arith.muli %add3A_641, %mul3A_642 : i32
        %add3A_644 = arith.addi %mul3A_0, %mul3A_643 : i32
        %dma_start3A_645 = arith.constant 7 : i32
        %dma_start3A_646 = arith.constant 0 : i32
        %dma_start3A_647 = tpu.memref_slice %arg11[%dma_start3A_645, %dma_start3A_646] : memref<8x80xi32, #tpu.memory_space<vmem>> -> memref<1x80xi32, #tpu.memory_space<vmem>>
        %dma_start3A_648 = tpu.memref_squeeze %dma_start3A_647 : memref<1x80xi32, #tpu.memory_space<vmem>> -> memref<80xi32, #tpu.memory_space<vmem>>
        %dma_start3A_649 = tpu.memref_slice %arg2[%add3A_644] : memref<320000xi32, #tpu.memory_space<hbm>> -> memref<80xi32, #tpu.memory_space<hbm>>
        %dma_start3A_650 = arith.constant 0 : i32
        %dma_start3A_651 = tpu.memref_slice %arg11[%dma_start3A_645, %dma_start3A_650] : memref<8x80xi32, #tpu.memory_space<vmem>> -> memref<1x80xi32, #tpu.memory_space<vmem>>
        %dma_start3A_652 = tpu.memref_squeeze %dma_start3A_651 : memref<1x80xi32, #tpu.memory_space<vmem>> -> memref<80xi32, #tpu.memory_space<vmem>>
        %dma_start3A_653 = tpu.memref_slice %arg2[%add3A_644] : memref<320000xi32, #tpu.memory_space<hbm>> -> memref<80xi32, #tpu.memory_space<hbm>>
        tpu.enqueue_dma source(%dma_start3A_653 : memref<80xi32, #tpu.memory_space<hbm>>) target(%dma_start3A_652 : memref<80xi32, #tpu.memory_space<vmem>>) target_semaphore(%arg29 : memref<!tpu.dma_semaphore, #tpu.memory_space<semaphore_mem>>)
        %dma_start3A_654 = arith.constant 7 : i32
        %dma_start3A_655 = arith.constant 0 : i32
        %dma_start3A_656 = tpu.memref_slice %arg12[%dma_start3A_654, %dma_start3A_655] : memref<8x80xi32, #tpu.memory_space<vmem>> -> memref<1x80xi32, #tpu.memory_space<vmem>>
        %dma_start3A_657 = tpu.memref_squeeze %dma_start3A_656 : memref<1x80xi32, #tpu.memory_space<vmem>> -> memref<80xi32, #tpu.memory_space<vmem>>
        %dma_start3A_658 = tpu.memref_slice %arg3[%add3A_644] : memref<320000xi32, #tpu.memory_space<hbm>> -> memref<80xi32, #tpu.memory_space<hbm>>
        %dma_start3A_659 = arith.constant 0 : i32
        %dma_start3A_660 = tpu.memref_slice %arg12[%dma_start3A_654, %dma_start3A_659] : memref<8x80xi32, #tpu.memory_space<vmem>> -> memref<1x80xi32, #tpu.memory_space<vmem>>
        %dma_start3A_661 = tpu.memref_squeeze %dma_start3A_660 : memref<1x80xi32, #tpu.memory_space<vmem>> -> memref<80xi32, #tpu.memory_space<vmem>>
        %dma_start3A_662 = tpu.memref_slice %arg3[%add3A_644] : memref<320000xi32, #tpu.memory_space<hbm>> -> memref<80xi32, #tpu.memory_space<hbm>>
        tpu.enqueue_dma source(%dma_start3A_662 : memref<80xi32, #tpu.memory_space<hbm>>) target(%dma_start3A_661 : memref<80xi32, #tpu.memory_space<vmem>>) target_semaphore(%arg29 : memref<!tpu.dma_semaphore, #tpu.memory_space<semaphore_mem>>)
      } else {
      }
      %mul3A_472 = arith.constant 8 : i32
      %mul3A_473 = arith.muli %scan3A_418, %mul3A_472 : i32
      %add3A_474 = arith.constant 2 : i32
      %add3A_475 = arith.addi %mul3A_473, %add3A_474 : i32
      %lt3A_476 = arith.constant 250 : i32
      %lt3A_477 = arith.cmpi slt, %add3A_475, %lt3A_476 : i32
      %convert_element_type3A_478 = arith.extui %lt3A_477 : i1 to i32
      %cond3A_479 = arith.constant 0 : i32
      %cond3A_480 = arith.cmpi ne, %convert_element_type3A_478, %cond3A_479 : i32
      scf.if %cond3A_480 {
        %dma_wait3A_640 = arith.constant 2 : i32
        %dma_wait3A_641 = arith.constant 0 : i32
        %dma_wait3A_642 = tpu.memref_slice %arg11[%dma_wait3A_640, %dma_wait3A_641] : memref<8x80xi32, #tpu.memory_space<vmem>> -> memref<1x80xi32, #tpu.memory_space<vmem>>
        %dma_wait3A_643 = tpu.memref_squeeze %dma_wait3A_642 : memref<1x80xi32, #tpu.memory_space<vmem>> -> memref<80xi32, #tpu.memory_space<vmem>>
        %dma_wait3A_644 = arith.constant 0 : i32
        %dma_wait3A_645 = arith.constant 0 : i32
        %dma_wait3A_646 = tpu.memref_slice %arg4[%dma_wait3A_644, %dma_wait3A_645] : memref<20480x128xf32, #tpu.memory_space<hbm>> -> memref<20480x128xf32, #tpu.memory_space<hbm>>
        tpu.wait_indirect_dma semaphore(%arg16 : memref<!tpu.dma_semaphore, #tpu.memory_space<semaphore_mem>>) src(%dma_wait3A_646 : memref<20480x128xf32, #tpu.memory_space<hbm>>) dst(%arg9 : memref<80x128xf32, #tpu.memory_space<vmem>>)
      } else {
      }
      %add3A_481 = arith.constant 3 : i32
      %add3A_482 = arith.addi %add3A_475, %add3A_481 : i32
      %lt3A_483 = arith.constant 250 : i32
      %lt3A_484 = arith.cmpi slt, %add3A_482, %lt3A_483 : i32
      %convert_element_type3A_485 = arith.extui %lt3A_484 : i1 to i32
      %cond3A_486 = arith.constant 0 : i32
      %cond3A_487 = arith.cmpi ne, %convert_element_type3A_485, %cond3A_486 : i32
      scf.if %cond3A_487 {
        %add3A_640 = arith.constant 3 : i32
        %add3A_641 = arith.addi %add3A_475, %add3A_640 : i32
        %mul3A_642 = arith.constant 80 : i32
        %mul3A_643 = arith.muli %add3A_641, %mul3A_642 : i32
        %add3A_644 = arith.addi %mul3A_0, %mul3A_643 : i32
        %dma_wait3A_645 = arith.constant 5 : i32
        %dma_wait3A_646 = arith.constant 0 : i32
        %dma_wait3A_647 = tpu.memref_slice %arg11[%dma_wait3A_645, %dma_wait3A_646] : memref<8x80xi32, #tpu.memory_space<vmem>> -> memref<1x80xi32, #tpu.memory_space<vmem>>
        %dma_wait3A_648 = tpu.memref_squeeze %dma_wait3A_647 : memref<1x80xi32, #tpu.memory_space<vmem>> -> memref<80xi32, #tpu.memory_space<vmem>>
        %dma_wait3A_649 = tpu.memref_slice %arg2[%add3A_644] : memref<320000xi32, #tpu.memory_space<hbm>> -> memref<80xi32, #tpu.memory_space<hbm>>
        %dma_wait3A_650 = arith.constant 0 : i32
        %dma_wait3A_651 = tpu.memref_slice %arg11[%dma_wait3A_645, %dma_wait3A_650] : memref<8x80xi32, #tpu.memory_space<vmem>> -> memref<1x80xi32, #tpu.memory_space<vmem>>
        %dma_wait3A_652 = tpu.memref_squeeze %dma_wait3A_651 : memref<1x80xi32, #tpu.memory_space<vmem>> -> memref<80xi32, #tpu.memory_space<vmem>>
        %dma_wait3A_653 = tpu.memref_slice %arg2[%add3A_644] : memref<320000xi32, #tpu.memory_space<hbm>> -> memref<80xi32, #tpu.memory_space<hbm>>
        tpu.wait_dma2 semaphore(%arg27 : memref<!tpu.dma_semaphore, #tpu.memory_space<semaphore_mem>>) src(%dma_wait3A_653 : memref<80xi32, #tpu.memory_space<hbm>>) dst(%dma_wait3A_652 : memref<80xi32, #tpu.memory_space<vmem>>)
        %dma_wait3A_654 = arith.constant 5 : i32
        %dma_wait3A_655 = arith.constant 0 : i32
        %dma_wait3A_656 = tpu.memref_slice %arg12[%dma_wait3A_654, %dma_wait3A_655] : memref<8x80xi32, #tpu.memory_space<vmem>> -> memref<1x80xi32, #tpu.memory_space<vmem>>
        %dma_wait3A_657 = tpu.memref_squeeze %dma_wait3A_656 : memref<1x80xi32, #tpu.memory_space<vmem>> -> memref<80xi32, #tpu.memory_space<vmem>>
        %dma_wait3A_658 = tpu.memref_slice %arg3[%add3A_644] : memref<320000xi32, #tpu.memory_space<hbm>> -> memref<80xi32, #tpu.memory_space<hbm>>
        %dma_wait3A_659 = arith.constant 0 : i32
        %dma_wait3A_660 = tpu.memref_slice %arg12[%dma_wait3A_654, %dma_wait3A_659] : memref<8x80xi32, #tpu.memory_space<vmem>> -> memref<1x80xi32, #tpu.memory_space<vmem>>
        %dma_wait3A_661 = tpu.memref_squeeze %dma_wait3A_660 : memref<1x80xi32, #tpu.memory_space<vmem>> -> memref<80xi32, #tpu.memory_space<vmem>>
        %dma_wait3A_662 = tpu.memref_slice %arg3[%add3A_644] : memref<320000xi32, #tpu.memory_space<hbm>> -> memref<80xi32, #tpu.memory_space<hbm>>
        tpu.wait_dma2 semaphore(%arg27 : memref<!tpu.dma_semaphore, #tpu.memory_space<semaphore_mem>>) src(%dma_wait3A_662 : memref<80xi32, #tpu.memory_space<hbm>>) dst(%dma_wait3A_661 : memref<80xi32, #tpu.memory_space<vmem>>)
        %get3A_663 = arith.constant 5 : i32
        %get3A_664 = arith.index_cast %get3A_663 : i32 to index
        %get3A_665 = arith.constant 0 : index
        %get3A_666 = tpu.vector_load %arg11[%get3A_664, %get3A_665] {strides = array<i32>} : memref<8x80xi32, #tpu.memory_space<vmem>>, vector<1x16xi32>,
        %get3A_667 = vector.shape_cast %get3A_666 : vector<1x16xi32> to vector<16xi32>
        %add3A_668 = vector.broadcast %mul3A_2 : i32 to vector<16xi32>
        %add3A_669 = arith.addi %get3A_667, %add3A_668 : vector<16xi32>
        %swap3A_670 = arith.constant 5 : i32
        %swap3A_671 = arith.index_cast %swap3A_670 : i32 to index
        %swap3A_672 = arith.constant 0 : index
        %swap3A_673 = tpu.vector_load %arg11[%swap3A_671, %swap3A_672] {strides = array<i32>} : memref<8x80xi32, #tpu.memory_space<vmem>>, vector<1x16xi32>,
        %swap3A_674 = vector.shape_cast %swap3A_673 : vector<1x16xi32> to vector<16xi32>
        %swap3A_675 = vector.shape_cast %add3A_669 : vector<16xi32> to vector<1x16xi32>
        tpu.vector_store %arg11[%swap3A_671, %swap3A_672], %swap3A_675 {strides = array<i32>} : memref<8x80xi32, #tpu.memory_space<vmem>>, vector<1x16xi32>,
        %get3A_676 = arith.constant 5 : i32
        %get3A_677 = arith.index_cast %get3A_676 : i32 to index
        %get3A_678 = arith.constant 16 : index
        %get3A_679 = tpu.vector_load %arg11[%get3A_677, %get3A_678] {strides = array<i32>} : memref<8x80xi32, #tpu.memory_space<vmem>>, vector<1x16xi32>,
        %get3A_680 = vector.shape_cast %get3A_679 : vector<1x16xi32> to vector<16xi32>
        %add3A_681 = vector.broadcast %mul3A_2 : i32 to vector<16xi32>
        %add3A_682 = arith.addi %get3A_680, %add3A_681 : vector<16xi32>
        %swap3A_683 = arith.constant 5 : i32
        %swap3A_684 = arith.index_cast %swap3A_683 : i32 to index
        %swap3A_685 = arith.constant 16 : index
        %swap3A_686 = tpu.vector_load %arg11[%swap3A_684, %swap3A_685] {strides = array<i32>} : memref<8x80xi32, #tpu.memory_space<vmem>>, vector<1x16xi32>,
        %swap3A_687 = vector.shape_cast %swap3A_686 : vector<1x16xi32> to vector<16xi32>
        %swap3A_688 = vector.shape_cast %add3A_682 : vector<16xi32> to vector<1x16xi32>
        tpu.vector_store %arg11[%swap3A_684, %swap3A_685], %swap3A_688 {strides = array<i32>} : memref<8x80xi32, #tpu.memory_space<vmem>>, vector<1x16xi32>,
        %get3A_689 = arith.constant 5 : i32
        %get3A_690 = arith.index_cast %get3A_689 : i32 to index
        %get3A_691 = arith.constant 32 : index
        %get3A_692 = tpu.vector_load %arg11[%get3A_690, %get3A_691] {strides = array<i32>} : memref<8x80xi32, #tpu.memory_space<vmem>>, vector<1x16xi32>,
        %get3A_693 = vector.shape_cast %get3A_692 : vector<1x16xi32> to vector<16xi32>
        %add3A_694 = vector.broadcast %mul3A_2 : i32 to vector<16xi32>
        %add3A_695 = arith.addi %get3A_693, %add3A_694 : vector<16xi32>
        %swap3A_696 = arith.constant 5 : i32
        %swap3A_697 = arith.index_cast %swap3A_696 : i32 to index
        %swap3A_698 = arith.constant 32 : index
        %swap3A_699 = tpu.vector_load %arg11[%swap3A_697, %swap3A_698] {strides = array<i32>} : memref<8x80xi32, #tpu.memory_space<vmem>>, vector<1x16xi32>,
        %swap3A_700 = vector.shape_cast %swap3A_699 : vector<1x16xi32> to vector<16xi32>
        %swap3A_701 = vector.shape_cast %add3A_695 : vector<16xi32> to vector<1x16xi32>
        tpu.vector_store %arg11[%swap3A_697, %swap3A_698], %swap3A_701 {strides = array<i32>} : memref<8x80xi32, #tpu.memory_space<vmem>>, vector<1x16xi32>,
        %get3A_702 = arith.constant 5 : i32
        %get3A_703 = arith.index_cast %get3A_702 : i32 to index
        %get3A_704 = arith.constant 48 : index
        %get3A_705 = tpu.vector_load %arg11[%get3A_703, %get3A_704] {strides = array<i32>} : memref<8x80xi32, #tpu.memory_space<vmem>>, vector<1x16xi32>,
        %get3A_706 = vector.shape_cast %get3A_705 : vector<1x16xi32> to vector<16xi32>
        %add3A_707 = vector.broadcast %mul3A_2 : i32 to vector<16xi32>
        %add3A_708 = arith.addi %get3A_706, %add3A_707 : vector<16xi32>
        %swap3A_709 = arith.constant 5 : i32
        %swap3A_710 = arith.index_cast %swap3A_709 : i32 to index
        %swap3A_711 = arith.constant 48 : index
        %swap3A_712 = tpu.vector_load %arg11[%swap3A_710, %swap3A_711] {strides = array<i32>} : memref<8x80xi32, #tpu.memory_space<vmem>>, vector<1x16xi32>,
        %swap3A_713 = vector.shape_cast %swap3A_712 : vector<1x16xi32> to vector<16xi32>
        %swap3A_714 = vector.shape_cast %add3A_708 : vector<16xi32> to vector<1x16xi32>
        tpu.vector_store %arg11[%swap3A_710, %swap3A_711], %swap3A_714 {strides = array<i32>} : memref<8x80xi32, #tpu.memory_space<vmem>>, vector<1x16xi32>,
        %get3A_715 = arith.constant 5 : i32
        %get3A_716 = arith.index_cast %get3A_715 : i32 to index
        %get3A_717 = arith.constant 64 : index
        %get3A_718 = tpu.vector_load %arg11[%get3A_716, %get3A_717] {strides = array<i32>} : memref<8x80xi32, #tpu.memory_space<vmem>>, vector<1x16xi32>,
        %get3A_719 = vector.shape_cast %get3A_718 : vector<1x16xi32> to vector<16xi32>
        %add3A_720 = vector.broadcast %mul3A_2 : i32 to vector<16xi32>
        %add3A_721 = arith.addi %get3A_719, %add3A_720 : vector<16xi32>
        %swap3A_722 = arith.constant 5 : i32
        %swap3A_723 = arith.index_cast %swap3A_722 : i32 to index
        %swap3A_724 = arith.constant 64 : index
        %swap3A_725 = tpu.vector_load %arg11[%swap3A_723, %swap3A_724] {strides = array<i32>} : memref<8x80xi32, #tpu.memory_space<vmem>>, vector<1x16xi32>,
        %swap3A_726 = vector.shape_cast %swap3A_725 : vector<1x16xi32> to vector<16xi32>
        %swap3A_727 = vector.shape_cast %add3A_721 : vector<16xi32> to vector<1x16xi32>
        tpu.vector_store %arg11[%swap3A_723, %swap3A_724], %swap3A_727 {strides = array<i32>} : memref<8x80xi32, #tpu.memory_space<vmem>>, vector<1x16xi32>,
        %dma_start3A_728 = arith.constant 5 : i32
        %dma_start3A_729 = arith.constant 0 : i32
        %dma_start3A_730 = tpu.memref_slice %arg11[%dma_start3A_728, %dma_start3A_729] : memref<8x80xi32, #tpu.memory_space<vmem>> -> memref<1x80xi32, #tpu.memory_space<vmem>>
        %dma_start3A_731 = tpu.memref_squeeze %dma_start3A_730 : memref<1x80xi32, #tpu.memory_space<vmem>> -> memref<80xi32, #tpu.memory_space<vmem>>
        %dma_start3A_732 = arith.constant 0 : i32
        %dma_start3A_733 = arith.constant 0 : i32
        %dma_start3A_734 = tpu.memref_slice %arg4[%dma_start3A_732, %dma_start3A_733] : memref<20480x128xf32, #tpu.memory_space<hbm>> -> memref<20480x128xf32, #tpu.memory_space<hbm>>
        tpu.enqueue_indirect_dma source(%dma_start3A_734 : memref<20480x128xf32, #tpu.memory_space<hbm>>) target(%arg8 : memref<80x128xf32, #tpu.memory_space<vmem>>) offsets(%dma_start3A_731 : memref<80xi32, #tpu.memory_space<vmem>>) semaphore(%arg15 : memref<!tpu.dma_semaphore, #tpu.memory_space<semaphore_mem>>)
      } else {
      }
      %lt3A_488 = arith.constant 250 : i32
      %lt3A_489 = arith.cmpi slt, %add3A_475, %lt3A_488 : i32
      %convert_element_type3A_490 = arith.extui %lt3A_489 : i1 to i32
      %cond3A_491 = arith.constant 0 : i32
      %cond3A_492 = arith.cmpi ne, %convert_element_type3A_490, %cond3A_491 : i32
      scf.if %cond3A_492 {
        %run_scoped3A = arith.constant 2 : i32
        "tpu.region"() ({
          %run_scoped3A_640 = tpu.sem_alloc : memref<!tpu.dma_semaphore, #tpu.memory_space<semaphore_mem>>
          %dma_start3A_641 = arith.constant 0 : i32
          %dma_start3A_642 = tpu.memref_slice %arg12[%run_scoped3A, %dma_start3A_641] : memref<8x80xi32, #tpu.memory_space<vmem>> -> memref<1x80xi32, #tpu.memory_space<vmem>>
          %dma_start3A_643 = tpu.memref_squeeze %dma_start3A_642 : memref<1x80xi32, #tpu.memory_space<vmem>> -> memref<80xi32, #tpu.memory_space<vmem>>
          %dma_start3A_644 = arith.constant 0 : i32
          %dma_start3A_645 = arith.constant 0 : i32
          %dma_start3A_646 = tpu.memref_slice %arg6[%dma_start3A_644, %dma_start3A_645] : memref<10240x128xf32, #tpu.memory_space<vmem_shared>> -> memref<10240x128xf32, #tpu.memory_space<vmem_shared>>
          tpu.enqueue_indirect_dma source(%arg9 : memref<80x128xf32, #tpu.memory_space<vmem>>) target(%dma_start3A_646 : memref<10240x128xf32, #tpu.memory_space<vmem_shared>>) offsets(%dma_start3A_643 : memref<80xi32, #tpu.memory_space<vmem>>) semaphore(%run_scoped3A_640 : memref<!tpu.dma_semaphore, #tpu.memory_space<semaphore_mem>>) {add = true}
          %dma_wait3A_647 = arith.constant 0 : i32
          %dma_wait3A_648 = tpu.memref_slice %arg12[%run_scoped3A, %dma_wait3A_647] : memref<8x80xi32, #tpu.memory_space<vmem>> -> memref<1x80xi32, #tpu.memory_space<vmem>>
          %dma_wait3A_649 = tpu.memref_squeeze %dma_wait3A_648 : memref<1x80xi32, #tpu.memory_space<vmem>> -> memref<80xi32, #tpu.memory_space<vmem>>
          %dma_wait3A_650 = arith.constant 0 : i32
          %dma_wait3A_651 = arith.constant 0 : i32
          %dma_wait3A_652 = tpu.memref_slice %arg6[%dma_wait3A_650, %dma_wait3A_651] : memref<10240x128xf32, #tpu.memory_space<vmem_shared>> -> memref<10240x128xf32, #tpu.memory_space<vmem_shared>>
          tpu.wait_indirect_dma semaphore(%run_scoped3A_640 : memref<!tpu.dma_semaphore, #tpu.memory_space<semaphore_mem>>) src(%arg9 : memref<80x128xf32, #tpu.memory_space<vmem>>) dst(%dma_wait3A_652 : memref<10240x128xf32, #tpu.memory_space<vmem_shared>>)
          tpu.yield
        }) : () -> ()
      } else {
      }
      %add3A_493 = arith.constant 6 : i32
      %add3A_494 = arith.addi %add3A_475, %add3A_493 : i32
      %lt3A_495 = arith.constant 250 : i32
      %lt3A_496 = arith.cmpi slt, %add3A_494, %lt3A_495 : i32
      %convert_element_type3A_497 = arith.extui %lt3A_496 : i1 to i32
      %cond3A_498 = arith.constant 0 : i32
      %cond3A_499 = arith.cmpi ne, %convert_element_type3A_497, %cond3A_498 : i32
      scf.if %cond3A_499 {
        %add3A_640 = arith.constant 6 : i32
        %add3A_641 = arith.addi %add3A_475, %add3A_640 : i32
        %mul3A_642 = arith.constant 80 : i32
        %mul3A_643 = arith.muli %add3A_641, %mul3A_642 : i32
        %add3A_644 = arith.addi %mul3A_0, %mul3A_643 : i32
        %dma_start3A_645 = arith.constant 0 : i32
        %dma_start3A_646 = arith.constant 0 : i32
        %dma_start3A_647 = tpu.memref_slice %arg11[%dma_start3A_645, %dma_start3A_646] : memref<8x80xi32, #tpu.memory_space<vmem>> -> memref<1x80xi32, #tpu.memory_space<vmem>>
        %dma_start3A_648 = tpu.memref_squeeze %dma_start3A_647 : memref<1x80xi32, #tpu.memory_space<vmem>> -> memref<80xi32, #tpu.memory_space<vmem>>
        %dma_start3A_649 = tpu.memref_slice %arg2[%add3A_644] : memref<320000xi32, #tpu.memory_space<hbm>> -> memref<80xi32, #tpu.memory_space<hbm>>
        %dma_start3A_650 = arith.constant 0 : i32
        %dma_start3A_651 = tpu.memref_slice %arg11[%dma_start3A_645, %dma_start3A_650] : memref<8x80xi32, #tpu.memory_space<vmem>> -> memref<1x80xi32, #tpu.memory_space<vmem>>
        %dma_start3A_652 = tpu.memref_squeeze %dma_start3A_651 : memref<1x80xi32, #tpu.memory_space<vmem>> -> memref<80xi32, #tpu.memory_space<vmem>>
        %dma_start3A_653 = tpu.memref_slice %arg2[%add3A_644] : memref<320000xi32, #tpu.memory_space<hbm>> -> memref<80xi32, #tpu.memory_space<hbm>>
        tpu.enqueue_dma source(%dma_start3A_653 : memref<80xi32, #tpu.memory_space<hbm>>) target(%dma_start3A_652 : memref<80xi32, #tpu.memory_space<vmem>>) target_semaphore(%arg22 : memref<!tpu.dma_semaphore, #tpu.memory_space<semaphore_mem>>)
        %dma_start3A_654 = arith.constant 0 : i32
        %dma_start3A_655 = arith.constant 0 : i32
        %dma_start3A_656 = tpu.memref_slice %arg12[%dma_start3A_654, %dma_start3A_655] : memref<8x80xi32, #tpu.memory_space<vmem>> -> memref<1x80xi32, #tpu.memory_space<vmem>>
        %dma_start3A_657 = tpu.memref_squeeze %dma_start3A_656 : memref<1x80xi32, #tpu.memory_space<vmem>> -> memref<80xi32, #tpu.memory_space<vmem>>
        %dma_start3A_658 = tpu.memref_slice %arg3[%add3A_644] : memref<320000xi32, #tpu.memory_space<hbm>> -> memref<80xi32, #tpu.memory_space<hbm>>
        %dma_start3A_659 = arith.constant 0 : i32
        %dma_start3A_660 = tpu.memref_slice %arg12[%dma_start3A_654, %dma_start3A_659] : memref<8x80xi32, #tpu.memory_space<vmem>> -> memref<1x80xi32, #tpu.memory_space<vmem>>
        %dma_start3A_661 = tpu.memref_squeeze %dma_start3A_660 : memref<1x80xi32, #tpu.memory_space<vmem>> -> memref<80xi32, #tpu.memory_space<vmem>>
        %dma_start3A_662 = tpu.memref_slice %arg3[%add3A_644] : memref<320000xi32, #tpu.memory_space<hbm>> -> memref<80xi32, #tpu.memory_space<hbm>>
        tpu.enqueue_dma source(%dma_start3A_662 : memref<80xi32, #tpu.memory_space<hbm>>) target(%dma_start3A_661 : memref<80xi32, #tpu.memory_space<vmem>>) target_semaphore(%arg22 : memref<!tpu.dma_semaphore, #tpu.memory_space<semaphore_mem>>)
      } else {
      }
      %mul3A_500 = arith.constant 8 : i32
      %mul3A_501 = arith.muli %scan3A_418, %mul3A_500 : i32
      %add3A_502 = arith.constant 3 : i32
      %add3A_503 = arith.addi %mul3A_501, %add3A_502 : i32
      %lt3A_504 = arith.constant 250 : i32
      %lt3A_505 = arith.cmpi slt, %add3A_503, %lt3A_504 : i32
      %convert_element_type3A_506 = arith.extui %lt3A_505 : i1 to i32
      %cond3A_507 = arith.constant 0 : i32
      %cond3A_508 = arith.cmpi ne, %convert_element_type3A_506, %cond3A_507 : i32
      scf.if %cond3A_508 {
        %dma_wait3A_640 = arith.constant 3 : i32
        %dma_wait3A_641 = arith.constant 0 : i32
        %dma_wait3A_642 = tpu.memref_slice %arg11[%dma_wait3A_640, %dma_wait3A_641] : memref<8x80xi32, #tpu.memory_space<vmem>> -> memref<1x80xi32, #tpu.memory_space<vmem>>
        %dma_wait3A_643 = tpu.memref_squeeze %dma_wait3A_642 : memref<1x80xi32, #tpu.memory_space<vmem>> -> memref<80xi32, #tpu.memory_space<vmem>>
        %dma_wait3A_644 = arith.constant 0 : i32
        %dma_wait3A_645 = arith.constant 0 : i32
        %dma_wait3A_646 = tpu.memref_slice %arg4[%dma_wait3A_644, %dma_wait3A_645] : memref<20480x128xf32, #tpu.memory_space<hbm>> -> memref<20480x128xf32, #tpu.memory_space<hbm>>
        tpu.wait_indirect_dma semaphore(%arg17 : memref<!tpu.dma_semaphore, #tpu.memory_space<semaphore_mem>>) src(%dma_wait3A_646 : memref<20480x128xf32, #tpu.memory_space<hbm>>) dst(%arg10 : memref<80x128xf32, #tpu.memory_space<vmem>>)
      } else {
      }
      %add3A_509 = arith.constant 3 : i32
      %add3A_510 = arith.addi %add3A_503, %add3A_509 : i32
      %lt3A_511 = arith.constant 250 : i32
      %lt3A_512 = arith.cmpi slt, %add3A_510, %lt3A_511 : i32
      %convert_element_type3A_513 = arith.extui %lt3A_512 : i1 to i32
      %cond3A_514 = arith.constant 0 : i32
      %cond3A_515 = arith.cmpi ne, %convert_element_type3A_513, %cond3A_514 : i32
      scf.if %cond3A_515 {
        %add3A_640 = arith.constant 3 : i32
        %add3A_641 = arith.addi %add3A_503, %add3A_640 : i32
        %mul3A_642 = arith.constant 80 : i32
        %mul3A_643 = arith.muli %add3A_641, %mul3A_642 : i32
        %add3A_644 = arith.addi %mul3A_0, %mul3A_643 : i32
        %dma_wait3A_645 = arith.constant 6 : i32
        %dma_wait3A_646 = arith.constant 0 : i32
        %dma_wait3A_647 = tpu.memref_slice %arg11[%dma_wait3A_645, %dma_wait3A_646] : memref<8x80xi32, #tpu.memory_space<vmem>> -> memref<1x80xi32, #tpu.memory_space<vmem>>
        %dma_wait3A_648 = tpu.memref_squeeze %dma_wait3A_647 : memref<1x80xi32, #tpu.memory_space<vmem>> -> memref<80xi32, #tpu.memory_space<vmem>>
        %dma_wait3A_649 = tpu.memref_slice %arg2[%add3A_644] : memref<320000xi32, #tpu.memory_space<hbm>> -> memref<80xi32, #tpu.memory_space<hbm>>
        %dma_wait3A_650 = arith.constant 0 : i32
        %dma_wait3A_651 = tpu.memref_slice %arg11[%dma_wait3A_645, %dma_wait3A_650] : memref<8x80xi32, #tpu.memory_space<vmem>> -> memref<1x80xi32, #tpu.memory_space<vmem>>
        %dma_wait3A_652 = tpu.memref_squeeze %dma_wait3A_651 : memref<1x80xi32, #tpu.memory_space<vmem>> -> memref<80xi32, #tpu.memory_space<vmem>>
        %dma_wait3A_653 = tpu.memref_slice %arg2[%add3A_644] : memref<320000xi32, #tpu.memory_space<hbm>> -> memref<80xi32, #tpu.memory_space<hbm>>
        tpu.wait_dma2 semaphore(%arg28 : memref<!tpu.dma_semaphore, #tpu.memory_space<semaphore_mem>>) src(%dma_wait3A_653 : memref<80xi32, #tpu.memory_space<hbm>>) dst(%dma_wait3A_652 : memref<80xi32, #tpu.memory_space<vmem>>)
        %dma_wait3A_654 = arith.constant 6 : i32
        %dma_wait3A_655 = arith.constant 0 : i32
        %dma_wait3A_656 = tpu.memref_slice %arg12[%dma_wait3A_654, %dma_wait3A_655] : memref<8x80xi32, #tpu.memory_space<vmem>> -> memref<1x80xi32, #tpu.memory_space<vmem>>
        %dma_wait3A_657 = tpu.memref_squeeze %dma_wait3A_656 : memref<1x80xi32, #tpu.memory_space<vmem>> -> memref<80xi32, #tpu.memory_space<vmem>>
        %dma_wait3A_658 = tpu.memref_slice %arg3[%add3A_644] : memref<320000xi32, #tpu.memory_space<hbm>> -> memref<80xi32, #tpu.memory_space<hbm>>
        %dma_wait3A_659 = arith.constant 0 : i32
        %dma_wait3A_660 = tpu.memref_slice %arg12[%dma_wait3A_654, %dma_wait3A_659] : memref<8x80xi32, #tpu.memory_space<vmem>> -> memref<1x80xi32, #tpu.memory_space<vmem>>
        %dma_wait3A_661 = tpu.memref_squeeze %dma_wait3A_660 : memref<1x80xi32, #tpu.memory_space<vmem>> -> memref<80xi32, #tpu.memory_space<vmem>>
        %dma_wait3A_662 = tpu.memref_slice %arg3[%add3A_644] : memref<320000xi32, #tpu.memory_space<hbm>> -> memref<80xi32, #tpu.memory_space<hbm>>
        tpu.wait_dma2 semaphore(%arg28 : memref<!tpu.dma_semaphore, #tpu.memory_space<semaphore_mem>>) src(%dma_wait3A_662 : memref<80xi32, #tpu.memory_space<hbm>>) dst(%dma_wait3A_661 : memref<80xi32, #tpu.memory_space<vmem>>)
        %get3A_663 = arith.constant 6 : i32
        %get3A_664 = arith.index_cast %get3A_663 : i32 to index
        %get3A_665 = arith.constant 0 : index
        %get3A_666 = tpu.vector_load %arg11[%get3A_664, %get3A_665] {strides = array<i32>} : memref<8x80xi32, #tpu.memory_space<vmem>>, vector<1x16xi32>,
        %get3A_667 = vector.shape_cast %get3A_666 : vector<1x16xi32> to vector<16xi32>
        %add3A_668 = vector.broadcast %mul3A_2 : i32 to vector<16xi32>
        %add3A_669 = arith.addi %get3A_667, %add3A_668 : vector<16xi32>
        %swap3A_670 = arith.constant 6 : i32
        %swap3A_671 = arith.index_cast %swap3A_670 : i32 to index
        %swap3A_672 = arith.constant 0 : index
        %swap3A_673 = tpu.vector_load %arg11[%swap3A_671, %swap3A_672] {strides = array<i32>} : memref<8x80xi32, #tpu.memory_space<vmem>>, vector<1x16xi32>,
        %swap3A_674 = vector.shape_cast %swap3A_673 : vector<1x16xi32> to vector<16xi32>
        %swap3A_675 = vector.shape_cast %add3A_669 : vector<16xi32> to vector<1x16xi32>
        tpu.vector_store %arg11[%swap3A_671, %swap3A_672], %swap3A_675 {strides = array<i32>} : memref<8x80xi32, #tpu.memory_space<vmem>>, vector<1x16xi32>,
        %get3A_676 = arith.constant 6 : i32
        %get3A_677 = arith.index_cast %get3A_676 : i32 to index
        %get3A_678 = arith.constant 16 : index
        %get3A_679 = tpu.vector_load %arg11[%get3A_677, %get3A_678] {strides = array<i32>} : memref<8x80xi32, #tpu.memory_space<vmem>>, vector<1x16xi32>,
        %get3A_680 = vector.shape_cast %get3A_679 : vector<1x16xi32> to vector<16xi32>
        %add3A_681 = vector.broadcast %mul3A_2 : i32 to vector<16xi32>
        %add3A_682 = arith.addi %get3A_680, %add3A_681 : vector<16xi32>
        %swap3A_683 = arith.constant 6 : i32
        %swap3A_684 = arith.index_cast %swap3A_683 : i32 to index
        %swap3A_685 = arith.constant 16 : index
        %swap3A_686 = tpu.vector_load %arg11[%swap3A_684, %swap3A_685] {strides = array<i32>} : memref<8x80xi32, #tpu.memory_space<vmem>>, vector<1x16xi32>,
        %swap3A_687 = vector.shape_cast %swap3A_686 : vector<1x16xi32> to vector<16xi32>
        %swap3A_688 = vector.shape_cast %add3A_682 : vector<16xi32> to vector<1x16xi32>
        tpu.vector_store %arg11[%swap3A_684, %swap3A_685], %swap3A_688 {strides = array<i32>} : memref<8x80xi32, #tpu.memory_space<vmem>>, vector<1x16xi32>,
        %get3A_689 = arith.constant 6 : i32
        %get3A_690 = arith.index_cast %get3A_689 : i32 to index
        %get3A_691 = arith.constant 32 : index
        %get3A_692 = tpu.vector_load %arg11[%get3A_690, %get3A_691] {strides = array<i32>} : memref<8x80xi32, #tpu.memory_space<vmem>>, vector<1x16xi32>,
        %get3A_693 = vector.shape_cast %get3A_692 : vector<1x16xi32> to vector<16xi32>
        %add3A_694 = vector.broadcast %mul3A_2 : i32 to vector<16xi32>
        %add3A_695 = arith.addi %get3A_693, %add3A_694 : vector<16xi32>
        %swap3A_696 = arith.constant 6 : i32
        %swap3A_697 = arith.index_cast %swap3A_696 : i32 to index
        %swap3A_698 = arith.constant 32 : index
        %swap3A_699 = tpu.vector_load %arg11[%swap3A_697, %swap3A_698] {strides = array<i32>} : memref<8x80xi32, #tpu.memory_space<vmem>>, vector<1x16xi32>,
        %swap3A_700 = vector.shape_cast %swap3A_699 : vector<1x16xi32> to vector<16xi32>
        %swap3A_701 = vector.shape_cast %add3A_695 : vector<16xi32> to vector<1x16xi32>
        tpu.vector_store %arg11[%swap3A_697, %swap3A_698], %swap3A_701 {strides = array<i32>} : memref<8x80xi32, #tpu.memory_space<vmem>>, vector<1x16xi32>,
        %get3A_702 = arith.constant 6 : i32
        %get3A_703 = arith.index_cast %get3A_702 : i32 to index
        %get3A_704 = arith.constant 48 : index
        %get3A_705 = tpu.vector_load %arg11[%get3A_703, %get3A_704] {strides = array<i32>} : memref<8x80xi32, #tpu.memory_space<vmem>>, vector<1x16xi32>,
        %get3A_706 = vector.shape_cast %get3A_705 : vector<1x16xi32> to vector<16xi32>
        %add3A_707 = vector.broadcast %mul3A_2 : i32 to vector<16xi32>
        %add3A_708 = arith.addi %get3A_706, %add3A_707 : vector<16xi32>
        %swap3A_709 = arith.constant 6 : i32
        %swap3A_710 = arith.index_cast %swap3A_709 : i32 to index
        %swap3A_711 = arith.constant 48 : index
        %swap3A_712 = tpu.vector_load %arg11[%swap3A_710, %swap3A_711] {strides = array<i32>} : memref<8x80xi32, #tpu.memory_space<vmem>>, vector<1x16xi32>,
        %swap3A_713 = vector.shape_cast %swap3A_712 : vector<1x16xi32> to vector<16xi32>
        %swap3A_714 = vector.shape_cast %add3A_708 : vector<16xi32> to vector<1x16xi32>
        tpu.vector_store %arg11[%swap3A_710, %swap3A_711], %swap3A_714 {strides = array<i32>} : memref<8x80xi32, #tpu.memory_space<vmem>>, vector<1x16xi32>,
        %get3A_715 = arith.constant 6 : i32
        %get3A_716 = arith.index_cast %get3A_715 : i32 to index
        %get3A_717 = arith.constant 64 : index
        %get3A_718 = tpu.vector_load %arg11[%get3A_716, %get3A_717] {strides = array<i32>} : memref<8x80xi32, #tpu.memory_space<vmem>>, vector<1x16xi32>,
        %get3A_719 = vector.shape_cast %get3A_718 : vector<1x16xi32> to vector<16xi32>
        %add3A_720 = vector.broadcast %mul3A_2 : i32 to vector<16xi32>
        %add3A_721 = arith.addi %get3A_719, %add3A_720 : vector<16xi32>
        %swap3A_722 = arith.constant 6 : i32
        %swap3A_723 = arith.index_cast %swap3A_722 : i32 to index
        %swap3A_724 = arith.constant 64 : index
        %swap3A_725 = tpu.vector_load %arg11[%swap3A_723, %swap3A_724] {strides = array<i32>} : memref<8x80xi32, #tpu.memory_space<vmem>>, vector<1x16xi32>,
        %swap3A_726 = vector.shape_cast %swap3A_725 : vector<1x16xi32> to vector<16xi32>
        %swap3A_727 = vector.shape_cast %add3A_721 : vector<16xi32> to vector<1x16xi32>
        tpu.vector_store %arg11[%swap3A_723, %swap3A_724], %swap3A_727 {strides = array<i32>} : memref<8x80xi32, #tpu.memory_space<vmem>>, vector<1x16xi32>,
        %dma_start3A_728 = arith.constant 6 : i32
        %dma_start3A_729 = arith.constant 0 : i32
        %dma_start3A_730 = tpu.memref_slice %arg11[%dma_start3A_728, %dma_start3A_729] : memref<8x80xi32, #tpu.memory_space<vmem>> -> memref<1x80xi32, #tpu.memory_space<vmem>>
        %dma_start3A_731 = tpu.memref_squeeze %dma_start3A_730 : memref<1x80xi32, #tpu.memory_space<vmem>> -> memref<80xi32, #tpu.memory_space<vmem>>
        %dma_start3A_732 = arith.constant 0 : i32
        %dma_start3A_733 = arith.constant 0 : i32
        %dma_start3A_734 = tpu.memref_slice %arg4[%dma_start3A_732, %dma_start3A_733] : memref<20480x128xf32, #tpu.memory_space<hbm>> -> memref<20480x128xf32, #tpu.memory_space<hbm>>
        tpu.enqueue_indirect_dma source(%dma_start3A_734 : memref<20480x128xf32, #tpu.memory_space<hbm>>) target(%arg9 : memref<80x128xf32, #tpu.memory_space<vmem>>) offsets(%dma_start3A_731 : memref<80xi32, #tpu.memory_space<vmem>>) semaphore(%arg16 : memref<!tpu.dma_semaphore, #tpu.memory_space<semaphore_mem>>)
      } else {
      }
      %lt3A_516 = arith.constant 250 : i32
      %lt3A_517 = arith.cmpi slt, %add3A_503, %lt3A_516 : i32
      %convert_element_type3A_518 = arith.extui %lt3A_517 : i1 to i32
      %cond3A_519 = arith.constant 0 : i32
      %cond3A_520 = arith.cmpi ne, %convert_element_type3A_518, %cond3A_519 : i32
      scf.if %cond3A_520 {
        %run_scoped3A = arith.constant 3 : i32
        "tpu.region"() ({
          %run_scoped3A_640 = tpu.sem_alloc : memref<!tpu.dma_semaphore, #tpu.memory_space<semaphore_mem>>
          %dma_start3A_641 = arith.constant 0 : i32
          %dma_start3A_642 = tpu.memref_slice %arg12[%run_scoped3A, %dma_start3A_641] : memref<8x80xi32, #tpu.memory_space<vmem>> -> memref<1x80xi32, #tpu.memory_space<vmem>>
          %dma_start3A_643 = tpu.memref_squeeze %dma_start3A_642 : memref<1x80xi32, #tpu.memory_space<vmem>> -> memref<80xi32, #tpu.memory_space<vmem>>
          %dma_start3A_644 = arith.constant 0 : i32
          %dma_start3A_645 = arith.constant 0 : i32
          %dma_start3A_646 = tpu.memref_slice %arg6[%dma_start3A_644, %dma_start3A_645] : memref<10240x128xf32, #tpu.memory_space<vmem_shared>> -> memref<10240x128xf32, #tpu.memory_space<vmem_shared>>
          tpu.enqueue_indirect_dma source(%arg10 : memref<80x128xf32, #tpu.memory_space<vmem>>) target(%dma_start3A_646 : memref<10240x128xf32, #tpu.memory_space<vmem_shared>>) offsets(%dma_start3A_643 : memref<80xi32, #tpu.memory_space<vmem>>) semaphore(%run_scoped3A_640 : memref<!tpu.dma_semaphore, #tpu.memory_space<semaphore_mem>>) {add = true}
          %dma_wait3A_647 = arith.constant 0 : i32
          %dma_wait3A_648 = tpu.memref_slice %arg12[%run_scoped3A, %dma_wait3A_647] : memref<8x80xi32, #tpu.memory_space<vmem>> -> memref<1x80xi32, #tpu.memory_space<vmem>>
          %dma_wait3A_649 = tpu.memref_squeeze %dma_wait3A_648 : memref<1x80xi32, #tpu.memory_space<vmem>> -> memref<80xi32, #tpu.memory_space<vmem>>
          %dma_wait3A_650 = arith.constant 0 : i32
          %dma_wait3A_651 = arith.constant 0 : i32
          %dma_wait3A_652 = tpu.memref_slice %arg6[%dma_wait3A_650, %dma_wait3A_651] : memref<10240x128xf32, #tpu.memory_space<vmem_shared>> -> memref<10240x128xf32, #tpu.memory_space<vmem_shared>>
          tpu.wait_indirect_dma semaphore(%run_scoped3A_640 : memref<!tpu.dma_semaphore, #tpu.memory_space<semaphore_mem>>) src(%arg10 : memref<80x128xf32, #tpu.memory_space<vmem>>) dst(%dma_wait3A_652 : memref<10240x128xf32, #tpu.memory_space<vmem_shared>>)
          tpu.yield
        }) : () -> ()
      } else {
      }
      %add3A_521 = arith.constant 6 : i32
      %add3A_522 = arith.addi %add3A_503, %add3A_521 : i32
      %lt3A_523 = arith.constant 250 : i32
      %lt3A_524 = arith.cmpi slt, %add3A_522, %lt3A_523 : i32
      %convert_element_type3A_525 = arith.extui %lt3A_524 : i1 to i32
      %cond3A_526 = arith.constant 0 : i32
      %cond3A_527 = arith.cmpi ne, %convert_element_type3A_525, %cond3A_526 : i32
      scf.if %cond3A_527 {
        %add3A_640 = arith.constant 6 : i32
        %add3A_641 = arith.addi %add3A_503, %add3A_640 : i32
        %mul3A_642 = arith.constant 80 : i32
        %mul3A_643 = arith.muli %add3A_641, %mul3A_642 : i32
        %add3A_644 = arith.addi %mul3A_0, %mul3A_643 : i32
        %dma_start3A_645 = arith.constant 1 : i32
        %dma_start3A_646 = arith.constant 0 : i32
        %dma_start3A_647 = tpu.memref_slice %arg11[%dma_start3A_645, %dma_start3A_646] : memref<8x80xi32, #tpu.memory_space<vmem>> -> memref<1x80xi32, #tpu.memory_space<vmem>>
        %dma_start3A_648 = tpu.memref_squeeze %dma_start3A_647 : memref<1x80xi32, #tpu.memory_space<vmem>> -> memref<80xi32, #tpu.memory_space<vmem>>
        %dma_start3A_649 = tpu.memref_slice %arg2[%add3A_644] : memref<320000xi32, #tpu.memory_space<hbm>> -> memref<80xi32, #tpu.memory_space<hbm>>
        %dma_start3A_650 = arith.constant 0 : i32
        %dma_start3A_651 = tpu.memref_slice %arg11[%dma_start3A_645, %dma_start3A_650] : memref<8x80xi32, #tpu.memory_space<vmem>> -> memref<1x80xi32, #tpu.memory_space<vmem>>
        %dma_start3A_652 = tpu.memref_squeeze %dma_start3A_651 : memref<1x80xi32, #tpu.memory_space<vmem>> -> memref<80xi32, #tpu.memory_space<vmem>>
        %dma_start3A_653 = tpu.memref_slice %arg2[%add3A_644] : memref<320000xi32, #tpu.memory_space<hbm>> -> memref<80xi32, #tpu.memory_space<hbm>>
        tpu.enqueue_dma source(%dma_start3A_653 : memref<80xi32, #tpu.memory_space<hbm>>) target(%dma_start3A_652 : memref<80xi32, #tpu.memory_space<vmem>>) target_semaphore(%arg23 : memref<!tpu.dma_semaphore, #tpu.memory_space<semaphore_mem>>)
        %dma_start3A_654 = arith.constant 1 : i32
        %dma_start3A_655 = arith.constant 0 : i32
        %dma_start3A_656 = tpu.memref_slice %arg12[%dma_start3A_654, %dma_start3A_655] : memref<8x80xi32, #tpu.memory_space<vmem>> -> memref<1x80xi32, #tpu.memory_space<vmem>>
        %dma_start3A_657 = tpu.memref_squeeze %dma_start3A_656 : memref<1x80xi32, #tpu.memory_space<vmem>> -> memref<80xi32, #tpu.memory_space<vmem>>
        %dma_start3A_658 = tpu.memref_slice %arg3[%add3A_644] : memref<320000xi32, #tpu.memory_space<hbm>> -> memref<80xi32, #tpu.memory_space<hbm>>
        %dma_start3A_659 = arith.constant 0 : i32
        %dma_start3A_660 = tpu.memref_slice %arg12[%dma_start3A_654, %dma_start3A_659] : memref<8x80xi32, #tpu.memory_space<vmem>> -> memref<1x80xi32, #tpu.memory_space<vmem>>
        %dma_start3A_661 = tpu.memref_squeeze %dma_start3A_660 : memref<1x80xi32, #tpu.memory_space<vmem>> -> memref<80xi32, #tpu.memory_space<vmem>>
        %dma_start3A_662 = tpu.memref_slice %arg3[%add3A_644] : memref<320000xi32, #tpu.memory_space<hbm>> -> memref<80xi32, #tpu.memory_space<hbm>>
        tpu.enqueue_dma source(%dma_start3A_662 : memref<80xi32, #tpu.memory_space<hbm>>) target(%dma_start3A_661 : memref<80xi32, #tpu.memory_space<vmem>>) target_semaphore(%arg23 : memref<!tpu.dma_semaphore, #tpu.memory_space<semaphore_mem>>)
      } else {
      }
      %mul3A_528 = arith.constant 8 : i32
      %mul3A_529 = arith.muli %scan3A_418, %mul3A_528 : i32
      %add3A_530 = arith.constant 4 : i32
      %add3A_531 = arith.addi %mul3A_529, %add3A_530 : i32
      %lt3A_532 = arith.constant 250 : i32
      %lt3A_533 = arith.cmpi slt, %add3A_531, %lt3A_532 : i32
      %convert_element_type3A_534 = arith.extui %lt3A_533 : i1 to i32
      %cond3A_535 = arith.constant 0 : i32
      %cond3A_536 = arith.cmpi ne, %convert_element_type3A_534, %cond3A_535 : i32
      scf.if %cond3A_536 {
        %dma_wait3A_640 = arith.constant 4 : i32
        %dma_wait3A_641 = arith.constant 0 : i32
        %dma_wait3A_642 = tpu.memref_slice %arg11[%dma_wait3A_640, %dma_wait3A_641] : memref<8x80xi32, #tpu.memory_space<vmem>> -> memref<1x80xi32, #tpu.memory_space<vmem>>
        %dma_wait3A_643 = tpu.memref_squeeze %dma_wait3A_642 : memref<1x80xi32, #tpu.memory_space<vmem>> -> memref<80xi32, #tpu.memory_space<vmem>>
        %dma_wait3A_644 = arith.constant 0 : i32
        %dma_wait3A_645 = arith.constant 0 : i32
        %dma_wait3A_646 = tpu.memref_slice %arg4[%dma_wait3A_644, %dma_wait3A_645] : memref<20480x128xf32, #tpu.memory_space<hbm>> -> memref<20480x128xf32, #tpu.memory_space<hbm>>
        tpu.wait_indirect_dma semaphore(%arg14 : memref<!tpu.dma_semaphore, #tpu.memory_space<semaphore_mem>>) src(%dma_wait3A_646 : memref<20480x128xf32, #tpu.memory_space<hbm>>) dst(%arg7 : memref<80x128xf32, #tpu.memory_space<vmem>>)
      } else {
      }
      %add3A_537 = arith.constant 3 : i32
      %add3A_538 = arith.addi %add3A_531, %add3A_537 : i32
      %lt3A_539 = arith.constant 250 : i32
      %lt3A_540 = arith.cmpi slt, %add3A_538, %lt3A_539 : i32
      %convert_element_type3A_541 = arith.extui %lt3A_540 : i1 to i32
      %cond3A_542 = arith.constant 0 : i32
      %cond3A_543 = arith.cmpi ne, %convert_element_type3A_541, %cond3A_542 : i32
      scf.if %cond3A_543 {
        %add3A_640 = arith.constant 3 : i32
        %add3A_641 = arith.addi %add3A_531, %add3A_640 : i32
        %mul3A_642 = arith.constant 80 : i32
        %mul3A_643 = arith.muli %add3A_641, %mul3A_642 : i32
        %add3A_644 = arith.addi %mul3A_0, %mul3A_643 : i32
        %dma_wait3A_645 = arith.constant 7 : i32
        %dma_wait3A_646 = arith.constant 0 : i32
        %dma_wait3A_647 = tpu.memref_slice %arg11[%dma_wait3A_645, %dma_wait3A_646] : memref<8x80xi32, #tpu.memory_space<vmem>> -> memref<1x80xi32, #tpu.memory_space<vmem>>
        %dma_wait3A_648 = tpu.memref_squeeze %dma_wait3A_647 : memref<1x80xi32, #tpu.memory_space<vmem>> -> memref<80xi32, #tpu.memory_space<vmem>>
        %dma_wait3A_649 = tpu.memref_slice %arg2[%add3A_644] : memref<320000xi32, #tpu.memory_space<hbm>> -> memref<80xi32, #tpu.memory_space<hbm>>
        %dma_wait3A_650 = arith.constant 0 : i32
        %dma_wait3A_651 = tpu.memref_slice %arg11[%dma_wait3A_645, %dma_wait3A_650] : memref<8x80xi32, #tpu.memory_space<vmem>> -> memref<1x80xi32, #tpu.memory_space<vmem>>
        %dma_wait3A_652 = tpu.memref_squeeze %dma_wait3A_651 : memref<1x80xi32, #tpu.memory_space<vmem>> -> memref<80xi32, #tpu.memory_space<vmem>>
        %dma_wait3A_653 = tpu.memref_slice %arg2[%add3A_644] : memref<320000xi32, #tpu.memory_space<hbm>> -> memref<80xi32, #tpu.memory_space<hbm>>
        tpu.wait_dma2 semaphore(%arg29 : memref<!tpu.dma_semaphore, #tpu.memory_space<semaphore_mem>>) src(%dma_wait3A_653 : memref<80xi32, #tpu.memory_space<hbm>>) dst(%dma_wait3A_652 : memref<80xi32, #tpu.memory_space<vmem>>)
        %dma_wait3A_654 = arith.constant 7 : i32
        %dma_wait3A_655 = arith.constant 0 : i32
        %dma_wait3A_656 = tpu.memref_slice %arg12[%dma_wait3A_654, %dma_wait3A_655] : memref<8x80xi32, #tpu.memory_space<vmem>> -> memref<1x80xi32, #tpu.memory_space<vmem>>
        %dma_wait3A_657 = tpu.memref_squeeze %dma_wait3A_656 : memref<1x80xi32, #tpu.memory_space<vmem>> -> memref<80xi32, #tpu.memory_space<vmem>>
        %dma_wait3A_658 = tpu.memref_slice %arg3[%add3A_644] : memref<320000xi32, #tpu.memory_space<hbm>> -> memref<80xi32, #tpu.memory_space<hbm>>
        %dma_wait3A_659 = arith.constant 0 : i32
        %dma_wait3A_660 = tpu.memref_slice %arg12[%dma_wait3A_654, %dma_wait3A_659] : memref<8x80xi32, #tpu.memory_space<vmem>> -> memref<1x80xi32, #tpu.memory_space<vmem>>
        %dma_wait3A_661 = tpu.memref_squeeze %dma_wait3A_660 : memref<1x80xi32, #tpu.memory_space<vmem>> -> memref<80xi32, #tpu.memory_space<vmem>>
        %dma_wait3A_662 = tpu.memref_slice %arg3[%add3A_644] : memref<320000xi32, #tpu.memory_space<hbm>> -> memref<80xi32, #tpu.memory_space<hbm>>
        tpu.wait_dma2 semaphore(%arg29 : memref<!tpu.dma_semaphore, #tpu.memory_space<semaphore_mem>>) src(%dma_wait3A_662 : memref<80xi32, #tpu.memory_space<hbm>>) dst(%dma_wait3A_661 : memref<80xi32, #tpu.memory_space<vmem>>)
        %get3A_663 = arith.constant 7 : i32
        %get3A_664 = arith.index_cast %get3A_663 : i32 to index
        %get3A_665 = arith.constant 0 : index
        %get3A_666 = tpu.vector_load %arg11[%get3A_664, %get3A_665] {strides = array<i32>} : memref<8x80xi32, #tpu.memory_space<vmem>>, vector<1x16xi32>,
        %get3A_667 = vector.shape_cast %get3A_666 : vector<1x16xi32> to vector<16xi32>
        %add3A_668 = vector.broadcast %mul3A_2 : i32 to vector<16xi32>
        %add3A_669 = arith.addi %get3A_667, %add3A_668 : vector<16xi32>
        %swap3A_670 = arith.constant 7 : i32
        %swap3A_671 = arith.index_cast %swap3A_670 : i32 to index
        %swap3A_672 = arith.constant 0 : index
        %swap3A_673 = tpu.vector_load %arg11[%swap3A_671, %swap3A_672] {strides = array<i32>} : memref<8x80xi32, #tpu.memory_space<vmem>>, vector<1x16xi32>,
        %swap3A_674 = vector.shape_cast %swap3A_673 : vector<1x16xi32> to vector<16xi32>
        %swap3A_675 = vector.shape_cast %add3A_669 : vector<16xi32> to vector<1x16xi32>
        tpu.vector_store %arg11[%swap3A_671, %swap3A_672], %swap3A_675 {strides = array<i32>} : memref<8x80xi32, #tpu.memory_space<vmem>>, vector<1x16xi32>,
        %get3A_676 = arith.constant 7 : i32
        %get3A_677 = arith.index_cast %get3A_676 : i32 to index
        %get3A_678 = arith.constant 16 : index
        %get3A_679 = tpu.vector_load %arg11[%get3A_677, %get3A_678] {strides = array<i32>} : memref<8x80xi32, #tpu.memory_space<vmem>>, vector<1x16xi32>,
        %get3A_680 = vector.shape_cast %get3A_679 : vector<1x16xi32> to vector<16xi32>
        %add3A_681 = vector.broadcast %mul3A_2 : i32 to vector<16xi32>
        %add3A_682 = arith.addi %get3A_680, %add3A_681 : vector<16xi32>
        %swap3A_683 = arith.constant 7 : i32
        %swap3A_684 = arith.index_cast %swap3A_683 : i32 to index
        %swap3A_685 = arith.constant 16 : index
        %swap3A_686 = tpu.vector_load %arg11[%swap3A_684, %swap3A_685] {strides = array<i32>} : memref<8x80xi32, #tpu.memory_space<vmem>>, vector<1x16xi32>,
        %swap3A_687 = vector.shape_cast %swap3A_686 : vector<1x16xi32> to vector<16xi32>
        %swap3A_688 = vector.shape_cast %add3A_682 : vector<16xi32> to vector<1x16xi32>
        tpu.vector_store %arg11[%swap3A_684, %swap3A_685], %swap3A_688 {strides = array<i32>} : memref<8x80xi32, #tpu.memory_space<vmem>>, vector<1x16xi32>,
        %get3A_689 = arith.constant 7 : i32
        %get3A_690 = arith.index_cast %get3A_689 : i32 to index
        %get3A_691 = arith.constant 32 : index
        %get3A_692 = tpu.vector_load %arg11[%get3A_690, %get3A_691] {strides = array<i32>} : memref<8x80xi32, #tpu.memory_space<vmem>>, vector<1x16xi32>,
        %get3A_693 = vector.shape_cast %get3A_692 : vector<1x16xi32> to vector<16xi32>
        %add3A_694 = vector.broadcast %mul3A_2 : i32 to vector<16xi32>
        %add3A_695 = arith.addi %get3A_693, %add3A_694 : vector<16xi32>
        %swap3A_696 = arith.constant 7 : i32
        %swap3A_697 = arith.index_cast %swap3A_696 : i32 to index
        %swap3A_698 = arith.constant 32 : index
        %swap3A_699 = tpu.vector_load %arg11[%swap3A_697, %swap3A_698] {strides = array<i32>} : memref<8x80xi32, #tpu.memory_space<vmem>>, vector<1x16xi32>,
        %swap3A_700 = vector.shape_cast %swap3A_699 : vector<1x16xi32> to vector<16xi32>
        %swap3A_701 = vector.shape_cast %add3A_695 : vector<16xi32> to vector<1x16xi32>
        tpu.vector_store %arg11[%swap3A_697, %swap3A_698], %swap3A_701 {strides = array<i32>} : memref<8x80xi32, #tpu.memory_space<vmem>>, vector<1x16xi32>,
        %get3A_702 = arith.constant 7 : i32
        %get3A_703 = arith.index_cast %get3A_702 : i32 to index
        %get3A_704 = arith.constant 48 : index
        %get3A_705 = tpu.vector_load %arg11[%get3A_703, %get3A_704] {strides = array<i32>} : memref<8x80xi32, #tpu.memory_space<vmem>>, vector<1x16xi32>,
        %get3A_706 = vector.shape_cast %get3A_705 : vector<1x16xi32> to vector<16xi32>
        %add3A_707 = vector.broadcast %mul3A_2 : i32 to vector<16xi32>
        %add3A_708 = arith.addi %get3A_706, %add3A_707 : vector<16xi32>
        %swap3A_709 = arith.constant 7 : i32
        %swap3A_710 = arith.index_cast %swap3A_709 : i32 to index
        %swap3A_711 = arith.constant 48 : index
        %swap3A_712 = tpu.vector_load %arg11[%swap3A_710, %swap3A_711] {strides = array<i32>} : memref<8x80xi32, #tpu.memory_space<vmem>>, vector<1x16xi32>,
        %swap3A_713 = vector.shape_cast %swap3A_712 : vector<1x16xi32> to vector<16xi32>
        %swap3A_714 = vector.shape_cast %add3A_708 : vector<16xi32> to vector<1x16xi32>
        tpu.vector_store %arg11[%swap3A_710, %swap3A_711], %swap3A_714 {strides = array<i32>} : memref<8x80xi32, #tpu.memory_space<vmem>>, vector<1x16xi32>,
        %get3A_715 = arith.constant 7 : i32
        %get3A_716 = arith.index_cast %get3A_715 : i32 to index
        %get3A_717 = arith.constant 64 : index
        %get3A_718 = tpu.vector_load %arg11[%get3A_716, %get3A_717] {strides = array<i32>} : memref<8x80xi32, #tpu.memory_space<vmem>>, vector<1x16xi32>,
        %get3A_719 = vector.shape_cast %get3A_718 : vector<1x16xi32> to vector<16xi32>
        %add3A_720 = vector.broadcast %mul3A_2 : i32 to vector<16xi32>
        %add3A_721 = arith.addi %get3A_719, %add3A_720 : vector<16xi32>
        %swap3A_722 = arith.constant 7 : i32
        %swap3A_723 = arith.index_cast %swap3A_722 : i32 to index
        %swap3A_724 = arith.constant 64 : index
        %swap3A_725 = tpu.vector_load %arg11[%swap3A_723, %swap3A_724] {strides = array<i32>} : memref<8x80xi32, #tpu.memory_space<vmem>>, vector<1x16xi32>,
        %swap3A_726 = vector.shape_cast %swap3A_725 : vector<1x16xi32> to vector<16xi32>
        %swap3A_727 = vector.shape_cast %add3A_721 : vector<16xi32> to vector<1x16xi32>
        tpu.vector_store %arg11[%swap3A_723, %swap3A_724], %swap3A_727 {strides = array<i32>} : memref<8x80xi32, #tpu.memory_space<vmem>>, vector<1x16xi32>,
        %dma_start3A_728 = arith.constant 7 : i32
        %dma_start3A_729 = arith.constant 0 : i32
        %dma_start3A_730 = tpu.memref_slice %arg11[%dma_start3A_728, %dma_start3A_729] : memref<8x80xi32, #tpu.memory_space<vmem>> -> memref<1x80xi32, #tpu.memory_space<vmem>>
        %dma_start3A_731 = tpu.memref_squeeze %dma_start3A_730 : memref<1x80xi32, #tpu.memory_space<vmem>> -> memref<80xi32, #tpu.memory_space<vmem>>
        %dma_start3A_732 = arith.constant 0 : i32
        %dma_start3A_733 = arith.constant 0 : i32
        %dma_start3A_734 = tpu.memref_slice %arg4[%dma_start3A_732, %dma_start3A_733] : memref<20480x128xf32, #tpu.memory_space<hbm>> -> memref<20480x128xf32, #tpu.memory_space<hbm>>
        tpu.enqueue_indirect_dma source(%dma_start3A_734 : memref<20480x128xf32, #tpu.memory_space<hbm>>) target(%arg10 : memref<80x128xf32, #tpu.memory_space<vmem>>) offsets(%dma_start3A_731 : memref<80xi32, #tpu.memory_space<vmem>>) semaphore(%arg17 : memref<!tpu.dma_semaphore, #tpu.memory_space<semaphore_mem>>)
      } else {
      }
      %lt3A_544 = arith.constant 250 : i32
      %lt3A_545 = arith.cmpi slt, %add3A_531, %lt3A_544 : i32
      %convert_element_type3A_546 = arith.extui %lt3A_545 : i1 to i32
      %cond3A_547 = arith.constant 0 : i32
      %cond3A_548 = arith.cmpi ne, %convert_element_type3A_546, %cond3A_547 : i32
      scf.if %cond3A_548 {
        %run_scoped3A = arith.constant 4 : i32
        "tpu.region"() ({
          %run_scoped3A_640 = tpu.sem_alloc : memref<!tpu.dma_semaphore, #tpu.memory_space<semaphore_mem>>
          %dma_start3A_641 = arith.constant 0 : i32
          %dma_start3A_642 = tpu.memref_slice %arg12[%run_scoped3A, %dma_start3A_641] : memref<8x80xi32, #tpu.memory_space<vmem>> -> memref<1x80xi32, #tpu.memory_space<vmem>>
          %dma_start3A_643 = tpu.memref_squeeze %dma_start3A_642 : memref<1x80xi32, #tpu.memory_space<vmem>> -> memref<80xi32, #tpu.memory_space<vmem>>
          %dma_start3A_644 = arith.constant 0 : i32
          %dma_start3A_645 = arith.constant 0 : i32
          %dma_start3A_646 = tpu.memref_slice %arg6[%dma_start3A_644, %dma_start3A_645] : memref<10240x128xf32, #tpu.memory_space<vmem_shared>> -> memref<10240x128xf32, #tpu.memory_space<vmem_shared>>
          tpu.enqueue_indirect_dma source(%arg7 : memref<80x128xf32, #tpu.memory_space<vmem>>) target(%dma_start3A_646 : memref<10240x128xf32, #tpu.memory_space<vmem_shared>>) offsets(%dma_start3A_643 : memref<80xi32, #tpu.memory_space<vmem>>) semaphore(%run_scoped3A_640 : memref<!tpu.dma_semaphore, #tpu.memory_space<semaphore_mem>>) {add = true}
          %dma_wait3A_647 = arith.constant 0 : i32
          %dma_wait3A_648 = tpu.memref_slice %arg12[%run_scoped3A, %dma_wait3A_647] : memref<8x80xi32, #tpu.memory_space<vmem>> -> memref<1x80xi32, #tpu.memory_space<vmem>>
          %dma_wait3A_649 = tpu.memref_squeeze %dma_wait3A_648 : memref<1x80xi32, #tpu.memory_space<vmem>> -> memref<80xi32, #tpu.memory_space<vmem>>
          %dma_wait3A_650 = arith.constant 0 : i32
          %dma_wait3A_651 = arith.constant 0 : i32
          %dma_wait3A_652 = tpu.memref_slice %arg6[%dma_wait3A_650, %dma_wait3A_651] : memref<10240x128xf32, #tpu.memory_space<vmem_shared>> -> memref<10240x128xf32, #tpu.memory_space<vmem_shared>>
          tpu.wait_indirect_dma semaphore(%run_scoped3A_640 : memref<!tpu.dma_semaphore, #tpu.memory_space<semaphore_mem>>) src(%arg7 : memref<80x128xf32, #tpu.memory_space<vmem>>) dst(%dma_wait3A_652 : memref<10240x128xf32, #tpu.memory_space<vmem_shared>>)
          tpu.yield
        }) : () -> ()
      } else {
      }
      %add3A_549 = arith.constant 6 : i32
      %add3A_550 = arith.addi %add3A_531, %add3A_549 : i32
      %lt3A_551 = arith.constant 250 : i32
      %lt3A_552 = arith.cmpi slt, %add3A_550, %lt3A_551 : i32
      %convert_element_type3A_553 = arith.extui %lt3A_552 : i1 to i32
      %cond3A_554 = arith.constant 0 : i32
      %cond3A_555 = arith.cmpi ne, %convert_element_type3A_553, %cond3A_554 : i32
      scf.if %cond3A_555 {
        %add3A_640 = arith.constant 6 : i32
        %add3A_641 = arith.addi %add3A_531, %add3A_640 : i32
        %mul3A_642 = arith.constant 80 : i32
        %mul3A_643 = arith.muli %add3A_641, %mul3A_642 : i32
        %add3A_644 = arith.addi %mul3A_0, %mul3A_643 : i32
        %dma_start3A_645 = arith.constant 2 : i32
        %dma_start3A_646 = arith.constant 0 : i32
        %dma_start3A_647 = tpu.memref_slice %arg11[%dma_start3A_645, %dma_start3A_646] : memref<8x80xi32, #tpu.memory_space<vmem>> -> memref<1x80xi32, #tpu.memory_space<vmem>>
        %dma_start3A_648 = tpu.memref_squeeze %dma_start3A_647 : memref<1x80xi32, #tpu.memory_space<vmem>> -> memref<80xi32, #tpu.memory_space<vmem>>
        %dma_start3A_649 = tpu.memref_slice %arg2[%add3A_644] : memref<320000xi32, #tpu.memory_space<hbm>> -> memref<80xi32, #tpu.memory_space<hbm>>
        %dma_start3A_650 = arith.constant 0 : i32
        %dma_start3A_651 = tpu.memref_slice %arg11[%dma_start3A_645, %dma_start3A_650] : memref<8x80xi32, #tpu.memory_space<vmem>> -> memref<1x80xi32, #tpu.memory_space<vmem>>
        %dma_start3A_652 = tpu.memref_squeeze %dma_start3A_651 : memref<1x80xi32, #tpu.memory_space<vmem>> -> memref<80xi32, #tpu.memory_space<vmem>>
        %dma_start3A_653 = tpu.memref_slice %arg2[%add3A_644] : memref<320000xi32, #tpu.memory_space<hbm>> -> memref<80xi32, #tpu.memory_space<hbm>>
        tpu.enqueue_dma source(%dma_start3A_653 : memref<80xi32, #tpu.memory_space<hbm>>) target(%dma_start3A_652 : memref<80xi32, #tpu.memory_space<vmem>>) target_semaphore(%arg24 : memref<!tpu.dma_semaphore, #tpu.memory_space<semaphore_mem>>)
        %dma_start3A_654 = arith.constant 2 : i32
        %dma_start3A_655 = arith.constant 0 : i32
        %dma_start3A_656 = tpu.memref_slice %arg12[%dma_start3A_654, %dma_start3A_655] : memref<8x80xi32, #tpu.memory_space<vmem>> -> memref<1x80xi32, #tpu.memory_space<vmem>>
        %dma_start3A_657 = tpu.memref_squeeze %dma_start3A_656 : memref<1x80xi32, #tpu.memory_space<vmem>> -> memref<80xi32, #tpu.memory_space<vmem>>
        %dma_start3A_658 = tpu.memref_slice %arg3[%add3A_644] : memref<320000xi32, #tpu.memory_space<hbm>> -> memref<80xi32, #tpu.memory_space<hbm>>
        %dma_start3A_659 = arith.constant 0 : i32
        %dma_start3A_660 = tpu.memref_slice %arg12[%dma_start3A_654, %dma_start3A_659] : memref<8x80xi32, #tpu.memory_space<vmem>> -> memref<1x80xi32, #tpu.memory_space<vmem>>
        %dma_start3A_661 = tpu.memref_squeeze %dma_start3A_660 : memref<1x80xi32, #tpu.memory_space<vmem>> -> memref<80xi32, #tpu.memory_space<vmem>>
        %dma_start3A_662 = tpu.memref_slice %arg3[%add3A_644] : memref<320000xi32, #tpu.memory_space<hbm>> -> memref<80xi32, #tpu.memory_space<hbm>>
        tpu.enqueue_dma source(%dma_start3A_662 : memref<80xi32, #tpu.memory_space<hbm>>) target(%dma_start3A_661 : memref<80xi32, #tpu.memory_space<vmem>>) target_semaphore(%arg24 : memref<!tpu.dma_semaphore, #tpu.memory_space<semaphore_mem>>)
      } else {
      }
      %mul3A_556 = arith.constant 8 : i32
      %mul3A_557 = arith.muli %scan3A_418, %mul3A_556 : i32
      %add3A_558 = arith.constant 5 : i32
      %add3A_559 = arith.addi %mul3A_557, %add3A_558 : i32
      %lt3A_560 = arith.constant 250 : i32
      %lt3A_561 = arith.cmpi slt, %add3A_559, %lt3A_560 : i32
      %convert_element_type3A_562 = arith.extui %lt3A_561 : i1 to i32
      %cond3A_563 = arith.constant 0 : i32
      %cond3A_564 = arith.cmpi ne, %convert_element_type3A_562, %cond3A_563 : i32
      scf.if %cond3A_564 {
        %dma_wait3A_640 = arith.constant 5 : i32
        %dma_wait3A_641 = arith.constant 0 : i32
        %dma_wait3A_642 = tpu.memref_slice %arg11[%dma_wait3A_640, %dma_wait3A_641] : memref<8x80xi32, #tpu.memory_space<vmem>> -> memref<1x80xi32, #tpu.memory_space<vmem>>
        %dma_wait3A_643 = tpu.memref_squeeze %dma_wait3A_642 : memref<1x80xi32, #tpu.memory_space<vmem>> -> memref<80xi32, #tpu.memory_space<vmem>>
        %dma_wait3A_644 = arith.constant 0 : i32
        %dma_wait3A_645 = arith.constant 0 : i32
        %dma_wait3A_646 = tpu.memref_slice %arg4[%dma_wait3A_644, %dma_wait3A_645] : memref<20480x128xf32, #tpu.memory_space<hbm>> -> memref<20480x128xf32, #tpu.memory_space<hbm>>
        tpu.wait_indirect_dma semaphore(%arg15 : memref<!tpu.dma_semaphore, #tpu.memory_space<semaphore_mem>>) src(%dma_wait3A_646 : memref<20480x128xf32, #tpu.memory_space<hbm>>) dst(%arg8 : memref<80x128xf32, #tpu.memory_space<vmem>>)
      } else {
      }
      %add3A_565 = arith.constant 3 : i32
      %add3A_566 = arith.addi %add3A_559, %add3A_565 : i32
      %lt3A_567 = arith.constant 250 : i32
      %lt3A_568 = arith.cmpi slt, %add3A_566, %lt3A_567 : i32
      %convert_element_type3A_569 = arith.extui %lt3A_568 : i1 to i32
      %cond3A_570 = arith.constant 0 : i32
      %cond3A_571 = arith.cmpi ne, %convert_element_type3A_569, %cond3A_570 : i32
      scf.if %cond3A_571 {
        %add3A_640 = arith.constant 3 : i32
        %add3A_641 = arith.addi %add3A_559, %add3A_640 : i32
        %mul3A_642 = arith.constant 80 : i32
        %mul3A_643 = arith.muli %add3A_641, %mul3A_642 : i32
        %add3A_644 = arith.addi %mul3A_0, %mul3A_643 : i32
        %dma_wait3A_645 = arith.constant 0 : i32
        %dma_wait3A_646 = arith.constant 0 : i32
        %dma_wait3A_647 = tpu.memref_slice %arg11[%dma_wait3A_645, %dma_wait3A_646] : memref<8x80xi32, #tpu.memory_space<vmem>> -> memref<1x80xi32, #tpu.memory_space<vmem>>
        %dma_wait3A_648 = tpu.memref_squeeze %dma_wait3A_647 : memref<1x80xi32, #tpu.memory_space<vmem>> -> memref<80xi32, #tpu.memory_space<vmem>>
        %dma_wait3A_649 = tpu.memref_slice %arg2[%add3A_644] : memref<320000xi32, #tpu.memory_space<hbm>> -> memref<80xi32, #tpu.memory_space<hbm>>
        %dma_wait3A_650 = arith.constant 0 : i32
        %dma_wait3A_651 = tpu.memref_slice %arg11[%dma_wait3A_645, %dma_wait3A_650] : memref<8x80xi32, #tpu.memory_space<vmem>> -> memref<1x80xi32, #tpu.memory_space<vmem>>
        %dma_wait3A_652 = tpu.memref_squeeze %dma_wait3A_651 : memref<1x80xi32, #tpu.memory_space<vmem>> -> memref<80xi32, #tpu.memory_space<vmem>>
        %dma_wait3A_653 = tpu.memref_slice %arg2[%add3A_644] : memref<320000xi32, #tpu.memory_space<hbm>> -> memref<80xi32, #tpu.memory_space<hbm>>
        tpu.wait_dma2 semaphore(%arg22 : memref<!tpu.dma_semaphore, #tpu.memory_space<semaphore_mem>>) src(%dma_wait3A_653 : memref<80xi32, #tpu.memory_space<hbm>>) dst(%dma_wait3A_652 : memref<80xi32, #tpu.memory_space<vmem>>)
        %dma_wait3A_654 = arith.constant 0 : i32
        %dma_wait3A_655 = arith.constant 0 : i32
        %dma_wait3A_656 = tpu.memref_slice %arg12[%dma_wait3A_654, %dma_wait3A_655] : memref<8x80xi32, #tpu.memory_space<vmem>> -> memref<1x80xi32, #tpu.memory_space<vmem>>
        %dma_wait3A_657 = tpu.memref_squeeze %dma_wait3A_656 : memref<1x80xi32, #tpu.memory_space<vmem>> -> memref<80xi32, #tpu.memory_space<vmem>>
        %dma_wait3A_658 = tpu.memref_slice %arg3[%add3A_644] : memref<320000xi32, #tpu.memory_space<hbm>> -> memref<80xi32, #tpu.memory_space<hbm>>
        %dma_wait3A_659 = arith.constant 0 : i32
        %dma_wait3A_660 = tpu.memref_slice %arg12[%dma_wait3A_654, %dma_wait3A_659] : memref<8x80xi32, #tpu.memory_space<vmem>> -> memref<1x80xi32, #tpu.memory_space<vmem>>
        %dma_wait3A_661 = tpu.memref_squeeze %dma_wait3A_660 : memref<1x80xi32, #tpu.memory_space<vmem>> -> memref<80xi32, #tpu.memory_space<vmem>>
        %dma_wait3A_662 = tpu.memref_slice %arg3[%add3A_644] : memref<320000xi32, #tpu.memory_space<hbm>> -> memref<80xi32, #tpu.memory_space<hbm>>
        tpu.wait_dma2 semaphore(%arg22 : memref<!tpu.dma_semaphore, #tpu.memory_space<semaphore_mem>>) src(%dma_wait3A_662 : memref<80xi32, #tpu.memory_space<hbm>>) dst(%dma_wait3A_661 : memref<80xi32, #tpu.memory_space<vmem>>)
        %get3A_663 = arith.constant 0 : i32
        %get3A_664 = arith.index_cast %get3A_663 : i32 to index
        %get3A_665 = arith.constant 0 : index
        %get3A_666 = tpu.vector_load %arg11[%get3A_664, %get3A_665] {strides = array<i32>} : memref<8x80xi32, #tpu.memory_space<vmem>>, vector<1x16xi32>,
        %get3A_667 = vector.shape_cast %get3A_666 : vector<1x16xi32> to vector<16xi32>
        %add3A_668 = vector.broadcast %mul3A_2 : i32 to vector<16xi32>
        %add3A_669 = arith.addi %get3A_667, %add3A_668 : vector<16xi32>
        %swap3A_670 = arith.constant 0 : i32
        %swap3A_671 = arith.index_cast %swap3A_670 : i32 to index
        %swap3A_672 = arith.constant 0 : index
        %swap3A_673 = tpu.vector_load %arg11[%swap3A_671, %swap3A_672] {strides = array<i32>} : memref<8x80xi32, #tpu.memory_space<vmem>>, vector<1x16xi32>,
        %swap3A_674 = vector.shape_cast %swap3A_673 : vector<1x16xi32> to vector<16xi32>
        %swap3A_675 = vector.shape_cast %add3A_669 : vector<16xi32> to vector<1x16xi32>
        tpu.vector_store %arg11[%swap3A_671, %swap3A_672], %swap3A_675 {strides = array<i32>} : memref<8x80xi32, #tpu.memory_space<vmem>>, vector<1x16xi32>,
        %get3A_676 = arith.constant 0 : i32
        %get3A_677 = arith.index_cast %get3A_676 : i32 to index
        %get3A_678 = arith.constant 16 : index
        %get3A_679 = tpu.vector_load %arg11[%get3A_677, %get3A_678] {strides = array<i32>} : memref<8x80xi32, #tpu.memory_space<vmem>>, vector<1x16xi32>,
        %get3A_680 = vector.shape_cast %get3A_679 : vector<1x16xi32> to vector<16xi32>
        %add3A_681 = vector.broadcast %mul3A_2 : i32 to vector<16xi32>
        %add3A_682 = arith.addi %get3A_680, %add3A_681 : vector<16xi32>
        %swap3A_683 = arith.constant 0 : i32
        %swap3A_684 = arith.index_cast %swap3A_683 : i32 to index
        %swap3A_685 = arith.constant 16 : index
        %swap3A_686 = tpu.vector_load %arg11[%swap3A_684, %swap3A_685] {strides = array<i32>} : memref<8x80xi32, #tpu.memory_space<vmem>>, vector<1x16xi32>,
        %swap3A_687 = vector.shape_cast %swap3A_686 : vector<1x16xi32> to vector<16xi32>
        %swap3A_688 = vector.shape_cast %add3A_682 : vector<16xi32> to vector<1x16xi32>
        tpu.vector_store %arg11[%swap3A_684, %swap3A_685], %swap3A_688 {strides = array<i32>} : memref<8x80xi32, #tpu.memory_space<vmem>>, vector<1x16xi32>,
        %get3A_689 = arith.constant 0 : i32
        %get3A_690 = arith.index_cast %get3A_689 : i32 to index
        %get3A_691 = arith.constant 32 : index
        %get3A_692 = tpu.vector_load %arg11[%get3A_690, %get3A_691] {strides = array<i32>} : memref<8x80xi32, #tpu.memory_space<vmem>>, vector<1x16xi32>,
        %get3A_693 = vector.shape_cast %get3A_692 : vector<1x16xi32> to vector<16xi32>
        %add3A_694 = vector.broadcast %mul3A_2 : i32 to vector<16xi32>
        %add3A_695 = arith.addi %get3A_693, %add3A_694 : vector<16xi32>
        %swap3A_696 = arith.constant 0 : i32
        %swap3A_697 = arith.index_cast %swap3A_696 : i32 to index
        %swap3A_698 = arith.constant 32 : index
        %swap3A_699 = tpu.vector_load %arg11[%swap3A_697, %swap3A_698] {strides = array<i32>} : memref<8x80xi32, #tpu.memory_space<vmem>>, vector<1x16xi32>,
        %swap3A_700 = vector.shape_cast %swap3A_699 : vector<1x16xi32> to vector<16xi32>
        %swap3A_701 = vector.shape_cast %add3A_695 : vector<16xi32> to vector<1x16xi32>
        tpu.vector_store %arg11[%swap3A_697, %swap3A_698], %swap3A_701 {strides = array<i32>} : memref<8x80xi32, #tpu.memory_space<vmem>>, vector<1x16xi32>,
        %get3A_702 = arith.constant 0 : i32
        %get3A_703 = arith.index_cast %get3A_702 : i32 to index
        %get3A_704 = arith.constant 48 : index
        %get3A_705 = tpu.vector_load %arg11[%get3A_703, %get3A_704] {strides = array<i32>} : memref<8x80xi32, #tpu.memory_space<vmem>>, vector<1x16xi32>,
        %get3A_706 = vector.shape_cast %get3A_705 : vector<1x16xi32> to vector<16xi32>
        %add3A_707 = vector.broadcast %mul3A_2 : i32 to vector<16xi32>
        %add3A_708 = arith.addi %get3A_706, %add3A_707 : vector<16xi32>
        %swap3A_709 = arith.constant 0 : i32
        %swap3A_710 = arith.index_cast %swap3A_709 : i32 to index
        %swap3A_711 = arith.constant 48 : index
        %swap3A_712 = tpu.vector_load %arg11[%swap3A_710, %swap3A_711] {strides = array<i32>} : memref<8x80xi32, #tpu.memory_space<vmem>>, vector<1x16xi32>,
        %swap3A_713 = vector.shape_cast %swap3A_712 : vector<1x16xi32> to vector<16xi32>
        %swap3A_714 = vector.shape_cast %add3A_708 : vector<16xi32> to vector<1x16xi32>
        tpu.vector_store %arg11[%swap3A_710, %swap3A_711], %swap3A_714 {strides = array<i32>} : memref<8x80xi32, #tpu.memory_space<vmem>>, vector<1x16xi32>,
        %get3A_715 = arith.constant 0 : i32
        %get3A_716 = arith.index_cast %get3A_715 : i32 to index
        %get3A_717 = arith.constant 64 : index
        %get3A_718 = tpu.vector_load %arg11[%get3A_716, %get3A_717] {strides = array<i32>} : memref<8x80xi32, #tpu.memory_space<vmem>>, vector<1x16xi32>,
        %get3A_719 = vector.shape_cast %get3A_718 : vector<1x16xi32> to vector<16xi32>
        %add3A_720 = vector.broadcast %mul3A_2 : i32 to vector<16xi32>
        %add3A_721 = arith.addi %get3A_719, %add3A_720 : vector<16xi32>
        %swap3A_722 = arith.constant 0 : i32
        %swap3A_723 = arith.index_cast %swap3A_722 : i32 to index
        %swap3A_724 = arith.constant 64 : index
        %swap3A_725 = tpu.vector_load %arg11[%swap3A_723, %swap3A_724] {strides = array<i32>} : memref<8x80xi32, #tpu.memory_space<vmem>>, vector<1x16xi32>,
        %swap3A_726 = vector.shape_cast %swap3A_725 : vector<1x16xi32> to vector<16xi32>
        %swap3A_727 = vector.shape_cast %add3A_721 : vector<16xi32> to vector<1x16xi32>
        tpu.vector_store %arg11[%swap3A_723, %swap3A_724], %swap3A_727 {strides = array<i32>} : memref<8x80xi32, #tpu.memory_space<vmem>>, vector<1x16xi32>,
        %dma_start3A_728 = arith.constant 0 : i32
        %dma_start3A_729 = arith.constant 0 : i32
        %dma_start3A_730 = tpu.memref_slice %arg11[%dma_start3A_728, %dma_start3A_729] : memref<8x80xi32, #tpu.memory_space<vmem>> -> memref<1x80xi32, #tpu.memory_space<vmem>>
        %dma_start3A_731 = tpu.memref_squeeze %dma_start3A_730 : memref<1x80xi32, #tpu.memory_space<vmem>> -> memref<80xi32, #tpu.memory_space<vmem>>
        %dma_start3A_732 = arith.constant 0 : i32
        %dma_start3A_733 = arith.constant 0 : i32
        %dma_start3A_734 = tpu.memref_slice %arg4[%dma_start3A_732, %dma_start3A_733] : memref<20480x128xf32, #tpu.memory_space<hbm>> -> memref<20480x128xf32, #tpu.memory_space<hbm>>
        tpu.enqueue_indirect_dma source(%dma_start3A_734 : memref<20480x128xf32, #tpu.memory_space<hbm>>) target(%arg7 : memref<80x128xf32, #tpu.memory_space<vmem>>) offsets(%dma_start3A_731 : memref<80xi32, #tpu.memory_space<vmem>>) semaphore(%arg14 : memref<!tpu.dma_semaphore, #tpu.memory_space<semaphore_mem>>)
      } else {
      }
      %lt3A_572 = arith.constant 250 : i32
      %lt3A_573 = arith.cmpi slt, %add3A_559, %lt3A_572 : i32
      %convert_element_type3A_574 = arith.extui %lt3A_573 : i1 to i32
      %cond3A_575 = arith.constant 0 : i32
      %cond3A_576 = arith.cmpi ne, %convert_element_type3A_574, %cond3A_575 : i32
      scf.if %cond3A_576 {
        %run_scoped3A = arith.constant 5 : i32
        "tpu.region"() ({
          %run_scoped3A_640 = tpu.sem_alloc : memref<!tpu.dma_semaphore, #tpu.memory_space<semaphore_mem>>
          %dma_start3A_641 = arith.constant 0 : i32
          %dma_start3A_642 = tpu.memref_slice %arg12[%run_scoped3A, %dma_start3A_641] : memref<8x80xi32, #tpu.memory_space<vmem>> -> memref<1x80xi32, #tpu.memory_space<vmem>>
          %dma_start3A_643 = tpu.memref_squeeze %dma_start3A_642 : memref<1x80xi32, #tpu.memory_space<vmem>> -> memref<80xi32, #tpu.memory_space<vmem>>
          %dma_start3A_644 = arith.constant 0 : i32
          %dma_start3A_645 = arith.constant 0 : i32
          %dma_start3A_646 = tpu.memref_slice %arg6[%dma_start3A_644, %dma_start3A_645] : memref<10240x128xf32, #tpu.memory_space<vmem_shared>> -> memref<10240x128xf32, #tpu.memory_space<vmem_shared>>
          tpu.enqueue_indirect_dma source(%arg8 : memref<80x128xf32, #tpu.memory_space<vmem>>) target(%dma_start3A_646 : memref<10240x128xf32, #tpu.memory_space<vmem_shared>>) offsets(%dma_start3A_643 : memref<80xi32, #tpu.memory_space<vmem>>) semaphore(%run_scoped3A_640 : memref<!tpu.dma_semaphore, #tpu.memory_space<semaphore_mem>>) {add = true}
          %dma_wait3A_647 = arith.constant 0 : i32
          %dma_wait3A_648 = tpu.memref_slice %arg12[%run_scoped3A, %dma_wait3A_647] : memref<8x80xi32, #tpu.memory_space<vmem>> -> memref<1x80xi32, #tpu.memory_space<vmem>>
          %dma_wait3A_649 = tpu.memref_squeeze %dma_wait3A_648 : memref<1x80xi32, #tpu.memory_space<vmem>> -> memref<80xi32, #tpu.memory_space<vmem>>
          %dma_wait3A_650 = arith.constant 0 : i32
          %dma_wait3A_651 = arith.constant 0 : i32
          %dma_wait3A_652 = tpu.memref_slice %arg6[%dma_wait3A_650, %dma_wait3A_651] : memref<10240x128xf32, #tpu.memory_space<vmem_shared>> -> memref<10240x128xf32, #tpu.memory_space<vmem_shared>>
          tpu.wait_indirect_dma semaphore(%run_scoped3A_640 : memref<!tpu.dma_semaphore, #tpu.memory_space<semaphore_mem>>) src(%arg8 : memref<80x128xf32, #tpu.memory_space<vmem>>) dst(%dma_wait3A_652 : memref<10240x128xf32, #tpu.memory_space<vmem_shared>>)
          tpu.yield
        }) : () -> ()
      } else {
      }
      %add3A_577 = arith.constant 6 : i32
      %add3A_578 = arith.addi %add3A_559, %add3A_577 : i32
      %lt3A_579 = arith.constant 250 : i32
      %lt3A_580 = arith.cmpi slt, %add3A_578, %lt3A_579 : i32
      %convert_element_type3A_581 = arith.extui %lt3A_580 : i1 to i32
      %cond3A_582 = arith.constant 0 : i32
      %cond3A_583 = arith.cmpi ne, %convert_element_type3A_581, %cond3A_582 : i32
      scf.if %cond3A_583 {
        %add3A_640 = arith.constant 6 : i32
        %add3A_641 = arith.addi %add3A_559, %add3A_640 : i32
        %mul3A_642 = arith.constant 80 : i32
        %mul3A_643 = arith.muli %add3A_641, %mul3A_642 : i32
        %add3A_644 = arith.addi %mul3A_0, %mul3A_643 : i32
        %dma_start3A_645 = arith.constant 3 : i32
        %dma_start3A_646 = arith.constant 0 : i32
        %dma_start3A_647 = tpu.memref_slice %arg11[%dma_start3A_645, %dma_start3A_646] : memref<8x80xi32, #tpu.memory_space<vmem>> -> memref<1x80xi32, #tpu.memory_space<vmem>>
        %dma_start3A_648 = tpu.memref_squeeze %dma_start3A_647 : memref<1x80xi32, #tpu.memory_space<vmem>> -> memref<80xi32, #tpu.memory_space<vmem>>
        %dma_start3A_649 = tpu.memref_slice %arg2[%add3A_644] : memref<320000xi32, #tpu.memory_space<hbm>> -> memref<80xi32, #tpu.memory_space<hbm>>
        %dma_start3A_650 = arith.constant 0 : i32
        %dma_start3A_651 = tpu.memref_slice %arg11[%dma_start3A_645, %dma_start3A_650] : memref<8x80xi32, #tpu.memory_space<vmem>> -> memref<1x80xi32, #tpu.memory_space<vmem>>
        %dma_start3A_652 = tpu.memref_squeeze %dma_start3A_651 : memref<1x80xi32, #tpu.memory_space<vmem>> -> memref<80xi32, #tpu.memory_space<vmem>>
        %dma_start3A_653 = tpu.memref_slice %arg2[%add3A_644] : memref<320000xi32, #tpu.memory_space<hbm>> -> memref<80xi32, #tpu.memory_space<hbm>>
        tpu.enqueue_dma source(%dma_start3A_653 : memref<80xi32, #tpu.memory_space<hbm>>) target(%dma_start3A_652 : memref<80xi32, #tpu.memory_space<vmem>>) target_semaphore(%arg25 : memref<!tpu.dma_semaphore, #tpu.memory_space<semaphore_mem>>)
        %dma_start3A_654 = arith.constant 3 : i32
        %dma_start3A_655 = arith.constant 0 : i32
        %dma_start3A_656 = tpu.memref_slice %arg12[%dma_start3A_654, %dma_start3A_655] : memref<8x80xi32, #tpu.memory_space<vmem>> -> memref<1x80xi32, #tpu.memory_space<vmem>>
        %dma_start3A_657 = tpu.memref_squeeze %dma_start3A_656 : memref<1x80xi32, #tpu.memory_space<vmem>> -> memref<80xi32, #tpu.memory_space<vmem>>
        %dma_start3A_658 = tpu.memref_slice %arg3[%add3A_644] : memref<320000xi32, #tpu.memory_space<hbm>> -> memref<80xi32, #tpu.memory_space<hbm>>
        %dma_start3A_659 = arith.constant 0 : i32
        %dma_start3A_660 = tpu.memref_slice %arg12[%dma_start3A_654, %dma_start3A_659] : memref<8x80xi32, #tpu.memory_space<vmem>> -> memref<1x80xi32, #tpu.memory_space<vmem>>
        %dma_start3A_661 = tpu.memref_squeeze %dma_start3A_660 : memref<1x80xi32, #tpu.memory_space<vmem>> -> memref<80xi32, #tpu.memory_space<vmem>>
        %dma_start3A_662 = tpu.memref_slice %arg3[%add3A_644] : memref<320000xi32, #tpu.memory_space<hbm>> -> memref<80xi32, #tpu.memory_space<hbm>>
        tpu.enqueue_dma source(%dma_start3A_662 : memref<80xi32, #tpu.memory_space<hbm>>) target(%dma_start3A_661 : memref<80xi32, #tpu.memory_space<vmem>>) target_semaphore(%arg25 : memref<!tpu.dma_semaphore, #tpu.memory_space<semaphore_mem>>)
      } else {
      }
      %mul3A_584 = arith.constant 8 : i32
      %mul3A_585 = arith.muli %scan3A_418, %mul3A_584 : i32
      %add3A_586 = arith.constant 6 : i32
      %add3A_587 = arith.addi %mul3A_585, %add3A_586 : i32
      %lt3A_588 = arith.constant 250 : i32
      %lt3A_589 = arith.cmpi slt, %add3A_587, %lt3A_588 : i32
      %convert_element_type3A_590 = arith.extui %lt3A_589 : i1 to i32
      %cond3A_591 = arith.constant 0 : i32
      %cond3A_592 = arith.cmpi ne, %convert_element_type3A_590, %cond3A_591 : i32
      scf.if %cond3A_592 {
        %dma_wait3A_640 = arith.constant 6 : i32
        %dma_wait3A_641 = arith.constant 0 : i32
        %dma_wait3A_642 = tpu.memref_slice %arg11[%dma_wait3A_640, %dma_wait3A_641] : memref<8x80xi32, #tpu.memory_space<vmem>> -> memref<1x80xi32, #tpu.memory_space<vmem>>
        %dma_wait3A_643 = tpu.memref_squeeze %dma_wait3A_642 : memref<1x80xi32, #tpu.memory_space<vmem>> -> memref<80xi32, #tpu.memory_space<vmem>>
        %dma_wait3A_644 = arith.constant 0 : i32
        %dma_wait3A_645 = arith.constant 0 : i32
        %dma_wait3A_646 = tpu.memref_slice %arg4[%dma_wait3A_644, %dma_wait3A_645] : memref<20480x128xf32, #tpu.memory_space<hbm>> -> memref<20480x128xf32, #tpu.memory_space<hbm>>
        tpu.wait_indirect_dma semaphore(%arg16 : memref<!tpu.dma_semaphore, #tpu.memory_space<semaphore_mem>>) src(%dma_wait3A_646 : memref<20480x128xf32, #tpu.memory_space<hbm>>) dst(%arg9 : memref<80x128xf32, #tpu.memory_space<vmem>>)
      } else {
      }
      %add3A_593 = arith.constant 3 : i32
      %add3A_594 = arith.addi %add3A_587, %add3A_593 : i32
      %lt3A_595 = arith.constant 250 : i32
      %lt3A_596 = arith.cmpi slt, %add3A_594, %lt3A_595 : i32
      %convert_element_type3A_597 = arith.extui %lt3A_596 : i1 to i32
      %cond3A_598 = arith.constant 0 : i32
      %cond3A_599 = arith.cmpi ne, %convert_element_type3A_597, %cond3A_598 : i32
      scf.if %cond3A_599 {
        %add3A_640 = arith.constant 3 : i32
        %add3A_641 = arith.addi %add3A_587, %add3A_640 : i32
        %mul3A_642 = arith.constant 80 : i32
        %mul3A_643 = arith.muli %add3A_641, %mul3A_642 : i32
        %add3A_644 = arith.addi %mul3A_0, %mul3A_643 : i32
        %dma_wait3A_645 = arith.constant 1 : i32
        %dma_wait3A_646 = arith.constant 0 : i32
        %dma_wait3A_647 = tpu.memref_slice %arg11[%dma_wait3A_645, %dma_wait3A_646] : memref<8x80xi32, #tpu.memory_space<vmem>> -> memref<1x80xi32, #tpu.memory_space<vmem>>
        %dma_wait3A_648 = tpu.memref_squeeze %dma_wait3A_647 : memref<1x80xi32, #tpu.memory_space<vmem>> -> memref<80xi32, #tpu.memory_space<vmem>>
        %dma_wait3A_649 = tpu.memref_slice %arg2[%add3A_644] : memref<320000xi32, #tpu.memory_space<hbm>> -> memref<80xi32, #tpu.memory_space<hbm>>
        %dma_wait3A_650 = arith.constant 0 : i32
        %dma_wait3A_651 = tpu.memref_slice %arg11[%dma_wait3A_645, %dma_wait3A_650] : memref<8x80xi32, #tpu.memory_space<vmem>> -> memref<1x80xi32, #tpu.memory_space<vmem>>
        %dma_wait3A_652 = tpu.memref_squeeze %dma_wait3A_651 : memref<1x80xi32, #tpu.memory_space<vmem>> -> memref<80xi32, #tpu.memory_space<vmem>>
        %dma_wait3A_653 = tpu.memref_slice %arg2[%add3A_644] : memref<320000xi32, #tpu.memory_space<hbm>> -> memref<80xi32, #tpu.memory_space<hbm>>
        tpu.wait_dma2 semaphore(%arg23 : memref<!tpu.dma_semaphore, #tpu.memory_space<semaphore_mem>>) src(%dma_wait3A_653 : memref<80xi32, #tpu.memory_space<hbm>>) dst(%dma_wait3A_652 : memref<80xi32, #tpu.memory_space<vmem>>)
        %dma_wait3A_654 = arith.constant 1 : i32
        %dma_wait3A_655 = arith.constant 0 : i32
        %dma_wait3A_656 = tpu.memref_slice %arg12[%dma_wait3A_654, %dma_wait3A_655] : memref<8x80xi32, #tpu.memory_space<vmem>> -> memref<1x80xi32, #tpu.memory_space<vmem>>
        %dma_wait3A_657 = tpu.memref_squeeze %dma_wait3A_656 : memref<1x80xi32, #tpu.memory_space<vmem>> -> memref<80xi32, #tpu.memory_space<vmem>>
        %dma_wait3A_658 = tpu.memref_slice %arg3[%add3A_644] : memref<320000xi32, #tpu.memory_space<hbm>> -> memref<80xi32, #tpu.memory_space<hbm>>
        %dma_wait3A_659 = arith.constant 0 : i32
        %dma_wait3A_660 = tpu.memref_slice %arg12[%dma_wait3A_654, %dma_wait3A_659] : memref<8x80xi32, #tpu.memory_space<vmem>> -> memref<1x80xi32, #tpu.memory_space<vmem>>
        %dma_wait3A_661 = tpu.memref_squeeze %dma_wait3A_660 : memref<1x80xi32, #tpu.memory_space<vmem>> -> memref<80xi32, #tpu.memory_space<vmem>>
        %dma_wait3A_662 = tpu.memref_slice %arg3[%add3A_644] : memref<320000xi32, #tpu.memory_space<hbm>> -> memref<80xi32, #tpu.memory_space<hbm>>
        tpu.wait_dma2 semaphore(%arg23 : memref<!tpu.dma_semaphore, #tpu.memory_space<semaphore_mem>>) src(%dma_wait3A_662 : memref<80xi32, #tpu.memory_space<hbm>>) dst(%dma_wait3A_661 : memref<80xi32, #tpu.memory_space<vmem>>)
        %get3A_663 = arith.constant 1 : i32
        %get3A_664 = arith.index_cast %get3A_663 : i32 to index
        %get3A_665 = arith.constant 0 : index
        %get3A_666 = tpu.vector_load %arg11[%get3A_664, %get3A_665] {strides = array<i32>} : memref<8x80xi32, #tpu.memory_space<vmem>>, vector<1x16xi32>,
        %get3A_667 = vector.shape_cast %get3A_666 : vector<1x16xi32> to vector<16xi32>
        %add3A_668 = vector.broadcast %mul3A_2 : i32 to vector<16xi32>
        %add3A_669 = arith.addi %get3A_667, %add3A_668 : vector<16xi32>
        %swap3A_670 = arith.constant 1 : i32
        %swap3A_671 = arith.index_cast %swap3A_670 : i32 to index
        %swap3A_672 = arith.constant 0 : index
        %swap3A_673 = tpu.vector_load %arg11[%swap3A_671, %swap3A_672] {strides = array<i32>} : memref<8x80xi32, #tpu.memory_space<vmem>>, vector<1x16xi32>,
        %swap3A_674 = vector.shape_cast %swap3A_673 : vector<1x16xi32> to vector<16xi32>
        %swap3A_675 = vector.shape_cast %add3A_669 : vector<16xi32> to vector<1x16xi32>
        tpu.vector_store %arg11[%swap3A_671, %swap3A_672], %swap3A_675 {strides = array<i32>} : memref<8x80xi32, #tpu.memory_space<vmem>>, vector<1x16xi32>,
        %get3A_676 = arith.constant 1 : i32
        %get3A_677 = arith.index_cast %get3A_676 : i32 to index
        %get3A_678 = arith.constant 16 : index
        %get3A_679 = tpu.vector_load %arg11[%get3A_677, %get3A_678] {strides = array<i32>} : memref<8x80xi32, #tpu.memory_space<vmem>>, vector<1x16xi32>,
        %get3A_680 = vector.shape_cast %get3A_679 : vector<1x16xi32> to vector<16xi32>
        %add3A_681 = vector.broadcast %mul3A_2 : i32 to vector<16xi32>
        %add3A_682 = arith.addi %get3A_680, %add3A_681 : vector<16xi32>
        %swap3A_683 = arith.constant 1 : i32
        %swap3A_684 = arith.index_cast %swap3A_683 : i32 to index
        %swap3A_685 = arith.constant 16 : index
        %swap3A_686 = tpu.vector_load %arg11[%swap3A_684, %swap3A_685] {strides = array<i32>} : memref<8x80xi32, #tpu.memory_space<vmem>>, vector<1x16xi32>,
        %swap3A_687 = vector.shape_cast %swap3A_686 : vector<1x16xi32> to vector<16xi32>
        %swap3A_688 = vector.shape_cast %add3A_682 : vector<16xi32> to vector<1x16xi32>
        tpu.vector_store %arg11[%swap3A_684, %swap3A_685], %swap3A_688 {strides = array<i32>} : memref<8x80xi32, #tpu.memory_space<vmem>>, vector<1x16xi32>,
        %get3A_689 = arith.constant 1 : i32
        %get3A_690 = arith.index_cast %get3A_689 : i32 to index
        %get3A_691 = arith.constant 32 : index
        %get3A_692 = tpu.vector_load %arg11[%get3A_690, %get3A_691] {strides = array<i32>} : memref<8x80xi32, #tpu.memory_space<vmem>>, vector<1x16xi32>,
        %get3A_693 = vector.shape_cast %get3A_692 : vector<1x16xi32> to vector<16xi32>
        %add3A_694 = vector.broadcast %mul3A_2 : i32 to vector<16xi32>
        %add3A_695 = arith.addi %get3A_693, %add3A_694 : vector<16xi32>
        %swap3A_696 = arith.constant 1 : i32
        %swap3A_697 = arith.index_cast %swap3A_696 : i32 to index
        %swap3A_698 = arith.constant 32 : index
        %swap3A_699 = tpu.vector_load %arg11[%swap3A_697, %swap3A_698] {strides = array<i32>} : memref<8x80xi32, #tpu.memory_space<vmem>>, vector<1x16xi32>,
        %swap3A_700 = vector.shape_cast %swap3A_699 : vector<1x16xi32> to vector<16xi32>
        %swap3A_701 = vector.shape_cast %add3A_695 : vector<16xi32> to vector<1x16xi32>
        tpu.vector_store %arg11[%swap3A_697, %swap3A_698], %swap3A_701 {strides = array<i32>} : memref<8x80xi32, #tpu.memory_space<vmem>>, vector<1x16xi32>,
        %get3A_702 = arith.constant 1 : i32
        %get3A_703 = arith.index_cast %get3A_702 : i32 to index
        %get3A_704 = arith.constant 48 : index
        %get3A_705 = tpu.vector_load %arg11[%get3A_703, %get3A_704] {strides = array<i32>} : memref<8x80xi32, #tpu.memory_space<vmem>>, vector<1x16xi32>,
        %get3A_706 = vector.shape_cast %get3A_705 : vector<1x16xi32> to vector<16xi32>
        %add3A_707 = vector.broadcast %mul3A_2 : i32 to vector<16xi32>
        %add3A_708 = arith.addi %get3A_706, %add3A_707 : vector<16xi32>
        %swap3A_709 = arith.constant 1 : i32
        %swap3A_710 = arith.index_cast %swap3A_709 : i32 to index
        %swap3A_711 = arith.constant 48 : index
        %swap3A_712 = tpu.vector_load %arg11[%swap3A_710, %swap3A_711] {strides = array<i32>} : memref<8x80xi32, #tpu.memory_space<vmem>>, vector<1x16xi32>,
        %swap3A_713 = vector.shape_cast %swap3A_712 : vector<1x16xi32> to vector<16xi32>
        %swap3A_714 = vector.shape_cast %add3A_708 : vector<16xi32> to vector<1x16xi32>
        tpu.vector_store %arg11[%swap3A_710, %swap3A_711], %swap3A_714 {strides = array<i32>} : memref<8x80xi32, #tpu.memory_space<vmem>>, vector<1x16xi32>,
        %get3A_715 = arith.constant 1 : i32
        %get3A_716 = arith.index_cast %get3A_715 : i32 to index
        %get3A_717 = arith.constant 64 : index
        %get3A_718 = tpu.vector_load %arg11[%get3A_716, %get3A_717] {strides = array<i32>} : memref<8x80xi32, #tpu.memory_space<vmem>>, vector<1x16xi32>,
        %get3A_719 = vector.shape_cast %get3A_718 : vector<1x16xi32> to vector<16xi32>
        %add3A_720 = vector.broadcast %mul3A_2 : i32 to vector<16xi32>
        %add3A_721 = arith.addi %get3A_719, %add3A_720 : vector<16xi32>
        %swap3A_722 = arith.constant 1 : i32
        %swap3A_723 = arith.index_cast %swap3A_722 : i32 to index
        %swap3A_724 = arith.constant 64 : index
        %swap3A_725 = tpu.vector_load %arg11[%swap3A_723, %swap3A_724] {strides = array<i32>} : memref<8x80xi32, #tpu.memory_space<vmem>>, vector<1x16xi32>,
        %swap3A_726 = vector.shape_cast %swap3A_725 : vector<1x16xi32> to vector<16xi32>
        %swap3A_727 = vector.shape_cast %add3A_721 : vector<16xi32> to vector<1x16xi32>
        tpu.vector_store %arg11[%swap3A_723, %swap3A_724], %swap3A_727 {strides = array<i32>} : memref<8x80xi32, #tpu.memory_space<vmem>>, vector<1x16xi32>,
        %dma_start3A_728 = arith.constant 1 : i32
        %dma_start3A_729 = arith.constant 0 : i32
        %dma_start3A_730 = tpu.memref_slice %arg11[%dma_start3A_728, %dma_start3A_729] : memref<8x80xi32, #tpu.memory_space<vmem>> -> memref<1x80xi32, #tpu.memory_space<vmem>>
        %dma_start3A_731 = tpu.memref_squeeze %dma_start3A_730 : memref<1x80xi32, #tpu.memory_space<vmem>> -> memref<80xi32, #tpu.memory_space<vmem>>
        %dma_start3A_732 = arith.constant 0 : i32
        %dma_start3A_733 = arith.constant 0 : i32
        %dma_start3A_734 = tpu.memref_slice %arg4[%dma_start3A_732, %dma_start3A_733] : memref<20480x128xf32, #tpu.memory_space<hbm>> -> memref<20480x128xf32, #tpu.memory_space<hbm>>
        tpu.enqueue_indirect_dma source(%dma_start3A_734 : memref<20480x128xf32, #tpu.memory_space<hbm>>) target(%arg8 : memref<80x128xf32, #tpu.memory_space<vmem>>) offsets(%dma_start3A_731 : memref<80xi32, #tpu.memory_space<vmem>>) semaphore(%arg15 : memref<!tpu.dma_semaphore, #tpu.memory_space<semaphore_mem>>)
      } else {
      }
      %lt3A_600 = arith.constant 250 : i32
      %lt3A_601 = arith.cmpi slt, %add3A_587, %lt3A_600 : i32
      %convert_element_type3A_602 = arith.extui %lt3A_601 : i1 to i32
      %cond3A_603 = arith.constant 0 : i32
      %cond3A_604 = arith.cmpi ne, %convert_element_type3A_602, %cond3A_603 : i32
      scf.if %cond3A_604 {
        %run_scoped3A = arith.constant 6 : i32
        "tpu.region"() ({
          %run_scoped3A_640 = tpu.sem_alloc : memref<!tpu.dma_semaphore, #tpu.memory_space<semaphore_mem>>
          %dma_start3A_641 = arith.constant 0 : i32
          %dma_start3A_642 = tpu.memref_slice %arg12[%run_scoped3A, %dma_start3A_641] : memref<8x80xi32, #tpu.memory_space<vmem>> -> memref<1x80xi32, #tpu.memory_space<vmem>>
          %dma_start3A_643 = tpu.memref_squeeze %dma_start3A_642 : memref<1x80xi32, #tpu.memory_space<vmem>> -> memref<80xi32, #tpu.memory_space<vmem>>
          %dma_start3A_644 = arith.constant 0 : i32
          %dma_start3A_645 = arith.constant 0 : i32
          %dma_start3A_646 = tpu.memref_slice %arg6[%dma_start3A_644, %dma_start3A_645] : memref<10240x128xf32, #tpu.memory_space<vmem_shared>> -> memref<10240x128xf32, #tpu.memory_space<vmem_shared>>
          tpu.enqueue_indirect_dma source(%arg9 : memref<80x128xf32, #tpu.memory_space<vmem>>) target(%dma_start3A_646 : memref<10240x128xf32, #tpu.memory_space<vmem_shared>>) offsets(%dma_start3A_643 : memref<80xi32, #tpu.memory_space<vmem>>) semaphore(%run_scoped3A_640 : memref<!tpu.dma_semaphore, #tpu.memory_space<semaphore_mem>>) {add = true}
          %dma_wait3A_647 = arith.constant 0 : i32
          %dma_wait3A_648 = tpu.memref_slice %arg12[%run_scoped3A, %dma_wait3A_647] : memref<8x80xi32, #tpu.memory_space<vmem>> -> memref<1x80xi32, #tpu.memory_space<vmem>>
          %dma_wait3A_649 = tpu.memref_squeeze %dma_wait3A_648 : memref<1x80xi32, #tpu.memory_space<vmem>> -> memref<80xi32, #tpu.memory_space<vmem>>
          %dma_wait3A_650 = arith.constant 0 : i32
          %dma_wait3A_651 = arith.constant 0 : i32
          %dma_wait3A_652 = tpu.memref_slice %arg6[%dma_wait3A_650, %dma_wait3A_651] : memref<10240x128xf32, #tpu.memory_space<vmem_shared>> -> memref<10240x128xf32, #tpu.memory_space<vmem_shared>>
          tpu.wait_indirect_dma semaphore(%run_scoped3A_640 : memref<!tpu.dma_semaphore, #tpu.memory_space<semaphore_mem>>) src(%arg9 : memref<80x128xf32, #tpu.memory_space<vmem>>) dst(%dma_wait3A_652 : memref<10240x128xf32, #tpu.memory_space<vmem_shared>>)
          tpu.yield
        }) : () -> ()
      } else {
      }
      %add3A_605 = arith.constant 6 : i32
      %add3A_606 = arith.addi %add3A_587, %add3A_605 : i32
      %lt3A_607 = arith.constant 250 : i32
      %lt3A_608 = arith.cmpi slt, %add3A_606, %lt3A_607 : i32
      %convert_element_type3A_609 = arith.extui %lt3A_608 : i1 to i32
      %cond3A_610 = arith.constant 0 : i32
      %cond3A_611 = arith.cmpi ne, %convert_element_type3A_609, %cond3A_610 : i32
      scf.if %cond3A_611 {
        %add3A_640 = arith.constant 6 : i32
        %add3A_641 = arith.addi %add3A_587, %add3A_640 : i32
        %mul3A_642 = arith.constant 80 : i32
        %mul3A_643 = arith.muli %add3A_641, %mul3A_642 : i32
        %add3A_644 = arith.addi %mul3A_0, %mul3A_643 : i32
        %dma_start3A_645 = arith.constant 4 : i32
        %dma_start3A_646 = arith.constant 0 : i32
        %dma_start3A_647 = tpu.memref_slice %arg11[%dma_start3A_645, %dma_start3A_646] : memref<8x80xi32, #tpu.memory_space<vmem>> -> memref<1x80xi32, #tpu.memory_space<vmem>>
        %dma_start3A_648 = tpu.memref_squeeze %dma_start3A_647 : memref<1x80xi32, #tpu.memory_space<vmem>> -> memref<80xi32, #tpu.memory_space<vmem>>
        %dma_start3A_649 = tpu.memref_slice %arg2[%add3A_644] : memref<320000xi32, #tpu.memory_space<hbm>> -> memref<80xi32, #tpu.memory_space<hbm>>
        %dma_start3A_650 = arith.constant 0 : i32
        %dma_start3A_651 = tpu.memref_slice %arg11[%dma_start3A_645, %dma_start3A_650] : memref<8x80xi32, #tpu.memory_space<vmem>> -> memref<1x80xi32, #tpu.memory_space<vmem>>
        %dma_start3A_652 = tpu.memref_squeeze %dma_start3A_651 : memref<1x80xi32, #tpu.memory_space<vmem>> -> memref<80xi32, #tpu.memory_space<vmem>>
        %dma_start3A_653 = tpu.memref_slice %arg2[%add3A_644] : memref<320000xi32, #tpu.memory_space<hbm>> -> memref<80xi32, #tpu.memory_space<hbm>>
        tpu.enqueue_dma source(%dma_start3A_653 : memref<80xi32, #tpu.memory_space<hbm>>) target(%dma_start3A_652 : memref<80xi32, #tpu.memory_space<vmem>>) target_semaphore(%arg26 : memref<!tpu.dma_semaphore, #tpu.memory_space<semaphore_mem>>)
        %dma_start3A_654 = arith.constant 4 : i32
        %dma_start3A_655 = arith.constant 0 : i32
        %dma_start3A_656 = tpu.memref_slice %arg12[%dma_start3A_654, %dma_start3A_655] : memref<8x80xi32, #tpu.memory_space<vmem>> -> memref<1x80xi32, #tpu.memory_space<vmem>>
        %dma_start3A_657 = tpu.memref_squeeze %dma_start3A_656 : memref<1x80xi32, #tpu.memory_space<vmem>> -> memref<80xi32, #tpu.memory_space<vmem>>
        %dma_start3A_658 = tpu.memref_slice %arg3[%add3A_644] : memref<320000xi32, #tpu.memory_space<hbm>> -> memref<80xi32, #tpu.memory_space<hbm>>
        %dma_start3A_659 = arith.constant 0 : i32
        %dma_start3A_660 = tpu.memref_slice %arg12[%dma_start3A_654, %dma_start3A_659] : memref<8x80xi32, #tpu.memory_space<vmem>> -> memref<1x80xi32, #tpu.memory_space<vmem>>
        %dma_start3A_661 = tpu.memref_squeeze %dma_start3A_660 : memref<1x80xi32, #tpu.memory_space<vmem>> -> memref<80xi32, #tpu.memory_space<vmem>>
        %dma_start3A_662 = tpu.memref_slice %arg3[%add3A_644] : memref<320000xi32, #tpu.memory_space<hbm>> -> memref<80xi32, #tpu.memory_space<hbm>>
        tpu.enqueue_dma source(%dma_start3A_662 : memref<80xi32, #tpu.memory_space<hbm>>) target(%dma_start3A_661 : memref<80xi32, #tpu.memory_space<vmem>>) target_semaphore(%arg26 : memref<!tpu.dma_semaphore, #tpu.memory_space<semaphore_mem>>)
      } else {
      }
      %mul3A_612 = arith.constant 8 : i32
      %mul3A_613 = arith.muli %scan3A_418, %mul3A_612 : i32
      %add3A_614 = arith.constant 7 : i32
      %add3A_615 = arith.addi %mul3A_613, %add3A_614 : i32
      %lt3A_616 = arith.constant 250 : i32
      %lt3A_617 = arith.cmpi slt, %add3A_615, %lt3A_616 : i32
      %convert_element_type3A_618 = arith.extui %lt3A_617 : i1 to i32
      %cond3A_619 = arith.constant 0 : i32
      %cond3A_620 = arith.cmpi ne, %convert_element_type3A_618, %cond3A_619 : i32
      scf.if %cond3A_620 {
        %dma_wait3A_640 = arith.constant 7 : i32
        %dma_wait3A_641 = arith.constant 0 : i32
        %dma_wait3A_642 = tpu.memref_slice %arg11[%dma_wait3A_640, %dma_wait3A_641] : memref<8x80xi32, #tpu.memory_space<vmem>> -> memref<1x80xi32, #tpu.memory_space<vmem>>
        %dma_wait3A_643 = tpu.memref_squeeze %dma_wait3A_642 : memref<1x80xi32, #tpu.memory_space<vmem>> -> memref<80xi32, #tpu.memory_space<vmem>>
        %dma_wait3A_644 = arith.constant 0 : i32
        %dma_wait3A_645 = arith.constant 0 : i32
        %dma_wait3A_646 = tpu.memref_slice %arg4[%dma_wait3A_644, %dma_wait3A_645] : memref<20480x128xf32, #tpu.memory_space<hbm>> -> memref<20480x128xf32, #tpu.memory_space<hbm>>
        tpu.wait_indirect_dma semaphore(%arg17 : memref<!tpu.dma_semaphore, #tpu.memory_space<semaphore_mem>>) src(%dma_wait3A_646 : memref<20480x128xf32, #tpu.memory_space<hbm>>) dst(%arg10 : memref<80x128xf32, #tpu.memory_space<vmem>>)
      } else {
      }
      %add3A_621 = arith.constant 3 : i32
      %add3A_622 = arith.addi %add3A_615, %add3A_621 : i32
      %lt3A_623 = arith.constant 250 : i32
      %lt3A_624 = arith.cmpi slt, %add3A_622, %lt3A_623 : i32
      %convert_element_type3A_625 = arith.extui %lt3A_624 : i1 to i32
      %cond3A_626 = arith.constant 0 : i32
      %cond3A_627 = arith.cmpi ne, %convert_element_type3A_625, %cond3A_626 : i32
      scf.if %cond3A_627 {
        %add3A_640 = arith.constant 3 : i32
        %add3A_641 = arith.addi %add3A_615, %add3A_640 : i32
        %mul3A_642 = arith.constant 80 : i32
        %mul3A_643 = arith.muli %add3A_641, %mul3A_642 : i32
        %add3A_644 = arith.addi %mul3A_0, %mul3A_643 : i32
        %dma_wait3A_645 = arith.constant 2 : i32
        %dma_wait3A_646 = arith.constant 0 : i32
        %dma_wait3A_647 = tpu.memref_slice %arg11[%dma_wait3A_645, %dma_wait3A_646] : memref<8x80xi32, #tpu.memory_space<vmem>> -> memref<1x80xi32, #tpu.memory_space<vmem>>
        %dma_wait3A_648 = tpu.memref_squeeze %dma_wait3A_647 : memref<1x80xi32, #tpu.memory_space<vmem>> -> memref<80xi32, #tpu.memory_space<vmem>>
        %dma_wait3A_649 = tpu.memref_slice %arg2[%add3A_644] : memref<320000xi32, #tpu.memory_space<hbm>> -> memref<80xi32, #tpu.memory_space<hbm>>
        %dma_wait3A_650 = arith.constant 0 : i32
        %dma_wait3A_651 = tpu.memref_slice %arg11[%dma_wait3A_645, %dma_wait3A_650] : memref<8x80xi32, #tpu.memory_space<vmem>> -> memref<1x80xi32, #tpu.memory_space<vmem>>
        %dma_wait3A_652 = tpu.memref_squeeze %dma_wait3A_651 : memref<1x80xi32, #tpu.memory_space<vmem>> -> memref<80xi32, #tpu.memory_space<vmem>>
        %dma_wait3A_653 = tpu.memref_slice %arg2[%add3A_644] : memref<320000xi32, #tpu.memory_space<hbm>> -> memref<80xi32, #tpu.memory_space<hbm>>
        tpu.wait_dma2 semaphore(%arg24 : memref<!tpu.dma_semaphore, #tpu.memory_space<semaphore_mem>>) src(%dma_wait3A_653 : memref<80xi32, #tpu.memory_space<hbm>>) dst(%dma_wait3A_652 : memref<80xi32, #tpu.memory_space<vmem>>)
        %dma_wait3A_654 = arith.constant 2 : i32
        %dma_wait3A_655 = arith.constant 0 : i32
        %dma_wait3A_656 = tpu.memref_slice %arg12[%dma_wait3A_654, %dma_wait3A_655] : memref<8x80xi32, #tpu.memory_space<vmem>> -> memref<1x80xi32, #tpu.memory_space<vmem>>
        %dma_wait3A_657 = tpu.memref_squeeze %dma_wait3A_656 : memref<1x80xi32, #tpu.memory_space<vmem>> -> memref<80xi32, #tpu.memory_space<vmem>>
        %dma_wait3A_658 = tpu.memref_slice %arg3[%add3A_644] : memref<320000xi32, #tpu.memory_space<hbm>> -> memref<80xi32, #tpu.memory_space<hbm>>
        %dma_wait3A_659 = arith.constant 0 : i32
        %dma_wait3A_660 = tpu.memref_slice %arg12[%dma_wait3A_654, %dma_wait3A_659] : memref<8x80xi32, #tpu.memory_space<vmem>> -> memref<1x80xi32, #tpu.memory_space<vmem>>
        %dma_wait3A_661 = tpu.memref_squeeze %dma_wait3A_660 : memref<1x80xi32, #tpu.memory_space<vmem>> -> memref<80xi32, #tpu.memory_space<vmem>>
        %dma_wait3A_662 = tpu.memref_slice %arg3[%add3A_644] : memref<320000xi32, #tpu.memory_space<hbm>> -> memref<80xi32, #tpu.memory_space<hbm>>
        tpu.wait_dma2 semaphore(%arg24 : memref<!tpu.dma_semaphore, #tpu.memory_space<semaphore_mem>>) src(%dma_wait3A_662 : memref<80xi32, #tpu.memory_space<hbm>>) dst(%dma_wait3A_661 : memref<80xi32, #tpu.memory_space<vmem>>)
        %get3A_663 = arith.constant 2 : i32
        %get3A_664 = arith.index_cast %get3A_663 : i32 to index
        %get3A_665 = arith.constant 0 : index
        %get3A_666 = tpu.vector_load %arg11[%get3A_664, %get3A_665] {strides = array<i32>} : memref<8x80xi32, #tpu.memory_space<vmem>>, vector<1x16xi32>,
        %get3A_667 = vector.shape_cast %get3A_666 : vector<1x16xi32> to vector<16xi32>
        %add3A_668 = vector.broadcast %mul3A_2 : i32 to vector<16xi32>
        %add3A_669 = arith.addi %get3A_667, %add3A_668 : vector<16xi32>
        %swap3A_670 = arith.constant 2 : i32
        %swap3A_671 = arith.index_cast %swap3A_670 : i32 to index
        %swap3A_672 = arith.constant 0 : index
        %swap3A_673 = tpu.vector_load %arg11[%swap3A_671, %swap3A_672] {strides = array<i32>} : memref<8x80xi32, #tpu.memory_space<vmem>>, vector<1x16xi32>,
        %swap3A_674 = vector.shape_cast %swap3A_673 : vector<1x16xi32> to vector<16xi32>
        %swap3A_675 = vector.shape_cast %add3A_669 : vector<16xi32> to vector<1x16xi32>
        tpu.vector_store %arg11[%swap3A_671, %swap3A_672], %swap3A_675 {strides = array<i32>} : memref<8x80xi32, #tpu.memory_space<vmem>>, vector<1x16xi32>,
        %get3A_676 = arith.constant 2 : i32
        %get3A_677 = arith.index_cast %get3A_676 : i32 to index
        %get3A_678 = arith.constant 16 : index
        %get3A_679 = tpu.vector_load %arg11[%get3A_677, %get3A_678] {strides = array<i32>} : memref<8x80xi32, #tpu.memory_space<vmem>>, vector<1x16xi32>,
        %get3A_680 = vector.shape_cast %get3A_679 : vector<1x16xi32> to vector<16xi32>
        %add3A_681 = vector.broadcast %mul3A_2 : i32 to vector<16xi32>
        %add3A_682 = arith.addi %get3A_680, %add3A_681 : vector<16xi32>
        %swap3A_683 = arith.constant 2 : i32
        %swap3A_684 = arith.index_cast %swap3A_683 : i32 to index
        %swap3A_685 = arith.constant 16 : index
        %swap3A_686 = tpu.vector_load %arg11[%swap3A_684, %swap3A_685] {strides = array<i32>} : memref<8x80xi32, #tpu.memory_space<vmem>>, vector<1x16xi32>,
        %swap3A_687 = vector.shape_cast %swap3A_686 : vector<1x16xi32> to vector<16xi32>
        %swap3A_688 = vector.shape_cast %add3A_682 : vector<16xi32> to vector<1x16xi32>
        tpu.vector_store %arg11[%swap3A_684, %swap3A_685], %swap3A_688 {strides = array<i32>} : memref<8x80xi32, #tpu.memory_space<vmem>>, vector<1x16xi32>,
        %get3A_689 = arith.constant 2 : i32
        %get3A_690 = arith.index_cast %get3A_689 : i32 to index
        %get3A_691 = arith.constant 32 : index
        %get3A_692 = tpu.vector_load %arg11[%get3A_690, %get3A_691] {strides = array<i32>} : memref<8x80xi32, #tpu.memory_space<vmem>>, vector<1x16xi32>,
        %get3A_693 = vector.shape_cast %get3A_692 : vector<1x16xi32> to vector<16xi32>
        %add3A_694 = vector.broadcast %mul3A_2 : i32 to vector<16xi32>
        %add3A_695 = arith.addi %get3A_693, %add3A_694 : vector<16xi32>
        %swap3A_696 = arith.constant 2 : i32
        %swap3A_697 = arith.index_cast %swap3A_696 : i32 to index
        %swap3A_698 = arith.constant 32 : index
        %swap3A_699 = tpu.vector_load %arg11[%swap3A_697, %swap3A_698] {strides = array<i32>} : memref<8x80xi32, #tpu.memory_space<vmem>>, vector<1x16xi32>,
        %swap3A_700 = vector.shape_cast %swap3A_699 : vector<1x16xi32> to vector<16xi32>
        %swap3A_701 = vector.shape_cast %add3A_695 : vector<16xi32> to vector<1x16xi32>
        tpu.vector_store %arg11[%swap3A_697, %swap3A_698], %swap3A_701 {strides = array<i32>} : memref<8x80xi32, #tpu.memory_space<vmem>>, vector<1x16xi32>,
        %get3A_702 = arith.constant 2 : i32
        %get3A_703 = arith.index_cast %get3A_702 : i32 to index
        %get3A_704 = arith.constant 48 : index
        %get3A_705 = tpu.vector_load %arg11[%get3A_703, %get3A_704] {strides = array<i32>} : memref<8x80xi32, #tpu.memory_space<vmem>>, vector<1x16xi32>,
        %get3A_706 = vector.shape_cast %get3A_705 : vector<1x16xi32> to vector<16xi32>
        %add3A_707 = vector.broadcast %mul3A_2 : i32 to vector<16xi32>
        %add3A_708 = arith.addi %get3A_706, %add3A_707 : vector<16xi32>
        %swap3A_709 = arith.constant 2 : i32
        %swap3A_710 = arith.index_cast %swap3A_709 : i32 to index
        %swap3A_711 = arith.constant 48 : index
        %swap3A_712 = tpu.vector_load %arg11[%swap3A_710, %swap3A_711] {strides = array<i32>} : memref<8x80xi32, #tpu.memory_space<vmem>>, vector<1x16xi32>,
        %swap3A_713 = vector.shape_cast %swap3A_712 : vector<1x16xi32> to vector<16xi32>
        %swap3A_714 = vector.shape_cast %add3A_708 : vector<16xi32> to vector<1x16xi32>
        tpu.vector_store %arg11[%swap3A_710, %swap3A_711], %swap3A_714 {strides = array<i32>} : memref<8x80xi32, #tpu.memory_space<vmem>>, vector<1x16xi32>,
        %get3A_715 = arith.constant 2 : i32
        %get3A_716 = arith.index_cast %get3A_715 : i32 to index
        %get3A_717 = arith.constant 64 : index
        %get3A_718 = tpu.vector_load %arg11[%get3A_716, %get3A_717] {strides = array<i32>} : memref<8x80xi32, #tpu.memory_space<vmem>>, vector<1x16xi32>,
        %get3A_719 = vector.shape_cast %get3A_718 : vector<1x16xi32> to vector<16xi32>
        %add3A_720 = vector.broadcast %mul3A_2 : i32 to vector<16xi32>
        %add3A_721 = arith.addi %get3A_719, %add3A_720 : vector<16xi32>
        %swap3A_722 = arith.constant 2 : i32
        %swap3A_723 = arith.index_cast %swap3A_722 : i32 to index
        %swap3A_724 = arith.constant 64 : index
        %swap3A_725 = tpu.vector_load %arg11[%swap3A_723, %swap3A_724] {strides = array<i32>} : memref<8x80xi32, #tpu.memory_space<vmem>>, vector<1x16xi32>,
        %swap3A_726 = vector.shape_cast %swap3A_725 : vector<1x16xi32> to vector<16xi32>
        %swap3A_727 = vector.shape_cast %add3A_721 : vector<16xi32> to vector<1x16xi32>
        tpu.vector_store %arg11[%swap3A_723, %swap3A_724], %swap3A_727 {strides = array<i32>} : memref<8x80xi32, #tpu.memory_space<vmem>>, vector<1x16xi32>,
        %dma_start3A_728 = arith.constant 2 : i32
        %dma_start3A_729 = arith.constant 0 : i32
        %dma_start3A_730 = tpu.memref_slice %arg11[%dma_start3A_728, %dma_start3A_729] : memref<8x80xi32, #tpu.memory_space<vmem>> -> memref<1x80xi32, #tpu.memory_space<vmem>>
        %dma_start3A_731 = tpu.memref_squeeze %dma_start3A_730 : memref<1x80xi32, #tpu.memory_space<vmem>> -> memref<80xi32, #tpu.memory_space<vmem>>
        %dma_start3A_732 = arith.constant 0 : i32
        %dma_start3A_733 = arith.constant 0 : i32
        %dma_start3A_734 = tpu.memref_slice %arg4[%dma_start3A_732, %dma_start3A_733] : memref<20480x128xf32, #tpu.memory_space<hbm>> -> memref<20480x128xf32, #tpu.memory_space<hbm>>
        tpu.enqueue_indirect_dma source(%dma_start3A_734 : memref<20480x128xf32, #tpu.memory_space<hbm>>) target(%arg9 : memref<80x128xf32, #tpu.memory_space<vmem>>) offsets(%dma_start3A_731 : memref<80xi32, #tpu.memory_space<vmem>>) semaphore(%arg16 : memref<!tpu.dma_semaphore, #tpu.memory_space<semaphore_mem>>)
      } else {
      }
      %lt3A_628 = arith.constant 250 : i32
      %lt3A_629 = arith.cmpi slt, %add3A_615, %lt3A_628 : i32
      %convert_element_type3A_630 = arith.extui %lt3A_629 : i1 to i32
      %cond3A_631 = arith.constant 0 : i32
      %cond3A_632 = arith.cmpi ne, %convert_element_type3A_630, %cond3A_631 : i32
      scf.if %cond3A_632 {
        %run_scoped3A = arith.constant 7 : i32
        "tpu.region"() ({
          %run_scoped3A_640 = tpu.sem_alloc : memref<!tpu.dma_semaphore, #tpu.memory_space<semaphore_mem>>
          %dma_start3A_641 = arith.constant 0 : i32
          %dma_start3A_642 = tpu.memref_slice %arg12[%run_scoped3A, %dma_start3A_641] : memref<8x80xi32, #tpu.memory_space<vmem>> -> memref<1x80xi32, #tpu.memory_space<vmem>>
          %dma_start3A_643 = tpu.memref_squeeze %dma_start3A_642 : memref<1x80xi32, #tpu.memory_space<vmem>> -> memref<80xi32, #tpu.memory_space<vmem>>
          %dma_start3A_644 = arith.constant 0 : i32
          %dma_start3A_645 = arith.constant 0 : i32
          %dma_start3A_646 = tpu.memref_slice %arg6[%dma_start3A_644, %dma_start3A_645] : memref<10240x128xf32, #tpu.memory_space<vmem_shared>> -> memref<10240x128xf32, #tpu.memory_space<vmem_shared>>
          tpu.enqueue_indirect_dma source(%arg10 : memref<80x128xf32, #tpu.memory_space<vmem>>) target(%dma_start3A_646 : memref<10240x128xf32, #tpu.memory_space<vmem_shared>>) offsets(%dma_start3A_643 : memref<80xi32, #tpu.memory_space<vmem>>) semaphore(%run_scoped3A_640 : memref<!tpu.dma_semaphore, #tpu.memory_space<semaphore_mem>>) {add = true}
          %dma_wait3A_647 = arith.constant 0 : i32
          %dma_wait3A_648 = tpu.memref_slice %arg12[%run_scoped3A, %dma_wait3A_647] : memref<8x80xi32, #tpu.memory_space<vmem>> -> memref<1x80xi32, #tpu.memory_space<vmem>>
          %dma_wait3A_649 = tpu.memref_squeeze %dma_wait3A_648 : memref<1x80xi32, #tpu.memory_space<vmem>> -> memref<80xi32, #tpu.memory_space<vmem>>
          %dma_wait3A_650 = arith.constant 0 : i32
          %dma_wait3A_651 = arith.constant 0 : i32
          %dma_wait3A_652 = tpu.memref_slice %arg6[%dma_wait3A_650, %dma_wait3A_651] : memref<10240x128xf32, #tpu.memory_space<vmem_shared>> -> memref<10240x128xf32, #tpu.memory_space<vmem_shared>>
          tpu.wait_indirect_dma semaphore(%run_scoped3A_640 : memref<!tpu.dma_semaphore, #tpu.memory_space<semaphore_mem>>) src(%arg10 : memref<80x128xf32, #tpu.memory_space<vmem>>) dst(%dma_wait3A_652 : memref<10240x128xf32, #tpu.memory_space<vmem_shared>>)
          tpu.yield
        }) : () -> ()
      } else {
      }
      %add3A_633 = arith.constant 6 : i32
      %add3A_634 = arith.addi %add3A_615, %add3A_633 : i32
      %lt3A_635 = arith.constant 250 : i32
      %lt3A_636 = arith.cmpi slt, %add3A_634, %lt3A_635 : i32
      %convert_element_type3A_637 = arith.extui %lt3A_636 : i1 to i32
      %cond3A_638 = arith.constant 0 : i32
      %cond3A_639 = arith.cmpi ne, %convert_element_type3A_637, %cond3A_638 : i32
      scf.if %cond3A_639 {
        %add3A_640 = arith.constant 6 : i32
        %add3A_641 = arith.addi %add3A_615, %add3A_640 : i32
        %mul3A_642 = arith.constant 80 : i32
        %mul3A_643 = arith.muli %add3A_641, %mul3A_642 : i32
        %add3A_644 = arith.addi %mul3A_0, %mul3A_643 : i32
        %dma_start3A_645 = arith.constant 5 : i32
        %dma_start3A_646 = arith.constant 0 : i32
        %dma_start3A_647 = tpu.memref_slice %arg11[%dma_start3A_645, %dma_start3A_646] : memref<8x80xi32, #tpu.memory_space<vmem>> -> memref<1x80xi32, #tpu.memory_space<vmem>>
        %dma_start3A_648 = tpu.memref_squeeze %dma_start3A_647 : memref<1x80xi32, #tpu.memory_space<vmem>> -> memref<80xi32, #tpu.memory_space<vmem>>
        %dma_start3A_649 = tpu.memref_slice %arg2[%add3A_644] : memref<320000xi32, #tpu.memory_space<hbm>> -> memref<80xi32, #tpu.memory_space<hbm>>
        %dma_start3A_650 = arith.constant 0 : i32
        %dma_start3A_651 = tpu.memref_slice %arg11[%dma_start3A_645, %dma_start3A_650] : memref<8x80xi32, #tpu.memory_space<vmem>> -> memref<1x80xi32, #tpu.memory_space<vmem>>
        %dma_start3A_652 = tpu.memref_squeeze %dma_start3A_651 : memref<1x80xi32, #tpu.memory_space<vmem>> -> memref<80xi32, #tpu.memory_space<vmem>>
        %dma_start3A_653 = tpu.memref_slice %arg2[%add3A_644] : memref<320000xi32, #tpu.memory_space<hbm>> -> memref<80xi32, #tpu.memory_space<hbm>>
        tpu.enqueue_dma source(%dma_start3A_653 : memref<80xi32, #tpu.memory_space<hbm>>) target(%dma_start3A_652 : memref<80xi32, #tpu.memory_space<vmem>>) target_semaphore(%arg27 : memref<!tpu.dma_semaphore, #tpu.memory_space<semaphore_mem>>)
        %dma_start3A_654 = arith.constant 5 : i32
        %dma_start3A_655 = arith.constant 0 : i32
        %dma_start3A_656 = tpu.memref_slice %arg12[%dma_start3A_654, %dma_start3A_655] : memref<8x80xi32, #tpu.memory_space<vmem>> -> memref<1x80xi32, #tpu.memory_space<vmem>>
        %dma_start3A_657 = tpu.memref_squeeze %dma_start3A_656 : memref<1x80xi32, #tpu.memory_space<vmem>> -> memref<80xi32, #tpu.memory_space<vmem>>
        %dma_start3A_658 = tpu.memref_slice %arg3[%add3A_644] : memref<320000xi32, #tpu.memory_space<hbm>> -> memref<80xi32, #tpu.memory_space<hbm>>
        %dma_start3A_659 = arith.constant 0 : i32
        %dma_start3A_660 = tpu.memref_slice %arg12[%dma_start3A_654, %dma_start3A_659] : memref<8x80xi32, #tpu.memory_space<vmem>> -> memref<1x80xi32, #tpu.memory_space<vmem>>
        %dma_start3A_661 = tpu.memref_squeeze %dma_start3A_660 : memref<1x80xi32, #tpu.memory_space<vmem>> -> memref<80xi32, #tpu.memory_space<vmem>>
        %dma_start3A_662 = tpu.memref_slice %arg3[%add3A_644] : memref<320000xi32, #tpu.memory_space<hbm>> -> memref<80xi32, #tpu.memory_space<hbm>>
        tpu.enqueue_dma source(%dma_start3A_662 : memref<80xi32, #tpu.memory_space<hbm>>) target(%dma_start3A_661 : memref<80xi32, #tpu.memory_space<vmem>>) target_semaphore(%arg27 : memref<!tpu.dma_semaphore, #tpu.memory_space<semaphore_mem>>)
      } else {
      }
    }
    %scan3A_412 = arith.constant 32 : i32
    %barrier3A_413 = arith.constant 0 : index
    tpu.barrier barrier_id(%barrier3A_413)
    %mul3A_414 = arith.constant 640 : i32
    %mul3A_415 = arith.muli %arg1, %mul3A_414 : i32
    %mul3A_416 = arith.constant 640 : i32
    %mul3A_417 = arith.muli %arg1, %mul3A_416 : i32
    "tpu.region"() ({
      %run_scoped3A = tpu.sem_alloc : memref<!tpu.dma_semaphore, #tpu.memory_space<semaphore_mem>>
      %dma_start3A_418 = arith.constant 0 : i32
      %dma_start3A_419 = tpu.memref_slice %arg5[%arg0, %mul3A_417, %dma_start3A_418] : memref<2x10240x128xf32, #tpu.memory_space<hbm>> -> memref<1x640x128xf32, #tpu.memory_space<hbm>>
      %dma_start3A_420 = tpu.memref_squeeze %dma_start3A_419 : memref<1x640x128xf32, #tpu.memory_space<hbm>> -> memref<640x128xf32, #tpu.memory_space<hbm>>
      %dma_start3A_421 = arith.constant 0 : i32
      %dma_start3A_422 = tpu.memref_slice %arg6[%mul3A_415, %dma_start3A_421] : memref<10240x128xf32, #tpu.memory_space<vmem_shared>> -> memref<640x128xf32, #tpu.memory_space<vmem_shared>>
      tpu.enqueue_dma source(%dma_start3A_422 : memref<640x128xf32, #tpu.memory_space<vmem_shared>>) target(%dma_start3A_420 : memref<640x128xf32, #tpu.memory_space<hbm>>) target_semaphore(%run_scoped3A : memref<!tpu.dma_semaphore, #tpu.memory_space<semaphore_mem>>)
      %dma_wait3A_423 = arith.constant 0 : i32
      %dma_wait3A_424 = tpu.memref_slice %arg5[%arg0, %mul3A_417, %dma_wait3A_423] : memref<2x10240x128xf32, #tpu.memory_space<hbm>> -> memref<1x640x128xf32, #tpu.memory_space<hbm>>
      %dma_wait3A_425 = tpu.memref_squeeze %dma_wait3A_424 : memref<1x640x128xf32, #tpu.memory_space<hbm>> -> memref<640x128xf32, #tpu.memory_space<hbm>>
      %dma_wait3A_426 = arith.constant 0 : i32
      %dma_wait3A_427 = tpu.memref_slice %arg6[%mul3A_415, %dma_wait3A_426] : memref<10240x128xf32, #tpu.memory_space<vmem_shared>> -> memref<640x128xf32, #tpu.memory_space<vmem_shared>>
      tpu.wait_dma2 semaphore(%run_scoped3A : memref<!tpu.dma_semaphore, #tpu.memory_space<semaphore_mem>>) src(%dma_wait3A_427 : memref<640x128xf32, #tpu.memory_space<vmem_shared>>) dst(%dma_wait3A_425 : memref<640x128xf32, #tpu.memory_space<hbm>>)
      tpu.yield
    }) : () -> ()
    return
  }
}

module attributes {stable_mosaic.version = 14 : i64} {
  func.func @_tc_prologue_body(%arg0: i32, %arg1: memref<400x128xf32, #tpu.memory_space<vmem>>, %arg2: memref<128x256xf32, #tpu.memory_space<vmem>>, %arg3: memref<2x400x16xf32, #tpu.memory_space<vmem>>, %arg4: memref<2x400x128xf32, #tpu.memory_space<vmem>>) attributes {dimension_semantics = [#tpu.dimension_semantics<arbitrary>], iteration_bounds = array<i64: 25>, scalar_prefetch = 0 : i64, scratch_operands = 0 : i64, tpu.core_type = #tpu.core_type<tc>, window_params = [{transform_indices = @transform_0, window_bounds = array<i64: 400, 128>}, {pipeline_mode = #tpu.pipeline_mode<synchronous>, transform_indices = @transform_1, window_bounds = array<i64: 128, 256>}, {transform_indices = @transform_2, window_bounds = array<i64: 2, 400, 16>}, {transform_indices = @transform_3, window_bounds = array<i64: 2, 400, 128>}]} {
    %get3A = arith.constant 0 : index
    %get3A_0 = arith.constant 0 : index
    %get3A_1 = arith.constant 0 : index
    %get3A_2 = vector.load %arg3[%get3A, %get3A_0, %get3A_1] : memref<2x400x16xf32, #tpu.memory_space<vmem>>, vector<2x400x16xf32>
    %slice3A = vector.extract_strided_slice %get3A_2 {offsets = [0, 0, 0], sizes = [1, 400, 1], strides = [1, 1, 1]} : vector<2x400x16xf32> to vector<1x400x1xf32>
    %squeeze3A = vector.shape_cast %slice3A : vector<1x400x1xf32> to vector<400xf32>
    %slice3A_3 = vector.extract_strided_slice %get3A_2 {offsets = [1, 0, 0], sizes = [1, 400, 1], strides = [1, 1, 1]} : vector<2x400x16xf32> to vector<1x400x1xf32>
    %squeeze3A_4 = vector.shape_cast %slice3A_3 : vector<1x400x1xf32> to vector<400xf32>
    %add3A = arith.addf %squeeze3A, %squeeze3A_4 : vector<400xf32>
    %add3A_5 = arith.constant 1.000000e+00 : f32
    %add3A_6 = vector.broadcast %add3A_5 : f32 to vector<400xf32>
    %add3A_7 = arith.addf %add3A, %add3A_6 : vector<400xf32>
    %rsqrt3A = math.rsqrt %add3A_7 : vector<400xf32>
    %broadcast_in_dim3A = vector.shape_cast %rsqrt3A : vector<400xf32> to vector<400x1xf32>
    %get3A_8 = arith.constant 0 : index
    %get3A_9 = arith.constant 0 : index
    %get3A_10 = vector.load %arg1[%get3A_8, %get3A_9] : memref<400x128xf32, #tpu.memory_space<vmem>>, vector<400x128xf32>
    %get3A_11 = arith.constant 0 : index
    %get3A_12 = arith.constant 0 : index
    %get3A_13 = vector.load %arg2[%get3A_11, %get3A_12] : memref<128x256xf32, #tpu.memory_space<vmem>>, vector<128x256xf32>
    %dot_general3A = arith.constant dense<0.000000e+00> : vector<400x256xf32>
    %dot_general3A_14 = tpu.matmul %get3A_10, %get3A_13, %dot_general3A {dimension_numbers = #tpu.dot_dimension_numbers<[1], [0], [0], [1], [0, 0, 1, 1], [], []>, transpose_lhs_hint = false} : vector<400x128xf32>, vector<128x256xf32>, vector<400x256xf32> -> vector<400x256xf32>
    %mul3A = vector.broadcast %broadcast_in_dim3A : vector<400x1xf32> to vector<400x256xf32>
    %mul3A_15 = arith.mulf %dot_general3A_14, %mul3A : vector<400x256xf32>
    %slice3A_16 = vector.extract_strided_slice %mul3A_15 {offsets = [0, 0], sizes = [400, 128], strides = [1, 1]} : vector<400x256xf32> to vector<400x128xf32>
    %swap3A = arith.constant 0 : index
    %swap3A_17 = arith.constant 0 : index
    %swap3A_18 = arith.constant 0 : index
    %swap3A_19 = vector.load %arg4[%swap3A, %swap3A_17, %swap3A_18] : memref<2x400x128xf32, #tpu.memory_space<vmem>>, vector<1x400x128xf32>
    %swap3A_20 = vector.shape_cast %swap3A_19 : vector<1x400x128xf32> to vector<400x128xf32>
    %swap3A_21 = vector.shape_cast %slice3A_16 : vector<400x128xf32> to vector<1x400x128xf32>
    tpu.vector_store %arg4[%swap3A, %swap3A_17, %swap3A_18], %swap3A_21 {strides = array<i32>} : memref<2x400x128xf32, #tpu.memory_space<vmem>>, vector<1x400x128xf32>,
    %slice3A_22 = vector.extract_strided_slice %mul3A_15 {offsets = [0, 128], sizes = [400, 128], strides = [1, 1]} : vector<400x256xf32> to vector<400x128xf32>
    %swap3A_23 = arith.constant 1 : index
    %swap3A_24 = arith.constant 0 : index
    %swap3A_25 = arith.constant 0 : index
    %swap3A_26 = vector.load %arg4[%swap3A_23, %swap3A_24, %swap3A_25] : memref<2x400x128xf32, #tpu.memory_space<vmem>>, vector<1x400x128xf32>
    %swap3A_27 = vector.shape_cast %swap3A_26 : vector<1x400x128xf32> to vector<400x128xf32>
    %swap3A_28 = vector.shape_cast %slice3A_22 : vector<400x128xf32> to vector<1x400x128xf32>
    tpu.vector_store %arg4[%swap3A_23, %swap3A_24, %swap3A_25], %swap3A_28 {strides = array<i32>} : memref<2x400x128xf32, #tpu.memory_space<vmem>>, vector<1x400x128xf32>,
    return
  }
  func.func @transform_0(%arg0: i32) -> (i32, i32) {
    %c0_i32 = arith.constant 0 : i32
    %c0_i32_0 = arith.constant 0 : i32
    return %arg0, %c0_i32 : i32, i32
  }
  func.func @transform_1(%arg0: i32) -> (i32, i32) {
    %c0_i32 = arith.constant 0 : i32
    %c0_i32_0 = arith.constant 0 : i32
    %c0_i32_1 = arith.constant 0 : i32
    return %c0_i32, %c0_i32_0 : i32, i32
  }
  func.func @transform_2(%arg0: i32) -> (i32, i32, i32) {
    %c0_i32 = arith.constant 0 : i32
    %c0_i32_0 = arith.constant 0 : i32
    %c0_i32_1 = arith.constant 0 : i32
    return %c0_i32, %arg0, %c0_i32_0 : i32, i32, i32
  }
  func.func @transform_3(%arg0: i32) -> (i32, i32, i32) {
    %c0_i32 = arith.constant 0 : i32
    %c0_i32_0 = arith.constant 0 : i32
    %c0_i32_1 = arith.constant 0 : i32
    return %c0_i32, %arg0, %c0_i32_0 : i32, i32, i32
  }
}

module attributes {stable_mosaic.version = 14 : i64} {
  func.func @_tc_mid_body(%arg0: i32, %arg1: memref<2x400x128xf32, #tpu.memory_space<vmem>>, %arg2: memref<2x400x16xf32, #tpu.memory_space<vmem>>, %arg3: memref<1x256xf32, #tpu.memory_space<vmem>>, %arg4: memref<256x256xf32, #tpu.memory_space<vmem>>, %arg5: memref<2x400x128xf32, #tpu.memory_space<vmem>>) attributes {dimension_semantics = [#tpu.dimension_semantics<arbitrary>], iteration_bounds = array<i64: 25>, scalar_prefetch = 0 : i64, scratch_operands = 0 : i64, tpu.core_type = #tpu.core_type<tc>, window_params = [{transform_indices = @transform_0, window_bounds = array<i64: 2, 400, 128>}, {transform_indices = @transform_1, window_bounds = array<i64: 2, 400, 16>}, {pipeline_mode = #tpu.pipeline_mode<synchronous>, transform_indices = @transform_2, window_bounds = array<i64: 1, 256>}, {pipeline_mode = #tpu.pipeline_mode<synchronous>, transform_indices = @transform_3, window_bounds = array<i64: 256, 256>}, {transform_indices = @transform_4, window_bounds = array<i64: 2, 400, 128>}]} {
    %get3A = arith.constant 0 : index
    %get3A_0 = arith.constant 0 : index
    %get3A_1 = arith.constant 0 : index
    %get3A_2 = vector.load %arg2[%get3A, %get3A_0, %get3A_1] : memref<2x400x16xf32, #tpu.memory_space<vmem>>, vector<2x400x16xf32>
    %slice3A = vector.extract_strided_slice %get3A_2 {offsets = [0, 0, 0], sizes = [1, 400, 1], strides = [1, 1, 1]} : vector<2x400x16xf32> to vector<1x400x1xf32>
    %squeeze3A = vector.shape_cast %slice3A : vector<1x400x1xf32> to vector<400xf32>
    %slice3A_3 = vector.extract_strided_slice %get3A_2 {offsets = [1, 0, 0], sizes = [1, 400, 1], strides = [1, 1, 1]} : vector<2x400x16xf32> to vector<1x400x1xf32>
    %squeeze3A_4 = vector.shape_cast %slice3A_3 : vector<1x400x1xf32> to vector<400xf32>
    %add3A = arith.addf %squeeze3A, %squeeze3A_4 : vector<400xf32>
    %add3A_5 = arith.constant 1.000000e+00 : f32
    %add3A_6 = vector.broadcast %add3A_5 : f32 to vector<400xf32>
    %add3A_7 = arith.addf %add3A, %add3A_6 : vector<400xf32>
    %rsqrt3A = math.rsqrt %add3A_7 : vector<400xf32>
    %broadcast_in_dim3A = vector.shape_cast %rsqrt3A : vector<400xf32> to vector<400x1xf32>
    %get3A_8 = arith.constant 0 : index
    %get3A_9 = arith.constant 0 : index
    %get3A_10 = arith.constant 0 : index
    %get3A_11 = vector.load %arg1[%get3A_8, %get3A_9, %get3A_10] : memref<2x400x128xf32, #tpu.memory_space<vmem>>, vector<1x400x128xf32>
    %get3A_12 = vector.shape_cast %get3A_11 : vector<1x400x128xf32> to vector<400x128xf32>
    %get3A_13 = arith.constant 1 : index
    %get3A_14 = arith.constant 0 : index
    %get3A_15 = arith.constant 0 : index
    %get3A_16 = vector.load %arg1[%get3A_13, %get3A_14, %get3A_15] : memref<2x400x128xf32, #tpu.memory_space<vmem>>, vector<1x400x128xf32>
    %get3A_17 = vector.shape_cast %get3A_16 : vector<1x400x128xf32> to vector<400x128xf32>
    %concatenate3A = tpu.concatenate %get3A_12, %get3A_17 in 1 : vector<400x128xf32>, vector<400x128xf32> -> vector<400x256xf32>
    %mul3A = vector.broadcast %broadcast_in_dim3A : vector<400x1xf32> to vector<400x256xf32>
    %mul3A_18 = arith.mulf %concatenate3A, %mul3A : vector<400x256xf32>
    %get3A_19 = arith.constant 0 : index
    %get3A_20 = arith.constant 0 : index
    %get3A_21 = vector.load %arg3[%get3A_19, %get3A_20] : memref<1x256xf32, #tpu.memory_space<vmem>>, vector<1x256xf32>
    %add3A_22 = vector.broadcast %get3A_21 : vector<1x256xf32> to vector<400x256xf32>
    %add3A_23 = arith.addf %mul3A_18, %add3A_22 : vector<400x256xf32>
    %max3A = arith.constant 0.000000e+00 : f32
    %max3A_24 = vector.broadcast %max3A : f32 to vector<400x256xf32>
    %max3A_25 = arith.maximumf %add3A_23, %max3A_24 : vector<400x256xf32>
    %get3A_26 = arith.constant 0 : index
    %get3A_27 = arith.constant 0 : index
    %get3A_28 = vector.load %arg4[%get3A_26, %get3A_27] : memref<256x256xf32, #tpu.memory_space<vmem>>, vector<256x256xf32>
    %dot_general3A = arith.constant dense<0.000000e+00> : vector<400x256xf32>
    %dot_general3A_29 = tpu.matmul %max3A_25, %get3A_28, %dot_general3A {dimension_numbers = #tpu.dot_dimension_numbers<[1], [0], [0], [1], [0, 0, 1, 1], [], []>, transpose_lhs_hint = false} : vector<400x256xf32>, vector<256x256xf32>, vector<400x256xf32> -> vector<400x256xf32>
    %mul3A_30 = vector.broadcast %broadcast_in_dim3A : vector<400x1xf32> to vector<400x256xf32>
    %mul3A_31 = arith.mulf %dot_general3A_29, %mul3A_30 : vector<400x256xf32>
    %slice3A_32 = vector.extract_strided_slice %mul3A_31 {offsets = [0, 0], sizes = [400, 128], strides = [1, 1]} : vector<400x256xf32> to vector<400x128xf32>
    %swap3A = arith.constant 0 : index
    %swap3A_33 = arith.constant 0 : index
    %swap3A_34 = arith.constant 0 : index
    %swap3A_35 = vector.load %arg5[%swap3A, %swap3A_33, %swap3A_34] : memref<2x400x128xf32, #tpu.memory_space<vmem>>, vector<1x400x128xf32>
    %swap3A_36 = vector.shape_cast %swap3A_35 : vector<1x400x128xf32> to vector<400x128xf32>
    %swap3A_37 = vector.shape_cast %slice3A_32 : vector<400x128xf32> to vector<1x400x128xf32>
    tpu.vector_store %arg5[%swap3A, %swap3A_33, %swap3A_34], %swap3A_37 {strides = array<i32>} : memref<2x400x128xf32, #tpu.memory_space<vmem>>, vector<1x400x128xf32>,
    %slice3A_38 = vector.extract_strided_slice %mul3A_31 {offsets = [0, 128], sizes = [400, 128], strides = [1, 1]} : vector<400x256xf32> to vector<400x128xf32>
    %swap3A_39 = arith.constant 1 : index
    %swap3A_40 = arith.constant 0 : index
    %swap3A_41 = arith.constant 0 : index
    %swap3A_42 = vector.load %arg5[%swap3A_39, %swap3A_40, %swap3A_41] : memref<2x400x128xf32, #tpu.memory_space<vmem>>, vector<1x400x128xf32>
    %swap3A_43 = vector.shape_cast %swap3A_42 : vector<1x400x128xf32> to vector<400x128xf32>
    %swap3A_44 = vector.shape_cast %slice3A_38 : vector<400x128xf32> to vector<1x400x128xf32>
    tpu.vector_store %arg5[%swap3A_39, %swap3A_40, %swap3A_41], %swap3A_44 {strides = array<i32>} : memref<2x400x128xf32, #tpu.memory_space<vmem>>, vector<1x400x128xf32>,
    return
  }
  func.func @transform_0(%arg0: i32) -> (i32, i32, i32) {
    %c0_i32 = arith.constant 0 : i32
    %c0_i32_0 = arith.constant 0 : i32
    %c0_i32_1 = arith.constant 0 : i32
    return %c0_i32, %arg0, %c0_i32_0 : i32, i32, i32
  }
  func.func @transform_1(%arg0: i32) -> (i32, i32, i32) {
    %c0_i32 = arith.constant 0 : i32
    %c0_i32_0 = arith.constant 0 : i32
    %c0_i32_1 = arith.constant 0 : i32
    return %c0_i32, %arg0, %c0_i32_0 : i32, i32, i32
  }
  func.func @transform_2(%arg0: i32) -> (i32, i32) {
    %c0_i32 = arith.constant 0 : i32
    %c0_i32_0 = arith.constant 0 : i32
    %c0_i32_1 = arith.constant 0 : i32
    return %c0_i32, %c0_i32_0 : i32, i32
  }
  func.func @transform_3(%arg0: i32) -> (i32, i32) {
    %c0_i32 = arith.constant 0 : i32
    %c0_i32_0 = arith.constant 0 : i32
    %c0_i32_1 = arith.constant 0 : i32
    return %c0_i32, %c0_i32_0 : i32, i32
  }
  func.func @transform_4(%arg0: i32) -> (i32, i32, i32) {
    %c0_i32 = arith.constant 0 : i32
    %c0_i32_0 = arith.constant 0 : i32
    %c0_i32_1 = arith.constant 0 : i32
    return %c0_i32, %arg0, %c0_i32_0 : i32, i32, i32
  }
}

module attributes {stable_mosaic.version = 14 : i64} {
  func.func @_tc_final_body(%arg0: i32, %arg1: memref<2x400x128xf32, #tpu.memory_space<vmem>>, %arg2: memref<2x400x16xf32, #tpu.memory_space<vmem>>, %arg3: memref<1x256xf32, #tpu.memory_space<vmem>>, %arg4: memref<1x1x400xi32, #tpu.memory_space<vmem>>, %arg5: memref<256x128xf32, #tpu.memory_space<vmem>>, %arg6: memref<1x128xf32, #tpu.memory_space<vmem>>, %arg7: memref<64x128xf32, #tpu.memory_space<vmem>>, %arg8: memref<64x256xf32, #tpu.memory_space<vmem>>, %arg9: memref<64x128xf32, #tpu.memory_space<vmem>>) attributes {dimension_semantics = [#tpu.dimension_semantics<arbitrary>], iteration_bounds = array<i64: 25>, scalar_prefetch = 0 : i64, scratch_operands = 2 : i64, tpu.core_type = #tpu.core_type<tc>, window_params = [{transform_indices = @transform_0, window_bounds = array<i64: 2, 400, 128>}, {transform_indices = @transform_1, window_bounds = array<i64: 2, 400, 16>}, {pipeline_mode = #tpu.pipeline_mode<synchronous>, transform_indices = @transform_2, window_bounds = array<i64: 1, 256>}, {transform_indices = @transform_3, window_bounds = array<i64: 1, 1, 400>}, {pipeline_mode = #tpu.pipeline_mode<synchronous>, transform_indices = @transform_4, window_bounds = array<i64: 256, 128>}, {pipeline_mode = #tpu.pipeline_mode<synchronous>, transform_indices = @transform_5, window_bounds = array<i64: 1, 128>}, {pipeline_mode = #tpu.pipeline_mode<synchronous>, transform_indices = @transform_6, window_bounds = array<i64: 64, 128>}]} {
    %get3A = arith.constant 0 : index
    %get3A_0 = arith.constant 0 : index
    %get3A_1 = arith.constant 0 : index
    %get3A_2 = vector.load %arg2[%get3A, %get3A_0, %get3A_1] : memref<2x400x16xf32, #tpu.memory_space<vmem>>, vector<2x400x16xf32>
    %slice3A = vector.extract_strided_slice %get3A_2 {offsets = [0, 0, 0], sizes = [1, 400, 1], strides = [1, 1, 1]} : vector<2x400x16xf32> to vector<1x400x1xf32>
    %squeeze3A = vector.shape_cast %slice3A : vector<1x400x1xf32> to vector<400xf32>
    %slice3A_3 = vector.extract_strided_slice %get3A_2 {offsets = [1, 0, 0], sizes = [1, 400, 1], strides = [1, 1, 1]} : vector<2x400x16xf32> to vector<1x400x1xf32>
    %squeeze3A_4 = vector.shape_cast %slice3A_3 : vector<1x400x1xf32> to vector<400xf32>
    %add3A = arith.addf %squeeze3A, %squeeze3A_4 : vector<400xf32>
    %add3A_5 = arith.constant 1.000000e+00 : f32
    %add3A_6 = vector.broadcast %add3A_5 : f32 to vector<400xf32>
    %add3A_7 = arith.addf %add3A, %add3A_6 : vector<400xf32>
    %rsqrt3A = math.rsqrt %add3A_7 : vector<400xf32>
    %broadcast_in_dim3A = vector.shape_cast %rsqrt3A : vector<400xf32> to vector<400x1xf32>
    %get3A_8 = arith.constant 0 : index
    %get3A_9 = arith.constant 0 : index
    %get3A_10 = arith.constant 0 : index
    %get3A_11 = vector.load %arg1[%get3A_8, %get3A_9, %get3A_10] : memref<2x400x128xf32, #tpu.memory_space<vmem>>, vector<1x400x128xf32>
    %get3A_12 = vector.shape_cast %get3A_11 : vector<1x400x128xf32> to vector<400x128xf32>
    %get3A_13 = arith.constant 1 : index
    %get3A_14 = arith.constant 0 : index
    %get3A_15 = arith.constant 0 : index
    %get3A_16 = vector.load %arg1[%get3A_13, %get3A_14, %get3A_15] : memref<2x400x128xf32, #tpu.memory_space<vmem>>, vector<1x400x128xf32>
    %get3A_17 = vector.shape_cast %get3A_16 : vector<1x400x128xf32> to vector<400x128xf32>
    %concatenate3A = tpu.concatenate %get3A_12, %get3A_17 in 1 : vector<400x128xf32>, vector<400x128xf32> -> vector<400x256xf32>
    %mul3A = vector.broadcast %broadcast_in_dim3A : vector<400x1xf32> to vector<400x256xf32>
    %mul3A_18 = arith.mulf %concatenate3A, %mul3A : vector<400x256xf32>
    %get3A_19 = arith.constant 0 : index
    %get3A_20 = arith.constant 0 : index
    %get3A_21 = vector.load %arg3[%get3A_19, %get3A_20] : memref<1x256xf32, #tpu.memory_space<vmem>>, vector<1x256xf32>
    %add3A_22 = vector.broadcast %get3A_21 : vector<1x256xf32> to vector<400x256xf32>
    %add3A_23 = arith.addf %mul3A_18, %add3A_22 : vector<400x256xf32>
    %max3A = arith.constant 0.000000e+00 : f32
    %max3A_24 = vector.broadcast %max3A : f32 to vector<400x256xf32>
    %max3A_25 = arith.maximumf %add3A_23, %max3A_24 : vector<400x256xf32>
    %get3A_26 = arith.constant 0 : index
    %get3A_27 = arith.constant 0 : index
    %get3A_28 = arith.constant 0 : index
    %get3A_29 = vector.load %arg4[%get3A_26, %get3A_27, %get3A_28] : memref<1x1x400xi32, #tpu.memory_space<vmem>>, vector<1x1x400xi32>
    %get3A_30 = vector.shape_cast %get3A_29 : vector<1x1x400xi32> to vector<400xi32>
    %iota3A = tpu.iota {dimensions = array<i32: 0>} : vector<64x400xi32>
    %broadcast_in_dim3A_31 = vector.shape_cast %get3A_30 : vector<400xi32> to vector<1x400xi32>
    %eq3A = vector.broadcast %broadcast_in_dim3A_31 : vector<1x400xi32> to vector<64x400xi32>
    %eq3A_32 = arith.cmpi eq, %iota3A, %eq3A : vector<64x400xi32>
    %convert_element_type3A = arith.extui %eq3A_32 : vector<64x400xi1> to vector<64x400xi32>
    %convert_element_type3A_33 = arith.sitofp %convert_element_type3A : vector<64x400xi32> to vector<64x400xf32>
    %eq3A_34 = arith.constant 0 : i32
    %eq3A_35 = arith.cmpi eq, %arg0, %eq3A_34 : i32
    %convert_element_type3A_36 = arith.extui %eq3A_35 : i1 to i32
    %cond3A = arith.constant 0 : i32
    %cond3A_37 = arith.cmpi ne, %convert_element_type3A_36, %cond3A : i32
    scf.if %cond3A_37 {
      %broadcast_in_dim3A_61 = arith.constant 0.000000e+00 : f32
      %broadcast_in_dim3A_62 = vector.broadcast %broadcast_in_dim3A_61 : f32 to vector<64x256xf32>
      %swap3A_63 = arith.constant 0 : index
      %swap3A_64 = arith.constant 0 : index
      %swap3A_65 = vector.load %arg8[%swap3A_63, %swap3A_64] : memref<64x256xf32, #tpu.memory_space<vmem>>, vector<64x256xf32>
      tpu.vector_store %arg8[%swap3A_63, %swap3A_64], %broadcast_in_dim3A_62 {strides = array<i32>} : memref<64x256xf32, #tpu.memory_space<vmem>>, vector<64x256xf32>,
      %broadcast_in_dim3A_66 = arith.constant 0.000000e+00 : f32
      %broadcast_in_dim3A_67 = vector.broadcast %broadcast_in_dim3A_66 : f32 to vector<64x128xf32>
      %swap3A_68 = arith.constant 0 : index
      %swap3A_69 = arith.constant 0 : index
      %swap3A_70 = vector.load %arg9[%swap3A_68, %swap3A_69] : memref<64x128xf32, #tpu.memory_space<vmem>>, vector<64x128xf32>
      tpu.vector_store %arg9[%swap3A_68, %swap3A_69], %broadcast_in_dim3A_67 {strides = array<i32>} : memref<64x128xf32, #tpu.memory_space<vmem>>, vector<64x128xf32>,
    } else {
    }
    %get3A_38 = arith.constant 0 : index
    %get3A_39 = arith.constant 0 : index
    %get3A_40 = vector.load %arg8[%get3A_38, %get3A_39] : memref<64x256xf32, #tpu.memory_space<vmem>>, vector<64x256xf32>
    %dot_general3A = arith.constant dense<0.000000e+00> : vector<64x256xf32>
    %dot_general3A_41 = tpu.matmul %convert_element_type3A_33, %max3A_25, %dot_general3A {dimension_numbers = #tpu.dot_dimension_numbers<[1], [0], [0], [1], [0, 0, 1, 1], [], []>, transpose_lhs_hint = false} : vector<64x400xf32>, vector<400x256xf32>, vector<64x256xf32> -> vector<64x256xf32>
    %add3A_42 = arith.addf %get3A_40, %dot_general3A_41 : vector<64x256xf32>
    %swap3A = arith.constant 0 : index
    %swap3A_43 = arith.constant 0 : index
    %swap3A_44 = vector.load %arg8[%swap3A, %swap3A_43] : memref<64x256xf32, #tpu.memory_space<vmem>>, vector<64x256xf32>
    tpu.vector_store %arg8[%swap3A, %swap3A_43], %add3A_42 {strides = array<i32>} : memref<64x256xf32, #tpu.memory_space<vmem>>, vector<64x256xf32>,
    %get3A_45 = arith.constant 0 : index
    %get3A_46 = arith.constant 0 : index
    %get3A_47 = vector.load %arg9[%get3A_45, %get3A_46] : memref<64x128xf32, #tpu.memory_space<vmem>>, vector<64x128xf32>
    %reduce_sum3A = arith.constant dense<0.000000e+00> : vector<64xf32>
    %reduce_sum3A_48 = vector.multi_reduction <add>, %convert_element_type3A_33, %reduce_sum3A [1] : vector<64x400xf32> to vector<64xf32>
    %broadcast_in_dim3A_49 = vector.shape_cast %reduce_sum3A_48 : vector<64xf32> to vector<64x1xf32>
    %broadcast_in_dim3A_50 = vector.shape_cast %broadcast_in_dim3A_49 : vector<64x1xf32> to vector<64x1xf32>
    %broadcast_in_dim3A_51 = vector.broadcast %broadcast_in_dim3A_50 : vector<64x1xf32> to vector<64x128xf32>
    %add3A_52 = arith.addf %get3A_47, %broadcast_in_dim3A_51 : vector<64x128xf32>
    %swap3A_53 = arith.constant 0 : index
    %swap3A_54 = arith.constant 0 : index
    %swap3A_55 = vector.load %arg9[%swap3A_53, %swap3A_54] : memref<64x128xf32, #tpu.memory_space<vmem>>, vector<64x128xf32>
    tpu.vector_store %arg9[%swap3A_53, %swap3A_54], %add3A_52 {strides = array<i32>} : memref<64x128xf32, #tpu.memory_space<vmem>>, vector<64x128xf32>,
    %eq3A_56 = arith.constant 24 : i32
    %eq3A_57 = arith.cmpi eq, %arg0, %eq3A_56 : i32
    %convert_element_type3A_58 = arith.extui %eq3A_57 : i1 to i32
    %cond3A_59 = arith.constant 0 : i32
    %cond3A_60 = arith.cmpi ne, %convert_element_type3A_58, %cond3A_59 : i32
    scf.if %cond3A_60 {
      %get3A_61 = arith.constant 0 : index
      %get3A_62 = arith.constant 0 : index
      %get3A_63 = vector.load %arg9[%get3A_61, %get3A_62] : memref<64x128xf32, #tpu.memory_space<vmem>>, vector<64x128xf32>
      %slice3A_64 = vector.extract_strided_slice %get3A_63 {offsets = [0, 0], sizes = [64, 1], strides = [1, 1]} : vector<64x128xf32> to vector<64x1xf32>
      %get3A_65 = arith.constant 0 : index
      %get3A_66 = arith.constant 0 : index
      %get3A_67 = vector.load %arg8[%get3A_65, %get3A_66] : memref<64x256xf32, #tpu.memory_space<vmem>>, vector<64x256xf32>
      %max3A_68 = arith.constant 1.000000e+00 : f32
      %max3A_69 = vector.broadcast %max3A_68 : f32 to vector<64x1xf32>
      %max3A_70 = arith.maximumf %slice3A_64, %max3A_69 : vector<64x1xf32>
      %div3A = vector.broadcast %max3A_70 : vector<64x1xf32> to vector<64x256xf32>
      %div3A_71 = arith.divf %get3A_67, %div3A : vector<64x256xf32>
      %get3A_72 = arith.constant 0 : index
      %get3A_73 = arith.constant 0 : index
      %get3A_74 = vector.load %arg5[%get3A_72, %get3A_73] : memref<256x128xf32, #tpu.memory_space<vmem>>, vector<256x128xf32>
      %dot_general3A_75 = arith.constant dense<0.000000e+00> : vector<64x128xf32>
      %dot_general3A_76 = tpu.matmul %div3A_71, %get3A_74, %dot_general3A_75 {dimension_numbers = #tpu.dot_dimension_numbers<[1], [0], [0], [1], [0, 0, 1, 1], [], []>, transpose_lhs_hint = false} : vector<64x256xf32>, vector<256x128xf32>, vector<64x128xf32> -> vector<64x128xf32>
      %get3A_77 = arith.constant 0 : index
      %get3A_78 = arith.constant 0 : index
      %get3A_79 = vector.load %arg6[%get3A_77, %get3A_78] : memref<1x128xf32, #tpu.memory_space<vmem>>, vector<1x128xf32>
      %add3A_80 = vector.broadcast %get3A_79 : vector<1x128xf32> to vector<64x128xf32>
      %add3A_81 = arith.addf %dot_general3A_76, %add3A_80 : vector<64x128xf32>
      %swap3A_82 = arith.constant 0 : index
      %swap3A_83 = arith.constant 0 : index
      %swap3A_84 = vector.load %arg7[%swap3A_82, %swap3A_83] : memref<64x128xf32, #tpu.memory_space<vmem>>, vector<64x128xf32>
      tpu.vector_store %arg7[%swap3A_82, %swap3A_83], %add3A_81 {strides = array<i32>} : memref<64x128xf32, #tpu.memory_space<vmem>>, vector<64x128xf32>,
    } else {
    }
    return
  }
  func.func @transform_0(%arg0: i32) -> (i32, i32, i32) {
    %c0_i32 = arith.constant 0 : i32
    %c0_i32_0 = arith.constant 0 : i32
    %c0_i32_1 = arith.constant 0 : i32
    return %c0_i32, %arg0, %c0_i32_0 : i32, i32, i32
  }
  func.func @transform_1(%arg0: i32) -> (i32, i32, i32) {
    %c0_i32 = arith.constant 0 : i32
    %c0_i32_0 = arith.constant 0 : i32
    %c0_i32_1 = arith.constant 0 : i32
    return %c0_i32, %arg0, %c0_i32_0 : i32, i32, i32
  }
  func.func @transform_2(%arg0: i32) -> (i32, i32) {
    %c0_i32 = arith.constant 0 : i32
    %c0_i32_0 = arith.constant 0 : i32
    %c0_i32_1 = arith.constant 0 : i32
    return %c0_i32, %c0_i32_0 : i32, i32
  }
  func.func @transform_3(%arg0: i32) -> (i32, i32, i32) {
    %c0_i32 = arith.constant 0 : i32
    %c0_i32_0 = arith.constant 0 : i32
    %c0_i32_1 = arith.constant 0 : i32
    return %arg0, %c0_i32, %c0_i32_0 : i32, i32, i32
  }
  func.func @transform_4(%arg0: i32) -> (i32, i32) {
    %c0_i32 = arith.constant 0 : i32
    %c0_i32_0 = arith.constant 0 : i32
    %c0_i32_1 = arith.constant 0 : i32
    return %c0_i32, %c0_i32_0 : i32, i32
  }
  func.func @transform_5(%arg0: i32) -> (i32, i32) {
    %c0_i32 = arith.constant 0 : i32
    %c0_i32_0 = arith.constant 0 : i32
    %c0_i32_1 = arith.constant 0 : i32
    return %c0_i32, %c0_i32_0 : i32, i32
  }
  func.func @transform_6(%arg0: i32) -> (i32, i32) {
    %c0_i32 = arith.constant 0 : i32
    %c0_i32_0 = arith.constant 0 : i32
    %c0_i32_1 = arith.constant 0 : i32
    return %c0_i32, %c0_i32_0 : i32, i32
  }
}

</mosaic_0001>

<sc_bundles>
// kernel: kernel.11.cloned.1.call-start
scs
__scs_entry_jumppad:
0x0: {  	(pc) =	sbr.rel $0x88, $3  }
0x1: {  	(tag) =	ssettag $0x0;
	lr =	simm.s32 $0x1  }
0x2: {  	[smem:$0x3F98] =	sst lr;
	_ =	strace $0xD0000000  }
0x3: {  	_ = 	snop  }
0x4: {  	_ = 	snop  }
0x5: {  	_ = 	snop  }
0x6: {  	_ = 	snop  }
0x7: {  	_ = 	snop  }
__scs_overlays_trampoline_lowered:
0x8: {  	[smem:$0x3FA7] =	sst s0  }
0x9: {  	[smem:$0x3FA8] =	sst s1  }
0xa: {  	[smem:$0x3FA9] =	sst s2  }
0xb: {  	[smem:$0x3FAA] =	sst s3  }
0xc: {  	[smem:$0x3FAB] =	sst s4  }
0xd: {  	[smem:$0x3FAC] =	sst s5  }
0xe: {  	[smem:$0x3FAD] =	sst s6  }
0xf: {  	[smem:$0x3FAE] =	sst s7  }
0x10: {  	[smem:$0x3FAF] =	sst s8  }
0x11: {  	[smem:$0x3FB0] =	sst s9;
	s0 =	simm.s32 @!p0 $0x0  }
0x12: {  	s1 =	sld [smem:$0x3F96];
	s0 =	simm.s32 @p0 $0x1  }
0x13: {  	[smem:$0x3FB1] =	sst s0;
	s0 =	simm.s32 @!p1 $0x0  }
0x14: {  	s2 =	sld [smem:$0x3F95];
	s0 =	simm.s32 @p1 $0x1  }
0x15: {  	[smem:$0x3FB2] =	sst s0;
	s0 =	simm.s32 @!p2 $0x0  }
0x16: {  	s3 =	sld [smem:$0x3FDB];
	s0 =	simm.s32 @p2 $0x1  }
0x17: {  	s4 =	simm.s32 $0x1BF5;
	[smem:$0x3FB4] =	sst s0  }
0x18: {  	s0 =	sld [smem:$0x3F97];
	_ =	swait.ge [sflag:s4], $0x0  }
0x19: {  	s7 =	sld [smem:$0x3F98]  }
0x1a: {  	s8 =	sadd.s32 $0xFFFFE003, lr  }
0x1b: {  	s9 =	sadd.s32 $0xFFFFFEF7, lr;
	s5 =	simm.s32 $0xFFFFFFFF;
	p2 =	slt.u32 s8, $0xFFFFF086  }
0x1c: {  	p1 =	slt.u32 s9, $0xF7A;
	s5 =	simm.s32 @!p2 $0x0  }
0x1d: {  	s5 =	simm.s32 @p1 $0x1;
	p0 =	seq.s32 s7, s2  }
0x1e: {  	s7 =	smul.u32 @!p0 $0xF7A, s2;
	p2 =	seq.s32 @!p0 s5, $0x0  }
0x1f: {  	s9 =	smul.u32 $0xF7A, s1;
	s8 =	simm.s32 @!p0 $0x1BF5;
	p2 =	por !p2, p0  }
0x20: {  	[sflag:s8] =	ssyncset.s32 @!p0 $0xFFFFF086;
	s6 =	sadd.s32 @!p0 s3, s7;
	s7 =	simm.s32 @!p0 $0x108  }
0x21: {  	s3 =	sadd.s32 s3, s9;
	s6 =	sadd.s32 @!p0 $0x88, s6;
	s7 =	simm.s32 @p2 $0x1082  }
0x22: {  	[simem:s7], [sflag:s8] =	dma.local @!p0 [hbm:s6], $0xF7A  }
0x23: {  	s9 =	sor.u32 $0xD0000000, s2;
	s6 =	simm.s32 $0x108;
	_ =	swait.ge @!p0 [sflag:s8], $0x0  }
0x24: {  	s3 =	sadd.s32 $0x88, s3;
	s6 =	simm.s32 @!p1 $0x1082;
	[sflag:s4] =	ssyncset.s32 $0xFFFFF086  }
0x25: {  	[simem:s6], [sflag:s4] =	dma.local [hbm:s3], $0xF7A  }
0x26: {  	[smem:$0x3F98] =	sst s1;
	(tag) =	ssettag s2;
	_ =	strace s9  }
0x27: {  	s1 =	sld [smem:$0x3FA8]  }
0x28: {  	s2 =	sld [smem:$0x3FA9]  }
0x29: {  	s4 =	sld [smem:$0x3FAB]  }
0x2a: {  	p0 =	seq.s32 s5, $0x0;
	s5 =	sld [smem:$0x3FAC]  }
0x2b: {  	s6 =	sld [smem:$0x3FAD]  }
0x2c: {  	s7 =	sld [smem:$0x3FAE]  }
0x2d: {  	s3 =	simm.s32 $0x108;
	s8 =	sld [smem:$0x3FAF]  }
0x2e: {  	s3 =	simm.s32 @!p0 $0x1082;
	s9 =	sld [smem:$0x3FB0]  }
0x2f: {  	lr =	sadd.s32 s0, s3;
	s0 =	sld [smem:$0x3FA7]  }
0x30: {  	s3 =	sld [smem:$0x3FAA]  }
0x31: {  	[smem:$0x3FB3] =	sst s10  }
0x32: {  	s10 =	sld [smem:$0x3FB1];
	_ =	sdelay $0x3  }
0x33: {  	p0 =	seq.s32 s10, $0x1;
	s10 =	sld [smem:$0x3FB3];
	_ =	sdelay $0x3  }
0x34: {  	[smem:$0x3FB3] =	sst s10  }
0x35: {  	s10 =	sld [smem:$0x3FB2];
	_ =	sdelay $0x3  }
0x36: {  	p1 =	seq.s32 s10, $0x1;
	s10 =	sld [smem:$0x3FB3];
	_ =	sdelay $0x3  }
0x37: {  	[smem:$0x3FB3] =	sst s10  }
0x38: {  	s10 =	sld [smem:$0x3FB4]  }
0x39: {  	_ = 	snop;
	(pc) =	sbr.ind lr, $3  }
0x3a: {  	_ = 	snop  }
0x3b: {  	_ = 	snop  }
0x3c: {  	p2 =	seq.s32 s10, $0x1;
	s10 =	sld [smem:$0x3FB3]  }
0x3d: {  	_ =	shalt  }
0x3e: {  	_ =	shalt  }
0x3f: {  	_ =	shalt  }
0x40: {  	_ =	shalt  }
0x41: {  	_ =	shalt  }
0x42: {  	_ =	shalt  }
0x43: {  	_ =	shalt  }
0x44: {  	_ =	shalt  }
0x45: {  	_ =	shalt  }
0x46: {  	_ =	shalt  }
0x47: {  	_ =	shalt  }
0x48: {  	_ =	shalt  }
0x49: {  	_ =	shalt  }
0x4a: {  	_ =	shalt  }
0x4b: {  	_ =	shalt  }
0x4c: {  	_ =	shalt  }
0x4d: {  	_ =	shalt  }
0x4e: {  	_ =	shalt  }
0x4f: {  	_ =	shalt  }
0x50: {  	_ =	shalt  }
0x51: {  	_ =	shalt  }
0x52: {  	_ =	shalt  }
0x53: {  	_ =	shalt  }
0x54: {  	_ =	shalt  }
0x55: {  	_ =	shalt  }
0x56: {  	_ =	shalt  }
0x57: {  	_ =	shalt  }
0x58: {  	_ =	shalt  }
0x59: {  	_ =	shalt  }
0x5a: {  	_ =	shalt  }
0x5b: {  	_ =	shalt  }
0x5c: {  	_ =	shalt  }
0x5d: {  	_ =	shalt  }
0x5e: {  	_ =	shalt  }
0x5f: {  	_ =	shalt  }
0x60: {  	_ =	shalt  }
0x61: {  	_ =	shalt  }
0x62: {  	_ =	shalt  }
0x63: {  	_ =	shalt  }
0x64: {  	_ =	shalt  }
0x65: {  	_ =	shalt  }
0x66: {  	_ =	shalt  }
0x67: {  	_ =	shalt  }
0x68: {  	_ =	shalt  }
0x69: {  	_ =	shalt  }
0x6a: {  	_ =	shalt  }
0x6b: {  	_ =	shalt  }
0x6c: {  	_ =	shalt  }
0x6d: {  	_ =	shalt  }
0x6e: {  	_ =	shalt  }
0x6f: {  	_ =	shalt  }
0x70: {  	_ =	shalt  }
0x71: {  	_ =	shalt  }
0x72: {  	_ =	shalt  }
0x73: {  	_ =	shalt  }
0x74: {  	_ =	shalt  }
0x75: {  	_ =	shalt  }
0x76: {  	_ =	shalt  }
0x77: {  	_ =	shalt  }
0x78: {  	_ =	shalt  }
0x79: {  	_ =	shalt  }
0x7a: {  	_ =	shalt  }
0x7b: {  	_ =	shalt  }
0x7c: {  	_ =	shalt  }
0x7d: {  	_ =	shalt  }
0x7e: {  	_ =	shalt  }
0x7f: {  	_ =	shalt  }
0x80: {  	_ =	shalt  }
0x81: {  	_ =	shalt  }
0x82: {  	_ =	shalt  }
0x83: {  	_ =	shalt  }
0x84: {  	_ =	shalt  }
0x85: {  	_ =	shalt  }
0x86: {  	_ =	shalt  }
0x87: {  	_ =	shalt  }
.Lfunc_end0:
.L_simem_size_0:
called_computation.1_lowered:
.L_overlay_start_0:
0x88: {  	s2 =	sld [smem:$0x3FD9]  }
0x89: {  	s3 =	sld [smem:$0x3FFE];
	_ =	sdelay $0x1  }
0x8a: {  	s1 =	srdreg.scid  }
0x8b: {  	s0 =	sand.u32 $0x1, s1  }
0x8c: {  	s16 =	sshll.u32 s0, $0xA;
	s2 =	sadd.s32 s3, s2  }
0x8d: {  	s2 =	sadd.s32 s2, s16  }
0x8e: {  	[smem:$0x3FBF] =	sst s2  }
0x8f: {  	_ = 	snop  }
0x90: {  	(tm) =	ssettm $0x1  }
0x91: {  	s17 =	sld [smem:$0x3FFB];
	_ =	sdelay $0x3  }
0x92: {  	_ =	strace s17  }
0x93: {  	s2 =	sld [smem:$0x3FFC];
	_ =	sdelay $0x3  }
0x94: {  	_ =	strace s2  }
0x95: {  	s2 =	sld [smem:$0x3FFD];
	_ =	sdelay $0x3  }
0x96: {  	_ =	strace s2  }
0x97: {  	_ =	strace $0x8FFFFFFF  }
0x98: {  	s18 =	sld [smem:$0x3FDB];
	_ =	sdelay $0x1  }
0x99: {  	s19 =	simm.s32 $_scs_section_size  }
0x9a: {  	s4 =	simm.s32 $_size__tile_overlayer_lowered;
	s5 =	simm.s32 $_tile_overlayer_lowered  }
0x9b: {  	s22 =	simm.s32 $0x1BFF;
	s21 =	sshll.u32 s5, $0x1;
	s2 =	sadd.s32 s19, s18  }
0x9c: {  	s6 =	simm.s32 $0x0;
	s20 =	sshll.u32 s4, $0x1;
	s4 =	sadd.s32 s21, s2  }
0x9d: {  	[timem:s6], [sflag:s22] =	dma.local [hbm:s4], s20  }
0x9e: {  	_ =	swait.ge [sflag:s22], s20  }
0x9f: {  	s3 =	ssub.s32 $0x0, s20;
	[sflag:s22] =	ssyncset.done $0x0  }
0xa0: {  	[sflag:s22] =	ssyncadd.s32 s3;
	_ =	sdelay $0x1  }
0xa1: {  	s23 =	simm.s32 $0x1B8B  }
0xa2: {  	_ =	swait.ge [sflag:s23], $0x1  }
0xa3: {  	[sflag:s23] =	ssyncset.done $0x0  }
0xa4: {  	s25 =	simm.s32 $0x1B8E;
	s24 =	sld [smem:$0x3FFE];
	[sflag:s23] =	ssyncadd.s32 $0xFFFFFFFF  }
0xa5: {  	s26 =	simm.s32 $execute0_lowered;
	[smem:$0x3FD2] =	sst s25  }
0xa6: {  	s4 =	sshll.u32 s26, $0x1;
	_ =	strace $0x80000049;
	[dreg:$0x1] =	wrdreg $0xFFFFFFFF  }
0xa7: {  	s28 =	simm.s32 $_size_execute0_lowered;
	s2 =	sadd.s32 s2, s4;
	[dreg:$0x0] =	wrdreg $0x0  }
0xa8: {  	s4 =	sshll.u32 s28, $0x1;
	[dreg:$0x2] =	wrdreg s2  }
0xa9: {  	[dreg:$0x3] =	wrdreg s4  }
0xaa: {  	[dreg:$0x4] =	wrdreg $0xC0  }
0xab: {  	_ =	task [dreg:s6], $0x5FFFF  }
0xac: {  	[dreg:$0x1] =	wrdreg $0xFFFFFFFF  }
0xad: {  	[dreg:$0x0] =	wrdreg $0x60  }
0xae: {  	[dreg:$0x2] =	wrdreg s24  }
0xaf: {  	[dreg:$0x3] =	wrdreg $0x0  }
0xb0: {  	[dreg:$0x4] =	wrdreg $0x9  }
0xb1: {  	_ =	task.clear_ibuf [dreg:s6], $0x5FFFF;
	_ =	strace $0x90000049  }
0xb2: {  	s29 =	simm.s32 $0x9;
	_ =	strace $0x8000004B  }
0xb3: {  	_ =	swait.ge [sflag:s29], $0x1  }
0xb4: {  	[sflag:s29] =	ssyncadd.s32 $0xFFFFFFFF  }
0xb5: {  	_ =	strace $0x9000004B  }
0xb6: {  	_ =	sfence  }
0xb7: {  	s30 =	sld [smem:$0x0];
	_ =	sdelay $0x2  }
0xb8: {  	s31 =	sshll.u32 s1, $0xD;
	s1 =	sshrl.u32 s1, $0x2  }
0xb9: {  	s3 =	sand.u32 $0x4000, s31;
	s1 =	sadd.s32 s1, s30  }
0xba: {  	s0 =	sor.u32 s3, s0;
	s1 =	sshll.u32 s1, $0x11  }
0xbb: {  	s0 =	sor.u32 s1, s0  }
0xbc: {  	s0 =	sadd.s32 $0x8F2B, s0  }
0xbd: {  	[sflag:s0] =	ssyncadd.remote.s32 $0x1  }
0xbe: {  	_ =	sfence.sel $0xFFFF  }
0xbf: {  	[dreg:$0x0] =	wrdreg $0xFFFFFFFF;
	(pc) =	sbr.abs _section_cstart, $3  }
0xc0: {  	[dreg:$0x1] =	wrdreg $0xFFFFFFFF  }
0xc1: {  	_ =	task.clear_ibuf [dreg:s6], $0x2FFFF;
	_ =	strace $0x9FFFFFFF  }
0xc2: {  	(tm) =	ssettm $0x7FFFFFFF  }
0xc3: {  	_ =	shalt  }
tec
execute0_lowered:
.L_overlay_start_1:
0x0: {  	(tag) =	ssettag $0x1  }
0x1: {  	s12 =	stileid.u32  }
0x2: {  	s0 =	rddreg [dreg:$0x0];
	s6 =	smul.u32 $0x14000, s12  }
0x3: {  	s1 =	rddreg [dreg:$0x1];
	s31 =	smul.u32 $0x50000, s12  }
0x4: {  	s2 =	srdreg.scid;
	s10 =	smul.u32 $0x280, s12  }
0x5: {  	s3 =	simm.s32 $0x0;
	s29 =	simm.s32 $0x1E480;
	s11 =	smul.u32 $0x4E20, s12  }
0x6: {  	s4 =	sand.u32 $0x1, s2;
	[smem:$0x7FF] =	sst s3;
	s26 =	smul.u32 $0x9C4, s12  }
0x7: {  	s7 =	sadd.s32 $0xCC00, s0;
	s8 =	sadd.s32 $0x2E00, s0;
	s5 =	smul.u32 $0x140000, s4  }
0x8: {  	_ =	strace $0x8000004A;
	s2 =	smul.u32 $0x2800, s4;
	s9 =	ssub.s32 $0x2, s4  }
0x9: {  	s4 =	sadd.s32 $0x66A00, s0;
	s13 =	sshrl.u32 s9, $0x1;
	s15 =	sshrl.u32 s11, $0x3  }
0xa: {  	s5 =	sadd.s32 s6, s5;
	s6 =	sshrl.u32 s31, $0x2;
	s10 =	sadd.s32 s10, s2  }
0xb: {  	s16 =	sadd.s32 s7, s15;
	s17 =	sadd.s32 s8, s15;
	s18 =	sadd.s32 $0xA, s15  }
0xc: {  	s20 =	sadd.s32 $0x14, s15;
	s22 =	sadd.s32 $0x1E, s15;
	s24 =	sadd.s32 $0x28, s15  }
0xd: {  	v0 =	vmov s2;
	s2 =	simm.s32 $0x0;
	s5 =	sshrl.u32 s5, $0x3;
	[dreg:$0x6] =	wrdreg s16  }
0xe: {  	s6 =	sadd.s32 s6, s1;
	s14 =	sshll.u32 s10, $0x4;
	[dreg:$0x7] =	wrdreg s17  }
0xf: {  	s19 =	sadd.s32 s7, s18;
	s21 =	sadd.s32 s7, s20;
	[dreg:$0x3] =	wrdreg s6  }
0x10: {  	s23 =	sadd.s32 s7, s22;
	s25 =	sadd.s32 s7, s24;
	[dreg:$0x8] =	wrdreg s19  }
0x11: {  	s10 =	simm.s32 $0x19000;
	s16 =	simm.s32 $0xB;
	[dreg:$0xa] =	wrdreg s21  }
0x12: {  	s0 =	sadd.s32 s5, s0;
	s5 =	ssub.s32 s9, s13;
	[dreg:$0xc] =	wrdreg s23  }
0x13: {  	s6 =	sadd.s32 s4, s14;
	s13 =	sshll.u32 s12, $0x6;
	[dreg:$0xe] =	wrdreg s25  }
0x14: {  	s9 =	sadd.s32 s8, s18;
	s21 =	sadd.s32 s26, s7;
	[dreg:$0x4] =	wrdreg s6  }
0x15: {  	s25 =	simm.s32 $0x1E000;
	s12 =	simm.s32 $0x2;
	[dreg:$0x9] =	wrdreg s9  }
0x16: {  	s14 =	simm.s32 $0x3;
	s9 =	sadd.s32 s8, s20;
	[dreg:$0x5] =	wrdreg s13  }
0x17: {  	s6 =	sadd.s32 $0x32, s15;
	s30 =	sor.u32 $0x1C01, s13;
	[dreg:$0xb] =	wrdreg s9  }
0x18: {  	s20 =	sadd.s32 s26, s8;
	s0 =	sadd.s32 $0xB6A00, s0;
	[dreg:$0x12] =	wrdreg s30  }
0x19: {  	s31 =	smax.u32 s5, $0x1;
	s26 =	simm.s32 $0x1E400;
	[dreg:$0x13] =	wrdreg s0  }
.Ltmp0:
0x1a: {  	s9 =	sadd.s32 s8, s22;
	[dreg:$0x14] =	wrdreg s31;
	(pc) =	sbr.rel .LBB2_1-.Ltmp0, $4  }
0x1b: {  	s5 =	simm.s32 $0x50;
	s28 =	sadd.s32 s7, s6;
	[dreg:$0xd] =	wrdreg s9  }
0x1c: {  	s13 =	simm.s32 $0xE;
	s6 =	sadd.s32 s8, s6;
	[dreg:$0x10] =	wrdreg s28  }
0x1d: {  	s15 =	simm.s32 $0x4;
	s9 =	sadd.s32 s8, s24;
	[dreg:$0x11] =	wrdreg s6  }
0x1e: {  	s6 =	simm.s32 $0x14000;
	s8 =	simm.s32 $0x16800;
	[dreg:$0xf] =	wrdreg s9  }
.LBB2_7:
0x1f: {  	[bflag:$0x0] =	sbarrier.arrive $0xFFFF  }
0x20: {  	s0 =	rddreg [dreg:$0x5]  }
0x21: {  	s2 =	rddreg [dreg:$0x13]  }
0x22: {  	s7 =	rddreg [dreg:$0x16];
	s0 =	sor.u32 $0x1C0E, s0  }
0x23: {  	[hbm:s2], [sflag:s0] =	dma.local [spmem:s7], $0x2800  }
0x24: {  	_ =	swait.ge [sflag:s13], $0x2800  }
0x25: {  	s30 =	rddreg [dreg:$0x15]  }
0x26: {  	s31 =	rddreg [dreg:$0x14];
	s2 =	sadd.s32 $0x1, s30  }
0x27: {  	p0 =	sne.s32 s2, s31  }
.Ltmp1:
0x28: {  	_ = 	snop;
	(pc) =	sbr.rel @!p0 .LBB2_8-.Ltmp1, $3  }
0x29: {  	_ =	sdelay $0x1  }
0x2a: {  	[sflag:s13] =	ssyncset.done $0x0  }
0x2b: {  	[sflag:s13] =	ssyncadd.s32 $0xFFFFD800  }
.LBB2_1:
0x2c: {  	[dreg:$0x15] =	wrdreg s2  }
0x2d: {  	s0 =	rddreg [dreg:$0x3]  }
0x2e: {  	s30 =	rddreg [dreg:$0x4]  }
0x2f: {  	s31 =	rddreg [dreg:$0x12];
	s7 =	sshrl.u32 s0, $0x3  }
0x30: {  	[dreg:$0x16] =	wrdreg s7  }
0x31: {  	[spmem:s7], [sflag:s31] =	dma.local [hbm:s30], $0x2800  }
0x32: {  	s0 =	rddreg [dreg:$0x6]  }
0x33: {  	[tilespmem:s25], [sflag:$0x6] =	stream.linear.gather [hbm4b:s0+s3], $0x50, $0x38;
	[tilespmem:$0x1E800] =	vst v63  }
0x34: {  	s7 =	rddreg [dreg:$0x7]  }
0x35: {  	[tilespmem:s26], [sflag:$0x6] =	stream.linear.gather [hbm4b:s7+s3], $0x50, $0x38;
	[tilespmem:$0x1E800] =	vst v63  }
0x36: {  	s2 =	simm.s32 $0x1E080;
	s9 =	rddreg [dreg:$0x8]  }
0x37: {  	[tilespmem:s2], [sflag:$0x7] =	stream.linear.gather [hbm4b:s9+s3], $0x50, $0x38;
	[tilespmem:$0x1E800] =	vst v63  }
0x38: {  	s11 =	rddreg [dreg:$0x9]  }
0x39: {  	[tilespmem:s29], [sflag:$0x7] =	stream.linear.gather [hbm4b:s11+s3], $0x50, $0x38;
	[tilespmem:$0x1E800] =	vst v63  }
0x3a: {  	s17 =	rddreg [dreg:$0xa];
	s7 =	simm.s32 $0x1E100  }
0x3b: {  	[tilespmem:s7], [sflag:$0x8] =	stream.linear.gather [hbm4b:s17+s3], $0x50, $0x38;
	[tilespmem:$0x1E800] =	vst v63  }
0x3c: {  	s18 =	rddreg [dreg:$0xb];
	s9 =	simm.s32 $0x1E500  }
0x3d: {  	[tilespmem:s9], [sflag:$0x8] =	stream.linear.gather [hbm4b:s18+s3], $0x50, $0x38;
	[tilespmem:$0x1E800] =	vst v63  }
0x3e: {  	s22 =	simm.s32 $0x1E180;
	s19 =	rddreg [dreg:$0xc]  }
0x3f: {  	[tilespmem:s22], [sflag:$0x9] =	stream.linear.gather [hbm4b:s19+s3], $0x50, $0x38;
	[tilespmem:$0x1E800] =	vst v63  }
0x40: {  	s24 =	simm.s32 $0x1E580;
	s23 =	rddreg [dreg:$0xd]  }
0x41: {  	[tilespmem:s24], [sflag:$0x9] =	stream.linear.gather [hbm4b:s23+s3], $0x50, $0x38;
	[tilespmem:$0x1E800] =	vst v63  }
0x42: {  	s31 =	simm.s32 $0x1E200;
	s30 =	rddreg [dreg:$0xe]  }
0x43: {  	[tilespmem:s31], [sflag:$0xA] =	stream.linear.gather [hbm4b:s30+s3], $0x50, $0x38;
	[tilespmem:$0x1E800] =	vst v63  }
0x44: {  	s11 =	rddreg [dreg:$0xf];
	s17 =	simm.s32 $0x1E600  }
0x45: {  	[tilespmem:s17], [sflag:$0xA] =	stream.linear.gather [hbm4b:s11+s3], $0x50, $0x38;
	[tilespmem:$0x1E800] =	vst v63  }
0x46: {  	s18 =	rddreg [dreg:$0x10];
	s19 =	simm.s32 $0x1E280  }
0x47: {  	[tilespmem:s19], [sflag:$0xB] =	stream.linear.gather [hbm4b:s18+s3], $0x50, $0x38;
	[tilespmem:$0x1E800] =	vst v63  }
0x48: {  	s22 =	rddreg [dreg:$0x11];
	s23 =	simm.s32 $0x1E680;
	s24 =	simm.s32 $0x6  }
0x49: {  	[tilespmem:s23], [sflag:$0xB] =	stream.linear.gather [hbm4b:s22+s3], $0x50, $0x38;
	[tilespmem:$0x1E800] =	vst v63  }
0x4a: {  	_ =	swait.ge [sflag:s24], $0x50  }
0x4b: {  	[sflag:s24] =	ssyncset.done $0x0  }
0x4c: {  	[sflag:s24] =	ssyncadd.s32 $0xFFFFFFB0  }
0x4d: {  	_ =	swait.ge [sflag:s24], $0x50  }
0x4e: {  	[sflag:s24] =	ssyncset.done $0x0  }
0x4f: {  	[sflag:s24] =	ssyncadd.s32 $0xFFFFFFB0  }
0x50: {  	v1 =	vld [tilespmem:$0x1E000]  }
0x51: {  	v2 =	vld [tilespmem:$0x1E010]  }
0x52: {  	v3 =	vld [tilespmem:$0x1E020]  }
0x53: {  	v4 =	vld [tilespmem:$0x1E030]  }
0x54: {  	v5 =	vld [tilespmem:$0x1E040]  }
0x55: {  	v1 =	vadd.s32 v0, v1  }
0x56: {  	[tilespmem:$0x1E000] =	vst v1;
	v1 =	vadd.s32 v0, v2  }
0x57: {  	[tilespmem:$0x1E010] =	vst v1;
	v1 =	vadd.s32 v0, v3  }
0x58: {  	[tilespmem:$0x1E020] =	vst v1;
	v1 =	vadd.s32 v0, v4  }
0x59: {  	[tilespmem:$0x1E030] =	vst v1;
	v1 =	vadd.s32 v0, v5  }
0x5a: {  	s18 =	simm.s32 $0x7;
	[tilespmem:$0x1E040] =	vst v1  }
0x5b: {  	[tilespmem:s6], [sflag:$0x2] =	stream.indirect.gather [hbm4b:s4+s5], $0x80, s25, s5, $0xb8;
	[tilespmem:$0x1E800] =	vst v63  }
0x5c: {  	_ =	swait.ge [sflag:s18], $0x50  }
0x5d: {  	[sflag:s18] =	ssyncset.done $0x0  }
0x5e: {  	[sflag:s18] =	ssyncadd.s32 $0xFFFFFFB0  }
0x5f: {  	_ =	swait.ge [sflag:s18], $0x50  }
0x60: {  	[sflag:s18] =	ssyncset.done $0x0  }
0x61: {  	[sflag:s18] =	ssyncadd.s32 $0xFFFFFFB0  }
0x62: {  	v1 =	vld [tilespmem:$0x1E080]  }
0x63: {  	v2 =	vld [tilespmem:$0x1E090]  }
0x64: {  	v3 =	vld [tilespmem:$0x1E0A0]  }
0x65: {  	v60 =	vld [tilespmem:$0x1E0B0]  }
0x66: {  	v61 =	vld [tilespmem:$0x1E0C0]  }
0x67: {  	v1 =	vadd.s32 v0, v1  }
0x68: {  	[tilespmem:$0x1E080] =	vst v1;
	v1 =	vadd.s32 v0, v2  }
0x69: {  	[tilespmem:$0x1E090] =	vst v1;
	v1 =	vadd.s32 v0, v3  }
0x6a: {  	[tilespmem:$0x1E0A0] =	vst v1;
	v1 =	vadd.s32 v0, v60  }
0x6b: {  	[tilespmem:$0x1E0B0] =	vst v1;
	v1 =	vadd.s32 v0, v61  }
0x6c: {  	s30 =	simm.s32 $0x8;
	[tilespmem:$0x1E0C0] =	vst v1  }
0x6d: {  	[tilespmem:s8], [sflag:$0x3] =	stream.indirect.gather [hbm4b:s4+s5], $0x80, s2, s5, $0xb8;
	[tilespmem:$0x1E800] =	vst v63  }
0x6e: {  	_ =	swait.ge [sflag:s30], $0x50  }
0x6f: {  	[sflag:s30] =	ssyncset.done $0x0  }
0x70: {  	[sflag:s30] =	ssyncadd.s32 $0xFFFFFFB0  }
0x71: {  	_ =	swait.ge [sflag:s30], $0x50  }
0x72: {  	[sflag:s30] =	ssyncset.done $0x0  }
0x73: {  	[sflag:s30] =	ssyncadd.s32 $0xFFFFFFB0  }
0x74: {  	v1 =	vld [tilespmem:$0x1E100]  }
0x75: {  	v2 =	vld [tilespmem:$0x1E110]  }
0x76: {  	v3 =	vld [tilespmem:$0x1E120]  }
0x77: {  	v62 =	vld [tilespmem:$0x1E130]  }
0x78: {  	v63 =	vld [tilespmem:$0x1E140]  }
0x79: {  	v1 =	vadd.s32 v0, v1  }
0x7a: {  	[tilespmem:$0x1E100] =	vst v1;
	v1 =	vadd.s32 v0, v2  }
0x7b: {  	[tilespmem:$0x1E110] =	vst v1;
	v1 =	vadd.s32 v0, v3  }
0x7c: {  	[tilespmem:$0x1E120] =	vst v1;
	v1 =	vadd.s32 v0, v62  }
0x7d: {  	[tilespmem:$0x1E130] =	vst v1;
	v1 =	vadd.s32 v0, v63  }
0x7e: {  	s31 =	simm.s32 $0x1;
	[tilespmem:$0x1E140] =	vst v1  }
0x7f: {  	[tilespmem:s10], [sflag:$0x4] =	stream.indirect.gather [hbm4b:s4+s5], $0x80, s7, s5, $0xb8;
	[tilespmem:$0x1E800] =	vst v63  }
.Ltmp2:
0x80: {  	_ =	swait.ge [sflag:s31], $0x2800;
	(pc) =	sbr.rel .LBB2_2-.Ltmp2, $4  }
0x81: {  	[sflag:s31] =	ssyncset.done $0x0  }
0x82: {  	[sflag:s31] =	ssyncadd.s32 $0xFFFFD800  }
0x83: {  	[bflag:$0x0] =	sbarrier.arrive $0xFFFF  }
0x84: {  	s28 =	simm.s32 $0x0;
	s19 =	simm.s32 $0x0  }
.LBB2_3:
0x85: {  	_ =	swait.ge [sflag:s15], $0x2800  }
0x86: {  	[sflag:s15] =	ssyncset.done $0x0  }
0x87: {  	[sflag:s15] =	ssyncadd.s32 $0xFFFFD800  }
0x88: {  	_ =	swait.ge [sflag:s16], $0x50  }
0x89: {  	[sflag:s16] =	ssyncset.done $0x0  }
0x8a: {  	[sflag:s16] =	ssyncadd.s32 $0xFFFFFFB0  }
0x8b: {  	_ =	swait.ge [sflag:s16], $0x50  }
0x8c: {  	[sflag:s16] =	ssyncset.done $0x0  }
0x8d: {  	[sflag:s16] =	ssyncadd.s32 $0xFFFFFFB0  }
0x8e: {  	v1 =	vld [tilespmem:$0x1E280]  }
0x8f: {  	v2 =	vld [tilespmem:$0x1E290]  }
0x90: {  	v3 =	vld [tilespmem:$0x1E2A0]  }
0x91: {  	v4 =	vld [tilespmem:$0x1E2B0]  }
0x92: {  	v5 =	vld [tilespmem:$0x1E2C0]  }
0x93: {  	v1 =	vadd.s32 v0, v1  }
0x94: {  	[tilespmem:$0x1E280] =	vst v1;
	v1 =	vadd.s32 v0, v2  }
0x95: {  	[tilespmem:$0x1E290] =	vst v1;
	v1 =	vadd.s32 v0, v3  }
0x96: {  	[tilespmem:$0x1E2A0] =	vst v1;
	v1 =	vadd.s32 v0, v4  }
0x97: {  	[tilespmem:$0x1E2B0] =	vst v1;
	v1 =	vadd.s32 v0, v5  }
0x98: {  	s0 =	simm.s32 $0x1E280;
	[tilespmem:$0x1E2C0] =	vst v1  }
0x99: {  	[tilespmem:s8], [sflag:$0x3] =	stream.indirect.gather [hbm4b:s4+s5], $0x80, s0, s5, $0xb8;
	[tilespmem:$0x1E800] =	vst v63  }
0x9a: {  	s31 =	simm.s32 $0x1E500  }
0x9b: {  	[spmem:s1] =	stream.indirect.scatter.add.f32 [tilespmem:s10], [sflag:$0xE], $0x80, s31, s5, $0xb8;
	[tilespmem:$0x1E800] =	vst v63  }
0x9c: {  	_ =	swait.ge [sflag:s13], $0x2800  }
0x9d: {  	[sflag:s13] =	ssyncset.done $0x0  }
0x9e: {  	[sflag:s13] =	ssyncadd.s32 $0xFFFFD800  }
.LBB2_5:
0x9f: {  	s2 =	sadd.s32 s19, s21  }
0xa0: {  	s31 =	sadd.s32 s19, s20;
	s2 =	sadd.s32 $0x50, s2  }
0xa1: {  	[tilespmem:s25], [sflag:$0x6] =	stream.linear.gather [hbm4b:s2+s3], $0x50, $0x38;
	[tilespmem:$0x1E800] =	vst v63  }
0xa2: {  	s2 =	sadd.s32 $0x50, s31  }
0xa3: {  	[tilespmem:s26], [sflag:$0x6] =	stream.linear.gather [hbm4b:s2+s3], $0x50, $0x38;
	[tilespmem:$0x1E800] =	vst v63  }
0xa4: {  	s2 =	simm.s32 @!p2 $0x5  }
0xa5: {  	_ =	swait.ge @!p2 [sflag:s2], $0x2800  }
0xa6: {  	p4 =	por @!p2 $0x0, $0x0;
	p3 =	por $0x0, $0x0;
	[sflag:s2] =	ssyncset.done @!p2 $0x0  }
0xa7: {  	p3 =	por @!p2 p4, p4;
	[sflag:s2] =	ssyncadd.s32 @!p2 $0xFFFFD800  }
.LBB2_6:
0xa8: {  	s2 =	simm.s32 @!p0 $0xC  }
0xa9: {  	_ =	swait.ge @!p0 [sflag:s2], $0x50  }
0xaa: {  	[sflag:s2] =	ssyncset.done @!p0 $0x0  }
0xab: {  	[sflag:s2] =	ssyncadd.s32 @!p0 $0xFFFFFFB0  }
0xac: {  	_ =	swait.ge @!p0 [sflag:s2], $0x50  }
0xad: {  	[sflag:s2] =	ssyncset.done @!p0 $0x0  }
0xae: {  	[sflag:s2] =	ssyncadd.s32 @!p0 $0xFFFFFFB0  }
0xaf: {  	v1 =	vld @!p0 [tilespmem:$0x1E300]  }
0xb0: {  	v2 =	vld @!p0 [tilespmem:$0x1E310]  }
0xb1: {  	v3 =	vld @!p0 [tilespmem:$0x1E320]  }
0xb2: {  	v4 =	vld @!p0 [tilespmem:$0x1E330]  }
0xb3: {  	v5 =	vld @!p0 [tilespmem:$0x1E340]  }
0xb4: {  	v1 =	vadd.s32 @!p0 v0, v1  }
0xb5: {  	[tilespmem:$0x1E300] =	vst @!p0 v1;
	v1 =	vadd.s32 @!p0 v0, v2  }
0xb6: {  	[tilespmem:$0x1E310] =	vst @!p0 v1;
	v1 =	vadd.s32 @!p0 v0, v3  }
0xb7: {  	[tilespmem:$0x1E320] =	vst @!p0 v1;
	v1 =	vadd.s32 @!p0 v0, v4  }
0xb8: {  	[tilespmem:$0x1E330] =	vst @!p0 v1;
	v1 =	vadd.s32 @!p0 v0, v5  }
0xb9: {  	s30 =	simm.s32 @!p0 $0x50;
	s22 =	simm.s32 @!p0 $0x19000;
	s2 =	simm.s32 @!p0 $0x1E300;
	[tilespmem:$0x1E340] =	vst @!p0 v1  }
0xba: {  	[tilespmem:s22], [sflag:$0x4] =	stream.indirect.gather @!p0 [hbm4b:s4+s30], $0x80, s2, s30, $0xb8;
	[tilespmem:$0x1E800] =	vst v63  }
0xbb: {  	s9 =	simm.s32 @!p2 $0x50;
	s11 =	simm.s32 @!p2 $0x1B800;
	s2 =	simm.s32 @!p2 $0x1E580  }
0xbc: {  	[spmem:s1] =	stream.indirect.scatter.add.f32 @!p2 [tilespmem:s11], [sflag:$0xE], $0x80, s2, s9, $0xb8;
	[tilespmem:$0x1E800] =	vst v63  }
0xbd: {  	s2 =	simm.s32 @!p2 $0xE  }
0xbe: {  	_ =	swait.ge @!p2 [sflag:s2], $0x2800  }
0xbf: {  	s23 =	simm.s32 @!p3 $0x0;
	s11 =	sadd.s32 @!p3 s19, s21;
	[sflag:s2] =	ssyncset.done @!p2 $0x0  }
0xc0: {  	s17 =	sadd.s32 @!p3 $0x5A, s11;
	s11 =	simm.s32 @!p3 $0x1E080;
	[sflag:s2] =	ssyncadd.s32 @!p2 $0xFFFFD800  }
0xc1: {  	[tilespmem:s11], [sflag:$0x7] =	stream.linear.gather @!p3 [hbm4b:s17+s23], $0x50, $0x38;
	[tilespmem:$0x1E800] =	vst v63  }
0xc2: {  	s17 =	sadd.s32 @!p3 s19, s20  }
0xc3: {  	s24 =	simm.s32 @!p3 $0x1E480;
	s17 =	sadd.s32 @!p3 $0x5A, s17  }
0xc4: {  	[tilespmem:s24], [sflag:$0x7] =	stream.linear.gather @!p3 [hbm4b:s17+s23], $0x50, $0x38;
	[tilespmem:$0x1E800] =	vst v63  }
0xc5: {  	s17 =	simm.s32 @!p2 $0x2  }
0xc6: {  	_ =	swait.ge @!p2 [sflag:s17], $0x2800  }
0xc7: {  	[sflag:s17] =	ssyncset.done @!p2 $0x0  }
0xc8: {  	[sflag:s17] =	ssyncadd.s32 @!p2 $0xFFFFD800;
	s17 =	simm.s32 @!p1 $0xD  }
0xc9: {  	_ =	swait.ge @!p1 [sflag:s17], $0x50  }
0xca: {  	[sflag:s17] =	ssyncset.done @!p1 $0x0  }
0xcb: {  	[sflag:s17] =	ssyncadd.s32 @!p1 $0xFFFFFFB0  }
0xcc: {  	_ =	swait.ge @!p1 [sflag:s17], $0x50  }
0xcd: {  	[sflag:s17] =	ssyncset.done @!p1 $0x0  }
0xce: {  	[sflag:s17] =	ssyncadd.s32 @!p1 $0xFFFFFFB0  }
0xcf: {  	v1 =	vld @!p1 [tilespmem:$0x1E380]  }
0xd0: {  	v2 =	vld @!p1 [tilespmem:$0x1E390]  }
0xd1: {  	v3 =	vld @!p1 [tilespmem:$0x1E3A0]  }
0xd2: {  	v4 =	vld @!p1 [tilespmem:$0x1E3B0]  }
0xd3: {  	v5 =	vld @!p1 [tilespmem:$0x1E3C0]  }
0xd4: {  	v1 =	vadd.s32 @!p1 v0, v1  }
0xd5: {  	[tilespmem:$0x1E380] =	vst @!p1 v1;
	v1 =	vadd.s32 @!p1 v0, v2  }
0xd6: {  	[tilespmem:$0x1E390] =	vst @!p1 v1;
	v1 =	vadd.s32 @!p1 v0, v3  }
0xd7: {  	[tilespmem:$0x1E3A0] =	vst @!p1 v1;
	v1 =	vadd.s32 @!p1 v0, v4  }
0xd8: {  	[tilespmem:$0x1E3B0] =	vst @!p1 v1;
	v1 =	vadd.s32 @!p1 v0, v5  }
0xd9: {  	s23 =	simm.s32 @!p1 $0x50;
	s24 =	simm.s32 @!p1 $0x1B800;
	s17 =	simm.s32 @!p1 $0x1E380;
	[tilespmem:$0x1E3C0] =	vst @!p1 v1  }
0xda: {  	[tilespmem:s24], [sflag:$0x5] =	stream.indirect.gather @!p1 [hbm4b:s4+s23], $0x80, s17, s23, $0xb8;
	[tilespmem:$0x1E800] =	vst v63  }
0xdb: {  	s7 =	simm.s32 @!p2 $0x14000;
	p4 =	seq.s32 @!p2 s19, $0x960;
	s17 =	simm.s32 @!p2 $0x1E600  }
0xdc: {  	[spmem:s1] =	stream.indirect.scatter.add.f32 @!p2 [tilespmem:s7], [sflag:$0xE], $0x80, s17, s9, $0xb8;
	[tilespmem:$0x1E800] =	vst v63  }
0xdd: {  	p4 =	por p4, p2;
	_ =	swait.ge @!p2 [sflag:s2], $0x2800  }
0xde: {  	s31 =	simm.s32 @!p4 $0x1E100;
	s7 =	sadd.s32 @!p4 s19, s21;
	[sflag:s2] =	ssyncset.done @!p2 $0x0  }
0xdf: {  	s17 =	simm.s32 @!p4 $0x0;
	s7 =	sadd.s32 @!p4 $0x64, s7;
	[sflag:s2] =	ssyncadd.s32 @!p2 $0xFFFFD800  }
0xe0: {  	[tilespmem:s31], [sflag:$0x8] =	stream.linear.gather @!p4 [hbm4b:s7+s17], $0x50, $0x38;
	[tilespmem:$0x1E800] =	vst v63  }
0xe1: {  	s7 =	sadd.s32 @!p4 s19, s20  }
0xe2: {  	s31 =	simm.s32 @!p4 $0x1E500;
	s7 =	sadd.s32 @!p4 $0x64, s7  }
0xe3: {  	[tilespmem:s31], [sflag:$0x8] =	stream.linear.gather @!p4 [hbm4b:s7+s17], $0x50, $0x38;
	[tilespmem:$0x1E800] =	vst v63  }
0xe4: {  	s7 =	simm.s32 @!p2 $0x3  }
0xe5: {  	_ =	swait.ge @!p2 [sflag:s7], $0x2800  }
0xe6: {  	[sflag:s7] =	ssyncset.done @!p2 $0x0  }
0xe7: {  	[sflag:s7] =	ssyncadd.s32 @!p2 $0xFFFFD800;
	s7 =	simm.s32 @!p3 $0x6  }
0xe8: {  	_ =	swait.ge @!p3 [sflag:s7], $0x50  }
0xe9: {  	[sflag:s7] =	ssyncset.done @!p3 $0x0  }
0xea: {  	[sflag:s7] =	ssyncadd.s32 @!p3 $0xFFFFFFB0  }
0xeb: {  	_ =	swait.ge @!p3 [sflag:s7], $0x50  }
0xec: {  	[sflag:s7] =	ssyncset.done @!p3 $0x0  }
0xed: {  	[sflag:s7] =	ssyncadd.s32 @!p3 $0xFFFFFFB0  }
0xee: {  	v1 =	vld @!p3 [tilespmem:$0x1E000]  }
0xef: {  	v2 =	vld @!p3 [tilespmem:$0x1E010]  }
0xf0: {  	v3 =	vld @!p3 [tilespmem:$0x1E020]  }
0xf1: {  	v4 =	vld @!p3 [tilespmem:$0x1E030]  }
0xf2: {  	v5 =	vld @!p3 [tilespmem:$0x1E040]  }
0xf3: {  	v1 =	vadd.s32 @!p3 v0, v1  }
0xf4: {  	[tilespmem:$0x1E000] =	vst @!p3 v1;
	v1 =	vadd.s32 @!p3 v0, v2  }
0xf5: {  	[tilespmem:$0x1E010] =	vst @!p3 v1;
	v1 =	vadd.s32 @!p3 v0, v3  }
0xf6: {  	[tilespmem:$0x1E020] =	vst @!p3 v1;
	v1 =	vadd.s32 @!p3 v0, v4  }
0xf7: {  	p5 =	sne.s32 @!p2 s19, $0x960;
	[tilespmem:$0x1E030] =	vst @!p3 v1;
	v1 =	vadd.s32 @!p3 v0, v5  }
0xf8: {  	s17 =	simm.s32 @!p3 $0x1E000;
	s31 =	simm.s32 @!p3 $0x14000;
	s7 =	simm.s32 @!p3 $0x50;
	[tilespmem:$0x1E040] =	vst @!p3 v1  }
0xf9: {  	[tilespmem:s31], [sflag:$0x2] =	stream.indirect.gather @!p3 [hbm4b:s4+s7], $0x80, s17, s7, $0xb8;
	[tilespmem:$0x1E800] =	vst v63  }
0xfa: {  	p4 =	por $0x0, $0x0;
	s17 =	simm.s32 @!p2 $0x1E680;
	s31 =	simm.s32 @!p2 $0x16800  }
0xfb: {  	[spmem:s1] =	stream.indirect.scatter.add.f32 @!p2 [tilespmem:s31], [sflag:$0xE], $0x80, s17, s9, $0xb8;
	[tilespmem:$0x1E800] =	vst v63  }
0xfc: {  	p4 =	por @!p2 p5, p5;
	_ =	swait.ge @!p2 [sflag:s2], $0x2800  }
0xfd: {  	s9 =	sadd.s32 @p4 s19, s21;
	s31 =	simm.s32 @p4 $0x1E180;
	[sflag:s2] =	ssyncset.done @!p2 $0x0  }
0xfe: {  	s17 =	sadd.s32 @p4 $0x6E, s9;
	[sflag:s2] =	ssyncadd.s32 @!p2 $0xFFFFD800;
	s2 =	simm.s32 @p4 $0x0  }
0xff: {  	[tilespmem:s31], [sflag:$0x9] =	stream.linear.gather @p4 [hbm4b:s17+s2], $0x50, $0x38;
	[tilespmem:$0x1E800] =	vst v63  }
0x100: {  	s17 =	sadd.s32 @p4 s19, s20  }
0x101: {  	s0 =	simm.s32 @p4 $0x1E580;
	s31 =	sadd.s32 @p4 $0x6E, s17  }
0x102: {  	[tilespmem:s0], [sflag:$0x9] =	stream.linear.gather @p4 [hbm4b:s31+s2], $0x50, $0x38;
	[tilespmem:$0x1E800] =	vst v63  }
0x103: {  	s0 =	simm.s32 @!p0 $0x4  }
0x104: {  	_ =	swait.ge @!p0 [sflag:s0], $0x2800  }
0x105: {  	[sflag:s0] =	ssyncset.done @!p0 $0x0  }
0x106: {  	[sflag:s0] =	ssyncadd.s32 @!p0 $0xFFFFD800;
	s0 =	simm.s32 @!p3 $0x7  }
0x107: {  	_ =	swait.ge @!p3 [sflag:s0], $0x50  }
0x108: {  	[sflag:s0] =	ssyncset.done @!p3 $0x0  }
0x109: {  	[sflag:s0] =	ssyncadd.s32 @!p3 $0xFFFFFFB0  }
0x10a: {  	_ =	swait.ge @!p3 [sflag:s0], $0x50  }
0x10b: {  	[sflag:s0] =	ssyncset.done @!p3 $0x0  }
0x10c: {  	[sflag:s0] =	ssyncadd.s32 @!p3 $0xFFFFFFB0  }
0x10d: {  	v1 =	vld @!p3 [tilespmem:$0x1E080]  }
0x10e: {  	v2 =	vld @!p3 [tilespmem:$0x1E090]  }
0x10f: {  	v3 =	vld @!p3 [tilespmem:$0x1E0A0]  }
0x110: {  	v4 =	vld @!p3 [tilespmem:$0x1E0B0]  }
0x111: {  	v5 =	vld @!p3 [tilespmem:$0x1E0C0]  }
0x112: {  	v1 =	vadd.s32 @!p3 v0, v1  }
0x113: {  	[tilespmem:$0x1E080] =	vst @!p3 v1;
	v1 =	vadd.s32 @!p3 v0, v2  }
0x114: {  	[tilespmem:$0x1E090] =	vst @!p3 v1;
	v1 =	vadd.s32 @!p3 v0, v3  }
0x115: {  	[tilespmem:$0x1E0A0] =	vst @!p3 v1;
	v1 =	vadd.s32 @!p3 v0, v4  }
0x116: {  	[tilespmem:$0x1E0B0] =	vst @!p3 v1;
	v1 =	vadd.s32 @!p3 v0, v5  }
0x117: {  	s0 =	simm.s32 @!p3 $0x16800;
	[tilespmem:$0x1E0C0] =	vst @!p3 v1  }
0x118: {  	[tilespmem:s0], [sflag:$0x3] =	stream.indirect.gather @!p3 [hbm4b:s4+s7], $0x80, s11, s7, $0xb8;
	[tilespmem:$0x1E800] =	vst v63  }
0x119: {  	s0 =	simm.s32 @!p0 $0x1E700  }
0x11a: {  	[spmem:s1] =	stream.indirect.scatter.add.f32 @!p0 [tilespmem:s22], [sflag:$0xE], $0x80, s0, s30, $0xb8;
	[tilespmem:$0x1E800] =	vst v63  }
0x11b: {  	s0 =	simm.s32 @!p0 $0xE  }
0x11c: {  	_ =	swait.ge @!p0 [sflag:s0], $0x2800  }
0x11d: {  	[sflag:s0] =	ssyncset.done @!p0 $0x0  }
0x11e: {  	s7 =	simm.s32 @p4 $0x1E200;
	[sflag:s0] =	ssyncadd.s32 @!p0 $0xFFFFD800;
	s0 =	sadd.s32 @p4 $0x78, s9  }
0x11f: {  	[tilespmem:s7], [sflag:$0xA] =	stream.linear.gather @p4 [hbm4b:s0+s2], $0x50, $0x38;
	[tilespmem:$0x1E800] =	vst v63  }
0x120: {  	s0 =	sadd.s32 @p4 $0x78, s17;
	s7 =	simm.s32 @p4 $0x1E600  }
0x121: {  	[tilespmem:s7], [sflag:$0xA] =	stream.linear.gather @p4 [hbm4b:s0+s2], $0x50, $0x38;
	[tilespmem:$0x1E800] =	vst v63  }
0x122: {  	s0 =	simm.s32 @!p1 $0x5  }
0x123: {  	_ =	swait.ge @!p1 [sflag:s0], $0x2800  }
0x124: {  	[sflag:s0] =	ssyncset.done @!p1 $0x0  }
0x125: {  	[sflag:s0] =	ssyncadd.s32 @!p1 $0xFFFFD800;
	s0 =	simm.s32 @p4 $0x8  }
0x126: {  	_ =	swait.ge @p4 [sflag:s0], $0x50  }
0x127: {  	[sflag:s0] =	ssyncset.done @p4 $0x0  }
0x128: {  	[sflag:s0] =	ssyncadd.s32 @p4 $0xFFFFFFB0  }
0x129: {  	_ =	swait.ge @p4 [sflag:s0], $0x50  }
0x12a: {  	[sflag:s0] =	ssyncset.done @p4 $0x0  }
0x12b: {  	[sflag:s0] =	ssyncadd.s32 @p4 $0xFFFFFFB0  }
0x12c: {  	v1 =	vld @p4 [tilespmem:$0x1E100]  }
0x12d: {  	v2 =	vld @p4 [tilespmem:$0x1E110]  }
0x12e: {  	v3 =	vld @p4 [tilespmem:$0x1E120]  }
0x12f: {  	v4 =	vld @p4 [tilespmem:$0x1E130]  }
0x130: {  	v5 =	vld @p4 [tilespmem:$0x1E140]  }
0x131: {  	v1 =	vadd.s32 @p4 v0, v1  }
0x132: {  	[tilespmem:$0x1E100] =	vst @p4 v1;
	v1 =	vadd.s32 @p4 v0, v2  }
0x133: {  	[tilespmem:$0x1E110] =	vst @p4 v1;
	v1 =	vadd.s32 @p4 v0, v3  }
0x134: {  	[tilespmem:$0x1E120] =	vst @p4 v1;
	v1 =	vadd.s32 @p4 v0, v4  }
0x135: {  	[tilespmem:$0x1E130] =	vst @p4 v1;
	v1 =	vadd.s32 @p4 v0, v5  }
0x136: {  	s11 =	simm.s32 @p4 $0x19000;
	s7 =	simm.s32 @p4 $0x1E100;
	s0 =	simm.s32 @p4 $0x50;
	[tilespmem:$0x1E140] =	vst @p4 v1  }
0x137: {  	[tilespmem:s11], [sflag:$0x4] =	stream.indirect.gather @p4 [hbm4b:s4+s0], $0x80, s7, s0, $0xb8;
	[tilespmem:$0x1E800] =	vst v63  }
0x138: {  	s0 =	simm.s32 @!p1 $0x1E780  }
0x139: {  	[spmem:s1] =	stream.indirect.scatter.add.f32 @!p1 [tilespmem:s24], [sflag:$0xE], $0x80, s0, s23, $0xb8;
	[tilespmem:$0x1E800] =	vst v63  }
0x13a: {  	s19 =	sadd.s32 $0x50, s19;
	s0 =	simm.s32 @!p1 $0xE  }
0x13b: {  	p0 =	sne.s32 s19, $0xA00;
	_ =	swait.ge @!p1 [sflag:s0], $0x2800  }
.Ltmp3:
0x13c: {  	s28 =	sadd.s32 $0x1, s28;
	[sflag:s0] =	ssyncset.done @!p1 $0x0;
	(pc) =	sbr.rel @!p0 .LBB2_7-.Ltmp3, $4  }
0x13d: {  	s7 =	simm.s32 @p4 $0x1E280;
	[sflag:s0] =	ssyncadd.s32 @!p1 $0xFFFFD800;
	s0 =	sadd.s32 @p4 $0x82, s9  }
0x13e: {  	[tilespmem:s7], [sflag:$0xB] =	stream.linear.gather @p4 [hbm4b:s0+s2], $0x50, $0x38;
	[tilespmem:$0x1E800] =	vst v63  }
0x13f: {  	s18 =	sadd.s32 $0x8, s18;
	s0 =	sadd.s32 @p4 $0x82, s17;
	s7 =	simm.s32 @p4 $0x1E680  }
0x140: {  	[tilespmem:s7], [sflag:$0xB] =	stream.linear.gather @p4 [hbm4b:s0+s2], $0x50, $0x38;
	[tilespmem:$0x1E800] =	vst v63  }
.LBB2_2:
0x141: {  	_ =	swait.ge [sflag:s12], $0x2800  }
0x142: {  	p2 =	sgt.u32 s28, $0x1E;
	[sflag:s12] =	ssyncset.done $0x0  }
0x143: {  	s2 =	simm.s32 @!p2 $0x9;
	[sflag:s12] =	ssyncadd.s32 $0xFFFFD800  }
0x144: {  	_ =	swait.ge @!p2 [sflag:s2], $0x50  }
0x145: {  	[sflag:s2] =	ssyncset.done @!p2 $0x0  }
0x146: {  	[sflag:s2] =	ssyncadd.s32 @!p2 $0xFFFFFFB0  }
0x147: {  	_ =	swait.ge @!p2 [sflag:s2], $0x50  }
0x148: {  	[sflag:s2] =	ssyncset.done @!p2 $0x0  }
0x149: {  	[sflag:s2] =	ssyncadd.s32 @!p2 $0xFFFFFFB0  }
0x14a: {  	v1 =	vld @!p2 [tilespmem:$0x1E180]  }
0x14b: {  	v2 =	vld @!p2 [tilespmem:$0x1E190]  }
0x14c: {  	v3 =	vld @!p2 [tilespmem:$0x1E1A0]  }
0x14d: {  	v4 =	vld @!p2 [tilespmem:$0x1E1B0]  }
0x14e: {  	v5 =	vld @!p2 [tilespmem:$0x1E1C0]  }
0x14f: {  	v1 =	vadd.s32 @!p2 v0, v1  }
0x150: {  	[tilespmem:$0x1E180] =	vst @!p2 v1;
	v1 =	vadd.s32 @!p2 v0, v2  }
0x151: {  	[tilespmem:$0x1E190] =	vst @!p2 v1;
	v1 =	vadd.s32 @!p2 v0, v3  }
0x152: {  	[tilespmem:$0x1E1A0] =	vst @!p2 v1;
	v1 =	vadd.s32 @!p2 v0, v4  }
0x153: {  	[tilespmem:$0x1E1B0] =	vst @!p2 v1;
	v1 =	vadd.s32 @!p2 v0, v5  }
0x154: {  	s9 =	simm.s32 @!p2 $0x1E180;
	s11 =	simm.s32 @!p2 $0x1B800;
	s2 =	simm.s32 @!p2 $0x50;
	[tilespmem:$0x1E1C0] =	vst @!p2 v1  }
0x155: {  	[tilespmem:s11], [sflag:$0x5] =	stream.indirect.gather @!p2 [hbm4b:s4+s2], $0x80, s9, s2, $0xb8;
	[tilespmem:$0x1E800] =	vst v63  }
0x156: {  	s31 =	sadd.s32 $0xFFFFFFFF, s18  }
0x157: {  	[spmem:s1] =	stream.indirect.scatter.add.f32 [tilespmem:s6], [sflag:$0xE], $0x80, s26, s5, $0xb8;
	[tilespmem:$0x1E800] =	vst v63  }
0x158: {  	p0 =	sgt.u32 s31, $0xF9;
	_ =	swait.ge [sflag:s13], $0x2800  }
0x159: {  	s17 =	simm.s32 @!p0 $0x1E300;
	s9 =	sadd.s32 @!p0 s19, s21;
	[sflag:s13] =	ssyncset.done $0x0  }
0x15a: {  	s11 =	simm.s32 @!p0 $0x0;
	s9 =	sadd.s32 @!p0 $0x3C, s9;
	[sflag:s13] =	ssyncadd.s32 $0xFFFFD800  }
0x15b: {  	[tilespmem:s17], [sflag:$0xC] =	stream.linear.gather @!p0 [hbm4b:s9+s11], $0x50, $0x38;
	[tilespmem:$0x1E800] =	vst v63  }
0x15c: {  	s9 =	sadd.s32 @!p0 s19, s20  }
0x15d: {  	s17 =	simm.s32 @!p0 $0x1E700;
	s9 =	sadd.s32 @!p0 $0x3C, s9  }
0x15e: {  	[tilespmem:s17], [sflag:$0xC] =	stream.linear.gather @!p0 [hbm4b:s9+s11], $0x50, $0x38;
	[tilespmem:$0x1E800] =	vst v63  }
0x15f: {  	_ =	swait.ge [sflag:s14], $0x2800  }
0x160: {  	[sflag:s14] =	ssyncset.done $0x0  }
0x161: {  	s9 =	simm.s32 @!p2 $0xA;
	[sflag:s14] =	ssyncadd.s32 $0xFFFFD800  }
0x162: {  	_ =	swait.ge @!p2 [sflag:s9], $0x50  }
0x163: {  	[sflag:s9] =	ssyncset.done @!p2 $0x0  }
0x164: {  	[sflag:s9] =	ssyncadd.s32 @!p2 $0xFFFFFFB0  }
0x165: {  	_ =	swait.ge @!p2 [sflag:s9], $0x50  }
0x166: {  	[sflag:s9] =	ssyncset.done @!p2 $0x0  }
0x167: {  	[sflag:s9] =	ssyncadd.s32 @!p2 $0xFFFFFFB0  }
0x168: {  	v1 =	vld @!p2 [tilespmem:$0x1E200]  }
0x169: {  	v2 =	vld @!p2 [tilespmem:$0x1E210]  }
0x16a: {  	v3 =	vld @!p2 [tilespmem:$0x1E220]  }
0x16b: {  	v4 =	vld @!p2 [tilespmem:$0x1E230]  }
0x16c: {  	v5 =	vld @!p2 [tilespmem:$0x1E240]  }
0x16d: {  	v1 =	vadd.s32 @!p2 v0, v1  }
0x16e: {  	[tilespmem:$0x1E200] =	vst @!p2 v1;
	v1 =	vadd.s32 @!p2 v0, v2  }
0x16f: {  	[tilespmem:$0x1E210] =	vst @!p2 v1;
	v1 =	vadd.s32 @!p2 v0, v3  }
0x170: {  	[tilespmem:$0x1E220] =	vst @!p2 v1;
	v1 =	vadd.s32 @!p2 v0, v4  }
0x171: {  	[tilespmem:$0x1E230] =	vst @!p2 v1;
	v1 =	vadd.s32 @!p2 v0, v5  }
0x172: {  	s11 =	simm.s32 @!p2 $0x14000;
	s9 =	simm.s32 @!p2 $0x1E200;
	[tilespmem:$0x1E240] =	vst @!p2 v1  }
0x173: {  	[tilespmem:s11], [sflag:$0x2] =	stream.indirect.gather @!p2 [hbm4b:s4+s2], $0x80, s9, s2, $0xb8;
	[tilespmem:$0x1E800] =	vst v63  }
0x174: {  	p1 =	sgt.u32 s18, $0xF9  }
0x175: {  	[spmem:s1] =	stream.indirect.scatter.add.f32 [tilespmem:s8], [sflag:$0xE], $0x80, s29, s5, $0xb8;
	[tilespmem:$0x1E800] =	vst v63  }
0x176: {  	s2 =	sadd.s32 @!p1 s19, s21;
	_ =	swait.ge [sflag:s13], $0x2800  }
0x177: {  	s9 =	simm.s32 @!p1 $0x0;
	s11 =	simm.s32 @!p1 $0x1E380;
	[sflag:s13] =	ssyncset.done $0x0  }
.Ltmp4:
0x178: {  	s2 =	sadd.s32 @!p1 $0x46, s2;
	[sflag:s13] =	ssyncadd.s32 $0xFFFFD800;
	(pc) =	sbr.rel @!p2 .LBB2_3-.Ltmp4, $4  }
0x179: {  	[tilespmem:s11], [sflag:$0xD] =	stream.linear.gather @!p1 [hbm4b:s2+s9], $0x50, $0x38;
	[tilespmem:$0x1E800] =	vst v63  }
0x17a: {  	s2 =	sadd.s32 @!p1 s19, s20  }
0x17b: {  	s11 =	simm.s32 @!p1 $0x1E780;
	s2 =	sadd.s32 @!p1 $0x46, s2  }
0x17c: {  	[tilespmem:s11], [sflag:$0xD] =	stream.linear.gather @!p1 [hbm4b:s2+s9], $0x50, $0x38;
	[tilespmem:$0x1E800] =	vst v63  }
0x17d: {  	p4 =	seq.s32 s19, $0x9B0  }
.Ltmp5:
0x17e: {  	_ = 	snop;
	(pc) =	sbr.rel @p4 .LBB2_6-.Ltmp5, $4  }
.Ltmp6:
0x17f: {  	_ = 	snop;
	(pc) =	sbr.rel @!p4 .LBB2_5-.Ltmp6, $4  }
0x180: {  	_ = 	snop  }
0x181: {  	_ = 	snop  }
0x182: {  	p3 =	por $0x1, $0x1  }
0x183: {  	_ = 	snop  }
.LBB2_8:
0x184: {  	_ =	sfence.sel $0x180000  }
0x185: {  	[bflag:$0x0] =	sbarrier.arrive $0xFFFF  }
0x186: {  	_ =	strace $0x9000004A  }
0x187: {  	s0 =	stileid.u32;
	[bflag:$0x2] =	sbarrier.arrive $0xFFFF  }
0x188: {  	p0 =	sne.s32 s0, $0x0;
	s0 =	rddreg [dreg:$0x2]  }
0x189: {  	s0 =	sadd.s32 @!p0 $0x100000, s0  }
0x18a: {  	[sflag:s0] =	ssyncadd.tile.s32 @!p0 $0x1;
	_ =	shalt  }
.Lfunc_end2:
_tile_overlayer_lowered:
.L_overlay_start_2:
0x18b: {  	(tag) =	ssettag $0x2  }
0x18c: {  	s0 =	rddreg [dreg:$0x0];
	s2 =	stileid.u32  }
0x18d: {  	s1 =	rddreg [dreg:$0x1];
	p0 =	sne.s32 s2, $0x0  }
0x18e: {  	s3 =	rddreg [dreg:$0x2];
	[bflag:$0x3] =	sbarrier.arrive $0xFFFF;
	s2 =	simm.s32 @!p0 $0x1C0E  }
0x18f: {  	[timem:s3], [sflag:s2] =	dma.local @!p0 [hbm:s0], s1  }
0x190: {  	s0 =	simm.s32 @!p0 $0xE  }
0x191: {  	_ =	swait.ge @!p0 [sflag:s0], s1  }
0x192: {  	s1 =	ssub.s32 @!p0 $0x0, s1;
	[sflag:s0] =	ssyncset.done @!p0 $0x0  }
0x193: {  	[sflag:s0] =	ssyncadd.s32 @!p0 s1  }
0x194: {  	[bflag:$0x3] =	sbarrier.arrive $0xFFFF  }
0x195: {  	_ =	shalt  }

// kernel: kernel.14.cloned.1.call-start
scs
__scs_entry_jumppad:
0x0: {  	(pc) =	sbr.rel $0x88, $3  }
0x1: {  	(tag) =	ssettag $0x0;
	lr =	simm.s32 $0x1  }
0x2: {  	[smem:$0x3F98] =	sst lr;
	_ =	strace $0xD0000000  }
0x3: {  	_ = 	snop  }
0x4: {  	_ = 	snop  }
0x5: {  	_ = 	snop  }
0x6: {  	_ = 	snop  }
0x7: {  	_ = 	snop  }
__scs_overlays_trampoline_lowered:
0x8: {  	[smem:$0x3FA7] =	sst s0  }
0x9: {  	[smem:$0x3FA8] =	sst s1  }
0xa: {  	[smem:$0x3FA9] =	sst s2  }
0xb: {  	[smem:$0x3FAA] =	sst s3  }
0xc: {  	[smem:$0x3FAB] =	sst s4  }
0xd: {  	[smem:$0x3FAC] =	sst s5  }
0xe: {  	[smem:$0x3FAD] =	sst s6  }
0xf: {  	[smem:$0x3FAE] =	sst s7  }
0x10: {  	[smem:$0x3FAF] =	sst s8  }
0x11: {  	[smem:$0x3FB0] =	sst s9;
	s0 =	simm.s32 @!p0 $0x0  }
0x12: {  	s1 =	sld [smem:$0x3F96];
	s0 =	simm.s32 @p0 $0x1  }
0x13: {  	[smem:$0x3FB1] =	sst s0;
	s0 =	simm.s32 @!p1 $0x0  }
0x14: {  	s2 =	sld [smem:$0x3F95];
	s0 =	simm.s32 @p1 $0x1  }
0x15: {  	[smem:$0x3FB2] =	sst s0;
	s0 =	simm.s32 @!p2 $0x0  }
0x16: {  	s3 =	sld [smem:$0x3FDB];
	s0 =	simm.s32 @p2 $0x1  }
0x17: {  	s4 =	simm.s32 $0x1BF5;
	[smem:$0x3FB4] =	sst s0  }
0x18: {  	s0 =	sld [smem:$0x3F97];
	_ =	swait.ge [sflag:s4], $0x0  }
0x19: {  	s7 =	sld [smem:$0x3F98]  }
0x1a: {  	s8 =	sadd.s32 $0xFFFFE003, lr  }
0x1b: {  	s9 =	sadd.s32 $0xFFFFFEF7, lr;
	s5 =	simm.s32 $0xFFFFFFFF;
	p2 =	slt.u32 s8, $0xFFFFF086  }
0x1c: {  	p1 =	slt.u32 s9, $0xF7A;
	s5 =	simm.s32 @!p2 $0x0  }
0x1d: {  	s5 =	simm.s32 @p1 $0x1;
	p0 =	seq.s32 s7, s2  }
0x1e: {  	s7 =	smul.u32 @!p0 $0xF7A, s2;
	p2 =	seq.s32 @!p0 s5, $0x0  }
0x1f: {  	s9 =	smul.u32 $0xF7A, s1;
	s8 =	simm.s32 @!p0 $0x1BF5;
	p2 =	por !p2, p0  }
0x20: {  	[sflag:s8] =	ssyncset.s32 @!p0 $0xFFFFF086;
	s6 =	sadd.s32 @!p0 s3, s7;
	s7 =	simm.s32 @!p0 $0x108  }
0x21: {  	s3 =	sadd.s32 s3, s9;
	s6 =	sadd.s32 @!p0 $0x88, s6;
	s7 =	simm.s32 @p2 $0x1082  }
0x22: {  	[simem:s7], [sflag:s8] =	dma.local @!p0 [hbm:s6], $0xF7A  }
0x23: {  	s9 =	sor.u32 $0xD0000000, s2;
	s6 =	simm.s32 $0x108;
	_ =	swait.ge @!p0 [sflag:s8], $0x0  }
0x24: {  	s3 =	sadd.s32 $0x88, s3;
	s6 =	simm.s32 @!p1 $0x1082;
	[sflag:s4] =	ssyncset.s32 $0xFFFFF086  }
0x25: {  	[simem:s6], [sflag:s4] =	dma.local [hbm:s3], $0xF7A  }
0x26: {  	[smem:$0x3F98] =	sst s1;
	(tag) =	ssettag s2;
	_ =	strace s9  }
0x27: {  	s1 =	sld [smem:$0x3FA8]  }
0x28: {  	s2 =	sld [smem:$0x3FA9]  }
0x29: {  	s4 =	sld [smem:$0x3FAB]  }
0x2a: {  	p0 =	seq.s32 s5, $0x0;
	s5 =	sld [smem:$0x3FAC]  }
0x2b: {  	s6 =	sld [smem:$0x3FAD]  }
0x2c: {  	s7 =	sld [smem:$0x3FAE]  }
0x2d: {  	s3 =	simm.s32 $0x108;
	s8 =	sld [smem:$0x3FAF]  }
0x2e: {  	s3 =	simm.s32 @!p0 $0x1082;
	s9 =	sld [smem:$0x3FB0]  }
0x2f: {  	lr =	sadd.s32 s0, s3;
	s0 =	sld [smem:$0x3FA7]  }
0x30: {  	s3 =	sld [smem:$0x3FAA]  }
0x31: {  	[smem:$0x3FB3] =	sst s10  }
0x32: {  	s10 =	sld [smem:$0x3FB1];
	_ =	sdelay $0x3  }
0x33: {  	p0 =	seq.s32 s10, $0x1;
	s10 =	sld [smem:$0x3FB3];
	_ =	sdelay $0x3  }
0x34: {  	[smem:$0x3FB3] =	sst s10  }
0x35: {  	s10 =	sld [smem:$0x3FB2];
	_ =	sdelay $0x3  }
0x36: {  	p1 =	seq.s32 s10, $0x1;
	s10 =	sld [smem:$0x3FB3];
	_ =	sdelay $0x3  }
0x37: {  	[smem:$0x3FB3] =	sst s10  }
0x38: {  	s10 =	sld [smem:$0x3FB4]  }
0x39: {  	_ = 	snop;
	(pc) =	sbr.ind lr, $3  }
0x3a: {  	_ = 	snop  }
0x3b: {  	_ = 	snop  }
0x3c: {  	p2 =	seq.s32 s10, $0x1;
	s10 =	sld [smem:$0x3FB3]  }
0x3d: {  	_ =	shalt  }
0x3e: {  	_ =	shalt  }
0x3f: {  	_ =	shalt  }
0x40: {  	_ =	shalt  }
0x41: {  	_ =	shalt  }
0x42: {  	_ =	shalt  }
0x43: {  	_ =	shalt  }
0x44: {  	_ =	shalt  }
0x45: {  	_ =	shalt  }
0x46: {  	_ =	shalt  }
0x47: {  	_ =	shalt  }
0x48: {  	_ =	shalt  }
0x49: {  	_ =	shalt  }
0x4a: {  	_ =	shalt  }
0x4b: {  	_ =	shalt  }
0x4c: {  	_ =	shalt  }
0x4d: {  	_ =	shalt  }
0x4e: {  	_ =	shalt  }
0x4f: {  	_ =	shalt  }
0x50: {  	_ =	shalt  }
0x51: {  	_ =	shalt  }
0x52: {  	_ =	shalt  }
0x53: {  	_ =	shalt  }
0x54: {  	_ =	shalt  }
0x55: {  	_ =	shalt  }
0x56: {  	_ =	shalt  }
0x57: {  	_ =	shalt  }
0x58: {  	_ =	shalt  }
0x59: {  	_ =	shalt  }
0x5a: {  	_ =	shalt  }
0x5b: {  	_ =	shalt  }
0x5c: {  	_ =	shalt  }
0x5d: {  	_ =	shalt  }
0x5e: {  	_ =	shalt  }
0x5f: {  	_ =	shalt  }
0x60: {  	_ =	shalt  }
0x61: {  	_ =	shalt  }
0x62: {  	_ =	shalt  }
0x63: {  	_ =	shalt  }
0x64: {  	_ =	shalt  }
0x65: {  	_ =	shalt  }
0x66: {  	_ =	shalt  }
0x67: {  	_ =	shalt  }
0x68: {  	_ =	shalt  }
0x69: {  	_ =	shalt  }
0x6a: {  	_ =	shalt  }
0x6b: {  	_ =	shalt  }
0x6c: {  	_ =	shalt  }
0x6d: {  	_ =	shalt  }
0x6e: {  	_ =	shalt  }
0x6f: {  	_ =	shalt  }
0x70: {  	_ =	shalt  }
0x71: {  	_ =	shalt  }
0x72: {  	_ =	shalt  }
0x73: {  	_ =	shalt  }
0x74: {  	_ =	shalt  }
0x75: {  	_ =	shalt  }
0x76: {  	_ =	shalt  }
0x77: {  	_ =	shalt  }
0x78: {  	_ =	shalt  }
0x79: {  	_ =	shalt  }
0x7a: {  	_ =	shalt  }
0x7b: {  	_ =	shalt  }
0x7c: {  	_ =	shalt  }
0x7d: {  	_ =	shalt  }
0x7e: {  	_ =	shalt  }
0x7f: {  	_ =	shalt  }
0x80: {  	_ =	shalt  }
0x81: {  	_ =	shalt  }
0x82: {  	_ =	shalt  }
0x83: {  	_ =	shalt  }
0x84: {  	_ =	shalt  }
0x85: {  	_ =	shalt  }
0x86: {  	_ =	shalt  }
0x87: {  	_ =	shalt  }
.Lfunc_end0:
.L_simem_size_0:
called_computation.2_lowered:
.L_overlay_start_0:
0x88: {  	s2 =	sld [smem:$0x3FD9]  }
0x89: {  	s3 =	sld [smem:$0x3FFE];
	_ =	sdelay $0x1  }
0x8a: {  	s1 =	srdreg.scid  }
0x8b: {  	s0 =	sand.u32 $0x1, s1  }
0x8c: {  	s16 =	sshll.u32 s0, $0xA;
	s2 =	sadd.s32 s3, s2  }
0x8d: {  	s2 =	sadd.s32 s2, s16  }
0x8e: {  	[smem:$0x3FBF] =	sst s2  }
0x8f: {  	_ = 	snop  }
0x90: {  	(tm) =	ssettm $0x1  }
0x91: {  	s17 =	sld [smem:$0x3FFB];
	_ =	sdelay $0x3  }
0x92: {  	_ =	strace s17  }
0x93: {  	s2 =	sld [smem:$0x3FFC];
	_ =	sdelay $0x3  }
0x94: {  	_ =	strace s2  }
0x95: {  	s2 =	sld [smem:$0x3FFD];
	_ =	sdelay $0x3  }
0x96: {  	_ =	strace s2  }
0x97: {  	_ =	strace $0x8FFFFFFF  }
0x98: {  	s18 =	sld [smem:$0x3FDB];
	_ =	sdelay $0x1  }
0x99: {  	s19 =	simm.s32 $_scs_section_size  }
0x9a: {  	s4 =	simm.s32 $_size__tile_overlayer_lowered;
	s5 =	simm.s32 $_tile_overlayer_lowered  }
0x9b: {  	s22 =	simm.s32 $0x1BFF;
	s21 =	sshll.u32 s5, $0x1;
	s2 =	sadd.s32 s19, s18  }
0x9c: {  	s6 =	simm.s32 $0x0;
	s20 =	sshll.u32 s4, $0x1;
	s4 =	sadd.s32 s21, s2  }
0x9d: {  	[timem:s6], [sflag:s22] =	dma.local [hbm:s4], s20  }
0x9e: {  	_ =	swait.ge [sflag:s22], s20  }
0x9f: {  	s3 =	ssub.s32 $0x0, s20;
	[sflag:s22] =	ssyncset.done $0x0  }
0xa0: {  	[sflag:s22] =	ssyncadd.s32 s3;
	_ =	sdelay $0x1  }
0xa1: {  	s23 =	simm.s32 $0x1B8B  }
0xa2: {  	_ =	swait.ge [sflag:s23], $0x1  }
0xa3: {  	[sflag:s23] =	ssyncset.done $0x0  }
0xa4: {  	s25 =	simm.s32 $0x1B8E;
	s24 =	sld [smem:$0x3FFE];
	[sflag:s23] =	ssyncadd.s32 $0xFFFFFFFF  }
0xa5: {  	s26 =	simm.s32 $execute0_lowered;
	[smem:$0x3FD2] =	sst s25  }
0xa6: {  	s4 =	sshll.u32 s26, $0x1;
	_ =	strace $0x8000004C;
	[dreg:$0x1] =	wrdreg $0xFFFFFFFF  }
0xa7: {  	s28 =	simm.s32 $_size_execute0_lowered;
	s2 =	sadd.s32 s2, s4;
	[dreg:$0x0] =	wrdreg $0x0  }
0xa8: {  	s4 =	sshll.u32 s28, $0x1;
	[dreg:$0x2] =	wrdreg s2  }
0xa9: {  	[dreg:$0x3] =	wrdreg s4  }
0xaa: {  	[dreg:$0x4] =	wrdreg $0xC0  }
0xab: {  	_ =	task [dreg:s6], $0x5FFFF  }
0xac: {  	[dreg:$0x1] =	wrdreg $0xFFFFFFFF  }
0xad: {  	[dreg:$0x0] =	wrdreg $0x60  }
0xae: {  	[dreg:$0x2] =	wrdreg s24  }
0xaf: {  	[dreg:$0x3] =	wrdreg $0x0  }
0xb0: {  	[dreg:$0x4] =	wrdreg $0x9  }
0xb1: {  	_ =	task.clear_ibuf [dreg:s6], $0x5FFFF;
	_ =	strace $0x9000004C  }
0xb2: {  	s29 =	simm.s32 $0x9;
	_ =	strace $0x8000004E  }
0xb3: {  	_ =	swait.ge [sflag:s29], $0x1  }
0xb4: {  	[sflag:s29] =	ssyncadd.s32 $0xFFFFFFFF  }
0xb5: {  	_ =	strace $0x9000004E  }
0xb6: {  	_ =	sfence  }
0xb7: {  	s30 =	sld [smem:$0x0];
	_ =	sdelay $0x2  }
0xb8: {  	s31 =	sshll.u32 s1, $0xD;
	s1 =	sshrl.u32 s1, $0x2  }
0xb9: {  	s3 =	sand.u32 $0x4000, s31;
	s1 =	sadd.s32 s1, s30  }
0xba: {  	s0 =	sor.u32 s3, s0;
	s1 =	sshll.u32 s1, $0x11  }
0xbb: {  	s0 =	sor.u32 s1, s0  }
0xbc: {  	s0 =	sadd.s32 $0x8F2B, s0  }
0xbd: {  	[sflag:s0] =	ssyncadd.remote.s32 $0x1  }
0xbe: {  	_ =	sfence.sel $0xFFFF  }
0xbf: {  	[dreg:$0x0] =	wrdreg $0xFFFFFFFF;
	(pc) =	sbr.abs _section_cstart, $3  }
0xc0: {  	[dreg:$0x1] =	wrdreg $0xFFFFFFFF  }
0xc1: {  	_ =	task.clear_ibuf [dreg:s6], $0x2FFFF;
	_ =	strace $0x9FFFFFFF  }
0xc2: {  	(tm) =	ssettm $0x7FFFFFFF  }
0xc3: {  	_ =	shalt  }
tec
execute0_lowered:
.L_overlay_start_1:
0x0: {  	(tag) =	ssettag $0x1  }
0x1: {  	s12 =	stileid.u32  }
0x2: {  	s0 =	rddreg [dreg:$0x0];
	s6 =	smul.u32 $0x14000, s12  }
0x3: {  	s1 =	rddreg [dreg:$0x1];
	s31 =	smul.u32 $0x50000, s12  }
0x4: {  	s2 =	srdreg.scid;
	s10 =	smul.u32 $0x280, s12  }
0x5: {  	s3 =	simm.s32 $0x0;
	s29 =	simm.s32 $0x1E480;
	s11 =	smul.u32 $0x4E20, s12  }
0x6: {  	s4 =	sand.u32 $0x1, s2;
	[smem:$0x7FF] =	sst s3;
	s26 =	smul.u32 $0x9C4, s12  }
0x7: {  	s7 =	sadd.s32 $0xCC00, s0;
	s8 =	sadd.s32 $0x2E00, s0;
	s5 =	smul.u32 $0x140000, s4  }
0x8: {  	_ =	strace $0x8000004D;
	s2 =	smul.u32 $0x2800, s4;
	s9 =	ssub.s32 $0x2, s4  }
0x9: {  	s4 =	sadd.s32 $0x66A00, s0;
	s13 =	sshrl.u32 s9, $0x1;
	s15 =	sshrl.u32 s11, $0x3  }
0xa: {  	s5 =	sadd.s32 s6, s5;
	s6 =	sshrl.u32 s31, $0x2;
	s10 =	sadd.s32 s10, s2  }
0xb: {  	s16 =	sadd.s32 s7, s15;
	s17 =	sadd.s32 s8, s15;
	s18 =	sadd.s32 $0xA, s15  }
0xc: {  	s20 =	sadd.s32 $0x14, s15;
	s22 =	sadd.s32 $0x1E, s15;
	s24 =	sadd.s32 $0x28, s15  }
0xd: {  	v0 =	vmov s2;
	s2 =	simm.s32 $0x0;
	s5 =	sshrl.u32 s5, $0x3;
	[dreg:$0x6] =	wrdreg s16  }
0xe: {  	s6 =	sadd.s32 s6, s1;
	s14 =	sshll.u32 s10, $0x4;
	[dreg:$0x7] =	wrdreg s17  }
0xf: {  	s19 =	sadd.s32 s7, s18;
	s21 =	sadd.s32 s7, s20;
	[dreg:$0x3] =	wrdreg s6  }
0x10: {  	s23 =	sadd.s32 s7, s22;
	s25 =	sadd.s32 s7, s24;
	[dreg:$0x8] =	wrdreg s19  }
0x11: {  	s10 =	simm.s32 $0x19000;
	s16 =	simm.s32 $0xB;
	[dreg:$0xa] =	wrdreg s21  }
0x12: {  	s0 =	sadd.s32 s5, s0;
	s5 =	ssub.s32 s9, s13;
	[dreg:$0xc] =	wrdreg s23  }
0x13: {  	s6 =	sadd.s32 s4, s14;
	s13 =	sshll.u32 s12, $0x6;
	[dreg:$0xe] =	wrdreg s25  }
0x14: {  	s9 =	sadd.s32 s8, s18;
	s21 =	sadd.s32 s26, s7;
	[dreg:$0x4] =	wrdreg s6  }
0x15: {  	s25 =	simm.s32 $0x1E000;
	s12 =	simm.s32 $0x2;
	[dreg:$0x9] =	wrdreg s9  }
0x16: {  	s14 =	simm.s32 $0x3;
	s9 =	sadd.s32 s8, s20;
	[dreg:$0x5] =	wrdreg s13  }
0x17: {  	s6 =	sadd.s32 $0x32, s15;
	s30 =	sor.u32 $0x1C01, s13;
	[dreg:$0xb] =	wrdreg s9  }
0x18: {  	s20 =	sadd.s32 s26, s8;
	s0 =	sadd.s32 $0xB6A00, s0;
	[dreg:$0x12] =	wrdreg s30  }
0x19: {  	s31 =	smax.u32 s5, $0x1;
	s26 =	simm.s32 $0x1E400;
	[dreg:$0x13] =	wrdreg s0  }
.Ltmp0:
0x1a: {  	s9 =	sadd.s32 s8, s22;
	[dreg:$0x14] =	wrdreg s31;
	(pc) =	sbr.rel .LBB2_1-.Ltmp0, $4  }
0x1b: {  	s5 =	simm.s32 $0x50;
	s28 =	sadd.s32 s7, s6;
	[dreg:$0xd] =	wrdreg s9  }
0x1c: {  	s13 =	simm.s32 $0xE;
	s6 =	sadd.s32 s8, s6;
	[dreg:$0x10] =	wrdreg s28  }
0x1d: {  	s15 =	simm.s32 $0x4;
	s9 =	sadd.s32 s8, s24;
	[dreg:$0x11] =	wrdreg s6  }
0x1e: {  	s6 =	simm.s32 $0x14000;
	s8 =	simm.s32 $0x16800;
	[dreg:$0xf] =	wrdreg s9  }
.LBB2_7:
0x1f: {  	[bflag:$0x0] =	sbarrier.arrive $0xFFFF  }
0x20: {  	s0 =	rddreg [dreg:$0x5]  }
0x21: {  	s2 =	rddreg [dreg:$0x13]  }
0x22: {  	s7 =	rddreg [dreg:$0x16];
	s0 =	sor.u32 $0x1C0E, s0  }
0x23: {  	[hbm:s2], [sflag:s0] =	dma.local [spmem:s7], $0x2800  }
0x24: {  	_ =	swait.ge [sflag:s13], $0x2800  }
0x25: {  	s30 =	rddreg [dreg:$0x15]  }
0x26: {  	s31 =	rddreg [dreg:$0x14];
	s2 =	sadd.s32 $0x1, s30  }
0x27: {  	p0 =	sne.s32 s2, s31  }
.Ltmp1:
0x28: {  	_ = 	snop;
	(pc) =	sbr.rel @!p0 .LBB2_8-.Ltmp1, $3  }
0x29: {  	_ =	sdelay $0x1  }
0x2a: {  	[sflag:s13] =	ssyncset.done $0x0  }
0x2b: {  	[sflag:s13] =	ssyncadd.s32 $0xFFFFD800  }
.LBB2_1:
0x2c: {  	[dreg:$0x15] =	wrdreg s2  }
0x2d: {  	s0 =	rddreg [dreg:$0x3]  }
0x2e: {  	s30 =	rddreg [dreg:$0x4]  }
0x2f: {  	s31 =	rddreg [dreg:$0x12];
	s7 =	sshrl.u32 s0, $0x3  }
0x30: {  	[dreg:$0x16] =	wrdreg s7  }
0x31: {  	[spmem:s7], [sflag:s31] =	dma.local [hbm:s30], $0x2800  }
0x32: {  	s0 =	rddreg [dreg:$0x6]  }
0x33: {  	[tilespmem:s25], [sflag:$0x6] =	stream.linear.gather [hbm4b:s0+s3], $0x50, $0x38;
	[tilespmem:$0x1E800] =	vst v63  }
0x34: {  	s7 =	rddreg [dreg:$0x7]  }
0x35: {  	[tilespmem:s26], [sflag:$0x6] =	stream.linear.gather [hbm4b:s7+s3], $0x50, $0x38;
	[tilespmem:$0x1E800] =	vst v63  }
0x36: {  	s2 =	simm.s32 $0x1E080;
	s9 =	rddreg [dreg:$0x8]  }
0x37: {  	[tilespmem:s2], [sflag:$0x7] =	stream.linear.gather [hbm4b:s9+s3], $0x50, $0x38;
	[tilespmem:$0x1E800] =	vst v63  }
0x38: {  	s11 =	rddreg [dreg:$0x9]  }
0x39: {  	[tilespmem:s29], [sflag:$0x7] =	stream.linear.gather [hbm4b:s11+s3], $0x50, $0x38;
	[tilespmem:$0x1E800] =	vst v63  }
0x3a: {  	s17 =	rddreg [dreg:$0xa];
	s7 =	simm.s32 $0x1E100  }
0x3b: {  	[tilespmem:s7], [sflag:$0x8] =	stream.linear.gather [hbm4b:s17+s3], $0x50, $0x38;
	[tilespmem:$0x1E800] =	vst v63  }
0x3c: {  	s18 =	rddreg [dreg:$0xb];
	s9 =	simm.s32 $0x1E500  }
0x3d: {  	[tilespmem:s9], [sflag:$0x8] =	stream.linear.gather [hbm4b:s18+s3], $0x50, $0x38;
	[tilespmem:$0x1E800] =	vst v63  }
0x3e: {  	s22 =	simm.s32 $0x1E180;
	s19 =	rddreg [dreg:$0xc]  }
0x3f: {  	[tilespmem:s22], [sflag:$0x9] =	stream.linear.gather [hbm4b:s19+s3], $0x50, $0x38;
	[tilespmem:$0x1E800] =	vst v63  }
0x40: {  	s24 =	simm.s32 $0x1E580;
	s23 =	rddreg [dreg:$0xd]  }
0x41: {  	[tilespmem:s24], [sflag:$0x9] =	stream.linear.gather [hbm4b:s23+s3], $0x50, $0x38;
	[tilespmem:$0x1E800] =	vst v63  }
0x42: {  	s31 =	simm.s32 $0x1E200;
	s30 =	rddreg [dreg:$0xe]  }
0x43: {  	[tilespmem:s31], [sflag:$0xA] =	stream.linear.gather [hbm4b:s30+s3], $0x50, $0x38;
	[tilespmem:$0x1E800] =	vst v63  }
0x44: {  	s11 =	rddreg [dreg:$0xf];
	s17 =	simm.s32 $0x1E600  }
0x45: {  	[tilespmem:s17], [sflag:$0xA] =	stream.linear.gather [hbm4b:s11+s3], $0x50, $0x38;
	[tilespmem:$0x1E800] =	vst v63  }
0x46: {  	s18 =	rddreg [dreg:$0x10];
	s19 =	simm.s32 $0x1E280  }
0x47: {  	[tilespmem:s19], [sflag:$0xB] =	stream.linear.gather [hbm4b:s18+s3], $0x50, $0x38;
	[tilespmem:$0x1E800] =	vst v63  }
0x48: {  	s22 =	rddreg [dreg:$0x11];
	s23 =	simm.s32 $0x1E680;
	s24 =	simm.s32 $0x6  }
0x49: {  	[tilespmem:s23], [sflag:$0xB] =	stream.linear.gather [hbm4b:s22+s3], $0x50, $0x38;
	[tilespmem:$0x1E800] =	vst v63  }
0x4a: {  	_ =	swait.ge [sflag:s24], $0x50  }
0x4b: {  	[sflag:s24] =	ssyncset.done $0x0  }
0x4c: {  	[sflag:s24] =	ssyncadd.s32 $0xFFFFFFB0  }
0x4d: {  	_ =	swait.ge [sflag:s24], $0x50  }
0x4e: {  	[sflag:s24] =	ssyncset.done $0x0  }
0x4f: {  	[sflag:s24] =	ssyncadd.s32 $0xFFFFFFB0  }
0x50: {  	v1 =	vld [tilespmem:$0x1E000]  }
0x51: {  	v2 =	vld [tilespmem:$0x1E010]  }
0x52: {  	v3 =	vld [tilespmem:$0x1E020]  }
0x53: {  	v4 =	vld [tilespmem:$0x1E030]  }
0x54: {  	v5 =	vld [tilespmem:$0x1E040]  }
0x55: {  	v1 =	vadd.s32 v0, v1  }
0x56: {  	[tilespmem:$0x1E000] =	vst v1;
	v1 =	vadd.s32 v0, v2  }
0x57: {  	[tilespmem:$0x1E010] =	vst v1;
	v1 =	vadd.s32 v0, v3  }
0x58: {  	[tilespmem:$0x1E020] =	vst v1;
	v1 =	vadd.s32 v0, v4  }
0x59: {  	[tilespmem:$0x1E030] =	vst v1;
	v1 =	vadd.s32 v0, v5  }
0x5a: {  	s18 =	simm.s32 $0x7;
	[tilespmem:$0x1E040] =	vst v1  }
0x5b: {  	[tilespmem:s6], [sflag:$0x2] =	stream.indirect.gather [hbm4b:s4+s5], $0x80, s25, s5, $0xb8;
	[tilespmem:$0x1E800] =	vst v63  }
0x5c: {  	_ =	swait.ge [sflag:s18], $0x50  }
0x5d: {  	[sflag:s18] =	ssyncset.done $0x0  }
0x5e: {  	[sflag:s18] =	ssyncadd.s32 $0xFFFFFFB0  }
0x5f: {  	_ =	swait.ge [sflag:s18], $0x50  }
0x60: {  	[sflag:s18] =	ssyncset.done $0x0  }
0x61: {  	[sflag:s18] =	ssyncadd.s32 $0xFFFFFFB0  }
0x62: {  	v1 =	vld [tilespmem:$0x1E080]  }
0x63: {  	v2 =	vld [tilespmem:$0x1E090]  }
0x64: {  	v3 =	vld [tilespmem:$0x1E0A0]  }
0x65: {  	v60 =	vld [tilespmem:$0x1E0B0]  }
0x66: {  	v61 =	vld [tilespmem:$0x1E0C0]  }
0x67: {  	v1 =	vadd.s32 v0, v1  }
0x68: {  	[tilespmem:$0x1E080] =	vst v1;
	v1 =	vadd.s32 v0, v2  }
0x69: {  	[tilespmem:$0x1E090] =	vst v1;
	v1 =	vadd.s32 v0, v3  }
0x6a: {  	[tilespmem:$0x1E0A0] =	vst v1;
	v1 =	vadd.s32 v0, v60  }
0x6b: {  	[tilespmem:$0x1E0B0] =	vst v1;
	v1 =	vadd.s32 v0, v61  }
0x6c: {  	s30 =	simm.s32 $0x8;
	[tilespmem:$0x1E0C0] =	vst v1  }
0x6d: {  	[tilespmem:s8], [sflag:$0x3] =	stream.indirect.gather [hbm4b:s4+s5], $0x80, s2, s5, $0xb8;
	[tilespmem:$0x1E800] =	vst v63  }
0x6e: {  	_ =	swait.ge [sflag:s30], $0x50  }
0x6f: {  	[sflag:s30] =	ssyncset.done $0x0  }
0x70: {  	[sflag:s30] =	ssyncadd.s32 $0xFFFFFFB0  }
0x71: {  	_ =	swait.ge [sflag:s30], $0x50  }
0x72: {  	[sflag:s30] =	ssyncset.done $0x0  }
0x73: {  	[sflag:s30] =	ssyncadd.s32 $0xFFFFFFB0  }
0x74: {  	v1 =	vld [tilespmem:$0x1E100]  }
0x75: {  	v2 =	vld [tilespmem:$0x1E110]  }
0x76: {  	v3 =	vld [tilespmem:$0x1E120]  }
0x77: {  	v62 =	vld [tilespmem:$0x1E130]  }
0x78: {  	v63 =	vld [tilespmem:$0x1E140]  }
0x79: {  	v1 =	vadd.s32 v0, v1  }
0x7a: {  	[tilespmem:$0x1E100] =	vst v1;
	v1 =	vadd.s32 v0, v2  }
0x7b: {  	[tilespmem:$0x1E110] =	vst v1;
	v1 =	vadd.s32 v0, v3  }
0x7c: {  	[tilespmem:$0x1E120] =	vst v1;
	v1 =	vadd.s32 v0, v62  }
0x7d: {  	[tilespmem:$0x1E130] =	vst v1;
	v1 =	vadd.s32 v0, v63  }
0x7e: {  	s31 =	simm.s32 $0x1;
	[tilespmem:$0x1E140] =	vst v1  }
0x7f: {  	[tilespmem:s10], [sflag:$0x4] =	stream.indirect.gather [hbm4b:s4+s5], $0x80, s7, s5, $0xb8;
	[tilespmem:$0x1E800] =	vst v63  }
.Ltmp2:
0x80: {  	_ =	swait.ge [sflag:s31], $0x2800;
	(pc) =	sbr.rel .LBB2_2-.Ltmp2, $4  }
0x81: {  	[sflag:s31] =	ssyncset.done $0x0  }
0x82: {  	[sflag:s31] =	ssyncadd.s32 $0xFFFFD800  }
0x83: {  	[bflag:$0x0] =	sbarrier.arrive $0xFFFF  }
0x84: {  	s28 =	simm.s32 $0x0;
	s19 =	simm.s32 $0x0  }
.LBB2_3:
0x85: {  	_ =	swait.ge [sflag:s15], $0x2800  }
0x86: {  	[sflag:s15] =	ssyncset.done $0x0  }
0x87: {  	[sflag:s15] =	ssyncadd.s32 $0xFFFFD800  }
0x88: {  	_ =	swait.ge [sflag:s16], $0x50  }
0x89: {  	[sflag:s16] =	ssyncset.done $0x0  }
0x8a: {  	[sflag:s16] =	ssyncadd.s32 $0xFFFFFFB0  }
0x8b: {  	_ =	swait.ge [sflag:s16], $0x50  }
0x8c: {  	[sflag:s16] =	ssyncset.done $0x0  }
0x8d: {  	[sflag:s16] =	ssyncadd.s32 $0xFFFFFFB0  }
0x8e: {  	v1 =	vld [tilespmem:$0x1E280]  }
0x8f: {  	v2 =	vld [tilespmem:$0x1E290]  }
0x90: {  	v3 =	vld [tilespmem:$0x1E2A0]  }
0x91: {  	v4 =	vld [tilespmem:$0x1E2B0]  }
0x92: {  	v5 =	vld [tilespmem:$0x1E2C0]  }
0x93: {  	v1 =	vadd.s32 v0, v1  }
0x94: {  	[tilespmem:$0x1E280] =	vst v1;
	v1 =	vadd.s32 v0, v2  }
0x95: {  	[tilespmem:$0x1E290] =	vst v1;
	v1 =	vadd.s32 v0, v3  }
0x96: {  	[tilespmem:$0x1E2A0] =	vst v1;
	v1 =	vadd.s32 v0, v4  }
0x97: {  	[tilespmem:$0x1E2B0] =	vst v1;
	v1 =	vadd.s32 v0, v5  }
0x98: {  	s0 =	simm.s32 $0x1E280;
	[tilespmem:$0x1E2C0] =	vst v1  }
0x99: {  	[tilespmem:s8], [sflag:$0x3] =	stream.indirect.gather [hbm4b:s4+s5], $0x80, s0, s5, $0xb8;
	[tilespmem:$0x1E800] =	vst v63  }
0x9a: {  	s31 =	simm.s32 $0x1E500  }
0x9b: {  	[spmem:s1] =	stream.indirect.scatter.add.f32 [tilespmem:s10], [sflag:$0xE], $0x80, s31, s5, $0xb8;
	[tilespmem:$0x1E800] =	vst v63  }
0x9c: {  	_ =	swait.ge [sflag:s13], $0x2800  }
0x9d: {  	[sflag:s13] =	ssyncset.done $0x0  }
0x9e: {  	[sflag:s13] =	ssyncadd.s32 $0xFFFFD800  }
.LBB2_5:
0x9f: {  	s2 =	sadd.s32 s19, s21  }
0xa0: {  	s31 =	sadd.s32 s19, s20;
	s2 =	sadd.s32 $0x50, s2  }
0xa1: {  	[tilespmem:s25], [sflag:$0x6] =	stream.linear.gather [hbm4b:s2+s3], $0x50, $0x38;
	[tilespmem:$0x1E800] =	vst v63  }
0xa2: {  	s2 =	sadd.s32 $0x50, s31  }
0xa3: {  	[tilespmem:s26], [sflag:$0x6] =	stream.linear.gather [hbm4b:s2+s3], $0x50, $0x38;
	[tilespmem:$0x1E800] =	vst v63  }
0xa4: {  	s2 =	simm.s32 @!p2 $0x5  }
0xa5: {  	_ =	swait.ge @!p2 [sflag:s2], $0x2800  }
0xa6: {  	p4 =	por @!p2 $0x0, $0x0;
	p3 =	por $0x0, $0x0;
	[sflag:s2] =	ssyncset.done @!p2 $0x0  }
0xa7: {  	p3 =	por @!p2 p4, p4;
	[sflag:s2] =	ssyncadd.s32 @!p2 $0xFFFFD800  }
.LBB2_6:
0xa8: {  	s2 =	simm.s32 @!p0 $0xC  }
0xa9: {  	_ =	swait.ge @!p0 [sflag:s2], $0x50  }
0xaa: {  	[sflag:s2] =	ssyncset.done @!p0 $0x0  }
0xab: {  	[sflag:s2] =	ssyncadd.s32 @!p0 $0xFFFFFFB0  }
0xac: {  	_ =	swait.ge @!p0 [sflag:s2], $0x50  }
0xad: {  	[sflag:s2] =	ssyncset.done @!p0 $0x0  }
0xae: {  	[sflag:s2] =	ssyncadd.s32 @!p0 $0xFFFFFFB0  }
0xaf: {  	v1 =	vld @!p0 [tilespmem:$0x1E300]  }
0xb0: {  	v2 =	vld @!p0 [tilespmem:$0x1E310]  }
0xb1: {  	v3 =	vld @!p0 [tilespmem:$0x1E320]  }
0xb2: {  	v4 =	vld @!p0 [tilespmem:$0x1E330]  }
0xb3: {  	v5 =	vld @!p0 [tilespmem:$0x1E340]  }
0xb4: {  	v1 =	vadd.s32 @!p0 v0, v1  }
0xb5: {  	[tilespmem:$0x1E300] =	vst @!p0 v1;
	v1 =	vadd.s32 @!p0 v0, v2  }
0xb6: {  	[tilespmem:$0x1E310] =	vst @!p0 v1;
	v1 =	vadd.s32 @!p0 v0, v3  }
0xb7: {  	[tilespmem:$0x1E320] =	vst @!p0 v1;
	v1 =	vadd.s32 @!p0 v0, v4  }
0xb8: {  	[tilespmem:$0x1E330] =	vst @!p0 v1;
	v1 =	vadd.s32 @!p0 v0, v5  }
0xb9: {  	s30 =	simm.s32 @!p0 $0x50;
	s22 =	simm.s32 @!p0 $0x19000;
	s2 =	simm.s32 @!p0 $0x1E300;
	[tilespmem:$0x1E340] =	vst @!p0 v1  }
0xba: {  	[tilespmem:s22], [sflag:$0x4] =	stream.indirect.gather @!p0 [hbm4b:s4+s30], $0x80, s2, s30, $0xb8;
	[tilespmem:$0x1E800] =	vst v63  }
0xbb: {  	s9 =	simm.s32 @!p2 $0x50;
	s11 =	simm.s32 @!p2 $0x1B800;
	s2 =	simm.s32 @!p2 $0x1E580  }
0xbc: {  	[spmem:s1] =	stream.indirect.scatter.add.f32 @!p2 [tilespmem:s11], [sflag:$0xE], $0x80, s2, s9, $0xb8;
	[tilespmem:$0x1E800] =	vst v63  }
0xbd: {  	s2 =	simm.s32 @!p2 $0xE  }
0xbe: {  	_ =	swait.ge @!p2 [sflag:s2], $0x2800  }
0xbf: {  	s23 =	simm.s32 @!p3 $0x0;
	s11 =	sadd.s32 @!p3 s19, s21;
	[sflag:s2] =	ssyncset.done @!p2 $0x0  }
0xc0: {  	s17 =	sadd.s32 @!p3 $0x5A, s11;
	s11 =	simm.s32 @!p3 $0x1E080;
	[sflag:s2] =	ssyncadd.s32 @!p2 $0xFFFFD800  }
0xc1: {  	[tilespmem:s11], [sflag:$0x7] =	stream.linear.gather @!p3 [hbm4b:s17+s23], $0x50, $0x38;
	[tilespmem:$0x1E800] =	vst v63  }
0xc2: {  	s17 =	sadd.s32 @!p3 s19, s20  }
0xc3: {  	s24 =	simm.s32 @!p3 $0x1E480;
	s17 =	sadd.s32 @!p3 $0x5A, s17  }
0xc4: {  	[tilespmem:s24], [sflag:$0x7] =	stream.linear.gather @!p3 [hbm4b:s17+s23], $0x50, $0x38;
	[tilespmem:$0x1E800] =	vst v63  }
0xc5: {  	s17 =	simm.s32 @!p2 $0x2  }
0xc6: {  	_ =	swait.ge @!p2 [sflag:s17], $0x2800  }
0xc7: {  	[sflag:s17] =	ssyncset.done @!p2 $0x0  }
0xc8: {  	[sflag:s17] =	ssyncadd.s32 @!p2 $0xFFFFD800;
	s17 =	simm.s32 @!p1 $0xD  }
0xc9: {  	_ =	swait.ge @!p1 [sflag:s17], $0x50  }
0xca: {  	[sflag:s17] =	ssyncset.done @!p1 $0x0  }
0xcb: {  	[sflag:s17] =	ssyncadd.s32 @!p1 $0xFFFFFFB0  }
0xcc: {  	_ =	swait.ge @!p1 [sflag:s17], $0x50  }
0xcd: {  	[sflag:s17] =	ssyncset.done @!p1 $0x0  }
0xce: {  	[sflag:s17] =	ssyncadd.s32 @!p1 $0xFFFFFFB0  }
0xcf: {  	v1 =	vld @!p1 [tilespmem:$0x1E380]  }
0xd0: {  	v2 =	vld @!p1 [tilespmem:$0x1E390]  }
0xd1: {  	v3 =	vld @!p1 [tilespmem:$0x1E3A0]  }
0xd2: {  	v4 =	vld @!p1 [tilespmem:$0x1E3B0]  }
0xd3: {  	v5 =	vld @!p1 [tilespmem:$0x1E3C0]  }
0xd4: {  	v1 =	vadd.s32 @!p1 v0, v1  }
0xd5: {  	[tilespmem:$0x1E380] =	vst @!p1 v1;
	v1 =	vadd.s32 @!p1 v0, v2  }
0xd6: {  	[tilespmem:$0x1E390] =	vst @!p1 v1;
	v1 =	vadd.s32 @!p1 v0, v3  }
0xd7: {  	[tilespmem:$0x1E3A0] =	vst @!p1 v1;
	v1 =	vadd.s32 @!p1 v0, v4  }
0xd8: {  	[tilespmem:$0x1E3B0] =	vst @!p1 v1;
	v1 =	vadd.s32 @!p1 v0, v5  }
0xd9: {  	s23 =	simm.s32 @!p1 $0x50;
	s24 =	simm.s32 @!p1 $0x1B800;
	s17 =	simm.s32 @!p1 $0x1E380;
	[tilespmem:$0x1E3C0] =	vst @!p1 v1  }
0xda: {  	[tilespmem:s24], [sflag:$0x5] =	stream.indirect.gather @!p1 [hbm4b:s4+s23], $0x80, s17, s23, $0xb8;
	[tilespmem:$0x1E800] =	vst v63  }
0xdb: {  	s7 =	simm.s32 @!p2 $0x14000;
	p4 =	seq.s32 @!p2 s19, $0x960;
	s17 =	simm.s32 @!p2 $0x1E600  }
0xdc: {  	[spmem:s1] =	stream.indirect.scatter.add.f32 @!p2 [tilespmem:s7], [sflag:$0xE], $0x80, s17, s9, $0xb8;
	[tilespmem:$0x1E800] =	vst v63  }
0xdd: {  	p4 =	por p4, p2;
	_ =	swait.ge @!p2 [sflag:s2], $0x2800  }
0xde: {  	s31 =	simm.s32 @!p4 $0x1E100;
	s7 =	sadd.s32 @!p4 s19, s21;
	[sflag:s2] =	ssyncset.done @!p2 $0x0  }
0xdf: {  	s17 =	simm.s32 @!p4 $0x0;
	s7 =	sadd.s32 @!p4 $0x64, s7;
	[sflag:s2] =	ssyncadd.s32 @!p2 $0xFFFFD800  }
0xe0: {  	[tilespmem:s31], [sflag:$0x8] =	stream.linear.gather @!p4 [hbm4b:s7+s17], $0x50, $0x38;
	[tilespmem:$0x1E800] =	vst v63  }
0xe1: {  	s7 =	sadd.s32 @!p4 s19, s20  }
0xe2: {  	s31 =	simm.s32 @!p4 $0x1E500;
	s7 =	sadd.s32 @!p4 $0x64, s7  }
0xe3: {  	[tilespmem:s31], [sflag:$0x8] =	stream.linear.gather @!p4 [hbm4b:s7+s17], $0x50, $0x38;
	[tilespmem:$0x1E800] =	vst v63  }
0xe4: {  	s7 =	simm.s32 @!p2 $0x3  }
0xe5: {  	_ =	swait.ge @!p2 [sflag:s7], $0x2800  }
0xe6: {  	[sflag:s7] =	ssyncset.done @!p2 $0x0  }
0xe7: {  	[sflag:s7] =	ssyncadd.s32 @!p2 $0xFFFFD800;
	s7 =	simm.s32 @!p3 $0x6  }
0xe8: {  	_ =	swait.ge @!p3 [sflag:s7], $0x50  }
0xe9: {  	[sflag:s7] =	ssyncset.done @!p3 $0x0  }
0xea: {  	[sflag:s7] =	ssyncadd.s32 @!p3 $0xFFFFFFB0  }
0xeb: {  	_ =	swait.ge @!p3 [sflag:s7], $0x50  }
0xec: {  	[sflag:s7] =	ssyncset.done @!p3 $0x0  }
0xed: {  	[sflag:s7] =	ssyncadd.s32 @!p3 $0xFFFFFFB0  }
0xee: {  	v1 =	vld @!p3 [tilespmem:$0x1E000]  }
0xef: {  	v2 =	vld @!p3 [tilespmem:$0x1E010]  }
0xf0: {  	v3 =	vld @!p3 [tilespmem:$0x1E020]  }
0xf1: {  	v4 =	vld @!p3 [tilespmem:$0x1E030]  }
0xf2: {  	v5 =	vld @!p3 [tilespmem:$0x1E040]  }
0xf3: {  	v1 =	vadd.s32 @!p3 v0, v1  }
0xf4: {  	[tilespmem:$0x1E000] =	vst @!p3 v1;
	v1 =	vadd.s32 @!p3 v0, v2  }
0xf5: {  	[tilespmem:$0x1E010] =	vst @!p3 v1;
	v1 =	vadd.s32 @!p3 v0, v3  }
0xf6: {  	[tilespmem:$0x1E020] =	vst @!p3 v1;
	v1 =	vadd.s32 @!p3 v0, v4  }
0xf7: {  	p5 =	sne.s32 @!p2 s19, $0x960;
	[tilespmem:$0x1E030] =	vst @!p3 v1;
	v1 =	vadd.s32 @!p3 v0, v5  }
0xf8: {  	s17 =	simm.s32 @!p3 $0x1E000;
	s31 =	simm.s32 @!p3 $0x14000;
	s7 =	simm.s32 @!p3 $0x50;
	[tilespmem:$0x1E040] =	vst @!p3 v1  }
0xf9: {  	[tilespmem:s31], [sflag:$0x2] =	stream.indirect.gather @!p3 [hbm4b:s4+s7], $0x80, s17, s7, $0xb8;
	[tilespmem:$0x1E800] =	vst v63  }
0xfa: {  	p4 =	por $0x0, $0x0;
	s17 =	simm.s32 @!p2 $0x1E680;
	s31 =	simm.s32 @!p2 $0x16800  }
0xfb: {  	[spmem:s1] =	stream.indirect.scatter.add.f32 @!p2 [tilespmem:s31], [sflag:$0xE], $0x80, s17, s9, $0xb8;
	[tilespmem:$0x1E800] =	vst v63  }
0xfc: {  	p4 =	por @!p2 p5, p5;
	_ =	swait.ge @!p2 [sflag:s2], $0x2800  }
0xfd: {  	s9 =	sadd.s32 @p4 s19, s21;
	s31 =	simm.s32 @p4 $0x1E180;
	[sflag:s2] =	ssyncset.done @!p2 $0x0  }
0xfe: {  	s17 =	sadd.s32 @p4 $0x6E, s9;
	[sflag:s2] =	ssyncadd.s32 @!p2 $0xFFFFD800;
	s2 =	simm.s32 @p4 $0x0  }
0xff: {  	[tilespmem:s31], [sflag:$0x9] =	stream.linear.gather @p4 [hbm4b:s17+s2], $0x50, $0x38;
	[tilespmem:$0x1E800] =	vst v63  }
0x100: {  	s17 =	sadd.s32 @p4 s19, s20  }
0x101: {  	s0 =	simm.s32 @p4 $0x1E580;
	s31 =	sadd.s32 @p4 $0x6E, s17  }
0x102: {  	[tilespmem:s0], [sflag:$0x9] =	stream.linear.gather @p4 [hbm4b:s31+s2], $0x50, $0x38;
	[tilespmem:$0x1E800] =	vst v63  }
0x103: {  	s0 =	simm.s32 @!p0 $0x4  }
0x104: {  	_ =	swait.ge @!p0 [sflag:s0], $0x2800  }
0x105: {  	[sflag:s0] =	ssyncset.done @!p0 $0x0  }
0x106: {  	[sflag:s0] =	ssyncadd.s32 @!p0 $0xFFFFD800;
	s0 =	simm.s32 @!p3 $0x7  }
0x107: {  	_ =	swait.ge @!p3 [sflag:s0], $0x50  }
0x108: {  	[sflag:s0] =	ssyncset.done @!p3 $0x0  }
0x109: {  	[sflag:s0] =	ssyncadd.s32 @!p3 $0xFFFFFFB0  }
0x10a: {  	_ =	swait.ge @!p3 [sflag:s0], $0x50  }
0x10b: {  	[sflag:s0] =	ssyncset.done @!p3 $0x0  }
0x10c: {  	[sflag:s0] =	ssyncadd.s32 @!p3 $0xFFFFFFB0  }
0x10d: {  	v1 =	vld @!p3 [tilespmem:$0x1E080]  }
0x10e: {  	v2 =	vld @!p3 [tilespmem:$0x1E090]  }
0x10f: {  	v3 =	vld @!p3 [tilespmem:$0x1E0A0]  }
0x110: {  	v4 =	vld @!p3 [tilespmem:$0x1E0B0]  }
0x111: {  	v5 =	vld @!p3 [tilespmem:$0x1E0C0]  }
0x112: {  	v1 =	vadd.s32 @!p3 v0, v1  }
0x113: {  	[tilespmem:$0x1E080] =	vst @!p3 v1;
	v1 =	vadd.s32 @!p3 v0, v2  }
0x114: {  	[tilespmem:$0x1E090] =	vst @!p3 v1;
	v1 =	vadd.s32 @!p3 v0, v3  }
0x115: {  	[tilespmem:$0x1E0A0] =	vst @!p3 v1;
	v1 =	vadd.s32 @!p3 v0, v4  }
0x116: {  	[tilespmem:$0x1E0B0] =	vst @!p3 v1;
	v1 =	vadd.s32 @!p3 v0, v5  }
0x117: {  	s0 =	simm.s32 @!p3 $0x16800;
	[tilespmem:$0x1E0C0] =	vst @!p3 v1  }
0x118: {  	[tilespmem:s0], [sflag:$0x3] =	stream.indirect.gather @!p3 [hbm4b:s4+s7], $0x80, s11, s7, $0xb8;
	[tilespmem:$0x1E800] =	vst v63  }
0x119: {  	s0 =	simm.s32 @!p0 $0x1E700  }
0x11a: {  	[spmem:s1] =	stream.indirect.scatter.add.f32 @!p0 [tilespmem:s22], [sflag:$0xE], $0x80, s0, s30, $0xb8;
	[tilespmem:$0x1E800] =	vst v63  }
0x11b: {  	s0 =	simm.s32 @!p0 $0xE  }
0x11c: {  	_ =	swait.ge @!p0 [sflag:s0], $0x2800  }
0x11d: {  	[sflag:s0] =	ssyncset.done @!p0 $0x0  }
0x11e: {  	s7 =	simm.s32 @p4 $0x1E200;
	[sflag:s0] =	ssyncadd.s32 @!p0 $0xFFFFD800;
	s0 =	sadd.s32 @p4 $0x78, s9  }
0x11f: {  	[tilespmem:s7], [sflag:$0xA] =	stream.linear.gather @p4 [hbm4b:s0+s2], $0x50, $0x38;
	[tilespmem:$0x1E800] =	vst v63  }
0x120: {  	s0 =	sadd.s32 @p4 $0x78, s17;
	s7 =	simm.s32 @p4 $0x1E600  }
0x121: {  	[tilespmem:s7], [sflag:$0xA] =	stream.linear.gather @p4 [hbm4b:s0+s2], $0x50, $0x38;
	[tilespmem:$0x1E800] =	vst v63  }
0x122: {  	s0 =	simm.s32 @!p1 $0x5  }
0x123: {  	_ =	swait.ge @!p1 [sflag:s0], $0x2800  }
0x124: {  	[sflag:s0] =	ssyncset.done @!p1 $0x0  }
0x125: {  	[sflag:s0] =	ssyncadd.s32 @!p1 $0xFFFFD800;
	s0 =	simm.s32 @p4 $0x8  }
0x126: {  	_ =	swait.ge @p4 [sflag:s0], $0x50  }
0x127: {  	[sflag:s0] =	ssyncset.done @p4 $0x0  }
0x128: {  	[sflag:s0] =	ssyncadd.s32 @p4 $0xFFFFFFB0  }
0x129: {  	_ =	swait.ge @p4 [sflag:s0], $0x50  }
0x12a: {  	[sflag:s0] =	ssyncset.done @p4 $0x0  }
0x12b: {  	[sflag:s0] =	ssyncadd.s32 @p4 $0xFFFFFFB0  }
0x12c: {  	v1 =	vld @p4 [tilespmem:$0x1E100]  }
0x12d: {  	v2 =	vld @p4 [tilespmem:$0x1E110]  }
0x12e: {  	v3 =	vld @p4 [tilespmem:$0x1E120]  }
0x12f: {  	v4 =	vld @p4 [tilespmem:$0x1E130]  }
0x130: {  	v5 =	vld @p4 [tilespmem:$0x1E140]  }
0x131: {  	v1 =	vadd.s32 @p4 v0, v1  }
0x132: {  	[tilespmem:$0x1E100] =	vst @p4 v1;
	v1 =	vadd.s32 @p4 v0, v2  }
0x133: {  	[tilespmem:$0x1E110] =	vst @p4 v1;
	v1 =	vadd.s32 @p4 v0, v3  }
0x134: {  	[tilespmem:$0x1E120] =	vst @p4 v1;
	v1 =	vadd.s32 @p4 v0, v4  }
0x135: {  	[tilespmem:$0x1E130] =	vst @p4 v1;
	v1 =	vadd.s32 @p4 v0, v5  }
0x136: {  	s11 =	simm.s32 @p4 $0x19000;
	s7 =	simm.s32 @p4 $0x1E100;
	s0 =	simm.s32 @p4 $0x50;
	[tilespmem:$0x1E140] =	vst @p4 v1  }
0x137: {  	[tilespmem:s11], [sflag:$0x4] =	stream.indirect.gather @p4 [hbm4b:s4+s0], $0x80, s7, s0, $0xb8;
	[tilespmem:$0x1E800] =	vst v63  }
0x138: {  	s0 =	simm.s32 @!p1 $0x1E780  }
0x139: {  	[spmem:s1] =	stream.indirect.scatter.add.f32 @!p1 [tilespmem:s24], [sflag:$0xE], $0x80, s0, s23, $0xb8;
	[tilespmem:$0x1E800] =	vst v63  }
0x13a: {  	s19 =	sadd.s32 $0x50, s19;
	s0 =	simm.s32 @!p1 $0xE  }
0x13b: {  	p0 =	sne.s32 s19, $0xA00;
	_ =	swait.ge @!p1 [sflag:s0], $0x2800  }
.Ltmp3:
0x13c: {  	s28 =	sadd.s32 $0x1, s28;
	[sflag:s0] =	ssyncset.done @!p1 $0x0;
	(pc) =	sbr.rel @!p0 .LBB2_7-.Ltmp3, $4  }
0x13d: {  	s7 =	simm.s32 @p4 $0x1E280;
	[sflag:s0] =	ssyncadd.s32 @!p1 $0xFFFFD800;
	s0 =	sadd.s32 @p4 $0x82, s9  }
0x13e: {  	[tilespmem:s7], [sflag:$0xB] =	stream.linear.gather @p4 [hbm4b:s0+s2], $0x50, $0x38;
	[tilespmem:$0x1E800] =	vst v63  }
0x13f: {  	s18 =	sadd.s32 $0x8, s18;
	s0 =	sadd.s32 @p4 $0x82, s17;
	s7 =	simm.s32 @p4 $0x1E680  }
0x140: {  	[tilespmem:s7], [sflag:$0xB] =	stream.linear.gather @p4 [hbm4b:s0+s2], $0x50, $0x38;
	[tilespmem:$0x1E800] =	vst v63  }
.LBB2_2:
0x141: {  	_ =	swait.ge [sflag:s12], $0x2800  }
0x142: {  	p2 =	sgt.u32 s28, $0x1E;
	[sflag:s12] =	ssyncset.done $0x0  }
0x143: {  	s2 =	simm.s32 @!p2 $0x9;
	[sflag:s12] =	ssyncadd.s32 $0xFFFFD800  }
0x144: {  	_ =	swait.ge @!p2 [sflag:s2], $0x50  }
0x145: {  	[sflag:s2] =	ssyncset.done @!p2 $0x0  }
0x146: {  	[sflag:s2] =	ssyncadd.s32 @!p2 $0xFFFFFFB0  }
0x147: {  	_ =	swait.ge @!p2 [sflag:s2], $0x50  }
0x148: {  	[sflag:s2] =	ssyncset.done @!p2 $0x0  }
0x149: {  	[sflag:s2] =	ssyncadd.s32 @!p2 $0xFFFFFFB0  }
0x14a: {  	v1 =	vld @!p2 [tilespmem:$0x1E180]  }
0x14b: {  	v2 =	vld @!p2 [tilespmem:$0x1E190]  }
0x14c: {  	v3 =	vld @!p2 [tilespmem:$0x1E1A0]  }
0x14d: {  	v4 =	vld @!p2 [tilespmem:$0x1E1B0]  }
0x14e: {  	v5 =	vld @!p2 [tilespmem:$0x1E1C0]  }
0x14f: {  	v1 =	vadd.s32 @!p2 v0, v1  }
0x150: {  	[tilespmem:$0x1E180] =	vst @!p2 v1;
	v1 =	vadd.s32 @!p2 v0, v2  }
0x151: {  	[tilespmem:$0x1E190] =	vst @!p2 v1;
	v1 =	vadd.s32 @!p2 v0, v3  }
0x152: {  	[tilespmem:$0x1E1A0] =	vst @!p2 v1;
	v1 =	vadd.s32 @!p2 v0, v4  }
0x153: {  	[tilespmem:$0x1E1B0] =	vst @!p2 v1;
	v1 =	vadd.s32 @!p2 v0, v5  }
0x154: {  	s9 =	simm.s32 @!p2 $0x1E180;
	s11 =	simm.s32 @!p2 $0x1B800;
	s2 =	simm.s32 @!p2 $0x50;
	[tilespmem:$0x1E1C0] =	vst @!p2 v1  }
0x155: {  	[tilespmem:s11], [sflag:$0x5] =	stream.indirect.gather @!p2 [hbm4b:s4+s2], $0x80, s9, s2, $0xb8;
	[tilespmem:$0x1E800] =	vst v63  }
0x156: {  	s31 =	sadd.s32 $0xFFFFFFFF, s18  }
0x157: {  	[spmem:s1] =	stream.indirect.scatter.add.f32 [tilespmem:s6], [sflag:$0xE], $0x80, s26, s5, $0xb8;
	[tilespmem:$0x1E800] =	vst v63  }
0x158: {  	p0 =	sgt.u32 s31, $0xF9;
	_ =	swait.ge [sflag:s13], $0x2800  }
0x159: {  	s17 =	simm.s32 @!p0 $0x1E300;
	s9 =	sadd.s32 @!p0 s19, s21;
	[sflag:s13] =	ssyncset.done $0x0  }
0x15a: {  	s11 =	simm.s32 @!p0 $0x0;
	s9 =	sadd.s32 @!p0 $0x3C, s9;
	[sflag:s13] =	ssyncadd.s32 $0xFFFFD800  }
0x15b: {  	[tilespmem:s17], [sflag:$0xC] =	stream.linear.gather @!p0 [hbm4b:s9+s11], $0x50, $0x38;
	[tilespmem:$0x1E800] =	vst v63  }
0x15c: {  	s9 =	sadd.s32 @!p0 s19, s20  }
0x15d: {  	s17 =	simm.s32 @!p0 $0x1E700;
	s9 =	sadd.s32 @!p0 $0x3C, s9  }
0x15e: {  	[tilespmem:s17], [sflag:$0xC] =	stream.linear.gather @!p0 [hbm4b:s9+s11], $0x50, $0x38;
	[tilespmem:$0x1E800] =	vst v63  }
0x15f: {  	_ =	swait.ge [sflag:s14], $0x2800  }
0x160: {  	[sflag:s14] =	ssyncset.done $0x0  }
0x161: {  	s9 =	simm.s32 @!p2 $0xA;
	[sflag:s14] =	ssyncadd.s32 $0xFFFFD800  }
0x162: {  	_ =	swait.ge @!p2 [sflag:s9], $0x50  }
0x163: {  	[sflag:s9] =	ssyncset.done @!p2 $0x0  }
0x164: {  	[sflag:s9] =	ssyncadd.s32 @!p2 $0xFFFFFFB0  }
0x165: {  	_ =	swait.ge @!p2 [sflag:s9], $0x50  }
0x166: {  	[sflag:s9] =	ssyncset.done @!p2 $0x0  }
0x167: {  	[sflag:s9] =	ssyncadd.s32 @!p2 $0xFFFFFFB0  }
0x168: {  	v1 =	vld @!p2 [tilespmem:$0x1E200]  }
0x169: {  	v2 =	vld @!p2 [tilespmem:$0x1E210]  }
0x16a: {  	v3 =	vld @!p2 [tilespmem:$0x1E220]  }
0x16b: {  	v4 =	vld @!p2 [tilespmem:$0x1E230]  }
0x16c: {  	v5 =	vld @!p2 [tilespmem:$0x1E240]  }
0x16d: {  	v1 =	vadd.s32 @!p2 v0, v1  }
0x16e: {  	[tilespmem:$0x1E200] =	vst @!p2 v1;
	v1 =	vadd.s32 @!p2 v0, v2  }
0x16f: {  	[tilespmem:$0x1E210] =	vst @!p2 v1;
	v1 =	vadd.s32 @!p2 v0, v3  }
0x170: {  	[tilespmem:$0x1E220] =	vst @!p2 v1;
	v1 =	vadd.s32 @!p2 v0, v4  }
0x171: {  	[tilespmem:$0x1E230] =	vst @!p2 v1;
	v1 =	vadd.s32 @!p2 v0, v5  }
0x172: {  	s11 =	simm.s32 @!p2 $0x14000;
	s9 =	simm.s32 @!p2 $0x1E200;
	[tilespmem:$0x1E240] =	vst @!p2 v1  }
0x173: {  	[tilespmem:s11], [sflag:$0x2] =	stream.indirect.gather @!p2 [hbm4b:s4+s2], $0x80, s9, s2, $0xb8;
	[tilespmem:$0x1E800] =	vst v63  }
0x174: {  	p1 =	sgt.u32 s18, $0xF9  }
0x175: {  	[spmem:s1] =	stream.indirect.scatter.add.f32 [tilespmem:s8], [sflag:$0xE], $0x80, s29, s5, $0xb8;
	[tilespmem:$0x1E800] =	vst v63  }
0x176: {  	s2 =	sadd.s32 @!p1 s19, s21;
	_ =	swait.ge [sflag:s13], $0x2800  }
0x177: {  	s9 =	simm.s32 @!p1 $0x0;
	s11 =	simm.s32 @!p1 $0x1E380;
	[sflag:s13] =	ssyncset.done $0x0  }
.Ltmp4:
0x178: {  	s2 =	sadd.s32 @!p1 $0x46, s2;
	[sflag:s13] =	ssyncadd.s32 $0xFFFFD800;
	(pc) =	sbr.rel @!p2 .LBB2_3-.Ltmp4, $4  }
0x179: {  	[tilespmem:s11], [sflag:$0xD] =	stream.linear.gather @!p1 [hbm4b:s2+s9], $0x50, $0x38;
	[tilespmem:$0x1E800] =	vst v63  }
0x17a: {  	s2 =	sadd.s32 @!p1 s19, s20  }
0x17b: {  	s11 =	simm.s32 @!p1 $0x1E780;
	s2 =	sadd.s32 @!p1 $0x46, s2  }
0x17c: {  	[tilespmem:s11], [sflag:$0xD] =	stream.linear.gather @!p1 [hbm4b:s2+s9], $0x50, $0x38;
	[tilespmem:$0x1E800] =	vst v63  }
0x17d: {  	p4 =	seq.s32 s19, $0x9B0  }
.Ltmp5:
0x17e: {  	_ = 	snop;
	(pc) =	sbr.rel @p4 .LBB2_6-.Ltmp5, $4  }
.Ltmp6:
0x17f: {  	_ = 	snop;
	(pc) =	sbr.rel @!p4 .LBB2_5-.Ltmp6, $4  }
0x180: {  	_ = 	snop  }
0x181: {  	_ = 	snop  }
0x182: {  	p3 =	por $0x1, $0x1  }
0x183: {  	_ = 	snop  }
.LBB2_8:
0x184: {  	_ =	sfence.sel $0x180000  }
0x185: {  	[bflag:$0x0] =	sbarrier.arrive $0xFFFF  }
0x186: {  	_ =	strace $0x9000004D  }
0x187: {  	s0 =	stileid.u32;
	[bflag:$0x2] =	sbarrier.arrive $0xFFFF  }
0x188: {  	p0 =	sne.s32 s0, $0x0;
	s0 =	rddreg [dreg:$0x2]  }
0x189: {  	s0 =	sadd.s32 @!p0 $0x100000, s0  }
0x18a: {  	[sflag:s0] =	ssyncadd.tile.s32 @!p0 $0x1;
	_ =	shalt  }
.Lfunc_end2:
_tile_overlayer_lowered:
.L_overlay_start_2:
0x18b: {  	(tag) =	ssettag $0x2  }
0x18c: {  	s0 =	rddreg [dreg:$0x0];
	s2 =	stileid.u32  }
0x18d: {  	s1 =	rddreg [dreg:$0x1];
	p0 =	sne.s32 s2, $0x0  }
0x18e: {  	s3 =	rddreg [dreg:$0x2];
	[bflag:$0x3] =	sbarrier.arrive $0xFFFF;
	s2 =	simm.s32 @!p0 $0x1C0E  }
0x18f: {  	[timem:s3], [sflag:s2] =	dma.local @!p0 [hbm:s0], s1  }
0x190: {  	s0 =	simm.s32 @!p0 $0xE  }
0x191: {  	_ =	swait.ge @!p0 [sflag:s0], s1  }
0x192: {  	s1 =	ssub.s32 @!p0 $0x0, s1;
	[sflag:s0] =	ssyncset.done @!p0 $0x0  }
0x193: {  	[sflag:s0] =	ssyncadd.s32 @!p0 s1  }
0x194: {  	[bflag:$0x3] =	sbarrier.arrive $0xFFFF  }
0x195: {  	_ =	shalt  }

// kernel: kernel.8.cloned.1.call-start
scs
__scs_entry_jumppad:
0x0: {  	(pc) =	sbr.rel $0x88, $3  }
0x1: {  	(tag) =	ssettag $0x0;
	lr =	simm.s32 $0x1  }
0x2: {  	[smem:$0x3F98] =	sst lr;
	_ =	strace $0xD0000000  }
0x3: {  	_ = 	snop  }
0x4: {  	_ = 	snop  }
0x5: {  	_ = 	snop  }
0x6: {  	_ = 	snop  }
0x7: {  	_ = 	snop  }
__scs_overlays_trampoline_lowered:
0x8: {  	[smem:$0x3FA7] =	sst s0  }
0x9: {  	[smem:$0x3FA8] =	sst s1  }
0xa: {  	[smem:$0x3FA9] =	sst s2  }
0xb: {  	[smem:$0x3FAA] =	sst s3  }
0xc: {  	[smem:$0x3FAB] =	sst s4  }
0xd: {  	[smem:$0x3FAC] =	sst s5  }
0xe: {  	[smem:$0x3FAD] =	sst s6  }
0xf: {  	[smem:$0x3FAE] =	sst s7  }
0x10: {  	[smem:$0x3FAF] =	sst s8  }
0x11: {  	[smem:$0x3FB0] =	sst s9;
	s0 =	simm.s32 @!p0 $0x0  }
0x12: {  	s1 =	sld [smem:$0x3F96];
	s0 =	simm.s32 @p0 $0x1  }
0x13: {  	[smem:$0x3FB1] =	sst s0;
	s0 =	simm.s32 @!p1 $0x0  }
0x14: {  	s2 =	sld [smem:$0x3F95];
	s0 =	simm.s32 @p1 $0x1  }
0x15: {  	[smem:$0x3FB2] =	sst s0;
	s0 =	simm.s32 @!p2 $0x0  }
0x16: {  	s3 =	sld [smem:$0x3FDB];
	s0 =	simm.s32 @p2 $0x1  }
0x17: {  	s4 =	simm.s32 $0x1BF5;
	[smem:$0x3FB4] =	sst s0  }
0x18: {  	s0 =	sld [smem:$0x3F97];
	_ =	swait.ge [sflag:s4], $0x0  }
0x19: {  	s7 =	sld [smem:$0x3F98]  }
0x1a: {  	s8 =	sadd.s32 $0xFFFFE003, lr  }
0x1b: {  	s9 =	sadd.s32 $0xFFFFFEF7, lr;
	s5 =	simm.s32 $0xFFFFFFFF;
	p2 =	slt.u32 s8, $0xFFFFF086  }
0x1c: {  	p1 =	slt.u32 s9, $0xF7A;
	s5 =	simm.s32 @!p2 $0x0  }
0x1d: {  	s5 =	simm.s32 @p1 $0x1;
	p0 =	seq.s32 s7, s2  }
0x1e: {  	s7 =	smul.u32 @!p0 $0xF7A, s2;
	p2 =	seq.s32 @!p0 s5, $0x0  }
0x1f: {  	s9 =	smul.u32 $0xF7A, s1;
	s8 =	simm.s32 @!p0 $0x1BF5;
	p2 =	por !p2, p0  }
0x20: {  	[sflag:s8] =	ssyncset.s32 @!p0 $0xFFFFF086;
	s6 =	sadd.s32 @!p0 s3, s7;
	s7 =	simm.s32 @!p0 $0x108  }
0x21: {  	s3 =	sadd.s32 s3, s9;
	s6 =	sadd.s32 @!p0 $0x88, s6;
	s7 =	simm.s32 @p2 $0x1082  }
0x22: {  	[simem:s7], [sflag:s8] =	dma.local @!p0 [hbm:s6], $0xF7A  }
0x23: {  	s9 =	sor.u32 $0xD0000000, s2;
	s6 =	simm.s32 $0x108;
	_ =	swait.ge @!p0 [sflag:s8], $0x0  }
0x24: {  	s3 =	sadd.s32 $0x88, s3;
	s6 =	simm.s32 @!p1 $0x1082;
	[sflag:s4] =	ssyncset.s32 $0xFFFFF086  }
0x25: {  	[simem:s6], [sflag:s4] =	dma.local [hbm:s3], $0xF7A  }
0x26: {  	[smem:$0x3F98] =	sst s1;
	(tag) =	ssettag s2;
	_ =	strace s9  }
0x27: {  	s1 =	sld [smem:$0x3FA8]  }
0x28: {  	s2 =	sld [smem:$0x3FA9]  }
0x29: {  	s4 =	sld [smem:$0x3FAB]  }
0x2a: {  	p0 =	seq.s32 s5, $0x0;
	s5 =	sld [smem:$0x3FAC]  }
0x2b: {  	s6 =	sld [smem:$0x3FAD]  }
0x2c: {  	s7 =	sld [smem:$0x3FAE]  }
0x2d: {  	s3 =	simm.s32 $0x108;
	s8 =	sld [smem:$0x3FAF]  }
0x2e: {  	s3 =	simm.s32 @!p0 $0x1082;
	s9 =	sld [smem:$0x3FB0]  }
0x2f: {  	lr =	sadd.s32 s0, s3;
	s0 =	sld [smem:$0x3FA7]  }
0x30: {  	s3 =	sld [smem:$0x3FAA]  }
0x31: {  	[smem:$0x3FB3] =	sst s10  }
0x32: {  	s10 =	sld [smem:$0x3FB1];
	_ =	sdelay $0x3  }
0x33: {  	p0 =	seq.s32 s10, $0x1;
	s10 =	sld [smem:$0x3FB3];
	_ =	sdelay $0x3  }
0x34: {  	[smem:$0x3FB3] =	sst s10  }
0x35: {  	s10 =	sld [smem:$0x3FB2];
	_ =	sdelay $0x3  }
0x36: {  	p1 =	seq.s32 s10, $0x1;
	s10 =	sld [smem:$0x3FB3];
	_ =	sdelay $0x3  }
0x37: {  	[smem:$0x3FB3] =	sst s10  }
0x38: {  	s10 =	sld [smem:$0x3FB4]  }
0x39: {  	_ = 	snop;
	(pc) =	sbr.ind lr, $3  }
0x3a: {  	_ = 	snop  }
0x3b: {  	_ = 	snop  }
0x3c: {  	p2 =	seq.s32 s10, $0x1;
	s10 =	sld [smem:$0x3FB3]  }
0x3d: {  	_ =	shalt  }
0x3e: {  	_ =	shalt  }
0x3f: {  	_ =	shalt  }
0x40: {  	_ =	shalt  }
0x41: {  	_ =	shalt  }
0x42: {  	_ =	shalt  }
0x43: {  	_ =	shalt  }
0x44: {  	_ =	shalt  }
0x45: {  	_ =	shalt  }
0x46: {  	_ =	shalt  }
0x47: {  	_ =	shalt  }
0x48: {  	_ =	shalt  }
0x49: {  	_ =	shalt  }
0x4a: {  	_ =	shalt  }
0x4b: {  	_ =	shalt  }
0x4c: {  	_ =	shalt  }
0x4d: {  	_ =	shalt  }
0x4e: {  	_ =	shalt  }
0x4f: {  	_ =	shalt  }
0x50: {  	_ =	shalt  }
0x51: {  	_ =	shalt  }
0x52: {  	_ =	shalt  }
0x53: {  	_ =	shalt  }
0x54: {  	_ =	shalt  }
0x55: {  	_ =	shalt  }
0x56: {  	_ =	shalt  }
0x57: {  	_ =	shalt  }
0x58: {  	_ =	shalt  }
0x59: {  	_ =	shalt  }
0x5a: {  	_ =	shalt  }
0x5b: {  	_ =	shalt  }
0x5c: {  	_ =	shalt  }
0x5d: {  	_ =	shalt  }
0x5e: {  	_ =	shalt  }
0x5f: {  	_ =	shalt  }
0x60: {  	_ =	shalt  }
0x61: {  	_ =	shalt  }
0x62: {  	_ =	shalt  }
0x63: {  	_ =	shalt  }
0x64: {  	_ =	shalt  }
0x65: {  	_ =	shalt  }
0x66: {  	_ =	shalt  }
0x67: {  	_ =	shalt  }
0x68: {  	_ =	shalt  }
0x69: {  	_ =	shalt  }
0x6a: {  	_ =	shalt  }
0x6b: {  	_ =	shalt  }
0x6c: {  	_ =	shalt  }
0x6d: {  	_ =	shalt  }
0x6e: {  	_ =	shalt  }
0x6f: {  	_ =	shalt  }
0x70: {  	_ =	shalt  }
0x71: {  	_ =	shalt  }
0x72: {  	_ =	shalt  }
0x73: {  	_ =	shalt  }
0x74: {  	_ =	shalt  }
0x75: {  	_ =	shalt  }
0x76: {  	_ =	shalt  }
0x77: {  	_ =	shalt  }
0x78: {  	_ =	shalt  }
0x79: {  	_ =	shalt  }
0x7a: {  	_ =	shalt  }
0x7b: {  	_ =	shalt  }
0x7c: {  	_ =	shalt  }
0x7d: {  	_ =	shalt  }
0x7e: {  	_ =	shalt  }
0x7f: {  	_ =	shalt  }
0x80: {  	_ =	shalt  }
0x81: {  	_ =	shalt  }
0x82: {  	_ =	shalt  }
0x83: {  	_ =	shalt  }
0x84: {  	_ =	shalt  }
0x85: {  	_ =	shalt  }
0x86: {  	_ =	shalt  }
0x87: {  	_ =	shalt  }
.Lfunc_end0:
.L_simem_size_0:
called_computation_lowered:
.L_overlay_start_0:
0x88: {  	s2 =	sld [smem:$0x3FD9]  }
0x89: {  	s3 =	sld [smem:$0x3FFE];
	_ =	sdelay $0x1  }
0x8a: {  	s1 =	srdreg.scid  }
0x8b: {  	s0 =	sand.u32 $0x1, s1  }
0x8c: {  	s16 =	sshll.u32 s0, $0xA;
	s2 =	sadd.s32 s3, s2  }
0x8d: {  	s2 =	sadd.s32 s2, s16  }
0x8e: {  	[smem:$0x3FBF] =	sst s2  }
0x8f: {  	_ = 	snop  }
0x90: {  	(tm) =	ssettm $0x1  }
0x91: {  	s17 =	sld [smem:$0x3FFB];
	_ =	sdelay $0x3  }
0x92: {  	_ =	strace s17  }
0x93: {  	s2 =	sld [smem:$0x3FFC];
	_ =	sdelay $0x3  }
0x94: {  	_ =	strace s2  }
0x95: {  	s2 =	sld [smem:$0x3FFD];
	_ =	sdelay $0x3  }
0x96: {  	_ =	strace s2  }
0x97: {  	_ =	strace $0x8FFFFFFF  }
0x98: {  	s18 =	sld [smem:$0x3FDB];
	_ =	sdelay $0x1  }
0x99: {  	s19 =	simm.s32 $_scs_section_size  }
0x9a: {  	s4 =	simm.s32 $_size__tile_overlayer_lowered;
	s5 =	simm.s32 $_tile_overlayer_lowered  }
0x9b: {  	s22 =	simm.s32 $0x1BFF;
	s21 =	sshll.u32 s5, $0x1;
	s2 =	sadd.s32 s19, s18  }
0x9c: {  	s6 =	simm.s32 $0x0;
	s20 =	sshll.u32 s4, $0x1;
	s4 =	sadd.s32 s21, s2  }
0x9d: {  	[timem:s6], [sflag:s22] =	dma.local [hbm:s4], s20  }
0x9e: {  	_ =	swait.ge [sflag:s22], s20  }
0x9f: {  	s3 =	ssub.s32 $0x0, s20;
	[sflag:s22] =	ssyncset.done $0x0  }
0xa0: {  	[sflag:s22] =	ssyncadd.s32 s3;
	_ =	sdelay $0x1  }
0xa1: {  	s23 =	simm.s32 $0x1B8B  }
0xa2: {  	_ =	swait.ge [sflag:s23], $0x1  }
0xa3: {  	[sflag:s23] =	ssyncset.done $0x0  }
0xa4: {  	s25 =	simm.s32 $0x1B8E;
	s24 =	sld [smem:$0x3FFE];
	[sflag:s23] =	ssyncadd.s32 $0xFFFFFFFF  }
0xa5: {  	s26 =	simm.s32 $execute0_lowered;
	[smem:$0x3FD2] =	sst s25  }
0xa6: {  	s4 =	sshll.u32 s26, $0x1;
	_ =	strace $0x80000046;
	[dreg:$0x1] =	wrdreg $0xFFFFFFFF  }
0xa7: {  	s28 =	simm.s32 $_size_execute0_lowered;
	s2 =	sadd.s32 s2, s4;
	[dreg:$0x0] =	wrdreg $0x0  }
0xa8: {  	s4 =	sshll.u32 s28, $0x1;
	[dreg:$0x2] =	wrdreg s2  }
0xa9: {  	[dreg:$0x3] =	wrdreg s4  }
0xaa: {  	[dreg:$0x4] =	wrdreg $0xC0  }
0xab: {  	_ =	task [dreg:s6], $0x5FFFF  }
0xac: {  	[dreg:$0x1] =	wrdreg $0xFFFFFFFF  }
0xad: {  	[dreg:$0x0] =	wrdreg $0x60  }
0xae: {  	[dreg:$0x2] =	wrdreg s24  }
0xaf: {  	[dreg:$0x3] =	wrdreg $0x0  }
0xb0: {  	[dreg:$0x4] =	wrdreg $0x9  }
0xb1: {  	_ =	task.clear_ibuf [dreg:s6], $0x5FFFF;
	_ =	strace $0x90000046  }
0xb2: {  	s29 =	simm.s32 $0x9;
	_ =	strace $0x80000048  }
0xb3: {  	_ =	swait.ge [sflag:s29], $0x1  }
0xb4: {  	[sflag:s29] =	ssyncadd.s32 $0xFFFFFFFF  }
0xb5: {  	_ =	strace $0x90000048  }
0xb6: {  	_ =	sfence  }
0xb7: {  	s30 =	sld [smem:$0x0];
	_ =	sdelay $0x2  }
0xb8: {  	s31 =	sshll.u32 s1, $0xD;
	s1 =	sshrl.u32 s1, $0x2  }
0xb9: {  	s3 =	sand.u32 $0x4000, s31;
	s1 =	sadd.s32 s1, s30  }
0xba: {  	s0 =	sor.u32 s3, s0;
	s1 =	sshll.u32 s1, $0x11  }
0xbb: {  	s0 =	sor.u32 s1, s0  }
0xbc: {  	s0 =	sadd.s32 $0x8F2B, s0  }
0xbd: {  	[sflag:s0] =	ssyncadd.remote.s32 $0x1  }
0xbe: {  	_ =	sfence.sel $0xFFFF  }
0xbf: {  	[dreg:$0x0] =	wrdreg $0xFFFFFFFF;
	(pc) =	sbr.abs _section_cstart, $3  }
0xc0: {  	[dreg:$0x1] =	wrdreg $0xFFFFFFFF  }
0xc1: {  	_ =	task.clear_ibuf [dreg:s6], $0x2FFFF;
	_ =	strace $0x9FFFFFFF  }
0xc2: {  	(tm) =	ssettm $0x7FFFFFFF  }
0xc3: {  	_ =	shalt  }
tec
execute0_lowered:
.L_overlay_start_1:
0x0: {  	(tag) =	ssettag $0x1  }
0x1: {  	s4 =	rddreg [dreg:$0x0]  }
0x2: {  	s1 =	rddreg [dreg:$0x1]  }
0x3: {  	s2 =	srdreg.scid;
	s0 =	rddreg [dreg:$0x2];
	s3 =	simm.s32 $0x0  }
0x4: {  	s10 =	simm.s32 $0x3;
	s11 =	simm.s32 $0x1;
	s12 =	simm.s32 $0x50  }
0x5: {  	s13 =	simm.s32 $0x16800;
	s14 =	simm.s32 $0x2;
	s5 =	sand.u32 $0x1, s2  }
0x6: {  	s15 =	simm.s32 $0x0;
	s2 =	stileid.u32;
	s7 =	smul.u32 $0x140000, s5  }
0x7: {  	[smem:$0x7FF] =	sst s3;
	s6 =	sshll.u32 s5, $0x4;
	s8 =	smul.u32 $0x14000, s2  }
0x8: {  	s5 =	ssub.s32 $0x2, s5;
	s30 =	smul.u32 $0x50000, s2;
	s6 =	sor.u32 s2, s6  }
0x9: {  	_ =	strace $0x80000047;
	s9 =	sshrl.u32 s5, $0x1;
	s6 =	smul.u32 $0x4E2, s6  }
0xa: {  	s7 =	sadd.s32 s8, s7;
	s9 =	ssub.s32 s5, s9;
	s31 =	sshrl.u32 s30, $0x2  }
0xb: {  	s8 =	simm.s32 $0x19000;
	s7 =	sshrl.u32 s7, $0x3;
	s6 =	sadd.s32 s6, s4  }
0xc: {  	s5 =	sadd.s32 s31, s1;
	s7 =	sadd.s32 s7, s4;
	s4 =	sadd.s32 $0x2E00, s6  }
0xd: {  	v0 =	vimm.f32 $0.0e+00;
	v1 =	vimm.f32 $1.000000000e+00;
	s6 =	sadd.s32 $0x16A00, s7;
	s7 =	smax.u32 s9, $0x1;
	s9 =	simm.s32 $0x2800  }
.LBB2_1:
0xe: {  	[tilespmem:s8], [sflag:$0x1] =	stream.linear.gather [hbm4b:s4+s3], $0x2710, $0x38;
	[tilespmem:$0x1F780] =	vst v63  }
0xf: {  	s16 =	simm.s32 $0x0  }
.LBB2_2:
0x10: {  	p0 =	sne.s32 s16, $0x4FE00  }
.Ltmp0:
0x11: {  	_ = 	snop;
	(pc) =	sbr.rel @p0 .LBB2_2-.Ltmp0, $3  }
0x12: {  	_ =	sdelay $0x1  }
0x13: {  	s17 =	sshra.s32 s16, $0x2  }
0x14: {  	s16 =	sadd.s32 $0x200, s16;
	[tilespmem:s17+$0x2800] =	vst v0  }
0x15: {  	s16 =	simm.s32 $0x200;
	s17 =	simm.s32 $0x0  }
.LBB2_4:
0x16: {  	p0 =	sne.s32 s16, $0x9E00;
	[tilespmem:s17+$0x16800] =	vst v1;
	s17 =	smov.u32 s16;
	s16 =	sadd.s32 $0x200, s16  }
.Ltmp1:
0x17: {  	(pc) =	sbr.rel @p0 .LBB2_4-.Ltmp1, $2  }
0x18: {  	_ =	sdelay $0x2  }
0x19: {  	s17 =	sshra.s32 s17, $0x2  }
0x1a: {  	[tilespmem:s17+$0x16800] =	vst v1  }
0x1b: {  	[spmem:s5] =	stream.linear.scatter [tilespmem:s9], [sflag:$0x3], $0x14000, $0x38;
	[tilespmem:$0x1F780] =	vst v63  }
0x1c: {  	_ =	swait.ge [sflag:s10], $0x14000  }
0x1d: {  	s16 =	simm.s32 $0x0;
	[sflag:s10] =	ssyncset.done $0x0  }
0x1e: {  	s18 =	smulhi.u32 $0xCCCCCCCD, s16;
	[sflag:s10] =	ssyncadd.s32 $0xFFFEC000  }
0x1f: {  	_ =	swait.ge [sflag:s11], $0x2710  }
0x20: {  	s20 =	smul.u32 $0xCCCD, s16;
	s19 =	sshrl.u32 s18, $0x2;
	[sflag:s11] =	ssyncset.done $0x0  }
0x21: {  	s17 =	simm.s32 $0x19000;
	s19 =	smul.u32 $0x50, s19;
	[sflag:s11] =	ssyncadd.s32 $0xFFFFD8F0  }
0x22: {  	s18 =	simm.s32 $0x1;
	s20 =	sshrl.u32 s20, $0xB;
	v2 =	vld [tilespmem:s17+$0x0]  }
.LBB2_6:
0x23: {  	s21 =	smulhi.u32 $0xCCCCCCCD, s18;
	s19 =	ssub.s32 s16, s19  }
0x24: {  	s20 =	sand.u32 $0x1FFF80, s20;
	s22 =	smov.u32 s18;
	p0 =	sne.s32 s18, $0x270  }
.Ltmp2:
0x25: {  	s18 =	sadd.s32 $0x1, s18;
	s23 =	sand.u32 $0xFFFFFF80, s19;
	(pc) =	sbr.rel @p0 .LBB2_6-.Ltmp2, $4  }
0x26: {  	s19 =	sand.u32 $0x70, s19;
	s20 =	sadd.s32 s23, s20  }
0x27: {  	s22 =	smul.u32 $0xCCCD, s22;
	s21 =	sshrl.u32 s21, $0x2;
	s20 =	sor.u32 s19, s20  }
0x28: {  	s17 =	sadd.s32 $0x10, s17;
	s19 =	smul.u32 $0x50, s21;
	[tilespmem:s20+$0x1B780] =	vst v2  }
0x29: {  	s16 =	sadd.s32 $0x10, s16;
	s20 =	sshrl.u32 s22, $0xB;
	v2 =	vld [tilespmem:s17+$0x0]  }
0x2a: {  	s16 =	ssub.s32 s16, s19  }
0x2b: {  	s17 =	sand.u32 $0x1FFF80, s20;
	s18 =	sand.u32 $0xFFFFFF80, s16  }
0x2c: {  	s16 =	sand.u32 $0x70, s16;
	s17 =	sadd.s32 s18, s17  }
0x2d: {  	s16 =	sor.u32 s16, s17  }
0x2e: {  	p0 =	por $0x1, $0x1;
	[tilespmem:s16+$0x1B780] =	vst v2  }
0x2f: {  	s18 =	simm.s32 @!p0 $0x2;
	s16 =	simm.s32 $0x1B780;
	[bflag:$0x0] =	sbarrier.arrive $0xFFFF  }
0x30: {  	[spmem:s1] =	stream.indirect.scatter.add.f32 [tilespmem:s13], [sflag:$0x2], $0x10, s16, s12, $0xb8;
	[tilespmem:$0x1F780] =	vst v63  }
0x31: {  	_ =	swait.ge @!p0 [sflag:s18], $0x500  }
0x32: {  	s17 =	simm.s32 $0x1;
	[sflag:s18] =	ssyncset.done @!p0 $0x0  }
.LBB2_8:
0x33: {  	[sflag:s18] =	ssyncadd.s32 @!p0 $0xFFFFFB00  }
0x34: {  	s16 =	sadd.s32 $0x80, s16;
	s18 =	smov.u32 s17;
	s17 =	sadd.s32 $0x1, s17  }
0x35: {  	p1 =	sne.s32 s17, $0x7D  }
0x36: {  	[spmem:s1] =	stream.indirect.scatter.add.f32 [tilespmem:s13], [sflag:$0x2], $0x10, s16, s12, $0xb8;
	[tilespmem:$0x1F780] =	vst v63  }
.Ltmp3:
0x37: {  	_ = 	snop;
	(pc) =	sbr.rel @p1 .LBB2_8-.Ltmp3, $4  }
0x38: {  	p0 =	slt.u32 s18, $0x10  }
0x39: {  	s18 =	simm.s32 @!p0 $0x2  }
0x3a: {  	_ =	swait.ge @!p0 [sflag:s18], $0x500  }
0x3b: {  	[sflag:s18] =	ssyncset.done @!p0 $0x0  }
0x3c: {  	[sflag:s18] =	ssyncadd.s32 @!p0 $0xFFFFFB00  }
0x3d: {  	_ =	swait.ge [sflag:s14], $0x500  }
0x3e: {  	[sflag:s14] =	ssyncset.done $0x0  }
0x3f: {  	[sflag:s14] =	ssyncadd.s32 $0xFFFFFB00  }
0x40: {  	_ =	swait.ge [sflag:s14], $0x500  }
0x41: {  	[sflag:s14] =	ssyncset.done $0x0  }
0x42: {  	[sflag:s14] =	ssyncadd.s32 $0xFFFFFB00  }
0x43: {  	_ =	swait.ge [sflag:s14], $0x500  }
0x44: {  	[sflag:s14] =	ssyncset.done $0x0  }
0x45: {  	[sflag:s14] =	ssyncadd.s32 $0xFFFFFB00  }
0x46: {  	_ =	swait.ge [sflag:s14], $0x500  }
0x47: {  	[sflag:s14] =	ssyncset.done $0x0  }
0x48: {  	[sflag:s14] =	ssyncadd.s32 $0xFFFFFB00  }
0x49: {  	_ =	swait.ge [sflag:s14], $0x500  }
0x4a: {  	[sflag:s14] =	ssyncset.done $0x0  }
0x4b: {  	[sflag:s14] =	ssyncadd.s32 $0xFFFFFB00  }
0x4c: {  	_ =	swait.ge [sflag:s14], $0x500  }
0x4d: {  	[sflag:s14] =	ssyncset.done $0x0  }
0x4e: {  	[sflag:s14] =	ssyncadd.s32 $0xFFFFFB00  }
0x4f: {  	_ =	swait.ge [sflag:s14], $0x500  }
0x50: {  	[sflag:s14] =	ssyncset.done $0x0  }
0x51: {  	[sflag:s14] =	ssyncadd.s32 $0xFFFFFB00  }
0x52: {  	_ =	swait.ge [sflag:s14], $0x500  }
0x53: {  	[sflag:s14] =	ssyncset.done $0x0  }
0x54: {  	[sflag:s14] =	ssyncadd.s32 $0xFFFFFB00  }
0x55: {  	_ =	swait.ge [sflag:s14], $0x500  }
0x56: {  	[sflag:s14] =	ssyncset.done $0x0  }
0x57: {  	[sflag:s14] =	ssyncadd.s32 $0xFFFFFB00  }
0x58: {  	_ =	swait.ge [sflag:s14], $0x500  }
0x59: {  	[sflag:s14] =	ssyncset.done $0x0  }
0x5a: {  	[sflag:s14] =	ssyncadd.s32 $0xFFFFFB00  }
0x5b: {  	_ =	swait.ge [sflag:s14], $0x500  }
0x5c: {  	[sflag:s14] =	ssyncset.done $0x0  }
0x5d: {  	[sflag:s14] =	ssyncadd.s32 $0xFFFFFB00  }
0x5e: {  	_ =	swait.ge [sflag:s14], $0x500  }
0x5f: {  	[sflag:s14] =	ssyncset.done $0x0  }
0x60: {  	[sflag:s14] =	ssyncadd.s32 $0xFFFFFB00  }
0x61: {  	_ =	swait.ge [sflag:s14], $0x500  }
0x62: {  	[sflag:s14] =	ssyncset.done $0x0  }
0x63: {  	[sflag:s14] =	ssyncadd.s32 $0xFFFFFB00  }
0x64: {  	_ =	swait.ge [sflag:s14], $0x500  }
0x65: {  	[sflag:s14] =	ssyncset.done $0x0  }
0x66: {  	[sflag:s14] =	ssyncadd.s32 $0xFFFFFB00  }
0x67: {  	_ =	swait.ge [sflag:s14], $0x500  }
0x68: {  	[sflag:s14] =	ssyncset.done $0x0  }
0x69: {  	[sflag:s14] =	ssyncadd.s32 $0xFFFFFB00  }
0x6a: {  	_ =	swait.ge [sflag:s14], $0x500  }
0x6b: {  	s16 =	sshll.u32 s2, $0x6;
	s15 =	sadd.s32 $0x1, s15;
	[sflag:s14] =	ssyncset.done $0x0  }
0x6c: {  	s17 =	sshrl.u32 s5, $0x3;
	p0 =	sne.s32 s15, s7;
	[sflag:s14] =	ssyncadd.s32 $0xFFFFFB00  }
.Ltmp4:
0x6d: {  	s16 =	sor.u32 $0x1C03, s16;
	[bflag:$0x0] =	sbarrier.arrive $0xFFFF;
	(pc) =	sbr.rel @p0 .LBB2_1-.Ltmp4, $4  }
0x6e: {  	[hbm:s6], [sflag:s16] =	dma.local [spmem:s17], $0x2800  }
0x6f: {  	_ =	swait.ge [sflag:s10], $0x2800  }
0x70: {  	[sflag:s10] =	ssyncset.done $0x0  }
0x71: {  	[sflag:s10] =	ssyncadd.s32 $0xFFFFD800  }
0x72: {  	_ =	sfence.sel $0x180000  }
0x73: {  	[bflag:$0x0] =	sbarrier.arrive $0xFFFF  }
0x74: {  	p0 =	sne.s32 s2, $0x0;
	_ =	strace $0x90000047  }
0x75: {  	s0 =	sadd.s32 @!p0 $0x100000, s0;
	[bflag:$0x2] =	sbarrier.arrive $0xFFFF  }
0x76: {  	[sflag:s0] =	ssyncadd.tile.s32 @!p0 $0x1;
	_ =	shalt  }
.Lfunc_end2:
_tile_overlayer_lowered:
.L_overlay_start_2:
0x77: {  	(tag) =	ssettag $0x2  }
0x78: {  	s0 =	rddreg [dreg:$0x0];
	s2 =	stileid.u32  }
0x79: {  	s1 =	rddreg [dreg:$0x1];
	p0 =	sne.s32 s2, $0x0  }
0x7a: {  	s3 =	rddreg [dreg:$0x2];
	[bflag:$0x3] =	sbarrier.arrive $0xFFFF;
	s2 =	simm.s32 @!p0 $0x1C03  }
0x7b: {  	[timem:s3], [sflag:s2] =	dma.local @!p0 [hbm:s0], s1  }
0x7c: {  	s0 =	simm.s32 @!p0 $0x3  }
0x7d: {  	_ =	swait.ge @!p0 [sflag:s0], s1  }
0x7e: {  	s1 =	ssub.s32 @!p0 $0x0, s1;
	[sflag:s0] =	ssyncset.done @!p0 $0x0  }
0x7f: {  	[sflag:s0] =	ssyncadd.s32 @!p0 s1  }
0x80: {  	[bflag:$0x3] =	sbarrier.arrive $0xFFFF  }
0x81: {  	_ =	shalt  }

</sc_bundles>
